<compile_context>
chip_gen: v7x
topology: tpu7x:2x2x1
jax: 0.10.2.dev20260603
libtpu: 0.0.44.dev20260713+nightly
codegen_flags: <defaults>
</compile_context>

<pallas_src>
import jax
import jax.numpy as jnp
from jax import lax
from jax.experimental import pallas as pl
from jax.experimental.pallas import tpu as pltpu
from jax.experimental.pallas import tpu_sc as plsc

NC = 2
NS = 16
LANES = 16

CHUNK = 128
NBUF = 2


def _build_step(npad, dh, epad):
    edges_per_tile = epad // NS
    chunks_per_tile = edges_per_tile // CHUNK
    rpt = npad // NS
    f32 = jnp.float32

    def body(x_ref, e_ref, v_ref, zero_ref, y_ref,
             acc_ref, ebuf, vbuf, r0, r1, gsem, ssem):
        rowbufs = (r0, r1)
        c = lax.axis_index("c")
        s = lax.axis_index("s")
        gbase = s * chunks_per_tile

        pltpu.sync_copy(zero_ref.at[pl.ds(s * rpt, rpt)],
                        acc_ref.at[pl.ds(s * rpt, rpt)])
        plsc.subcore_barrier()

        ngroups = chunks_per_tile // NBUF

        @pl.loop(0, ngroups)
        def _edges(t):
            g0 = t * NBUF
            pltpu.sync_copy(e_ref.at[c, pl.ds(gbase + g0, NBUF)], ebuf)
            pltpu.sync_copy(v_ref.at[s * ngroups + t], vbuf)
            gh = [pltpu.async_copy(x_ref.at[ebuf.at[b, 0]], rowbufs[b],
                                   gsem)
                  for b in range(NBUF)]
            sh = []
            for b in range(NBUF):
                gh[b].wait()
                rows = rowbufs[b]

                @pl.loop(0, CHUNK // LANES)
                def _scale(eg, b=b, rows=rows):
                    wv = vbuf[b, pl.ds(eg * LANES, LANES)]
                    for j in range(LANES):
                        w = wv[j]
                        e = eg * LANES + j
                        for v in range(dh // LANES):
                            sl = pl.ds(v * LANES, LANES)
                            rows[e, sl] = rows[e, sl] * w

                sh.append(pltpu.async_copy(rows, acc_ref.at[ebuf.at[b, 1]],
                                           ssem, add=True))
            for h in sh:
                h.wait()

        plsc.subcore_barrier()

        pltpu.sync_copy(acc_ref.at[pl.ds(s * rpt, rpt)],
                        y_ref.at[pl.ds(c * npad + s * rpt, rpt)])

    return pl.kernel(
        body,
        out_type=jax.ShapeDtypeStruct((NC * npad, dh), f32),
        mesh=plsc.VectorSubcoreMesh(core_axis_name="c", subcore_axis_name="s"),
        scratch_types=[
            pltpu.VMEM_SHARED((npad, dh), f32),
            pltpu.VMEM((NBUF, 2, CHUNK), jnp.int32),
            pltpu.VMEM((NBUF, CHUNK), f32),
            pltpu.VMEM((CHUNK, dh), f32),
            pltpu.VMEM((CHUNK, dh), f32),
            pltpu.SemaphoreType.DMA,
            pltpu.SemaphoreType.DMA,
        ],
    )


def _pick_block(n):
    for blk in range(2048, 0, -1):
        if n % blk == 0:
            return blk
    return n


def _tc_add(a, b):
    n, d = a.shape
    blk = _pick_block(n)

    def body(a_ref, b_ref, o_ref):
        o_ref[...] = a_ref[...] + b_ref[...]

    return pl.pallas_call(
        body,
        out_shape=jax.ShapeDtypeStruct((n, d), a.dtype),
        grid=(n // blk,),
        in_specs=[pl.BlockSpec((blk, d), lambda i: (i, 0))] * 2,
        out_specs=pl.BlockSpec((blk, d), lambda i: (i, 0)),
    )(a, b)


def _tc_scale(a, scale):
    n, d = a.shape
    blk = _pick_block(n)

    def body(s_ref, a_ref, o_ref):
        o_ref[...] = a_ref[...] * s_ref[0]

    return pl.pallas_call(
        body,
        out_shape=jax.ShapeDtypeStruct((n, d), a.dtype),
        grid=(n // blk,),
        in_specs=[
            pl.BlockSpec(memory_space=pltpu.SMEM),
            pl.BlockSpec((blk, d), lambda i: (i, 0)),
        ],
        out_specs=pl.BlockSpec((blk, d), lambda i: (i, 0)),
    )(jnp.reshape(scale, (1,)).astype(a.dtype), a)


def kernel(E_user, E_item, adj_indices, adj_values, K):
    n_users, d = E_user.shape
    n_items = E_item.shape[0]
    n = n_users + n_items
    dh = d // NC
    nnz = adj_values.shape[0]

    npad = -(-n // (NS * 8)) * (NS * 8)
    ealign = NS * CHUNK * 8
    epad = -(-nnz // ealign) * ealign

    x0 = jnp.concatenate([E_user, E_item], axis=0)
    xs = jnp.concatenate(
        [jnp.pad(x0[:, c * dh:(c + 1) * dh], ((0, npad - n), (0, 0)))
         for c in range(NC)], axis=0)

    nchunks = epad // CHUNK
    dst = jnp.pad(adj_indices[0], (0, epad - nnz)).reshape(nchunks, CHUNK)
    src = jnp.pad(adj_indices[1], (0, epad - nnz))
    val = jnp.pad(adj_values, (0, epad - nnz)).reshape(nchunks // NBUF,
                                                       NBUF, CHUNK)
    packed = jnp.stack(
        [jnp.stack([(src + c * npad).reshape(nchunks, CHUNK), dst], axis=1)
         for c in range(NC)], axis=0)

    zeros = jnp.zeros((npad, dh), jnp.float32)
    step = _build_step(npad, dh, epad)

    def body(_, carry):
        x, acc = carry
        y = step(x, packed, val, zeros)
        return (y, _tc_add(acc, y))

    _, acc = lax.fori_loop(0, K, body, (xs, xs))
    acc = _tc_scale(acc, 1.0 / (K + 1.0))
    accf = jnp.concatenate([acc[:n], acc[npad:npad + n]], axis=1)
    return accf[:n_users], accf[n_users:]

# --- scband reference (transcript-rebuilt; emitter-appended) ---
"""Pipeline reference for scband-light-gcn-67138928771583 (READ-ONLY COPY).

The authoritative reference and input builder live on the scoring server;
editing this copy changes nothing except your own understanding.
"""

import jax, jax.numpy as jnp
import numpy as np

N_USERS = 6000
N_ITEMS = 4000
EMBED_DIM = 256
NNZ = 160000


def setup_inputs(seed: int = 0) -> dict:
    key = jax.random.key(seed)
    k1, k2, k3, k4 = jax.random.split(key, 4)
    E_user = jax.random.normal(k1, (N_USERS, EMBED_DIM), dtype=jnp.float32) * 0.1
    E_item = jax.random.normal(k2, (N_ITEMS, EMBED_DIM), dtype=jnp.float32) * 0.1
    adj_indices = jax.random.randint(k3, (2, NNZ), 0, N_USERS + N_ITEMS, dtype=jnp.int32)
    adj_values = jax.random.uniform(k4, (NNZ,), dtype=jnp.float32)
    return {
        "E_user": E_user,
        "E_item": E_item,
        "adj_indices": adj_indices,
        "adj_values": adj_values,
        "K": 3,
    }


def reference(E_user, E_item, adj_indices, adj_values, K):
    n_users = E_user.shape[0]
    n = E_user.shape[0] + E_item.shape[0]
    dst = adj_indices[0]
    src = adj_indices[1]
    x0 = jnp.concatenate([E_user, E_item], axis=0)

    def body(_, carry):
        out, acc = carry
        # sparse A @ out : gather source rows, scale by edge value, scatter-add to dst rows
        gathered = jnp.take(out, src, axis=0) * adj_values[:, None]
        out = jax.ops.segment_sum(gathered, dst, num_segments=n)
        acc = acc + out
        return (out, acc)

    out, acc = jax.lax.fori_loop(0, K, body, (x0, x0))
    acc = acc / (K + 1)
    users = acc[:n_users]
    items = acc[n_users:]
    return (users, items)

if __name__ == "__main__":
    import jax
    _d = setup_inputs()
    print(jax.jit(kernel)(*tuple(_d.values())))

</pallas_src>

<mosaic_0001>
#map = affine_map<(d0, d1) -> (0, 0)>
#map1 = affine_map<(d0, d1) -> (0, 0, 0, 0)>
#map2 = affine_map<(d0, d1) -> (0, 0, 0)>
module attributes {stable_mosaic.version = 14 : i64} {
  func.func @body(%arg0: i32, %arg1: i32, %arg2: memref<20224x128xf32, #tpu.memory_space<hbm>>, %arg3: memref<2x1280x2x128xi32, #tpu.memory_space<hbm>>, %arg4: memref<640x2x128xf32, #tpu.memory_space<hbm>>, %arg5: memref<10112x128xf32, #tpu.memory_space<hbm>>, %arg6: memref<20224x128xf32, #tpu.memory_space<hbm>>, %arg7: memref<10112x128xf32, #tpu.memory_space<vmem_shared>>, %arg8: memref<2x2x128xi32, #tpu.memory_space<vmem>>, %arg9: memref<2x128xf32, #tpu.memory_space<vmem>>, %arg10: memref<128x128xf32, #tpu.memory_space<vmem>>, %arg11: memref<128x128xf32, #tpu.memory_space<vmem>>, %arg12: memref<!tpu.dma_semaphore, #tpu.memory_space<semaphore_mem>>, %arg13: memref<!tpu.dma_semaphore, #tpu.memory_space<semaphore_mem>>) attributes {dimension_semantics = [#tpu.dimension_semantics<core_parallel>, #tpu.dimension_semantics<subcore_parallel>], iteration_bounds = array<i64: 2, 16>, scalar_prefetch = 0 : i64, scratch_operands = 7 : i64, tpu.core_type = #tpu.core_type<sc_vector_subcore>, window_params = [{transform_indices = #map}, {transform_indices = #map1}, {transform_indices = #map2}, {transform_indices = #map}, {transform_indices = #map}]} {
    %mul3A = arith.constant 80 : i32
    %mul3A_0 = arith.muli %arg1, %mul3A : i32
    %mul3A_1 = arith.constant 632 : i32
    %mul3A_2 = arith.muli %arg1, %mul3A_1 : i32
    %mul3A_3 = arith.constant 632 : i32
    %mul3A_4 = arith.muli %arg1, %mul3A_3 : i32
    "tpu.region"() ({
      %run_scoped3A = tpu.sem_alloc : memref<!tpu.dma_semaphore, #tpu.memory_space<semaphore_mem>>
      %dma_start3A = arith.constant 0 : i32
      %dma_start3A_16 = tpu.memref_slice %arg7[%mul3A_4, %dma_start3A] : memref<10112x128xf32, #tpu.memory_space<vmem_shared>> -> memref<632x128xf32, #tpu.memory_space<vmem_shared>>
      %dma_start3A_17 = arith.constant 0 : i32
      %dma_start3A_18 = tpu.memref_slice %arg5[%mul3A_2, %dma_start3A_17] : memref<10112x128xf32, #tpu.memory_space<hbm>> -> memref<632x128xf32, #tpu.memory_space<hbm>>
      tpu.enqueue_dma source(%dma_start3A_18 : memref<632x128xf32, #tpu.memory_space<hbm>>) target(%dma_start3A_16 : memref<632x128xf32, #tpu.memory_space<vmem_shared>>) target_semaphore(%run_scoped3A : memref<!tpu.dma_semaphore, #tpu.memory_space<semaphore_mem>>)
      %dma_wait3A = arith.constant 0 : i32
      %dma_wait3A_19 = tpu.memref_slice %arg7[%mul3A_4, %dma_wait3A] : memref<10112x128xf32, #tpu.memory_space<vmem_shared>> -> memref<632x128xf32, #tpu.memory_space<vmem_shared>>
      %dma_wait3A_20 = arith.constant 0 : i32
      %dma_wait3A_21 = tpu.memref_slice %arg5[%mul3A_2, %dma_wait3A_20] : memref<10112x128xf32, #tpu.memory_space<hbm>> -> memref<632x128xf32, #tpu.memory_space<hbm>>
      tpu.wait_dma2 semaphore(%run_scoped3A : memref<!tpu.dma_semaphore, #tpu.memory_space<semaphore_mem>>) src(%dma_wait3A_21 : memref<632x128xf32, #tpu.memory_space<hbm>>) dst(%dma_wait3A_19 : memref<632x128xf32, #tpu.memory_space<vmem_shared>>)
      tpu.yield
    }) : () -> ()
    %barrier3A = arith.constant 0 : index
    tpu.barrier barrier_id(%barrier3A)
    %scan3A = arith.constant 0 : i32
    %scan3A_5 = arith.constant 40 : i32
    %scan3A_6 = arith.addi %scan3A, %scan3A_5 : i32
    %scan3A_7 = arith.constant 1 : i32
    scf.for %scan3A_16 = %scan3A to %scan3A_6 step %scan3A_7  : i32 {
      %mul3A_17 = arith.constant 1 : i32
      %mul3A_18 = arith.muli %scan3A_16, %mul3A_17 : i32
      %add3A_19 = arith.constant 0 : i32
      %add3A_20 = arith.addi %add3A_19, %mul3A_18 : i32
      %mul3A_21 = arith.constant 2 : i32
      %mul3A_22 = arith.muli %add3A_20, %mul3A_21 : i32
      %add3A_23 = arith.addi %mul3A_0, %mul3A_22 : i32
      "tpu.region"() ({
        %run_scoped3A = tpu.sem_alloc : memref<!tpu.dma_semaphore, #tpu.memory_space<semaphore_mem>>
        %dma_start3A_99 = arith.constant 0 : i32
        %dma_start3A_100 = arith.constant 0 : i32
        %dma_start3A_101 = tpu.memref_slice %arg3[%arg0, %add3A_23, %dma_start3A_99, %dma_start3A_100] : memref<2x1280x2x128xi32, #tpu.memory_space<hbm>> -> memref<1x2x2x128xi32, #tpu.memory_space<hbm>>
        %dma_start3A_102 = tpu.memref_squeeze %dma_start3A_101 : memref<1x2x2x128xi32, #tpu.memory_space<hbm>> -> memref<2x2x128xi32, #tpu.memory_space<hbm>>
        %dma_start3A_103 = arith.constant 0 : i32
        %dma_start3A_104 = arith.constant 0 : i32
        %dma_start3A_105 = tpu.memref_slice %arg3[%arg0, %add3A_23, %dma_start3A_103, %dma_start3A_104] : memref<2x1280x2x128xi32, #tpu.memory_space<hbm>> -> memref<1x2x2x128xi32, #tpu.memory_space<hbm>>
        %dma_start3A_106 = tpu.memref_squeeze %dma_start3A_105 : memref<1x2x2x128xi32, #tpu.memory_space<hbm>> -> memref<2x2x128xi32, #tpu.memory_space<hbm>>
        tpu.enqueue_dma source(%dma_start3A_106 : memref<2x2x128xi32, #tpu.memory_space<hbm>>) target(%arg8 : memref<2x2x128xi32, #tpu.memory_space<vmem>>) target_semaphore(%run_scoped3A : memref<!tpu.dma_semaphore, #tpu.memory_space<semaphore_mem>>)
        %dma_wait3A_107 = arith.constant 0 : i32
        %dma_wait3A_108 = arith.constant 0 : i32
        %dma_wait3A_109 = tpu.memref_slice %arg3[%arg0, %add3A_23, %dma_wait3A_107, %dma_wait3A_108] : memref<2x1280x2x128xi32, #tpu.memory_space<hbm>> -> memref<1x2x2x128xi32, #tpu.memory_space<hbm>>
        %dma_wait3A_110 = tpu.memref_squeeze %dma_wait3A_109 : memref<1x2x2x128xi32, #tpu.memory_space<hbm>> -> memref<2x2x128xi32, #tpu.memory_space<hbm>>
        %dma_wait3A_111 = arith.constant 0 : i32
        %dma_wait3A_112 = arith.constant 0 : i32
        %dma_wait3A_113 = tpu.memref_slice %arg3[%arg0, %add3A_23, %dma_wait3A_111, %dma_wait3A_112] : memref<2x1280x2x128xi32, #tpu.memory_space<hbm>> -> memref<1x2x2x128xi32, #tpu.memory_space<hbm>>
        %dma_wait3A_114 = tpu.memref_squeeze %dma_wait3A_113 : memref<1x2x2x128xi32, #tpu.memory_space<hbm>> -> memref<2x2x128xi32, #tpu.memory_space<hbm>>
        tpu.wait_dma2 semaphore(%run_scoped3A : memref<!tpu.dma_semaphore, #tpu.memory_space<semaphore_mem>>) src(%dma_wait3A_114 : memref<2x2x128xi32, #tpu.memory_space<hbm>>) dst(%arg8 : memref<2x2x128xi32, #tpu.memory_space<vmem>>)
        tpu.yield
      }) : () -> ()
      %mul3A_24 = arith.constant 40 : i32
      %mul3A_25 = arith.muli %arg1, %mul3A_24 : i32
      %add3A_26 = arith.addi %mul3A_25, %add3A_20 : i32
      "tpu.region"() ({
        %run_scoped3A = tpu.sem_alloc : memref<!tpu.dma_semaphore, #tpu.memory_space<semaphore_mem>>
        %dma_start3A_99 = arith.constant 0 : i32
        %dma_start3A_100 = arith.constant 0 : i32
        %dma_start3A_101 = tpu.memref_slice %arg4[%add3A_26, %dma_start3A_99, %dma_start3A_100] : memref<640x2x128xf32, #tpu.memory_space<hbm>> -> memref<1x2x128xf32, #tpu.memory_space<hbm>>
        %dma_start3A_102 = tpu.memref_squeeze %dma_start3A_101 : memref<1x2x128xf32, #tpu.memory_space<hbm>> -> memref<2x128xf32, #tpu.memory_space<hbm>>
        %dma_start3A_103 = arith.constant 0 : i32
        %dma_start3A_104 = arith.constant 0 : i32
        %dma_start3A_105 = tpu.memref_slice %arg4[%add3A_26, %dma_start3A_103, %dma_start3A_104] : memref<640x2x128xf32, #tpu.memory_space<hbm>> -> memref<1x2x128xf32, #tpu.memory_space<hbm>>
        %dma_start3A_106 = tpu.memref_squeeze %dma_start3A_105 : memref<1x2x128xf32, #tpu.memory_space<hbm>> -> memref<2x128xf32, #tpu.memory_space<hbm>>
        tpu.enqueue_dma source(%dma_start3A_106 : memref<2x128xf32, #tpu.memory_space<hbm>>) target(%arg9 : memref<2x128xf32, #tpu.memory_space<vmem>>) target_semaphore(%run_scoped3A : memref<!tpu.dma_semaphore, #tpu.memory_space<semaphore_mem>>)
        %dma_wait3A_107 = arith.constant 0 : i32
        %dma_wait3A_108 = arith.constant 0 : i32
        %dma_wait3A_109 = tpu.memref_slice %arg4[%add3A_26, %dma_wait3A_107, %dma_wait3A_108] : memref<640x2x128xf32, #tpu.memory_space<hbm>> -> memref<1x2x128xf32, #tpu.memory_space<hbm>>
        %dma_wait3A_110 = tpu.memref_squeeze %dma_wait3A_109 : memref<1x2x128xf32, #tpu.memory_space<hbm>> -> memref<2x128xf32, #tpu.memory_space<hbm>>
        %dma_wait3A_111 = arith.constant 0 : i32
        %dma_wait3A_112 = arith.constant 0 : i32
        %dma_wait3A_113 = tpu.memref_slice %arg4[%add3A_26, %dma_wait3A_111, %dma_wait3A_112] : memref<640x2x128xf32, #tpu.memory_space<hbm>> -> memref<1x2x128xf32, #tpu.memory_space<hbm>>
        %dma_wait3A_114 = tpu.memref_squeeze %dma_wait3A_113 : memref<1x2x128xf32, #tpu.memory_space<hbm>> -> memref<2x128xf32, #tpu.memory_space<hbm>>
        tpu.wait_dma2 semaphore(%run_scoped3A : memref<!tpu.dma_semaphore, #tpu.memory_space<semaphore_mem>>) src(%dma_wait3A_114 : memref<2x128xf32, #tpu.memory_space<hbm>>) dst(%arg9 : memref<2x128xf32, #tpu.memory_space<vmem>>)
        tpu.yield
      }) : () -> ()
      %dma_start3A = arith.constant 0 : i32
      %dma_start3A_27 = arith.constant 0 : i32
      %dma_start3A_28 = arith.constant 0 : i32
      %dma_start3A_29 = tpu.memref_slice %arg8[%dma_start3A, %dma_start3A_27, %dma_start3A_28] : memref<2x2x128xi32, #tpu.memory_space<vmem>> -> memref<1x1x128xi32, #tpu.memory_space<vmem>>
      %dma_start3A_30 = tpu.memref_squeeze %dma_start3A_29 : memref<1x1x128xi32, #tpu.memory_space<vmem>> -> memref<128xi32, #tpu.memory_space<vmem>>
      %dma_start3A_31 = arith.constant 0 : i32
      %dma_start3A_32 = arith.constant 0 : i32
      %dma_start3A_33 = tpu.memref_slice %arg2[%dma_start3A_31, %dma_start3A_32] : memref<20224x128xf32, #tpu.memory_space<hbm>> -> memref<20224x128xf32, #tpu.memory_space<hbm>>
      tpu.enqueue_indirect_dma source(%dma_start3A_33 : memref<20224x128xf32, #tpu.memory_space<hbm>>) target(%arg10 : memref<128x128xf32, #tpu.memory_space<vmem>>) offsets(%dma_start3A_30 : memref<128xi32, #tpu.memory_space<vmem>>) semaphore(%arg12 : memref<!tpu.dma_semaphore, #tpu.memory_space<semaphore_mem>>)
      %dma_start3A_34 = arith.constant 1 : i32
      %dma_start3A_35 = arith.constant 0 : i32
      %dma_start3A_36 = arith.constant 0 : i32
      %dma_start3A_37 = tpu.memref_slice %arg8[%dma_start3A_34, %dma_start3A_35, %dma_start3A_36] : memref<2x2x128xi32, #tpu.memory_space<vmem>> -> memref<1x1x128xi32, #tpu.memory_space<vmem>>
      %dma_start3A_38 = tpu.memref_squeeze %dma_start3A_37 : memref<1x1x128xi32, #tpu.memory_space<vmem>> -> memref<128xi32, #tpu.memory_space<vmem>>
      %dma_start3A_39 = arith.constant 0 : i32
      %dma_start3A_40 = arith.constant 0 : i32
      %dma_start3A_41 = tpu.memref_slice %arg2[%dma_start3A_39, %dma_start3A_40] : memref<20224x128xf32, #tpu.memory_space<hbm>> -> memref<20224x128xf32, #tpu.memory_space<hbm>>
      tpu.enqueue_indirect_dma source(%dma_start3A_41 : memref<20224x128xf32, #tpu.memory_space<hbm>>) target(%arg11 : memref<128x128xf32, #tpu.memory_space<vmem>>) offsets(%dma_start3A_38 : memref<128xi32, #tpu.memory_space<vmem>>) semaphore(%arg12 : memref<!tpu.dma_semaphore, #tpu.memory_space<semaphore_mem>>)
      %dma_wait3A = arith.constant 0 : i32
      %dma_wait3A_42 = arith.constant 0 : i32
      %dma_wait3A_43 = arith.constant 0 : i32
      %dma_wait3A_44 = tpu.memref_slice %arg8[%dma_wait3A, %dma_wait3A_42, %dma_wait3A_43] : memref<2x2x128xi32, #tpu.memory_space<vmem>> -> memref<1x1x128xi32, #tpu.memory_space<vmem>>
      %dma_wait3A_45 = tpu.memref_squeeze %dma_wait3A_44 : memref<1x1x128xi32, #tpu.memory_space<vmem>> -> memref<128xi32, #tpu.memory_space<vmem>>
      %dma_wait3A_46 = arith.constant 0 : i32
      %dma_wait3A_47 = arith.constant 0 : i32
      %dma_wait3A_48 = tpu.memref_slice %arg2[%dma_wait3A_46, %dma_wait3A_47] : memref<20224x128xf32, #tpu.memory_space<hbm>> -> memref<20224x128xf32, #tpu.memory_space<hbm>>
      tpu.wait_indirect_dma semaphore(%arg12 : memref<!tpu.dma_semaphore, #tpu.memory_space<semaphore_mem>>) src(%dma_wait3A_48 : memref<20224x128xf32, #tpu.memory_space<hbm>>) dst(%arg10 : memref<128x128xf32, #tpu.memory_space<vmem>>)
      %scan3A_49 = arith.constant 0 : i32
      %scan3A_50 = arith.constant 8 : i32
      %scan3A_51 = arith.addi %scan3A_49, %scan3A_50 : i32
      %scan3A_52 = arith.constant 1 : i32
      scf.for %scan3A_99 = %scan3A_49 to %scan3A_51 step %scan3A_52  : i32 {
        %mul3A_100 = arith.constant 1 : i32
        %mul3A_101 = arith.muli %scan3A_99, %mul3A_100 : i32
        %add3A_102 = arith.constant 0 : i32
        %add3A_103 = arith.addi %add3A_102, %mul3A_101 : i32
        %mul3A_104 = arith.constant 16 : i32
        %mul3A_105 = arith.muli %add3A_103, %mul3A_104 : i32
        %get3A = arith.constant 0 : i32
        %get3A_106 = arith.index_cast %get3A : i32 to index
        %get3A_107 = arith.index_cast %mul3A_105 : i32 to index
        %get3A_108 = tpu.vector_load %arg9[%get3A_106, %get3A_107] {strides = array<i32>} : memref<2x128xf32, #tpu.memory_space<vmem>>, vector<1x16xf32>,
        %get3A_109 = vector.shape_cast %get3A_108 : vector<1x16xf32> to vector<16xf32>
        %slice3A = vector.extract_strided_slice %get3A_109 {offsets = [0], sizes = [1], strides = [1]} : vector<16xf32> to vector<1xf32>
        %squeeze3A = vector.extract %slice3A[0] : f32 from vector<1xf32>
        %mul3A_110 = arith.constant 16 : i32
        %mul3A_111 = arith.muli %add3A_103, %mul3A_110 : i32
        %add3A_112 = arith.constant 0 : i32
        %add3A_113 = arith.addi %mul3A_111, %add3A_112 : i32
        %get3A_114 = arith.index_cast %add3A_113 : i32 to index
        %get3A_115 = arith.constant 0 : index
        %get3A_116 = tpu.vector_load %arg10[%get3A_114, %get3A_115] {strides = array<i32>} : memref<128x128xf32, #tpu.memory_space<vmem>>, vector<1x16xf32>,
        %get3A_117 = vector.shape_cast %get3A_116 : vector<1x16xf32> to vector<16xf32>
        %mul3A_118 = vector.broadcast %squeeze3A : f32 to vector<16xf32>
        %mul3A_119 = arith.mulf %get3A_117, %mul3A_118 : vector<16xf32>
        %swap3A = arith.index_cast %add3A_113 : i32 to index
        %swap3A_120 = arith.constant 0 : index
        %swap3A_121 = tpu.vector_load %arg10[%swap3A, %swap3A_120] {strides = array<i32>} : memref<128x128xf32, #tpu.memory_space<vmem>>, vector<1x16xf32>,
        %swap3A_122 = vector.shape_cast %swap3A_121 : vector<1x16xf32> to vector<16xf32>
        %swap3A_123 = vector.shape_cast %mul3A_119 : vector<16xf32> to vector<1x16xf32>
        tpu.vector_store %arg10[%swap3A, %swap3A_120], %swap3A_123 {strides = array<i32>} : memref<128x128xf32, #tpu.memory_space<vmem>>, vector<1x16xf32>,
        %get3A_124 = arith.index_cast %add3A_113 : i32 to index
        %get3A_125 = arith.constant 16 : index
        %get3A_126 = tpu.vector_load %arg10[%get3A_124, %get3A_125] {strides = array<i32>} : memref<128x128xf32, #tpu.memory_space<vmem>>, vector<1x16xf32>,
        %get3A_127 = vector.shape_cast %get3A_126 : vector<1x16xf32> to vector<16xf32>
        %mul3A_128 = vector.broadcast %squeeze3A : f32 to vector<16xf32>
        %mul3A_129 = arith.mulf %get3A_127, %mul3A_128 : vector<16xf32>
        %swap3A_130 = arith.index_cast %add3A_113 : i32 to index
        %swap3A_131 = arith.constant 16 : index
        %swap3A_132 = tpu.vector_load %arg10[%swap3A_130, %swap3A_131] {strides = array<i32>} : memref<128x128xf32, #tpu.memory_space<vmem>>, vector<1x16xf32>,
        %swap3A_133 = vector.shape_cast %swap3A_132 : vector<1x16xf32> to vector<16xf32>
        %swap3A_134 = vector.shape_cast %mul3A_129 : vector<16xf32> to vector<1x16xf32>
        tpu.vector_store %arg10[%swap3A_130, %swap3A_131], %swap3A_134 {strides = array<i32>} : memref<128x128xf32, #tpu.memory_space<vmem>>, vector<1x16xf32>,
        %get3A_135 = arith.index_cast %add3A_113 : i32 to index
        %get3A_136 = arith.constant 32 : index
        %get3A_137 = tpu.vector_load %arg10[%get3A_135, %get3A_136] {strides = array<i32>} : memref<128x128xf32, #tpu.memory_space<vmem>>, vector<1x16xf32>,
        %get3A_138 = vector.shape_cast %get3A_137 : vector<1x16xf32> to vector<16xf32>
        %mul3A_139 = vector.broadcast %squeeze3A : f32 to vector<16xf32>
        %mul3A_140 = arith.mulf %get3A_138, %mul3A_139 : vector<16xf32>
        %swap3A_141 = arith.index_cast %add3A_113 : i32 to index
        %swap3A_142 = arith.constant 32 : index
        %swap3A_143 = tpu.vector_load %arg10[%swap3A_141, %swap3A_142] {strides = array<i32>} : memref<128x128xf32, #tpu.memory_space<vmem>>, vector<1x16xf32>,
        %swap3A_144 = vector.shape_cast %swap3A_143 : vector<1x16xf32> to vector<16xf32>
        %swap3A_145 = vector.shape_cast %mul3A_140 : vector<16xf32> to vector<1x16xf32>
        tpu.vector_store %arg10[%swap3A_141, %swap3A_142], %swap3A_145 {strides = array<i32>} : memref<128x128xf32, #tpu.memory_space<vmem>>, vector<1x16xf32>,
        %get3A_146 = arith.index_cast %add3A_113 : i32 to index
        %get3A_147 = arith.constant 48 : index
        %get3A_148 = tpu.vector_load %arg10[%get3A_146, %get3A_147] {strides = array<i32>} : memref<128x128xf32, #tpu.memory_space<vmem>>, vector<1x16xf32>,
        %get3A_149 = vector.shape_cast %get3A_148 : vector<1x16xf32> to vector<16xf32>
        %mul3A_150 = vector.broadcast %squeeze3A : f32 to vector<16xf32>
        %mul3A_151 = arith.mulf %get3A_149, %mul3A_150 : vector<16xf32>
        %swap3A_152 = arith.index_cast %add3A_113 : i32 to index
        %swap3A_153 = arith.constant 48 : index
        %swap3A_154 = tpu.vector_load %arg10[%swap3A_152, %swap3A_153] {strides = array<i32>} : memref<128x128xf32, #tpu.memory_space<vmem>>, vector<1x16xf32>,
        %swap3A_155 = vector.shape_cast %swap3A_154 : vector<1x16xf32> to vector<16xf32>
        %swap3A_156 = vector.shape_cast %mul3A_151 : vector<16xf32> to vector<1x16xf32>
        tpu.vector_store %arg10[%swap3A_152, %swap3A_153], %swap3A_156 {strides = array<i32>} : memref<128x128xf32, #tpu.memory_space<vmem>>, vector<1x16xf32>,
        %get3A_157 = arith.index_cast %add3A_113 : i32 to index
        %get3A_158 = arith.constant 64 : index
        %get3A_159 = tpu.vector_load %arg10[%get3A_157, %get3A_158] {strides = array<i32>} : memref<128x128xf32, #tpu.memory_space<vmem>>, vector<1x16xf32>,
        %get3A_160 = vector.shape_cast %get3A_159 : vector<1x16xf32> to vector<16xf32>
        %mul3A_161 = vector.broadcast %squeeze3A : f32 to vector<16xf32>
        %mul3A_162 = arith.mulf %get3A_160, %mul3A_161 : vector<16xf32>
        %swap3A_163 = arith.index_cast %add3A_113 : i32 to index
        %swap3A_164 = arith.constant 64 : index
        %swap3A_165 = tpu.vector_load %arg10[%swap3A_163, %swap3A_164] {strides = array<i32>} : memref<128x128xf32, #tpu.memory_space<vmem>>, vector<1x16xf32>,
        %swap3A_166 = vector.shape_cast %swap3A_165 : vector<1x16xf32> to vector<16xf32>
        %swap3A_167 = vector.shape_cast %mul3A_162 : vector<16xf32> to vector<1x16xf32>
        tpu.vector_store %arg10[%swap3A_163, %swap3A_164], %swap3A_167 {strides = array<i32>} : memref<128x128xf32, #tpu.memory_space<vmem>>, vector<1x16xf32>,
        %get3A_168 = arith.index_cast %add3A_113 : i32 to index
        %get3A_169 = arith.constant 80 : index
        %get3A_170 = tpu.vector_load %arg10[%get3A_168, %get3A_169] {strides = array<i32>} : memref<128x128xf32, #tpu.memory_space<vmem>>, vector<1x16xf32>,
        %get3A_171 = vector.shape_cast %get3A_170 : vector<1x16xf32> to vector<16xf32>
        %mul3A_172 = vector.broadcast %squeeze3A : f32 to vector<16xf32>
        %mul3A_173 = arith.mulf %get3A_171, %mul3A_172 : vector<16xf32>
        %swap3A_174 = arith.index_cast %add3A_113 : i32 to index
        %swap3A_175 = arith.constant 80 : index
        %swap3A_176 = tpu.vector_load %arg10[%swap3A_174, %swap3A_175] {strides = array<i32>} : memref<128x128xf32, #tpu.memory_space<vmem>>, vector<1x16xf32>,
        %swap3A_177 = vector.shape_cast %swap3A_176 : vector<1x16xf32> to vector<16xf32>
        %swap3A_178 = vector.shape_cast %mul3A_173 : vector<16xf32> to vector<1x16xf32>
        tpu.vector_store %arg10[%swap3A_174, %swap3A_175], %swap3A_178 {strides = array<i32>} : memref<128x128xf32, #tpu.memory_space<vmem>>, vector<1x16xf32>,
        %get3A_179 = arith.index_cast %add3A_113 : i32 to index
        %get3A_180 = arith.constant 96 : index
        %get3A_181 = tpu.vector_load %arg10[%get3A_179, %get3A_180] {strides = array<i32>} : memref<128x128xf32, #tpu.memory_space<vmem>>, vector<1x16xf32>,
        %get3A_182 = vector.shape_cast %get3A_181 : vector<1x16xf32> to vector<16xf32>
        %mul3A_183 = vector.broadcast %squeeze3A : f32 to vector<16xf32>
        %mul3A_184 = arith.mulf %get3A_182, %mul3A_183 : vector<16xf32>
        %swap3A_185 = arith.index_cast %add3A_113 : i32 to index
        %swap3A_186 = arith.constant 96 : index
        %swap3A_187 = tpu.vector_load %arg10[%swap3A_185, %swap3A_186] {strides = array<i32>} : memref<128x128xf32, #tpu.memory_space<vmem>>, vector<1x16xf32>,
        %swap3A_188 = vector.shape_cast %swap3A_187 : vector<1x16xf32> to vector<16xf32>
        %swap3A_189 = vector.shape_cast %mul3A_184 : vector<16xf32> to vector<1x16xf32>
        tpu.vector_store %arg10[%swap3A_185, %swap3A_186], %swap3A_189 {strides = array<i32>} : memref<128x128xf32, #tpu.memory_space<vmem>>, vector<1x16xf32>,
        %get3A_190 = arith.index_cast %add3A_113 : i32 to index
        %get3A_191 = arith.constant 112 : index
        %get3A_192 = tpu.vector_load %arg10[%get3A_190, %get3A_191] {strides = array<i32>} : memref<128x128xf32, #tpu.memory_space<vmem>>, vector<1x16xf32>,
        %get3A_193 = vector.shape_cast %get3A_192 : vector<1x16xf32> to vector<16xf32>
        %mul3A_194 = vector.broadcast %squeeze3A : f32 to vector<16xf32>
        %mul3A_195 = arith.mulf %get3A_193, %mul3A_194 : vector<16xf32>
        %swap3A_196 = arith.index_cast %add3A_113 : i32 to index
        %swap3A_197 = arith.constant 112 : index
        %swap3A_198 = tpu.vector_load %arg10[%swap3A_196, %swap3A_197] {strides = array<i32>} : memref<128x128xf32, #tpu.memory_space<vmem>>, vector<1x16xf32>,
        %swap3A_199 = vector.shape_cast %swap3A_198 : vector<1x16xf32> to vector<16xf32>
        %swap3A_200 = vector.shape_cast %mul3A_195 : vector<16xf32> to vector<1x16xf32>
        tpu.vector_store %arg10[%swap3A_196, %swap3A_197], %swap3A_200 {strides = array<i32>} : memref<128x128xf32, #tpu.memory_space<vmem>>, vector<1x16xf32>,
        %slice3A_201 = vector.extract_strided_slice %get3A_109 {offsets = [1], sizes = [1], strides = [1]} : vector<16xf32> to vector<1xf32>
        %squeeze3A_202 = vector.extract %slice3A_201[0] : f32 from vector<1xf32>
        %mul3A_203 = arith.constant 16 : i32
        %mul3A_204 = arith.muli %add3A_103, %mul3A_203 : i32
        %add3A_205 = arith.constant 1 : i32
        %add3A_206 = arith.addi %mul3A_204, %add3A_205 : i32
        %get3A_207 = arith.index_cast %add3A_206 : i32 to index
        %get3A_208 = arith.constant 0 : index
        %get3A_209 = tpu.vector_load %arg10[%get3A_207, %get3A_208] {strides = array<i32>} : memref<128x128xf32, #tpu.memory_space<vmem>>, vector<1x16xf32>,
        %get3A_210 = vector.shape_cast %get3A_209 : vector<1x16xf32> to vector<16xf32>
        %mul3A_211 = vector.broadcast %squeeze3A_202 : f32 to vector<16xf32>
        %mul3A_212 = arith.mulf %get3A_210, %mul3A_211 : vector<16xf32>
        %swap3A_213 = arith.index_cast %add3A_206 : i32 to index
        %swap3A_214 = arith.constant 0 : index
        %swap3A_215 = tpu.vector_load %arg10[%swap3A_213, %swap3A_214] {strides = array<i32>} : memref<128x128xf32, #tpu.memory_space<vmem>>, vector<1x16xf32>,
        %swap3A_216 = vector.shape_cast %swap3A_215 : vector<1x16xf32> to vector<16xf32>
        %swap3A_217 = vector.shape_cast %mul3A_212 : vector<16xf32> to vector<1x16xf32>
        tpu.vector_store %arg10[%swap3A_213, %swap3A_214], %swap3A_217 {strides = array<i32>} : memref<128x128xf32, #tpu.memory_space<vmem>>, vector<1x16xf32>,
        %get3A_218 = arith.index_cast %add3A_206 : i32 to index
        %get3A_219 = arith.constant 16 : index
        %get3A_220 = tpu.vector_load %arg10[%get3A_218, %get3A_219] {strides = array<i32>} : memref<128x128xf32, #tpu.memory_space<vmem>>, vector<1x16xf32>,
        %get3A_221 = vector.shape_cast %get3A_220 : vector<1x16xf32> to vector<16xf32>
        %mul3A_222 = vector.broadcast %squeeze3A_202 : f32 to vector<16xf32>
        %mul3A_223 = arith.mulf %get3A_221, %mul3A_222 : vector<16xf32>
        %swap3A_224 = arith.index_cast %add3A_206 : i32 to index
        %swap3A_225 = arith.constant 16 : index
        %swap3A_226 = tpu.vector_load %arg10[%swap3A_224, %swap3A_225] {strides = array<i32>} : memref<128x128xf32, #tpu.memory_space<vmem>>, vector<1x16xf32>,
        %swap3A_227 = vector.shape_cast %swap3A_226 : vector<1x16xf32> to vector<16xf32>
        %swap3A_228 = vector.shape_cast %mul3A_223 : vector<16xf32> to vector<1x16xf32>
        tpu.vector_store %arg10[%swap3A_224, %swap3A_225], %swap3A_228 {strides = array<i32>} : memref<128x128xf32, #tpu.memory_space<vmem>>, vector<1x16xf32>,
        %get3A_229 = arith.index_cast %add3A_206 : i32 to index
        %get3A_230 = arith.constant 32 : index
        %get3A_231 = tpu.vector_load %arg10[%get3A_229, %get3A_230] {strides = array<i32>} : memref<128x128xf32, #tpu.memory_space<vmem>>, vector<1x16xf32>,
        %get3A_232 = vector.shape_cast %get3A_231 : vector<1x16xf32> to vector<16xf32>
        %mul3A_233 = vector.broadcast %squeeze3A_202 : f32 to vector<16xf32>
        %mul3A_234 = arith.mulf %get3A_232, %mul3A_233 : vector<16xf32>
        %swap3A_235 = arith.index_cast %add3A_206 : i32 to index
        %swap3A_236 = arith.constant 32 : index
        %swap3A_237 = tpu.vector_load %arg10[%swap3A_235, %swap3A_236] {strides = array<i32>} : memref<128x128xf32, #tpu.memory_space<vmem>>, vector<1x16xf32>,
        %swap3A_238 = vector.shape_cast %swap3A_237 : vector<1x16xf32> to vector<16xf32>
        %swap3A_239 = vector.shape_cast %mul3A_234 : vector<16xf32> to vector<1x16xf32>
        tpu.vector_store %arg10[%swap3A_235, %swap3A_236], %swap3A_239 {strides = array<i32>} : memref<128x128xf32, #tpu.memory_space<vmem>>, vector<1x16xf32>,
        %get3A_240 = arith.index_cast %add3A_206 : i32 to index
        %get3A_241 = arith.constant 48 : index
        %get3A_242 = tpu.vector_load %arg10[%get3A_240, %get3A_241] {strides = array<i32>} : memref<128x128xf32, #tpu.memory_space<vmem>>, vector<1x16xf32>,
        %get3A_243 = vector.shape_cast %get3A_242 : vector<1x16xf32> to vector<16xf32>
        %mul3A_244 = vector.broadcast %squeeze3A_202 : f32 to vector<16xf32>
        %mul3A_245 = arith.mulf %get3A_243, %mul3A_244 : vector<16xf32>
        %swap3A_246 = arith.index_cast %add3A_206 : i32 to index
        %swap3A_247 = arith.constant 48 : index
        %swap3A_248 = tpu.vector_load %arg10[%swap3A_246, %swap3A_247] {strides = array<i32>} : memref<128x128xf32, #tpu.memory_space<vmem>>, vector<1x16xf32>,
        %swap3A_249 = vector.shape_cast %swap3A_248 : vector<1x16xf32> to vector<16xf32>
        %swap3A_250 = vector.shape_cast %mul3A_245 : vector<16xf32> to vector<1x16xf32>
        tpu.vector_store %arg10[%swap3A_246, %swap3A_247], %swap3A_250 {strides = array<i32>} : memref<128x128xf32, #tpu.memory_space<vmem>>, vector<1x16xf32>,
        %get3A_251 = arith.index_cast %add3A_206 : i32 to index
        %get3A_252 = arith.constant 64 : index
        %get3A_253 = tpu.vector_load %arg10[%get3A_251, %get3A_252] {strides = array<i32>} : memref<128x128xf32, #tpu.memory_space<vmem>>, vector<1x16xf32>,
        %get3A_254 = vector.shape_cast %get3A_253 : vector<1x16xf32> to vector<16xf32>
        %mul3A_255 = vector.broadcast %squeeze3A_202 : f32 to vector<16xf32>
        %mul3A_256 = arith.mulf %get3A_254, %mul3A_255 : vector<16xf32>
        %swap3A_257 = arith.index_cast %add3A_206 : i32 to index
        %swap3A_258 = arith.constant 64 : index
        %swap3A_259 = tpu.vector_load %arg10[%swap3A_257, %swap3A_258] {strides = array<i32>} : memref<128x128xf32, #tpu.memory_space<vmem>>, vector<1x16xf32>,
        %swap3A_260 = vector.shape_cast %swap3A_259 : vector<1x16xf32> to vector<16xf32>
        %swap3A_261 = vector.shape_cast %mul3A_256 : vector<16xf32> to vector<1x16xf32>
        tpu.vector_store %arg10[%swap3A_257, %swap3A_258], %swap3A_261 {strides = array<i32>} : memref<128x128xf32, #tpu.memory_space<vmem>>, vector<1x16xf32>,
        %get3A_262 = arith.index_cast %add3A_206 : i32 to index
        %get3A_263 = arith.constant 80 : index
        %get3A_264 = tpu.vector_load %arg10[%get3A_262, %get3A_263] {strides = array<i32>} : memref<128x128xf32, #tpu.memory_space<vmem>>, vector<1x16xf32>,
        %get3A_265 = vector.shape_cast %get3A_264 : vector<1x16xf32> to vector<16xf32>
        %mul3A_266 = vector.broadcast %squeeze3A_202 : f32 to vector<16xf32>
        %mul3A_267 = arith.mulf %get3A_265, %mul3A_266 : vector<16xf32>
        %swap3A_268 = arith.index_cast %add3A_206 : i32 to index
        %swap3A_269 = arith.constant 80 : index
        %swap3A_270 = tpu.vector_load %arg10[%swap3A_268, %swap3A_269] {strides = array<i32>} : memref<128x128xf32, #tpu.memory_space<vmem>>, vector<1x16xf32>,
        %swap3A_271 = vector.shape_cast %swap3A_270 : vector<1x16xf32> to vector<16xf32>
        %swap3A_272 = vector.shape_cast %mul3A_267 : vector<16xf32> to vector<1x16xf32>
        tpu.vector_store %arg10[%swap3A_268, %swap3A_269], %swap3A_272 {strides = array<i32>} : memref<128x128xf32, #tpu.memory_space<vmem>>, vector<1x16xf32>,
        %get3A_273 = arith.index_cast %add3A_206 : i32 to index
        %get3A_274 = arith.constant 96 : index
        %get3A_275 = tpu.vector_load %arg10[%get3A_273, %get3A_274] {strides = array<i32>} : memref<128x128xf32, #tpu.memory_space<vmem>>, vector<1x16xf32>,
        %get3A_276 = vector.shape_cast %get3A_275 : vector<1x16xf32> to vector<16xf32>
        %mul3A_277 = vector.broadcast %squeeze3A_202 : f32 to vector<16xf32>
        %mul3A_278 = arith.mulf %get3A_276, %mul3A_277 : vector<16xf32>
        %swap3A_279 = arith.index_cast %add3A_206 : i32 to index
        %swap3A_280 = arith.constant 96 : index
        %swap3A_281 = tpu.vector_load %arg10[%swap3A_279, %swap3A_280] {strides = array<i32>} : memref<128x128xf32, #tpu.memory_space<vmem>>, vector<1x16xf32>,
        %swap3A_282 = vector.shape_cast %swap3A_281 : vector<1x16xf32> to vector<16xf32>
        %swap3A_283 = vector.shape_cast %mul3A_278 : vector<16xf32> to vector<1x16xf32>
        tpu.vector_store %arg10[%swap3A_279, %swap3A_280], %swap3A_283 {strides = array<i32>} : memref<128x128xf32, #tpu.memory_space<vmem>>, vector<1x16xf32>,
        %get3A_284 = arith.index_cast %add3A_206 : i32 to index
        %get3A_285 = arith.constant 112 : index
        %get3A_286 = tpu.vector_load %arg10[%get3A_284, %get3A_285] {strides = array<i32>} : memref<128x128xf32, #tpu.memory_space<vmem>>, vector<1x16xf32>,
        %get3A_287 = vector.shape_cast %get3A_286 : vector<1x16xf32> to vector<16xf32>
        %mul3A_288 = vector.broadcast %squeeze3A_202 : f32 to vector<16xf32>
        %mul3A_289 = arith.mulf %get3A_287, %mul3A_288 : vector<16xf32>
        %swap3A_290 = arith.index_cast %add3A_206 : i32 to index
        %swap3A_291 = arith.constant 112 : index
        %swap3A_292 = tpu.vector_load %arg10[%swap3A_290, %swap3A_291] {strides = array<i32>} : memref<128x128xf32, #tpu.memory_space<vmem>>, vector<1x16xf32>,
        %swap3A_293 = vector.shape_cast %swap3A_292 : vector<1x16xf32> to vector<16xf32>
        %swap3A_294 = vector.shape_cast %mul3A_289 : vector<16xf32> to vector<1x16xf32>
        tpu.vector_store %arg10[%swap3A_290, %swap3A_291], %swap3A_294 {strides = array<i32>} : memref<128x128xf32, #tpu.memory_space<vmem>>, vector<1x16xf32>,
        %slice3A_295 = vector.extract_strided_slice %get3A_109 {offsets = [2], sizes = [1], strides = [1]} : vector<16xf32> to vector<1xf32>
        %squeeze3A_296 = vector.extract %slice3A_295[0] : f32 from vector<1xf32>
        %mul3A_297 = arith.constant 16 : i32
        %mul3A_298 = arith.muli %add3A_103, %mul3A_297 : i32
        %add3A_299 = arith.constant 2 : i32
        %add3A_300 = arith.addi %mul3A_298, %add3A_299 : i32
        %get3A_301 = arith.index_cast %add3A_300 : i32 to index
        %get3A_302 = arith.constant 0 : index
        %get3A_303 = tpu.vector_load %arg10[%get3A_301, %get3A_302] {strides = array<i32>} : memref<128x128xf32, #tpu.memory_space<vmem>>, vector<1x16xf32>,
        %get3A_304 = vector.shape_cast %get3A_303 : vector<1x16xf32> to vector<16xf32>
        %mul3A_305 = vector.broadcast %squeeze3A_296 : f32 to vector<16xf32>
        %mul3A_306 = arith.mulf %get3A_304, %mul3A_305 : vector<16xf32>
        %swap3A_307 = arith.index_cast %add3A_300 : i32 to index
        %swap3A_308 = arith.constant 0 : index
        %swap3A_309 = tpu.vector_load %arg10[%swap3A_307, %swap3A_308] {strides = array<i32>} : memref<128x128xf32, #tpu.memory_space<vmem>>, vector<1x16xf32>,
        %swap3A_310 = vector.shape_cast %swap3A_309 : vector<1x16xf32> to vector<16xf32>
        %swap3A_311 = vector.shape_cast %mul3A_306 : vector<16xf32> to vector<1x16xf32>
        tpu.vector_store %arg10[%swap3A_307, %swap3A_308], %swap3A_311 {strides = array<i32>} : memref<128x128xf32, #tpu.memory_space<vmem>>, vector<1x16xf32>,
        %get3A_312 = arith.index_cast %add3A_300 : i32 to index
        %get3A_313 = arith.constant 16 : index
        %get3A_314 = tpu.vector_load %arg10[%get3A_312, %get3A_313] {strides = array<i32>} : memref<128x128xf32, #tpu.memory_space<vmem>>, vector<1x16xf32>,
        %get3A_315 = vector.shape_cast %get3A_314 : vector<1x16xf32> to vector<16xf32>
        %mul3A_316 = vector.broadcast %squeeze3A_296 : f32 to vector<16xf32>
        %mul3A_317 = arith.mulf %get3A_315, %mul3A_316 : vector<16xf32>
        %swap3A_318 = arith.index_cast %add3A_300 : i32 to index
        %swap3A_319 = arith.constant 16 : index
        %swap3A_320 = tpu.vector_load %arg10[%swap3A_318, %swap3A_319] {strides = array<i32>} : memref<128x128xf32, #tpu.memory_space<vmem>>, vector<1x16xf32>,
        %swap3A_321 = vector.shape_cast %swap3A_320 : vector<1x16xf32> to vector<16xf32>
        %swap3A_322 = vector.shape_cast %mul3A_317 : vector<16xf32> to vector<1x16xf32>
        tpu.vector_store %arg10[%swap3A_318, %swap3A_319], %swap3A_322 {strides = array<i32>} : memref<128x128xf32, #tpu.memory_space<vmem>>, vector<1x16xf32>,
        %get3A_323 = arith.index_cast %add3A_300 : i32 to index
        %get3A_324 = arith.constant 32 : index
        %get3A_325 = tpu.vector_load %arg10[%get3A_323, %get3A_324] {strides = array<i32>} : memref<128x128xf32, #tpu.memory_space<vmem>>, vector<1x16xf32>,
        %get3A_326 = vector.shape_cast %get3A_325 : vector<1x16xf32> to vector<16xf32>
        %mul3A_327 = vector.broadcast %squeeze3A_296 : f32 to vector<16xf32>
        %mul3A_328 = arith.mulf %get3A_326, %mul3A_327 : vector<16xf32>
        %swap3A_329 = arith.index_cast %add3A_300 : i32 to index
        %swap3A_330 = arith.constant 32 : index
        %swap3A_331 = tpu.vector_load %arg10[%swap3A_329, %swap3A_330] {strides = array<i32>} : memref<128x128xf32, #tpu.memory_space<vmem>>, vector<1x16xf32>,
        %swap3A_332 = vector.shape_cast %swap3A_331 : vector<1x16xf32> to vector<16xf32>
        %swap3A_333 = vector.shape_cast %mul3A_328 : vector<16xf32> to vector<1x16xf32>
        tpu.vector_store %arg10[%swap3A_329, %swap3A_330], %swap3A_333 {strides = array<i32>} : memref<128x128xf32, #tpu.memory_space<vmem>>, vector<1x16xf32>,
        %get3A_334 = arith.index_cast %add3A_300 : i32 to index
        %get3A_335 = arith.constant 48 : index
        %get3A_336 = tpu.vector_load %arg10[%get3A_334, %get3A_335] {strides = array<i32>} : memref<128x128xf32, #tpu.memory_space<vmem>>, vector<1x16xf32>,
        %get3A_337 = vector.shape_cast %get3A_336 : vector<1x16xf32> to vector<16xf32>
        %mul3A_338 = vector.broadcast %squeeze3A_296 : f32 to vector<16xf32>
        %mul3A_339 = arith.mulf %get3A_337, %mul3A_338 : vector<16xf32>
        %swap3A_340 = arith.index_cast %add3A_300 : i32 to index
        %swap3A_341 = arith.constant 48 : index
        %swap3A_342 = tpu.vector_load %arg10[%swap3A_340, %swap3A_341] {strides = array<i32>} : memref<128x128xf32, #tpu.memory_space<vmem>>, vector<1x16xf32>,
        %swap3A_343 = vector.shape_cast %swap3A_342 : vector<1x16xf32> to vector<16xf32>
        %swap3A_344 = vector.shape_cast %mul3A_339 : vector<16xf32> to vector<1x16xf32>
        tpu.vector_store %arg10[%swap3A_340, %swap3A_341], %swap3A_344 {strides = array<i32>} : memref<128x128xf32, #tpu.memory_space<vmem>>, vector<1x16xf32>,
        %get3A_345 = arith.index_cast %add3A_300 : i32 to index
        %get3A_346 = arith.constant 64 : index
        %get3A_347 = tpu.vector_load %arg10[%get3A_345, %get3A_346] {strides = array<i32>} : memref<128x128xf32, #tpu.memory_space<vmem>>, vector<1x16xf32>,
        %get3A_348 = vector.shape_cast %get3A_347 : vector<1x16xf32> to vector<16xf32>
        %mul3A_349 = vector.broadcast %squeeze3A_296 : f32 to vector<16xf32>
        %mul3A_350 = arith.mulf %get3A_348, %mul3A_349 : vector<16xf32>
        %swap3A_351 = arith.index_cast %add3A_300 : i32 to index
        %swap3A_352 = arith.constant 64 : index
        %swap3A_353 = tpu.vector_load %arg10[%swap3A_351, %swap3A_352] {strides = array<i32>} : memref<128x128xf32, #tpu.memory_space<vmem>>, vector<1x16xf32>,
        %swap3A_354 = vector.shape_cast %swap3A_353 : vector<1x16xf32> to vector<16xf32>
        %swap3A_355 = vector.shape_cast %mul3A_350 : vector<16xf32> to vector<1x16xf32>
        tpu.vector_store %arg10[%swap3A_351, %swap3A_352], %swap3A_355 {strides = array<i32>} : memref<128x128xf32, #tpu.memory_space<vmem>>, vector<1x16xf32>,
        %get3A_356 = arith.index_cast %add3A_300 : i32 to index
        %get3A_357 = arith.constant 80 : index
        %get3A_358 = tpu.vector_load %arg10[%get3A_356, %get3A_357] {strides = array<i32>} : memref<128x128xf32, #tpu.memory_space<vmem>>, vector<1x16xf32>,
        %get3A_359 = vector.shape_cast %get3A_358 : vector<1x16xf32> to vector<16xf32>
        %mul3A_360 = vector.broadcast %squeeze3A_296 : f32 to vector<16xf32>
        %mul3A_361 = arith.mulf %get3A_359, %mul3A_360 : vector<16xf32>
        %swap3A_362 = arith.index_cast %add3A_300 : i32 to index
        %swap3A_363 = arith.constant 80 : index
        %swap3A_364 = tpu.vector_load %arg10[%swap3A_362, %swap3A_363] {strides = array<i32>} : memref<128x128xf32, #tpu.memory_space<vmem>>, vector<1x16xf32>,
        %swap3A_365 = vector.shape_cast %swap3A_364 : vector<1x16xf32> to vector<16xf32>
        %swap3A_366 = vector.shape_cast %mul3A_361 : vector<16xf32> to vector<1x16xf32>
        tpu.vector_store %arg10[%swap3A_362, %swap3A_363], %swap3A_366 {strides = array<i32>} : memref<128x128xf32, #tpu.memory_space<vmem>>, vector<1x16xf32>,
        %get3A_367 = arith.index_cast %add3A_300 : i32 to index
        %get3A_368 = arith.constant 96 : index
        %get3A_369 = tpu.vector_load %arg10[%get3A_367, %get3A_368] {strides = array<i32>} : memref<128x128xf32, #tpu.memory_space<vmem>>, vector<1x16xf32>,
        %get3A_370 = vector.shape_cast %get3A_369 : vector<1x16xf32> to vector<16xf32>
        %mul3A_371 = vector.broadcast %squeeze3A_296 : f32 to vector<16xf32>
        %mul3A_372 = arith.mulf %get3A_370, %mul3A_371 : vector<16xf32>
        %swap3A_373 = arith.index_cast %add3A_300 : i32 to index
        %swap3A_374 = arith.constant 96 : index
        %swap3A_375 = tpu.vector_load %arg10[%swap3A_373, %swap3A_374] {strides = array<i32>} : memref<128x128xf32, #tpu.memory_space<vmem>>, vector<1x16xf32>,
        %swap3A_376 = vector.shape_cast %swap3A_375 : vector<1x16xf32> to vector<16xf32>
        %swap3A_377 = vector.shape_cast %mul3A_372 : vector<16xf32> to vector<1x16xf32>
        tpu.vector_store %arg10[%swap3A_373, %swap3A_374], %swap3A_377 {strides = array<i32>} : memref<128x128xf32, #tpu.memory_space<vmem>>, vector<1x16xf32>,
        %get3A_378 = arith.index_cast %add3A_300 : i32 to index
        %get3A_379 = arith.constant 112 : index
        %get3A_380 = tpu.vector_load %arg10[%get3A_378, %get3A_379] {strides = array<i32>} : memref<128x128xf32, #tpu.memory_space<vmem>>, vector<1x16xf32>,
        %get3A_381 = vector.shape_cast %get3A_380 : vector<1x16xf32> to vector<16xf32>
        %mul3A_382 = vector.broadcast %squeeze3A_296 : f32 to vector<16xf32>
        %mul3A_383 = arith.mulf %get3A_381, %mul3A_382 : vector<16xf32>
        %swap3A_384 = arith.index_cast %add3A_300 : i32 to index
        %swap3A_385 = arith.constant 112 : index
        %swap3A_386 = tpu.vector_load %arg10[%swap3A_384, %swap3A_385] {strides = array<i32>} : memref<128x128xf32, #tpu.memory_space<vmem>>, vector<1x16xf32>,
        %swap3A_387 = vector.shape_cast %swap3A_386 : vector<1x16xf32> to vector<16xf32>
        %swap3A_388 = vector.shape_cast %mul3A_383 : vector<16xf32> to vector<1x16xf32>
        tpu.vector_store %arg10[%swap3A_384, %swap3A_385], %swap3A_388 {strides = array<i32>} : memref<128x128xf32, #tpu.memory_space<vmem>>, vector<1x16xf32>,
        %slice3A_389 = vector.extract_strided_slice %get3A_109 {offsets = [3], sizes = [1], strides = [1]} : vector<16xf32> to vector<1xf32>
        %squeeze3A_390 = vector.extract %slice3A_389[0] : f32 from vector<1xf32>
        %mul3A_391 = arith.constant 16 : i32
        %mul3A_392 = arith.muli %add3A_103, %mul3A_391 : i32
        %add3A_393 = arith.constant 3 : i32
        %add3A_394 = arith.addi %mul3A_392, %add3A_393 : i32
        %get3A_395 = arith.index_cast %add3A_394 : i32 to index
        %get3A_396 = arith.constant 0 : index
        %get3A_397 = tpu.vector_load %arg10[%get3A_395, %get3A_396] {strides = array<i32>} : memref<128x128xf32, #tpu.memory_space<vmem>>, vector<1x16xf32>,
        %get3A_398 = vector.shape_cast %get3A_397 : vector<1x16xf32> to vector<16xf32>
        %mul3A_399 = vector.broadcast %squeeze3A_390 : f32 to vector<16xf32>
        %mul3A_400 = arith.mulf %get3A_398, %mul3A_399 : vector<16xf32>
        %swap3A_401 = arith.index_cast %add3A_394 : i32 to index
        %swap3A_402 = arith.constant 0 : index
        %swap3A_403 = tpu.vector_load %arg10[%swap3A_401, %swap3A_402] {strides = array<i32>} : memref<128x128xf32, #tpu.memory_space<vmem>>, vector<1x16xf32>,
        %swap3A_404 = vector.shape_cast %swap3A_403 : vector<1x16xf32> to vector<16xf32>
        %swap3A_405 = vector.shape_cast %mul3A_400 : vector<16xf32> to vector<1x16xf32>
        tpu.vector_store %arg10[%swap3A_401, %swap3A_402], %swap3A_405 {strides = array<i32>} : memref<128x128xf32, #tpu.memory_space<vmem>>, vector<1x16xf32>,
        %get3A_406 = arith.index_cast %add3A_394 : i32 to index
        %get3A_407 = arith.constant 16 : index
        %get3A_408 = tpu.vector_load %arg10[%get3A_406, %get3A_407] {strides = array<i32>} : memref<128x128xf32, #tpu.memory_space<vmem>>, vector<1x16xf32>,
        %get3A_409 = vector.shape_cast %get3A_408 : vector<1x16xf32> to vector<16xf32>
        %mul3A_410 = vector.broadcast %squeeze3A_390 : f32 to vector<16xf32>
        %mul3A_411 = arith.mulf %get3A_409, %mul3A_410 : vector<16xf32>
        %swap3A_412 = arith.index_cast %add3A_394 : i32 to index
        %swap3A_413 = arith.constant 16 : index
        %swap3A_414 = tpu.vector_load %arg10[%swap3A_412, %swap3A_413] {strides = array<i32>} : memref<128x128xf32, #tpu.memory_space<vmem>>, vector<1x16xf32>,
        %swap3A_415 = vector.shape_cast %swap3A_414 : vector<1x16xf32> to vector<16xf32>
        %swap3A_416 = vector.shape_cast %mul3A_411 : vector<16xf32> to vector<1x16xf32>
        tpu.vector_store %arg10[%swap3A_412, %swap3A_413], %swap3A_416 {strides = array<i32>} : memref<128x128xf32, #tpu.memory_space<vmem>>, vector<1x16xf32>,
        %get3A_417 = arith.index_cast %add3A_394 : i32 to index
        %get3A_418 = arith.constant 32 : index
        %get3A_419 = tpu.vector_load %arg10[%get3A_417, %get3A_418] {strides = array<i32>} : memref<128x128xf32, #tpu.memory_space<vmem>>, vector<1x16xf32>,
        %get3A_420 = vector.shape_cast %get3A_419 : vector<1x16xf32> to vector<16xf32>
        %mul3A_421 = vector.broadcast %squeeze3A_390 : f32 to vector<16xf32>
        %mul3A_422 = arith.mulf %get3A_420, %mul3A_421 : vector<16xf32>
        %swap3A_423 = arith.index_cast %add3A_394 : i32 to index
        %swap3A_424 = arith.constant 32 : index
        %swap3A_425 = tpu.vector_load %arg10[%swap3A_423, %swap3A_424] {strides = array<i32>} : memref<128x128xf32, #tpu.memory_space<vmem>>, vector<1x16xf32>,
        %swap3A_426 = vector.shape_cast %swap3A_425 : vector<1x16xf32> to vector<16xf32>
        %swap3A_427 = vector.shape_cast %mul3A_422 : vector<16xf32> to vector<1x16xf32>
        tpu.vector_store %arg10[%swap3A_423, %swap3A_424], %swap3A_427 {strides = array<i32>} : memref<128x128xf32, #tpu.memory_space<vmem>>, vector<1x16xf32>,
        %get3A_428 = arith.index_cast %add3A_394 : i32 to index
        %get3A_429 = arith.constant 48 : index
        %get3A_430 = tpu.vector_load %arg10[%get3A_428, %get3A_429] {strides = array<i32>} : memref<128x128xf32, #tpu.memory_space<vmem>>, vector<1x16xf32>,
        %get3A_431 = vector.shape_cast %get3A_430 : vector<1x16xf32> to vector<16xf32>
        %mul3A_432 = vector.broadcast %squeeze3A_390 : f32 to vector<16xf32>
        %mul3A_433 = arith.mulf %get3A_431, %mul3A_432 : vector<16xf32>
        %swap3A_434 = arith.index_cast %add3A_394 : i32 to index
        %swap3A_435 = arith.constant 48 : index
        %swap3A_436 = tpu.vector_load %arg10[%swap3A_434, %swap3A_435] {strides = array<i32>} : memref<128x128xf32, #tpu.memory_space<vmem>>, vector<1x16xf32>,
        %swap3A_437 = vector.shape_cast %swap3A_436 : vector<1x16xf32> to vector<16xf32>
        %swap3A_438 = vector.shape_cast %mul3A_433 : vector<16xf32> to vector<1x16xf32>
        tpu.vector_store %arg10[%swap3A_434, %swap3A_435], %swap3A_438 {strides = array<i32>} : memref<128x128xf32, #tpu.memory_space<vmem>>, vector<1x16xf32>,
        %get3A_439 = arith.index_cast %add3A_394 : i32 to index
        %get3A_440 = arith.constant 64 : index
        %get3A_441 = tpu.vector_load %arg10[%get3A_439, %get3A_440] {strides = array<i32>} : memref<128x128xf32, #tpu.memory_space<vmem>>, vector<1x16xf32>,
        %get3A_442 = vector.shape_cast %get3A_441 : vector<1x16xf32> to vector<16xf32>
        %mul3A_443 = vector.broadcast %squeeze3A_390 : f32 to vector<16xf32>
        %mul3A_444 = arith.mulf %get3A_442, %mul3A_443 : vector<16xf32>
        %swap3A_445 = arith.index_cast %add3A_394 : i32 to index
        %swap3A_446 = arith.constant 64 : index
        %swap3A_447 = tpu.vector_load %arg10[%swap3A_445, %swap3A_446] {strides = array<i32>} : memref<128x128xf32, #tpu.memory_space<vmem>>, vector<1x16xf32>,
        %swap3A_448 = vector.shape_cast %swap3A_447 : vector<1x16xf32> to vector<16xf32>
        %swap3A_449 = vector.shape_cast %mul3A_444 : vector<16xf32> to vector<1x16xf32>
        tpu.vector_store %arg10[%swap3A_445, %swap3A_446], %swap3A_449 {strides = array<i32>} : memref<128x128xf32, #tpu.memory_space<vmem>>, vector<1x16xf32>,
        %get3A_450 = arith.index_cast %add3A_394 : i32 to index
        %get3A_451 = arith.constant 80 : index
        %get3A_452 = tpu.vector_load %arg10[%get3A_450, %get3A_451] {strides = array<i32>} : memref<128x128xf32, #tpu.memory_space<vmem>>, vector<1x16xf32>,
        %get3A_453 = vector.shape_cast %get3A_452 : vector<1x16xf32> to vector<16xf32>
        %mul3A_454 = vector.broadcast %squeeze3A_390 : f32 to vector<16xf32>
        %mul3A_455 = arith.mulf %get3A_453, %mul3A_454 : vector<16xf32>
        %swap3A_456 = arith.index_cast %add3A_394 : i32 to index
        %swap3A_457 = arith.constant 80 : index
        %swap3A_458 = tpu.vector_load %arg10[%swap3A_456, %swap3A_457] {strides = array<i32>} : memref<128x128xf32, #tpu.memory_space<vmem>>, vector<1x16xf32>,
        %swap3A_459 = vector.shape_cast %swap3A_458 : vector<1x16xf32> to vector<16xf32>
        %swap3A_460 = vector.shape_cast %mul3A_455 : vector<16xf32> to vector<1x16xf32>
        tpu.vector_store %arg10[%swap3A_456, %swap3A_457], %swap3A_460 {strides = array<i32>} : memref<128x128xf32, #tpu.memory_space<vmem>>, vector<1x16xf32>,
        %get3A_461 = arith.index_cast %add3A_394 : i32 to index
        %get3A_462 = arith.constant 96 : index
        %get3A_463 = tpu.vector_load %arg10[%get3A_461, %get3A_462] {strides = array<i32>} : memref<128x128xf32, #tpu.memory_space<vmem>>, vector<1x16xf32>,
        %get3A_464 = vector.shape_cast %get3A_463 : vector<1x16xf32> to vector<16xf32>
        %mul3A_465 = vector.broadcast %squeeze3A_390 : f32 to vector<16xf32>
        %mul3A_466 = arith.mulf %get3A_464, %mul3A_465 : vector<16xf32>
        %swap3A_467 = arith.index_cast %add3A_394 : i32 to index
        %swap3A_468 = arith.constant 96 : index
        %swap3A_469 = tpu.vector_load %arg10[%swap3A_467, %swap3A_468] {strides = array<i32>} : memref<128x128xf32, #tpu.memory_space<vmem>>, vector<1x16xf32>,
        %swap3A_470 = vector.shape_cast %swap3A_469 : vector<1x16xf32> to vector<16xf32>
        %swap3A_471 = vector.shape_cast %mul3A_466 : vector<16xf32> to vector<1x16xf32>
        tpu.vector_store %arg10[%swap3A_467, %swap3A_468], %swap3A_471 {strides = array<i32>} : memref<128x128xf32, #tpu.memory_space<vmem>>, vector<1x16xf32>,
        %get3A_472 = arith.index_cast %add3A_394 : i32 to index
        %get3A_473 = arith.constant 112 : index
        %get3A_474 = tpu.vector_load %arg10[%get3A_472, %get3A_473] {strides = array<i32>} : memref<128x128xf32, #tpu.memory_space<vmem>>, vector<1x16xf32>,
        %get3A_475 = vector.shape_cast %get3A_474 : vector<1x16xf32> to vector<16xf32>
        %mul3A_476 = vector.broadcast %squeeze3A_390 : f32 to vector<16xf32>
        %mul3A_477 = arith.mulf %get3A_475, %mul3A_476 : vector<16xf32>
        %swap3A_478 = arith.index_cast %add3A_394 : i32 to index
        %swap3A_479 = arith.constant 112 : index
        %swap3A_480 = tpu.vector_load %arg10[%swap3A_478, %swap3A_479] {strides = array<i32>} : memref<128x128xf32, #tpu.memory_space<vmem>>, vector<1x16xf32>,
        %swap3A_481 = vector.shape_cast %swap3A_480 : vector<1x16xf32> to vector<16xf32>
        %swap3A_482 = vector.shape_cast %mul3A_477 : vector<16xf32> to vector<1x16xf32>
        tpu.vector_store %arg10[%swap3A_478, %swap3A_479], %swap3A_482 {strides = array<i32>} : memref<128x128xf32, #tpu.memory_space<vmem>>, vector<1x16xf32>,
        %slice3A_483 = vector.extract_strided_slice %get3A_109 {offsets = [4], sizes = [1], strides = [1]} : vector<16xf32> to vector<1xf32>
        %squeeze3A_484 = vector.extract %slice3A_483[0] : f32 from vector<1xf32>
        %mul3A_485 = arith.constant 16 : i32
        %mul3A_486 = arith.muli %add3A_103, %mul3A_485 : i32
        %add3A_487 = arith.constant 4 : i32
        %add3A_488 = arith.addi %mul3A_486, %add3A_487 : i32
        %get3A_489 = arith.index_cast %add3A_488 : i32 to index
        %get3A_490 = arith.constant 0 : index
        %get3A_491 = tpu.vector_load %arg10[%get3A_489, %get3A_490] {strides = array<i32>} : memref<128x128xf32, #tpu.memory_space<vmem>>, vector<1x16xf32>,
        %get3A_492 = vector.shape_cast %get3A_491 : vector<1x16xf32> to vector<16xf32>
        %mul3A_493 = vector.broadcast %squeeze3A_484 : f32 to vector<16xf32>
        %mul3A_494 = arith.mulf %get3A_492, %mul3A_493 : vector<16xf32>
        %swap3A_495 = arith.index_cast %add3A_488 : i32 to index
        %swap3A_496 = arith.constant 0 : index
        %swap3A_497 = tpu.vector_load %arg10[%swap3A_495, %swap3A_496] {strides = array<i32>} : memref<128x128xf32, #tpu.memory_space<vmem>>, vector<1x16xf32>,
        %swap3A_498 = vector.shape_cast %swap3A_497 : vector<1x16xf32> to vector<16xf32>
        %swap3A_499 = vector.shape_cast %mul3A_494 : vector<16xf32> to vector<1x16xf32>
        tpu.vector_store %arg10[%swap3A_495, %swap3A_496], %swap3A_499 {strides = array<i32>} : memref<128x128xf32, #tpu.memory_space<vmem>>, vector<1x16xf32>,
        %get3A_500 = arith.index_cast %add3A_488 : i32 to index
        %get3A_501 = arith.constant 16 : index
        %get3A_502 = tpu.vector_load %arg10[%get3A_500, %get3A_501] {strides = array<i32>} : memref<128x128xf32, #tpu.memory_space<vmem>>, vector<1x16xf32>,
        %get3A_503 = vector.shape_cast %get3A_502 : vector<1x16xf32> to vector<16xf32>
        %mul3A_504 = vector.broadcast %squeeze3A_484 : f32 to vector<16xf32>
        %mul3A_505 = arith.mulf %get3A_503, %mul3A_504 : vector<16xf32>
        %swap3A_506 = arith.index_cast %add3A_488 : i32 to index
        %swap3A_507 = arith.constant 16 : index
        %swap3A_508 = tpu.vector_load %arg10[%swap3A_506, %swap3A_507] {strides = array<i32>} : memref<128x128xf32, #tpu.memory_space<vmem>>, vector<1x16xf32>,
        %swap3A_509 = vector.shape_cast %swap3A_508 : vector<1x16xf32> to vector<16xf32>
        %swap3A_510 = vector.shape_cast %mul3A_505 : vector<16xf32> to vector<1x16xf32>
        tpu.vector_store %arg10[%swap3A_506, %swap3A_507], %swap3A_510 {strides = array<i32>} : memref<128x128xf32, #tpu.memory_space<vmem>>, vector<1x16xf32>,
        %get3A_511 = arith.index_cast %add3A_488 : i32 to index
        %get3A_512 = arith.constant 32 : index
        %get3A_513 = tpu.vector_load %arg10[%get3A_511, %get3A_512] {strides = array<i32>} : memref<128x128xf32, #tpu.memory_space<vmem>>, vector<1x16xf32>,
        %get3A_514 = vector.shape_cast %get3A_513 : vector<1x16xf32> to vector<16xf32>
        %mul3A_515 = vector.broadcast %squeeze3A_484 : f32 to vector<16xf32>
        %mul3A_516 = arith.mulf %get3A_514, %mul3A_515 : vector<16xf32>
        %swap3A_517 = arith.index_cast %add3A_488 : i32 to index
        %swap3A_518 = arith.constant 32 : index
        %swap3A_519 = tpu.vector_load %arg10[%swap3A_517, %swap3A_518] {strides = array<i32>} : memref<128x128xf32, #tpu.memory_space<vmem>>, vector<1x16xf32>,
        %swap3A_520 = vector.shape_cast %swap3A_519 : vector<1x16xf32> to vector<16xf32>
        %swap3A_521 = vector.shape_cast %mul3A_516 : vector<16xf32> to vector<1x16xf32>
        tpu.vector_store %arg10[%swap3A_517, %swap3A_518], %swap3A_521 {strides = array<i32>} : memref<128x128xf32, #tpu.memory_space<vmem>>, vector<1x16xf32>,
        %get3A_522 = arith.index_cast %add3A_488 : i32 to index
        %get3A_523 = arith.constant 48 : index
        %get3A_524 = tpu.vector_load %arg10[%get3A_522, %get3A_523] {strides = array<i32>} : memref<128x128xf32, #tpu.memory_space<vmem>>, vector<1x16xf32>,
        %get3A_525 = vector.shape_cast %get3A_524 : vector<1x16xf32> to vector<16xf32>
        %mul3A_526 = vector.broadcast %squeeze3A_484 : f32 to vector<16xf32>
        %mul3A_527 = arith.mulf %get3A_525, %mul3A_526 : vector<16xf32>
        %swap3A_528 = arith.index_cast %add3A_488 : i32 to index
        %swap3A_529 = arith.constant 48 : index
        %swap3A_530 = tpu.vector_load %arg10[%swap3A_528, %swap3A_529] {strides = array<i32>} : memref<128x128xf32, #tpu.memory_space<vmem>>, vector<1x16xf32>,
        %swap3A_531 = vector.shape_cast %swap3A_530 : vector<1x16xf32> to vector<16xf32>
        %swap3A_532 = vector.shape_cast %mul3A_527 : vector<16xf32> to vector<1x16xf32>
        tpu.vector_store %arg10[%swap3A_528, %swap3A_529], %swap3A_532 {strides = array<i32>} : memref<128x128xf32, #tpu.memory_space<vmem>>, vector<1x16xf32>,
        %get3A_533 = arith.index_cast %add3A_488 : i32 to index
        %get3A_534 = arith.constant 64 : index
        %get3A_535 = tpu.vector_load %arg10[%get3A_533, %get3A_534] {strides = array<i32>} : memref<128x128xf32, #tpu.memory_space<vmem>>, vector<1x16xf32>,
        %get3A_536 = vector.shape_cast %get3A_535 : vector<1x16xf32> to vector<16xf32>
        %mul3A_537 = vector.broadcast %squeeze3A_484 : f32 to vector<16xf32>
        %mul3A_538 = arith.mulf %get3A_536, %mul3A_537 : vector<16xf32>
        %swap3A_539 = arith.index_cast %add3A_488 : i32 to index
        %swap3A_540 = arith.constant 64 : index
        %swap3A_541 = tpu.vector_load %arg10[%swap3A_539, %swap3A_540] {strides = array<i32>} : memref<128x128xf32, #tpu.memory_space<vmem>>, vector<1x16xf32>,
        %swap3A_542 = vector.shape_cast %swap3A_541 : vector<1x16xf32> to vector<16xf32>
        %swap3A_543 = vector.shape_cast %mul3A_538 : vector<16xf32> to vector<1x16xf32>
        tpu.vector_store %arg10[%swap3A_539, %swap3A_540], %swap3A_543 {strides = array<i32>} : memref<128x128xf32, #tpu.memory_space<vmem>>, vector<1x16xf32>,
        %get3A_544 = arith.index_cast %add3A_488 : i32 to index
        %get3A_545 = arith.constant 80 : index
        %get3A_546 = tpu.vector_load %arg10[%get3A_544, %get3A_545] {strides = array<i32>} : memref<128x128xf32, #tpu.memory_space<vmem>>, vector<1x16xf32>,
        %get3A_547 = vector.shape_cast %get3A_546 : vector<1x16xf32> to vector<16xf32>
        %mul3A_548 = vector.broadcast %squeeze3A_484 : f32 to vector<16xf32>
        %mul3A_549 = arith.mulf %get3A_547, %mul3A_548 : vector<16xf32>
        %swap3A_550 = arith.index_cast %add3A_488 : i32 to index
        %swap3A_551 = arith.constant 80 : index
        %swap3A_552 = tpu.vector_load %arg10[%swap3A_550, %swap3A_551] {strides = array<i32>} : memref<128x128xf32, #tpu.memory_space<vmem>>, vector<1x16xf32>,
        %swap3A_553 = vector.shape_cast %swap3A_552 : vector<1x16xf32> to vector<16xf32>
        %swap3A_554 = vector.shape_cast %mul3A_549 : vector<16xf32> to vector<1x16xf32>
        tpu.vector_store %arg10[%swap3A_550, %swap3A_551], %swap3A_554 {strides = array<i32>} : memref<128x128xf32, #tpu.memory_space<vmem>>, vector<1x16xf32>,
        %get3A_555 = arith.index_cast %add3A_488 : i32 to index
        %get3A_556 = arith.constant 96 : index
        %get3A_557 = tpu.vector_load %arg10[%get3A_555, %get3A_556] {strides = array<i32>} : memref<128x128xf32, #tpu.memory_space<vmem>>, vector<1x16xf32>,
        %get3A_558 = vector.shape_cast %get3A_557 : vector<1x16xf32> to vector<16xf32>
        %mul3A_559 = vector.broadcast %squeeze3A_484 : f32 to vector<16xf32>
        %mul3A_560 = arith.mulf %get3A_558, %mul3A_559 : vector<16xf32>
        %swap3A_561 = arith.index_cast %add3A_488 : i32 to index
        %swap3A_562 = arith.constant 96 : index
        %swap3A_563 = tpu.vector_load %arg10[%swap3A_561, %swap3A_562] {strides = array<i32>} : memref<128x128xf32, #tpu.memory_space<vmem>>, vector<1x16xf32>,
        %swap3A_564 = vector.shape_cast %swap3A_563 : vector<1x16xf32> to vector<16xf32>
        %swap3A_565 = vector.shape_cast %mul3A_560 : vector<16xf32> to vector<1x16xf32>
        tpu.vector_store %arg10[%swap3A_561, %swap3A_562], %swap3A_565 {strides = array<i32>} : memref<128x128xf32, #tpu.memory_space<vmem>>, vector<1x16xf32>,
        %get3A_566 = arith.index_cast %add3A_488 : i32 to index
        %get3A_567 = arith.constant 112 : index
        %get3A_568 = tpu.vector_load %arg10[%get3A_566, %get3A_567] {strides = array<i32>} : memref<128x128xf32, #tpu.memory_space<vmem>>, vector<1x16xf32>,
        %get3A_569 = vector.shape_cast %get3A_568 : vector<1x16xf32> to vector<16xf32>
        %mul3A_570 = vector.broadcast %squeeze3A_484 : f32 to vector<16xf32>
        %mul3A_571 = arith.mulf %get3A_569, %mul3A_570 : vector<16xf32>
        %swap3A_572 = arith.index_cast %add3A_488 : i32 to index
        %swap3A_573 = arith.constant 112 : index
        %swap3A_574 = tpu.vector_load %arg10[%swap3A_572, %swap3A_573] {strides = array<i32>} : memref<128x128xf32, #tpu.memory_space<vmem>>, vector<1x16xf32>,
        %swap3A_575 = vector.shape_cast %swap3A_574 : vector<1x16xf32> to vector<16xf32>
        %swap3A_576 = vector.shape_cast %mul3A_571 : vector<16xf32> to vector<1x16xf32>
        tpu.vector_store %arg10[%swap3A_572, %swap3A_573], %swap3A_576 {strides = array<i32>} : memref<128x128xf32, #tpu.memory_space<vmem>>, vector<1x16xf32>,
        %slice3A_577 = vector.extract_strided_slice %get3A_109 {offsets = [5], sizes = [1], strides = [1]} : vector<16xf32> to vector<1xf32>
        %squeeze3A_578 = vector.extract %slice3A_577[0] : f32 from vector<1xf32>
        %mul3A_579 = arith.constant 16 : i32
        %mul3A_580 = arith.muli %add3A_103, %mul3A_579 : i32
        %add3A_581 = arith.constant 5 : i32
        %add3A_582 = arith.addi %mul3A_580, %add3A_581 : i32
        %get3A_583 = arith.index_cast %add3A_582 : i32 to index
        %get3A_584 = arith.constant 0 : index
        %get3A_585 = tpu.vector_load %arg10[%get3A_583, %get3A_584] {strides = array<i32>} : memref<128x128xf32, #tpu.memory_space<vmem>>, vector<1x16xf32>,
        %get3A_586 = vector.shape_cast %get3A_585 : vector<1x16xf32> to vector<16xf32>
        %mul3A_587 = vector.broadcast %squeeze3A_578 : f32 to vector<16xf32>
        %mul3A_588 = arith.mulf %get3A_586, %mul3A_587 : vector<16xf32>
        %swap3A_589 = arith.index_cast %add3A_582 : i32 to index
        %swap3A_590 = arith.constant 0 : index
        %swap3A_591 = tpu.vector_load %arg10[%swap3A_589, %swap3A_590] {strides = array<i32>} : memref<128x128xf32, #tpu.memory_space<vmem>>, vector<1x16xf32>,
        %swap3A_592 = vector.shape_cast %swap3A_591 : vector<1x16xf32> to vector<16xf32>
        %swap3A_593 = vector.shape_cast %mul3A_588 : vector<16xf32> to vector<1x16xf32>
        tpu.vector_store %arg10[%swap3A_589, %swap3A_590], %swap3A_593 {strides = array<i32>} : memref<128x128xf32, #tpu.memory_space<vmem>>, vector<1x16xf32>,
        %get3A_594 = arith.index_cast %add3A_582 : i32 to index
        %get3A_595 = arith.constant 16 : index
        %get3A_596 = tpu.vector_load %arg10[%get3A_594, %get3A_595] {strides = array<i32>} : memref<128x128xf32, #tpu.memory_space<vmem>>, vector<1x16xf32>,
        %get3A_597 = vector.shape_cast %get3A_596 : vector<1x16xf32> to vector<16xf32>
        %mul3A_598 = vector.broadcast %squeeze3A_578 : f32 to vector<16xf32>
        %mul3A_599 = arith.mulf %get3A_597, %mul3A_598 : vector<16xf32>
        %swap3A_600 = arith.index_cast %add3A_582 : i32 to index
        %swap3A_601 = arith.constant 16 : index
        %swap3A_602 = tpu.vector_load %arg10[%swap3A_600, %swap3A_601] {strides = array<i32>} : memref<128x128xf32, #tpu.memory_space<vmem>>, vector<1x16xf32>,
        %swap3A_603 = vector.shape_cast %swap3A_602 : vector<1x16xf32> to vector<16xf32>
        %swap3A_604 = vector.shape_cast %mul3A_599 : vector<16xf32> to vector<1x16xf32>
        tpu.vector_store %arg10[%swap3A_600, %swap3A_601], %swap3A_604 {strides = array<i32>} : memref<128x128xf32, #tpu.memory_space<vmem>>, vector<1x16xf32>,
        %get3A_605 = arith.index_cast %add3A_582 : i32 to index
        %get3A_606 = arith.constant 32 : index
        %get3A_607 = tpu.vector_load %arg10[%get3A_605, %get3A_606] {strides = array<i32>} : memref<128x128xf32, #tpu.memory_space<vmem>>, vector<1x16xf32>,
        %get3A_608 = vector.shape_cast %get3A_607 : vector<1x16xf32> to vector<16xf32>
        %mul3A_609 = vector.broadcast %squeeze3A_578 : f32 to vector<16xf32>
        %mul3A_610 = arith.mulf %get3A_608, %mul3A_609 : vector<16xf32>
        %swap3A_611 = arith.index_cast %add3A_582 : i32 to index
        %swap3A_612 = arith.constant 32 : index
        %swap3A_613 = tpu.vector_load %arg10[%swap3A_611, %swap3A_612] {strides = array<i32>} : memref<128x128xf32, #tpu.memory_space<vmem>>, vector<1x16xf32>,
        %swap3A_614 = vector.shape_cast %swap3A_613 : vector<1x16xf32> to vector<16xf32>
        %swap3A_615 = vector.shape_cast %mul3A_610 : vector<16xf32> to vector<1x16xf32>
        tpu.vector_store %arg10[%swap3A_611, %swap3A_612], %swap3A_615 {strides = array<i32>} : memref<128x128xf32, #tpu.memory_space<vmem>>, vector<1x16xf32>,
        %get3A_616 = arith.index_cast %add3A_582 : i32 to index
        %get3A_617 = arith.constant 48 : index
        %get3A_618 = tpu.vector_load %arg10[%get3A_616, %get3A_617] {strides = array<i32>} : memref<128x128xf32, #tpu.memory_space<vmem>>, vector<1x16xf32>,
        %get3A_619 = vector.shape_cast %get3A_618 : vector<1x16xf32> to vector<16xf32>
        %mul3A_620 = vector.broadcast %squeeze3A_578 : f32 to vector<16xf32>
        %mul3A_621 = arith.mulf %get3A_619, %mul3A_620 : vector<16xf32>
        %swap3A_622 = arith.index_cast %add3A_582 : i32 to index
        %swap3A_623 = arith.constant 48 : index
        %swap3A_624 = tpu.vector_load %arg10[%swap3A_622, %swap3A_623] {strides = array<i32>} : memref<128x128xf32, #tpu.memory_space<vmem>>, vector<1x16xf32>,
        %swap3A_625 = vector.shape_cast %swap3A_624 : vector<1x16xf32> to vector<16xf32>
        %swap3A_626 = vector.shape_cast %mul3A_621 : vector<16xf32> to vector<1x16xf32>
        tpu.vector_store %arg10[%swap3A_622, %swap3A_623], %swap3A_626 {strides = array<i32>} : memref<128x128xf32, #tpu.memory_space<vmem>>, vector<1x16xf32>,
        %get3A_627 = arith.index_cast %add3A_582 : i32 to index
        %get3A_628 = arith.constant 64 : index
        %get3A_629 = tpu.vector_load %arg10[%get3A_627, %get3A_628] {strides = array<i32>} : memref<128x128xf32, #tpu.memory_space<vmem>>, vector<1x16xf32>,
        %get3A_630 = vector.shape_cast %get3A_629 : vector<1x16xf32> to vector<16xf32>
        %mul3A_631 = vector.broadcast %squeeze3A_578 : f32 to vector<16xf32>
        %mul3A_632 = arith.mulf %get3A_630, %mul3A_631 : vector<16xf32>
        %swap3A_633 = arith.index_cast %add3A_582 : i32 to index
        %swap3A_634 = arith.constant 64 : index
        %swap3A_635 = tpu.vector_load %arg10[%swap3A_633, %swap3A_634] {strides = array<i32>} : memref<128x128xf32, #tpu.memory_space<vmem>>, vector<1x16xf32>,
        %swap3A_636 = vector.shape_cast %swap3A_635 : vector<1x16xf32> to vector<16xf32>
        %swap3A_637 = vector.shape_cast %mul3A_632 : vector<16xf32> to vector<1x16xf32>
        tpu.vector_store %arg10[%swap3A_633, %swap3A_634], %swap3A_637 {strides = array<i32>} : memref<128x128xf32, #tpu.memory_space<vmem>>, vector<1x16xf32>,
        %get3A_638 = arith.index_cast %add3A_582 : i32 to index
        %get3A_639 = arith.constant 80 : index
        %get3A_640 = tpu.vector_load %arg10[%get3A_638, %get3A_639] {strides = array<i32>} : memref<128x128xf32, #tpu.memory_space<vmem>>, vector<1x16xf32>,
        %get3A_641 = vector.shape_cast %get3A_640 : vector<1x16xf32> to vector<16xf32>
        %mul3A_642 = vector.broadcast %squeeze3A_578 : f32 to vector<16xf32>
        %mul3A_643 = arith.mulf %get3A_641, %mul3A_642 : vector<16xf32>
        %swap3A_644 = arith.index_cast %add3A_582 : i32 to index
        %swap3A_645 = arith.constant 80 : index
        %swap3A_646 = tpu.vector_load %arg10[%swap3A_644, %swap3A_645] {strides = array<i32>} : memref<128x128xf32, #tpu.memory_space<vmem>>, vector<1x16xf32>,
        %swap3A_647 = vector.shape_cast %swap3A_646 : vector<1x16xf32> to vector<16xf32>
        %swap3A_648 = vector.shape_cast %mul3A_643 : vector<16xf32> to vector<1x16xf32>
        tpu.vector_store %arg10[%swap3A_644, %swap3A_645], %swap3A_648 {strides = array<i32>} : memref<128x128xf32, #tpu.memory_space<vmem>>, vector<1x16xf32>,
        %get3A_649 = arith.index_cast %add3A_582 : i32 to index
        %get3A_650 = arith.constant 96 : index
        %get3A_651 = tpu.vector_load %arg10[%get3A_649, %get3A_650] {strides = array<i32>} : memref<128x128xf32, #tpu.memory_space<vmem>>, vector<1x16xf32>,
        %get3A_652 = vector.shape_cast %get3A_651 : vector<1x16xf32> to vector<16xf32>
        %mul3A_653 = vector.broadcast %squeeze3A_578 : f32 to vector<16xf32>
        %mul3A_654 = arith.mulf %get3A_652, %mul3A_653 : vector<16xf32>
        %swap3A_655 = arith.index_cast %add3A_582 : i32 to index
        %swap3A_656 = arith.constant 96 : index
        %swap3A_657 = tpu.vector_load %arg10[%swap3A_655, %swap3A_656] {strides = array<i32>} : memref<128x128xf32, #tpu.memory_space<vmem>>, vector<1x16xf32>,
        %swap3A_658 = vector.shape_cast %swap3A_657 : vector<1x16xf32> to vector<16xf32>
        %swap3A_659 = vector.shape_cast %mul3A_654 : vector<16xf32> to vector<1x16xf32>
        tpu.vector_store %arg10[%swap3A_655, %swap3A_656], %swap3A_659 {strides = array<i32>} : memref<128x128xf32, #tpu.memory_space<vmem>>, vector<1x16xf32>,
        %get3A_660 = arith.index_cast %add3A_582 : i32 to index
        %get3A_661 = arith.constant 112 : index
        %get3A_662 = tpu.vector_load %arg10[%get3A_660, %get3A_661] {strides = array<i32>} : memref<128x128xf32, #tpu.memory_space<vmem>>, vector<1x16xf32>,
        %get3A_663 = vector.shape_cast %get3A_662 : vector<1x16xf32> to vector<16xf32>
        %mul3A_664 = vector.broadcast %squeeze3A_578 : f32 to vector<16xf32>
        %mul3A_665 = arith.mulf %get3A_663, %mul3A_664 : vector<16xf32>
        %swap3A_666 = arith.index_cast %add3A_582 : i32 to index
        %swap3A_667 = arith.constant 112 : index
        %swap3A_668 = tpu.vector_load %arg10[%swap3A_666, %swap3A_667] {strides = array<i32>} : memref<128x128xf32, #tpu.memory_space<vmem>>, vector<1x16xf32>,
        %swap3A_669 = vector.shape_cast %swap3A_668 : vector<1x16xf32> to vector<16xf32>
        %swap3A_670 = vector.shape_cast %mul3A_665 : vector<16xf32> to vector<1x16xf32>
        tpu.vector_store %arg10[%swap3A_666, %swap3A_667], %swap3A_670 {strides = array<i32>} : memref<128x128xf32, #tpu.memory_space<vmem>>, vector<1x16xf32>,
        %slice3A_671 = vector.extract_strided_slice %get3A_109 {offsets = [6], sizes = [1], strides = [1]} : vector<16xf32> to vector<1xf32>
        %squeeze3A_672 = vector.extract %slice3A_671[0] : f32 from vector<1xf32>
        %mul3A_673 = arith.constant 16 : i32
        %mul3A_674 = arith.muli %add3A_103, %mul3A_673 : i32
        %add3A_675 = arith.constant 6 : i32
        %add3A_676 = arith.addi %mul3A_674, %add3A_675 : i32
        %get3A_677 = arith.index_cast %add3A_676 : i32 to index
        %get3A_678 = arith.constant 0 : index
        %get3A_679 = tpu.vector_load %arg10[%get3A_677, %get3A_678] {strides = array<i32>} : memref<128x128xf32, #tpu.memory_space<vmem>>, vector<1x16xf32>,
        %get3A_680 = vector.shape_cast %get3A_679 : vector<1x16xf32> to vector<16xf32>
        %mul3A_681 = vector.broadcast %squeeze3A_672 : f32 to vector<16xf32>
        %mul3A_682 = arith.mulf %get3A_680, %mul3A_681 : vector<16xf32>
        %swap3A_683 = arith.index_cast %add3A_676 : i32 to index
        %swap3A_684 = arith.constant 0 : index
        %swap3A_685 = tpu.vector_load %arg10[%swap3A_683, %swap3A_684] {strides = array<i32>} : memref<128x128xf32, #tpu.memory_space<vmem>>, vector<1x16xf32>,
        %swap3A_686 = vector.shape_cast %swap3A_685 : vector<1x16xf32> to vector<16xf32>
        %swap3A_687 = vector.shape_cast %mul3A_682 : vector<16xf32> to vector<1x16xf32>
        tpu.vector_store %arg10[%swap3A_683, %swap3A_684], %swap3A_687 {strides = array<i32>} : memref<128x128xf32, #tpu.memory_space<vmem>>, vector<1x16xf32>,
        %get3A_688 = arith.index_cast %add3A_676 : i32 to index
        %get3A_689 = arith.constant 16 : index
        %get3A_690 = tpu.vector_load %arg10[%get3A_688, %get3A_689] {strides = array<i32>} : memref<128x128xf32, #tpu.memory_space<vmem>>, vector<1x16xf32>,
        %get3A_691 = vector.shape_cast %get3A_690 : vector<1x16xf32> to vector<16xf32>
        %mul3A_692 = vector.broadcast %squeeze3A_672 : f32 to vector<16xf32>
        %mul3A_693 = arith.mulf %get3A_691, %mul3A_692 : vector<16xf32>
        %swap3A_694 = arith.index_cast %add3A_676 : i32 to index
        %swap3A_695 = arith.constant 16 : index
        %swap3A_696 = tpu.vector_load %arg10[%swap3A_694, %swap3A_695] {strides = array<i32>} : memref<128x128xf32, #tpu.memory_space<vmem>>, vector<1x16xf32>,
        %swap3A_697 = vector.shape_cast %swap3A_696 : vector<1x16xf32> to vector<16xf32>
        %swap3A_698 = vector.shape_cast %mul3A_693 : vector<16xf32> to vector<1x16xf32>
        tpu.vector_store %arg10[%swap3A_694, %swap3A_695], %swap3A_698 {strides = array<i32>} : memref<128x128xf32, #tpu.memory_space<vmem>>, vector<1x16xf32>,
        %get3A_699 = arith.index_cast %add3A_676 : i32 to index
        %get3A_700 = arith.constant 32 : index
        %get3A_701 = tpu.vector_load %arg10[%get3A_699, %get3A_700] {strides = array<i32>} : memref<128x128xf32, #tpu.memory_space<vmem>>, vector<1x16xf32>,
        %get3A_702 = vector.shape_cast %get3A_701 : vector<1x16xf32> to vector<16xf32>
        %mul3A_703 = vector.broadcast %squeeze3A_672 : f32 to vector<16xf32>
        %mul3A_704 = arith.mulf %get3A_702, %mul3A_703 : vector<16xf32>
        %swap3A_705 = arith.index_cast %add3A_676 : i32 to index
        %swap3A_706 = arith.constant 32 : index
        %swap3A_707 = tpu.vector_load %arg10[%swap3A_705, %swap3A_706] {strides = array<i32>} : memref<128x128xf32, #tpu.memory_space<vmem>>, vector<1x16xf32>,
        %swap3A_708 = vector.shape_cast %swap3A_707 : vector<1x16xf32> to vector<16xf32>
        %swap3A_709 = vector.shape_cast %mul3A_704 : vector<16xf32> to vector<1x16xf32>
        tpu.vector_store %arg10[%swap3A_705, %swap3A_706], %swap3A_709 {strides = array<i32>} : memref<128x128xf32, #tpu.memory_space<vmem>>, vector<1x16xf32>,
        %get3A_710 = arith.index_cast %add3A_676 : i32 to index
        %get3A_711 = arith.constant 48 : index
        %get3A_712 = tpu.vector_load %arg10[%get3A_710, %get3A_711] {strides = array<i32>} : memref<128x128xf32, #tpu.memory_space<vmem>>, vector<1x16xf32>,
        %get3A_713 = vector.shape_cast %get3A_712 : vector<1x16xf32> to vector<16xf32>
        %mul3A_714 = vector.broadcast %squeeze3A_672 : f32 to vector<16xf32>
        %mul3A_715 = arith.mulf %get3A_713, %mul3A_714 : vector<16xf32>
        %swap3A_716 = arith.index_cast %add3A_676 : i32 to index
        %swap3A_717 = arith.constant 48 : index
        %swap3A_718 = tpu.vector_load %arg10[%swap3A_716, %swap3A_717] {strides = array<i32>} : memref<128x128xf32, #tpu.memory_space<vmem>>, vector<1x16xf32>,
        %swap3A_719 = vector.shape_cast %swap3A_718 : vector<1x16xf32> to vector<16xf32>
        %swap3A_720 = vector.shape_cast %mul3A_715 : vector<16xf32> to vector<1x16xf32>
        tpu.vector_store %arg10[%swap3A_716, %swap3A_717], %swap3A_720 {strides = array<i32>} : memref<128x128xf32, #tpu.memory_space<vmem>>, vector<1x16xf32>,
        %get3A_721 = arith.index_cast %add3A_676 : i32 to index
        %get3A_722 = arith.constant 64 : index
        %get3A_723 = tpu.vector_load %arg10[%get3A_721, %get3A_722] {strides = array<i32>} : memref<128x128xf32, #tpu.memory_space<vmem>>, vector<1x16xf32>,
        %get3A_724 = vector.shape_cast %get3A_723 : vector<1x16xf32> to vector<16xf32>
        %mul3A_725 = vector.broadcast %squeeze3A_672 : f32 to vector<16xf32>
        %mul3A_726 = arith.mulf %get3A_724, %mul3A_725 : vector<16xf32>
        %swap3A_727 = arith.index_cast %add3A_676 : i32 to index
        %swap3A_728 = arith.constant 64 : index
        %swap3A_729 = tpu.vector_load %arg10[%swap3A_727, %swap3A_728] {strides = array<i32>} : memref<128x128xf32, #tpu.memory_space<vmem>>, vector<1x16xf32>,
        %swap3A_730 = vector.shape_cast %swap3A_729 : vector<1x16xf32> to vector<16xf32>
        %swap3A_731 = vector.shape_cast %mul3A_726 : vector<16xf32> to vector<1x16xf32>
        tpu.vector_store %arg10[%swap3A_727, %swap3A_728], %swap3A_731 {strides = array<i32>} : memref<128x128xf32, #tpu.memory_space<vmem>>, vector<1x16xf32>,
        %get3A_732 = arith.index_cast %add3A_676 : i32 to index
        %get3A_733 = arith.constant 80 : index
        %get3A_734 = tpu.vector_load %arg10[%get3A_732, %get3A_733] {strides = array<i32>} : memref<128x128xf32, #tpu.memory_space<vmem>>, vector<1x16xf32>,
        %get3A_735 = vector.shape_cast %get3A_734 : vector<1x16xf32> to vector<16xf32>
        %mul3A_736 = vector.broadcast %squeeze3A_672 : f32 to vector<16xf32>
        %mul3A_737 = arith.mulf %get3A_735, %mul3A_736 : vector<16xf32>
        %swap3A_738 = arith.index_cast %add3A_676 : i32 to index
        %swap3A_739 = arith.constant 80 : index
        %swap3A_740 = tpu.vector_load %arg10[%swap3A_738, %swap3A_739] {strides = array<i32>} : memref<128x128xf32, #tpu.memory_space<vmem>>, vector<1x16xf32>,
        %swap3A_741 = vector.shape_cast %swap3A_740 : vector<1x16xf32> to vector<16xf32>
        %swap3A_742 = vector.shape_cast %mul3A_737 : vector<16xf32> to vector<1x16xf32>
        tpu.vector_store %arg10[%swap3A_738, %swap3A_739], %swap3A_742 {strides = array<i32>} : memref<128x128xf32, #tpu.memory_space<vmem>>, vector<1x16xf32>,
        %get3A_743 = arith.index_cast %add3A_676 : i32 to index
        %get3A_744 = arith.constant 96 : index
        %get3A_745 = tpu.vector_load %arg10[%get3A_743, %get3A_744] {strides = array<i32>} : memref<128x128xf32, #tpu.memory_space<vmem>>, vector<1x16xf32>,
        %get3A_746 = vector.shape_cast %get3A_745 : vector<1x16xf32> to vector<16xf32>
        %mul3A_747 = vector.broadcast %squeeze3A_672 : f32 to vector<16xf32>
        %mul3A_748 = arith.mulf %get3A_746, %mul3A_747 : vector<16xf32>
        %swap3A_749 = arith.index_cast %add3A_676 : i32 to index
        %swap3A_750 = arith.constant 96 : index
        %swap3A_751 = tpu.vector_load %arg10[%swap3A_749, %swap3A_750] {strides = array<i32>} : memref<128x128xf32, #tpu.memory_space<vmem>>, vector<1x16xf32>,
        %swap3A_752 = vector.shape_cast %swap3A_751 : vector<1x16xf32> to vector<16xf32>
        %swap3A_753 = vector.shape_cast %mul3A_748 : vector<16xf32> to vector<1x16xf32>
        tpu.vector_store %arg10[%swap3A_749, %swap3A_750], %swap3A_753 {strides = array<i32>} : memref<128x128xf32, #tpu.memory_space<vmem>>, vector<1x16xf32>,
        %get3A_754 = arith.index_cast %add3A_676 : i32 to index
        %get3A_755 = arith.constant 112 : index
        %get3A_756 = tpu.vector_load %arg10[%get3A_754, %get3A_755] {strides = array<i32>} : memref<128x128xf32, #tpu.memory_space<vmem>>, vector<1x16xf32>,
        %get3A_757 = vector.shape_cast %get3A_756 : vector<1x16xf32> to vector<16xf32>
        %mul3A_758 = vector.broadcast %squeeze3A_672 : f32 to vector<16xf32>
        %mul3A_759 = arith.mulf %get3A_757, %mul3A_758 : vector<16xf32>
        %swap3A_760 = arith.index_cast %add3A_676 : i32 to index
        %swap3A_761 = arith.constant 112 : index
        %swap3A_762 = tpu.vector_load %arg10[%swap3A_760, %swap3A_761] {strides = array<i32>} : memref<128x128xf32, #tpu.memory_space<vmem>>, vector<1x16xf32>,
        %swap3A_763 = vector.shape_cast %swap3A_762 : vector<1x16xf32> to vector<16xf32>
        %swap3A_764 = vector.shape_cast %mul3A_759 : vector<16xf32> to vector<1x16xf32>
        tpu.vector_store %arg10[%swap3A_760, %swap3A_761], %swap3A_764 {strides = array<i32>} : memref<128x128xf32, #tpu.memory_space<vmem>>, vector<1x16xf32>,
        %slice3A_765 = vector.extract_strided_slice %get3A_109 {offsets = [7], sizes = [1], strides = [1]} : vector<16xf32> to vector<1xf32>
        %squeeze3A_766 = vector.extract %slice3A_765[0] : f32 from vector<1xf32>
        %mul3A_767 = arith.constant 16 : i32
        %mul3A_768 = arith.muli %add3A_103, %mul3A_767 : i32
        %add3A_769 = arith.constant 7 : i32
        %add3A_770 = arith.addi %mul3A_768, %add3A_769 : i32
        %get3A_771 = arith.index_cast %add3A_770 : i32 to index
        %get3A_772 = arith.constant 0 : index
        %get3A_773 = tpu.vector_load %arg10[%get3A_771, %get3A_772] {strides = array<i32>} : memref<128x128xf32, #tpu.memory_space<vmem>>, vector<1x16xf32>,
        %get3A_774 = vector.shape_cast %get3A_773 : vector<1x16xf32> to vector<16xf32>
        %mul3A_775 = vector.broadcast %squeeze3A_766 : f32 to vector<16xf32>
        %mul3A_776 = arith.mulf %get3A_774, %mul3A_775 : vector<16xf32>
        %swap3A_777 = arith.index_cast %add3A_770 : i32 to index
        %swap3A_778 = arith.constant 0 : index
        %swap3A_779 = tpu.vector_load %arg10[%swap3A_777, %swap3A_778] {strides = array<i32>} : memref<128x128xf32, #tpu.memory_space<vmem>>, vector<1x16xf32>,
        %swap3A_780 = vector.shape_cast %swap3A_779 : vector<1x16xf32> to vector<16xf32>
        %swap3A_781 = vector.shape_cast %mul3A_776 : vector<16xf32> to vector<1x16xf32>
        tpu.vector_store %arg10[%swap3A_777, %swap3A_778], %swap3A_781 {strides = array<i32>} : memref<128x128xf32, #tpu.memory_space<vmem>>, vector<1x16xf32>,
        %get3A_782 = arith.index_cast %add3A_770 : i32 to index
        %get3A_783 = arith.constant 16 : index
        %get3A_784 = tpu.vector_load %arg10[%get3A_782, %get3A_783] {strides = array<i32>} : memref<128x128xf32, #tpu.memory_space<vmem>>, vector<1x16xf32>,
        %get3A_785 = vector.shape_cast %get3A_784 : vector<1x16xf32> to vector<16xf32>
        %mul3A_786 = vector.broadcast %squeeze3A_766 : f32 to vector<16xf32>
        %mul3A_787 = arith.mulf %get3A_785, %mul3A_786 : vector<16xf32>
        %swap3A_788 = arith.index_cast %add3A_770 : i32 to index
        %swap3A_789 = arith.constant 16 : index
        %swap3A_790 = tpu.vector_load %arg10[%swap3A_788, %swap3A_789] {strides = array<i32>} : memref<128x128xf32, #tpu.memory_space<vmem>>, vector<1x16xf32>,
        %swap3A_791 = vector.shape_cast %swap3A_790 : vector<1x16xf32> to vector<16xf32>
        %swap3A_792 = vector.shape_cast %mul3A_787 : vector<16xf32> to vector<1x16xf32>
        tpu.vector_store %arg10[%swap3A_788, %swap3A_789], %swap3A_792 {strides = array<i32>} : memref<128x128xf32, #tpu.memory_space<vmem>>, vector<1x16xf32>,
        %get3A_793 = arith.index_cast %add3A_770 : i32 to index
        %get3A_794 = arith.constant 32 : index
        %get3A_795 = tpu.vector_load %arg10[%get3A_793, %get3A_794] {strides = array<i32>} : memref<128x128xf32, #tpu.memory_space<vmem>>, vector<1x16xf32>,
        %get3A_796 = vector.shape_cast %get3A_795 : vector<1x16xf32> to vector<16xf32>
        %mul3A_797 = vector.broadcast %squeeze3A_766 : f32 to vector<16xf32>
        %mul3A_798 = arith.mulf %get3A_796, %mul3A_797 : vector<16xf32>
        %swap3A_799 = arith.index_cast %add3A_770 : i32 to index
        %swap3A_800 = arith.constant 32 : index
        %swap3A_801 = tpu.vector_load %arg10[%swap3A_799, %swap3A_800] {strides = array<i32>} : memref<128x128xf32, #tpu.memory_space<vmem>>, vector<1x16xf32>,
        %swap3A_802 = vector.shape_cast %swap3A_801 : vector<1x16xf32> to vector<16xf32>
        %swap3A_803 = vector.shape_cast %mul3A_798 : vector<16xf32> to vector<1x16xf32>
        tpu.vector_store %arg10[%swap3A_799, %swap3A_800], %swap3A_803 {strides = array<i32>} : memref<128x128xf32, #tpu.memory_space<vmem>>, vector<1x16xf32>,
        %get3A_804 = arith.index_cast %add3A_770 : i32 to index
        %get3A_805 = arith.constant 48 : index
        %get3A_806 = tpu.vector_load %arg10[%get3A_804, %get3A_805] {strides = array<i32>} : memref<128x128xf32, #tpu.memory_space<vmem>>, vector<1x16xf32>,
        %get3A_807 = vector.shape_cast %get3A_806 : vector<1x16xf32> to vector<16xf32>
        %mul3A_808 = vector.broadcast %squeeze3A_766 : f32 to vector<16xf32>
        %mul3A_809 = arith.mulf %get3A_807, %mul3A_808 : vector<16xf32>
        %swap3A_810 = arith.index_cast %add3A_770 : i32 to index
        %swap3A_811 = arith.constant 48 : index
        %swap3A_812 = tpu.vector_load %arg10[%swap3A_810, %swap3A_811] {strides = array<i32>} : memref<128x128xf32, #tpu.memory_space<vmem>>, vector<1x16xf32>,
        %swap3A_813 = vector.shape_cast %swap3A_812 : vector<1x16xf32> to vector<16xf32>
        %swap3A_814 = vector.shape_cast %mul3A_809 : vector<16xf32> to vector<1x16xf32>
        tpu.vector_store %arg10[%swap3A_810, %swap3A_811], %swap3A_814 {strides = array<i32>} : memref<128x128xf32, #tpu.memory_space<vmem>>, vector<1x16xf32>,
        %get3A_815 = arith.index_cast %add3A_770 : i32 to index
        %get3A_816 = arith.constant 64 : index
        %get3A_817 = tpu.vector_load %arg10[%get3A_815, %get3A_816] {strides = array<i32>} : memref<128x128xf32, #tpu.memory_space<vmem>>, vector<1x16xf32>,
        %get3A_818 = vector.shape_cast %get3A_817 : vector<1x16xf32> to vector<16xf32>
        %mul3A_819 = vector.broadcast %squeeze3A_766 : f32 to vector<16xf32>
        %mul3A_820 = arith.mulf %get3A_818, %mul3A_819 : vector<16xf32>
        %swap3A_821 = arith.index_cast %add3A_770 : i32 to index
        %swap3A_822 = arith.constant 64 : index
        %swap3A_823 = tpu.vector_load %arg10[%swap3A_821, %swap3A_822] {strides = array<i32>} : memref<128x128xf32, #tpu.memory_space<vmem>>, vector<1x16xf32>,
        %swap3A_824 = vector.shape_cast %swap3A_823 : vector<1x16xf32> to vector<16xf32>
        %swap3A_825 = vector.shape_cast %mul3A_820 : vector<16xf32> to vector<1x16xf32>
        tpu.vector_store %arg10[%swap3A_821, %swap3A_822], %swap3A_825 {strides = array<i32>} : memref<128x128xf32, #tpu.memory_space<vmem>>, vector<1x16xf32>,
        %get3A_826 = arith.index_cast %add3A_770 : i32 to index
        %get3A_827 = arith.constant 80 : index
        %get3A_828 = tpu.vector_load %arg10[%get3A_826, %get3A_827] {strides = array<i32>} : memref<128x128xf32, #tpu.memory_space<vmem>>, vector<1x16xf32>,
        %get3A_829 = vector.shape_cast %get3A_828 : vector<1x16xf32> to vector<16xf32>
        %mul3A_830 = vector.broadcast %squeeze3A_766 : f32 to vector<16xf32>
        %mul3A_831 = arith.mulf %get3A_829, %mul3A_830 : vector<16xf32>
        %swap3A_832 = arith.index_cast %add3A_770 : i32 to index
        %swap3A_833 = arith.constant 80 : index
        %swap3A_834 = tpu.vector_load %arg10[%swap3A_832, %swap3A_833] {strides = array<i32>} : memref<128x128xf32, #tpu.memory_space<vmem>>, vector<1x16xf32>,
        %swap3A_835 = vector.shape_cast %swap3A_834 : vector<1x16xf32> to vector<16xf32>
        %swap3A_836 = vector.shape_cast %mul3A_831 : vector<16xf32> to vector<1x16xf32>
        tpu.vector_store %arg10[%swap3A_832, %swap3A_833], %swap3A_836 {strides = array<i32>} : memref<128x128xf32, #tpu.memory_space<vmem>>, vector<1x16xf32>,
        %get3A_837 = arith.index_cast %add3A_770 : i32 to index
        %get3A_838 = arith.constant 96 : index
        %get3A_839 = tpu.vector_load %arg10[%get3A_837, %get3A_838] {strides = array<i32>} : memref<128x128xf32, #tpu.memory_space<vmem>>, vector<1x16xf32>,
        %get3A_840 = vector.shape_cast %get3A_839 : vector<1x16xf32> to vector<16xf32>
        %mul3A_841 = vector.broadcast %squeeze3A_766 : f32 to vector<16xf32>
        %mul3A_842 = arith.mulf %get3A_840, %mul3A_841 : vector<16xf32>
        %swap3A_843 = arith.index_cast %add3A_770 : i32 to index
        %swap3A_844 = arith.constant 96 : index
        %swap3A_845 = tpu.vector_load %arg10[%swap3A_843, %swap3A_844] {strides = array<i32>} : memref<128x128xf32, #tpu.memory_space<vmem>>, vector<1x16xf32>,
        %swap3A_846 = vector.shape_cast %swap3A_845 : vector<1x16xf32> to vector<16xf32>
        %swap3A_847 = vector.shape_cast %mul3A_842 : vector<16xf32> to vector<1x16xf32>
        tpu.vector_store %arg10[%swap3A_843, %swap3A_844], %swap3A_847 {strides = array<i32>} : memref<128x128xf32, #tpu.memory_space<vmem>>, vector<1x16xf32>,
        %get3A_848 = arith.index_cast %add3A_770 : i32 to index
        %get3A_849 = arith.constant 112 : index
        %get3A_850 = tpu.vector_load %arg10[%get3A_848, %get3A_849] {strides = array<i32>} : memref<128x128xf32, #tpu.memory_space<vmem>>, vector<1x16xf32>,
        %get3A_851 = vector.shape_cast %get3A_850 : vector<1x16xf32> to vector<16xf32>
        %mul3A_852 = vector.broadcast %squeeze3A_766 : f32 to vector<16xf32>
        %mul3A_853 = arith.mulf %get3A_851, %mul3A_852 : vector<16xf32>
        %swap3A_854 = arith.index_cast %add3A_770 : i32 to index
        %swap3A_855 = arith.constant 112 : index
        %swap3A_856 = tpu.vector_load %arg10[%swap3A_854, %swap3A_855] {strides = array<i32>} : memref<128x128xf32, #tpu.memory_space<vmem>>, vector<1x16xf32>,
        %swap3A_857 = vector.shape_cast %swap3A_856 : vector<1x16xf32> to vector<16xf32>
        %swap3A_858 = vector.shape_cast %mul3A_853 : vector<16xf32> to vector<1x16xf32>
        tpu.vector_store %arg10[%swap3A_854, %swap3A_855], %swap3A_858 {strides = array<i32>} : memref<128x128xf32, #tpu.memory_space<vmem>>, vector<1x16xf32>,
        %slice3A_859 = vector.extract_strided_slice %get3A_109 {offsets = [8], sizes = [1], strides = [1]} : vector<16xf32> to vector<1xf32>
        %squeeze3A_860 = vector.extract %slice3A_859[0] : f32 from vector<1xf32>
        %mul3A_861 = arith.constant 16 : i32
        %mul3A_862 = arith.muli %add3A_103, %mul3A_861 : i32
        %add3A_863 = arith.constant 8 : i32
        %add3A_864 = arith.addi %mul3A_862, %add3A_863 : i32
        %get3A_865 = arith.index_cast %add3A_864 : i32 to index
        %get3A_866 = arith.constant 0 : index
        %get3A_867 = tpu.vector_load %arg10[%get3A_865, %get3A_866] {strides = array<i32>} : memref<128x128xf32, #tpu.memory_space<vmem>>, vector<1x16xf32>,
        %get3A_868 = vector.shape_cast %get3A_867 : vector<1x16xf32> to vector<16xf32>
        %mul3A_869 = vector.broadcast %squeeze3A_860 : f32 to vector<16xf32>
        %mul3A_870 = arith.mulf %get3A_868, %mul3A_869 : vector<16xf32>
        %swap3A_871 = arith.index_cast %add3A_864 : i32 to index
        %swap3A_872 = arith.constant 0 : index
        %swap3A_873 = tpu.vector_load %arg10[%swap3A_871, %swap3A_872] {strides = array<i32>} : memref<128x128xf32, #tpu.memory_space<vmem>>, vector<1x16xf32>,
        %swap3A_874 = vector.shape_cast %swap3A_873 : vector<1x16xf32> to vector<16xf32>
        %swap3A_875 = vector.shape_cast %mul3A_870 : vector<16xf32> to vector<1x16xf32>
        tpu.vector_store %arg10[%swap3A_871, %swap3A_872], %swap3A_875 {strides = array<i32>} : memref<128x128xf32, #tpu.memory_space<vmem>>, vector<1x16xf32>,
        %get3A_876 = arith.index_cast %add3A_864 : i32 to index
        %get3A_877 = arith.constant 16 : index
        %get3A_878 = tpu.vector_load %arg10[%get3A_876, %get3A_877] {strides = array<i32>} : memref<128x128xf32, #tpu.memory_space<vmem>>, vector<1x16xf32>,
        %get3A_879 = vector.shape_cast %get3A_878 : vector<1x16xf32> to vector<16xf32>
        %mul3A_880 = vector.broadcast %squeeze3A_860 : f32 to vector<16xf32>
        %mul3A_881 = arith.mulf %get3A_879, %mul3A_880 : vector<16xf32>
        %swap3A_882 = arith.index_cast %add3A_864 : i32 to index
        %swap3A_883 = arith.constant 16 : index
        %swap3A_884 = tpu.vector_load %arg10[%swap3A_882, %swap3A_883] {strides = array<i32>} : memref<128x128xf32, #tpu.memory_space<vmem>>, vector<1x16xf32>,
        %swap3A_885 = vector.shape_cast %swap3A_884 : vector<1x16xf32> to vector<16xf32>
        %swap3A_886 = vector.shape_cast %mul3A_881 : vector<16xf32> to vector<1x16xf32>
        tpu.vector_store %arg10[%swap3A_882, %swap3A_883], %swap3A_886 {strides = array<i32>} : memref<128x128xf32, #tpu.memory_space<vmem>>, vector<1x16xf32>,
        %get3A_887 = arith.index_cast %add3A_864 : i32 to index
        %get3A_888 = arith.constant 32 : index
        %get3A_889 = tpu.vector_load %arg10[%get3A_887, %get3A_888] {strides = array<i32>} : memref<128x128xf32, #tpu.memory_space<vmem>>, vector<1x16xf32>,
        %get3A_890 = vector.shape_cast %get3A_889 : vector<1x16xf32> to vector<16xf32>
        %mul3A_891 = vector.broadcast %squeeze3A_860 : f32 to vector<16xf32>
        %mul3A_892 = arith.mulf %get3A_890, %mul3A_891 : vector<16xf32>
        %swap3A_893 = arith.index_cast %add3A_864 : i32 to index
        %swap3A_894 = arith.constant 32 : index
        %swap3A_895 = tpu.vector_load %arg10[%swap3A_893, %swap3A_894] {strides = array<i32>} : memref<128x128xf32, #tpu.memory_space<vmem>>, vector<1x16xf32>,
        %swap3A_896 = vector.shape_cast %swap3A_895 : vector<1x16xf32> to vector<16xf32>
        %swap3A_897 = vector.shape_cast %mul3A_892 : vector<16xf32> to vector<1x16xf32>
        tpu.vector_store %arg10[%swap3A_893, %swap3A_894], %swap3A_897 {strides = array<i32>} : memref<128x128xf32, #tpu.memory_space<vmem>>, vector<1x16xf32>,
        %get3A_898 = arith.index_cast %add3A_864 : i32 to index
        %get3A_899 = arith.constant 48 : index
        %get3A_900 = tpu.vector_load %arg10[%get3A_898, %get3A_899] {strides = array<i32>} : memref<128x128xf32, #tpu.memory_space<vmem>>, vector<1x16xf32>,
        %get3A_901 = vector.shape_cast %get3A_900 : vector<1x16xf32> to vector<16xf32>
        %mul3A_902 = vector.broadcast %squeeze3A_860 : f32 to vector<16xf32>
        %mul3A_903 = arith.mulf %get3A_901, %mul3A_902 : vector<16xf32>
        %swap3A_904 = arith.index_cast %add3A_864 : i32 to index
        %swap3A_905 = arith.constant 48 : index
        %swap3A_906 = tpu.vector_load %arg10[%swap3A_904, %swap3A_905] {strides = array<i32>} : memref<128x128xf32, #tpu.memory_space<vmem>>, vector<1x16xf32>,
        %swap3A_907 = vector.shape_cast %swap3A_906 : vector<1x16xf32> to vector<16xf32>
        %swap3A_908 = vector.shape_cast %mul3A_903 : vector<16xf32> to vector<1x16xf32>
        tpu.vector_store %arg10[%swap3A_904, %swap3A_905], %swap3A_908 {strides = array<i32>} : memref<128x128xf32, #tpu.memory_space<vmem>>, vector<1x16xf32>,
        %get3A_909 = arith.index_cast %add3A_864 : i32 to index
        %get3A_910 = arith.constant 64 : index
        %get3A_911 = tpu.vector_load %arg10[%get3A_909, %get3A_910] {strides = array<i32>} : memref<128x128xf32, #tpu.memory_space<vmem>>, vector<1x16xf32>,
        %get3A_912 = vector.shape_cast %get3A_911 : vector<1x16xf32> to vector<16xf32>
        %mul3A_913 = vector.broadcast %squeeze3A_860 : f32 to vector<16xf32>
        %mul3A_914 = arith.mulf %get3A_912, %mul3A_913 : vector<16xf32>
        %swap3A_915 = arith.index_cast %add3A_864 : i32 to index
        %swap3A_916 = arith.constant 64 : index
        %swap3A_917 = tpu.vector_load %arg10[%swap3A_915, %swap3A_916] {strides = array<i32>} : memref<128x128xf32, #tpu.memory_space<vmem>>, vector<1x16xf32>,
        %swap3A_918 = vector.shape_cast %swap3A_917 : vector<1x16xf32> to vector<16xf32>
        %swap3A_919 = vector.shape_cast %mul3A_914 : vector<16xf32> to vector<1x16xf32>
        tpu.vector_store %arg10[%swap3A_915, %swap3A_916], %swap3A_919 {strides = array<i32>} : memref<128x128xf32, #tpu.memory_space<vmem>>, vector<1x16xf32>,
        %get3A_920 = arith.index_cast %add3A_864 : i32 to index
        %get3A_921 = arith.constant 80 : index
        %get3A_922 = tpu.vector_load %arg10[%get3A_920, %get3A_921] {strides = array<i32>} : memref<128x128xf32, #tpu.memory_space<vmem>>, vector<1x16xf32>,
        %get3A_923 = vector.shape_cast %get3A_922 : vector<1x16xf32> to vector<16xf32>
        %mul3A_924 = vector.broadcast %squeeze3A_860 : f32 to vector<16xf32>
        %mul3A_925 = arith.mulf %get3A_923, %mul3A_924 : vector<16xf32>
        %swap3A_926 = arith.index_cast %add3A_864 : i32 to index
        %swap3A_927 = arith.constant 80 : index
        %swap3A_928 = tpu.vector_load %arg10[%swap3A_926, %swap3A_927] {strides = array<i32>} : memref<128x128xf32, #tpu.memory_space<vmem>>, vector<1x16xf32>,
        %swap3A_929 = vector.shape_cast %swap3A_928 : vector<1x16xf32> to vector<16xf32>
        %swap3A_930 = vector.shape_cast %mul3A_925 : vector<16xf32> to vector<1x16xf32>
        tpu.vector_store %arg10[%swap3A_926, %swap3A_927], %swap3A_930 {strides = array<i32>} : memref<128x128xf32, #tpu.memory_space<vmem>>, vector<1x16xf32>,
        %get3A_931 = arith.index_cast %add3A_864 : i32 to index
        %get3A_932 = arith.constant 96 : index
        %get3A_933 = tpu.vector_load %arg10[%get3A_931, %get3A_932] {strides = array<i32>} : memref<128x128xf32, #tpu.memory_space<vmem>>, vector<1x16xf32>,
        %get3A_934 = vector.shape_cast %get3A_933 : vector<1x16xf32> to vector<16xf32>
        %mul3A_935 = vector.broadcast %squeeze3A_860 : f32 to vector<16xf32>
        %mul3A_936 = arith.mulf %get3A_934, %mul3A_935 : vector<16xf32>
        %swap3A_937 = arith.index_cast %add3A_864 : i32 to index
        %swap3A_938 = arith.constant 96 : index
        %swap3A_939 = tpu.vector_load %arg10[%swap3A_937, %swap3A_938] {strides = array<i32>} : memref<128x128xf32, #tpu.memory_space<vmem>>, vector<1x16xf32>,
        %swap3A_940 = vector.shape_cast %swap3A_939 : vector<1x16xf32> to vector<16xf32>
        %swap3A_941 = vector.shape_cast %mul3A_936 : vector<16xf32> to vector<1x16xf32>
        tpu.vector_store %arg10[%swap3A_937, %swap3A_938], %swap3A_941 {strides = array<i32>} : memref<128x128xf32, #tpu.memory_space<vmem>>, vector<1x16xf32>,
        %get3A_942 = arith.index_cast %add3A_864 : i32 to index
        %get3A_943 = arith.constant 112 : index
        %get3A_944 = tpu.vector_load %arg10[%get3A_942, %get3A_943] {strides = array<i32>} : memref<128x128xf32, #tpu.memory_space<vmem>>, vector<1x16xf32>,
        %get3A_945 = vector.shape_cast %get3A_944 : vector<1x16xf32> to vector<16xf32>
        %mul3A_946 = vector.broadcast %squeeze3A_860 : f32 to vector<16xf32>
        %mul3A_947 = arith.mulf %get3A_945, %mul3A_946 : vector<16xf32>
        %swap3A_948 = arith.index_cast %add3A_864 : i32 to index
        %swap3A_949 = arith.constant 112 : index
        %swap3A_950 = tpu.vector_load %arg10[%swap3A_948, %swap3A_949] {strides = array<i32>} : memref<128x128xf32, #tpu.memory_space<vmem>>, vector<1x16xf32>,
        %swap3A_951 = vector.shape_cast %swap3A_950 : vector<1x16xf32> to vector<16xf32>
        %swap3A_952 = vector.shape_cast %mul3A_947 : vector<16xf32> to vector<1x16xf32>
        tpu.vector_store %arg10[%swap3A_948, %swap3A_949], %swap3A_952 {strides = array<i32>} : memref<128x128xf32, #tpu.memory_space<vmem>>, vector<1x16xf32>,
        %slice3A_953 = vector.extract_strided_slice %get3A_109 {offsets = [9], sizes = [1], strides = [1]} : vector<16xf32> to vector<1xf32>
        %squeeze3A_954 = vector.extract %slice3A_953[0] : f32 from vector<1xf32>
        %mul3A_955 = arith.constant 16 : i32
        %mul3A_956 = arith.muli %add3A_103, %mul3A_955 : i32
        %add3A_957 = arith.constant 9 : i32
        %add3A_958 = arith.addi %mul3A_956, %add3A_957 : i32
        %get3A_959 = arith.index_cast %add3A_958 : i32 to index
        %get3A_960 = arith.constant 0 : index
        %get3A_961 = tpu.vector_load %arg10[%get3A_959, %get3A_960] {strides = array<i32>} : memref<128x128xf32, #tpu.memory_space<vmem>>, vector<1x16xf32>,
        %get3A_962 = vector.shape_cast %get3A_961 : vector<1x16xf32> to vector<16xf32>
        %mul3A_963 = vector.broadcast %squeeze3A_954 : f32 to vector<16xf32>
        %mul3A_964 = arith.mulf %get3A_962, %mul3A_963 : vector<16xf32>
        %swap3A_965 = arith.index_cast %add3A_958 : i32 to index
        %swap3A_966 = arith.constant 0 : index
        %swap3A_967 = tpu.vector_load %arg10[%swap3A_965, %swap3A_966] {strides = array<i32>} : memref<128x128xf32, #tpu.memory_space<vmem>>, vector<1x16xf32>,
        %swap3A_968 = vector.shape_cast %swap3A_967 : vector<1x16xf32> to vector<16xf32>
        %swap3A_969 = vector.shape_cast %mul3A_964 : vector<16xf32> to vector<1x16xf32>
        tpu.vector_store %arg10[%swap3A_965, %swap3A_966], %swap3A_969 {strides = array<i32>} : memref<128x128xf32, #tpu.memory_space<vmem>>, vector<1x16xf32>,
        %get3A_970 = arith.index_cast %add3A_958 : i32 to index
        %get3A_971 = arith.constant 16 : index
        %get3A_972 = tpu.vector_load %arg10[%get3A_970, %get3A_971] {strides = array<i32>} : memref<128x128xf32, #tpu.memory_space<vmem>>, vector<1x16xf32>,
        %get3A_973 = vector.shape_cast %get3A_972 : vector<1x16xf32> to vector<16xf32>
        %mul3A_974 = vector.broadcast %squeeze3A_954 : f32 to vector<16xf32>
        %mul3A_975 = arith.mulf %get3A_973, %mul3A_974 : vector<16xf32>
        %swap3A_976 = arith.index_cast %add3A_958 : i32 to index
        %swap3A_977 = arith.constant 16 : index
        %swap3A_978 = tpu.vector_load %arg10[%swap3A_976, %swap3A_977] {strides = array<i32>} : memref<128x128xf32, #tpu.memory_space<vmem>>, vector<1x16xf32>,
        %swap3A_979 = vector.shape_cast %swap3A_978 : vector<1x16xf32> to vector<16xf32>
        %swap3A_980 = vector.shape_cast %mul3A_975 : vector<16xf32> to vector<1x16xf32>
        tpu.vector_store %arg10[%swap3A_976, %swap3A_977], %swap3A_980 {strides = array<i32>} : memref<128x128xf32, #tpu.memory_space<vmem>>, vector<1x16xf32>,
        %get3A_981 = arith.index_cast %add3A_958 : i32 to index
        %get3A_982 = arith.constant 32 : index
        %get3A_983 = tpu.vector_load %arg10[%get3A_981, %get3A_982] {strides = array<i32>} : memref<128x128xf32, #tpu.memory_space<vmem>>, vector<1x16xf32>,
        %get3A_984 = vector.shape_cast %get3A_983 : vector<1x16xf32> to vector<16xf32>
        %mul3A_985 = vector.broadcast %squeeze3A_954 : f32 to vector<16xf32>
        %mul3A_986 = arith.mulf %get3A_984, %mul3A_985 : vector<16xf32>
        %swap3A_987 = arith.index_cast %add3A_958 : i32 to index
        %swap3A_988 = arith.constant 32 : index
        %swap3A_989 = tpu.vector_load %arg10[%swap3A_987, %swap3A_988] {strides = array<i32>} : memref<128x128xf32, #tpu.memory_space<vmem>>, vector<1x16xf32>,
        %swap3A_990 = vector.shape_cast %swap3A_989 : vector<1x16xf32> to vector<16xf32>
        %swap3A_991 = vector.shape_cast %mul3A_986 : vector<16xf32> to vector<1x16xf32>
        tpu.vector_store %arg10[%swap3A_987, %swap3A_988], %swap3A_991 {strides = array<i32>} : memref<128x128xf32, #tpu.memory_space<vmem>>, vector<1x16xf32>,
        %get3A_992 = arith.index_cast %add3A_958 : i32 to index
        %get3A_993 = arith.constant 48 : index
        %get3A_994 = tpu.vector_load %arg10[%get3A_992, %get3A_993] {strides = array<i32>} : memref<128x128xf32, #tpu.memory_space<vmem>>, vector<1x16xf32>,
        %get3A_995 = vector.shape_cast %get3A_994 : vector<1x16xf32> to vector<16xf32>
        %mul3A_996 = vector.broadcast %squeeze3A_954 : f32 to vector<16xf32>
        %mul3A_997 = arith.mulf %get3A_995, %mul3A_996 : vector<16xf32>
        %swap3A_998 = arith.index_cast %add3A_958 : i32 to index
        %swap3A_999 = arith.constant 48 : index
        %swap3A_1000 = tpu.vector_load %arg10[%swap3A_998, %swap3A_999] {strides = array<i32>} : memref<128x128xf32, #tpu.memory_space<vmem>>, vector<1x16xf32>,
        %swap3A_1001 = vector.shape_cast %swap3A_1000 : vector<1x16xf32> to vector<16xf32>
        %swap3A_1002 = vector.shape_cast %mul3A_997 : vector<16xf32> to vector<1x16xf32>
        tpu.vector_store %arg10[%swap3A_998, %swap3A_999], %swap3A_1002 {strides = array<i32>} : memref<128x128xf32, #tpu.memory_space<vmem>>, vector<1x16xf32>,
        %get3A_1003 = arith.index_cast %add3A_958 : i32 to index
        %get3A_1004 = arith.constant 64 : index
        %get3A_1005 = tpu.vector_load %arg10[%get3A_1003, %get3A_1004] {strides = array<i32>} : memref<128x128xf32, #tpu.memory_space<vmem>>, vector<1x16xf32>,
        %get3A_1006 = vector.shape_cast %get3A_1005 : vector<1x16xf32> to vector<16xf32>
        %mul3A_1007 = vector.broadcast %squeeze3A_954 : f32 to vector<16xf32>
        %mul3A_1008 = arith.mulf %get3A_1006, %mul3A_1007 : vector<16xf32>
        %swap3A_1009 = arith.index_cast %add3A_958 : i32 to index
        %swap3A_1010 = arith.constant 64 : index
        %swap3A_1011 = tpu.vector_load %arg10[%swap3A_1009, %swap3A_1010] {strides = array<i32>} : memref<128x128xf32, #tpu.memory_space<vmem>>, vector<1x16xf32>,
        %swap3A_1012 = vector.shape_cast %swap3A_1011 : vector<1x16xf32> to vector<16xf32>
        %swap3A_1013 = vector.shape_cast %mul3A_1008 : vector<16xf32> to vector<1x16xf32>
        tpu.vector_store %arg10[%swap3A_1009, %swap3A_1010], %swap3A_1013 {strides = array<i32>} : memref<128x128xf32, #tpu.memory_space<vmem>>, vector<1x16xf32>,
        %get3A_1014 = arith.index_cast %add3A_958 : i32 to index
        %get3A_1015 = arith.constant 80 : index
        %get3A_1016 = tpu.vector_load %arg10[%get3A_1014, %get3A_1015] {strides = array<i32>} : memref<128x128xf32, #tpu.memory_space<vmem>>, vector<1x16xf32>,
        %get3A_1017 = vector.shape_cast %get3A_1016 : vector<1x16xf32> to vector<16xf32>
        %mul3A_1018 = vector.broadcast %squeeze3A_954 : f32 to vector<16xf32>
        %mul3A_1019 = arith.mulf %get3A_1017, %mul3A_1018 : vector<16xf32>
        %swap3A_1020 = arith.index_cast %add3A_958 : i32 to index
        %swap3A_1021 = arith.constant 80 : index
        %swap3A_1022 = tpu.vector_load %arg10[%swap3A_1020, %swap3A_1021] {strides = array<i32>} : memref<128x128xf32, #tpu.memory_space<vmem>>, vector<1x16xf32>,
        %swap3A_1023 = vector.shape_cast %swap3A_1022 : vector<1x16xf32> to vector<16xf32>
        %swap3A_1024 = vector.shape_cast %mul3A_1019 : vector<16xf32> to vector<1x16xf32>
        tpu.vector_store %arg10[%swap3A_1020, %swap3A_1021], %swap3A_1024 {strides = array<i32>} : memref<128x128xf32, #tpu.memory_space<vmem>>, vector<1x16xf32>,
        %get3A_1025 = arith.index_cast %add3A_958 : i32 to index
        %get3A_1026 = arith.constant 96 : index
        %get3A_1027 = tpu.vector_load %arg10[%get3A_1025, %get3A_1026] {strides = array<i32>} : memref<128x128xf32, #tpu.memory_space<vmem>>, vector<1x16xf32>,
        %get3A_1028 = vector.shape_cast %get3A_1027 : vector<1x16xf32> to vector<16xf32>
        %mul3A_1029 = vector.broadcast %squeeze3A_954 : f32 to vector<16xf32>
        %mul3A_1030 = arith.mulf %get3A_1028, %mul3A_1029 : vector<16xf32>
        %swap3A_1031 = arith.index_cast %add3A_958 : i32 to index
        %swap3A_1032 = arith.constant 96 : index
        %swap3A_1033 = tpu.vector_load %arg10[%swap3A_1031, %swap3A_1032] {strides = array<i32>} : memref<128x128xf32, #tpu.memory_space<vmem>>, vector<1x16xf32>,
        %swap3A_1034 = vector.shape_cast %swap3A_1033 : vector<1x16xf32> to vector<16xf32>
        %swap3A_1035 = vector.shape_cast %mul3A_1030 : vector<16xf32> to vector<1x16xf32>
        tpu.vector_store %arg10[%swap3A_1031, %swap3A_1032], %swap3A_1035 {strides = array<i32>} : memref<128x128xf32, #tpu.memory_space<vmem>>, vector<1x16xf32>,
        %get3A_1036 = arith.index_cast %add3A_958 : i32 to index
        %get3A_1037 = arith.constant 112 : index
        %get3A_1038 = tpu.vector_load %arg10[%get3A_1036, %get3A_1037] {strides = array<i32>} : memref<128x128xf32, #tpu.memory_space<vmem>>, vector<1x16xf32>,
        %get3A_1039 = vector.shape_cast %get3A_1038 : vector<1x16xf32> to vector<16xf32>
        %mul3A_1040 = vector.broadcast %squeeze3A_954 : f32 to vector<16xf32>
        %mul3A_1041 = arith.mulf %get3A_1039, %mul3A_1040 : vector<16xf32>
        %swap3A_1042 = arith.index_cast %add3A_958 : i32 to index
        %swap3A_1043 = arith.constant 112 : index
        %swap3A_1044 = tpu.vector_load %arg10[%swap3A_1042, %swap3A_1043] {strides = array<i32>} : memref<128x128xf32, #tpu.memory_space<vmem>>, vector<1x16xf32>,
        %swap3A_1045 = vector.shape_cast %swap3A_1044 : vector<1x16xf32> to vector<16xf32>
        %swap3A_1046 = vector.shape_cast %mul3A_1041 : vector<16xf32> to vector<1x16xf32>
        tpu.vector_store %arg10[%swap3A_1042, %swap3A_1043], %swap3A_1046 {strides = array<i32>} : memref<128x128xf32, #tpu.memory_space<vmem>>, vector<1x16xf32>,
        %slice3A_1047 = vector.extract_strided_slice %get3A_109 {offsets = [10], sizes = [1], strides = [1]} : vector<16xf32> to vector<1xf32>
        %squeeze3A_1048 = vector.extract %slice3A_1047[0] : f32 from vector<1xf32>
        %mul3A_1049 = arith.constant 16 : i32
        %mul3A_1050 = arith.muli %add3A_103, %mul3A_1049 : i32
        %add3A_1051 = arith.constant 10 : i32
        %add3A_1052 = arith.addi %mul3A_1050, %add3A_1051 : i32
        %get3A_1053 = arith.index_cast %add3A_1052 : i32 to index
        %get3A_1054 = arith.constant 0 : index
        %get3A_1055 = tpu.vector_load %arg10[%get3A_1053, %get3A_1054] {strides = array<i32>} : memref<128x128xf32, #tpu.memory_space<vmem>>, vector<1x16xf32>,
        %get3A_1056 = vector.shape_cast %get3A_1055 : vector<1x16xf32> to vector<16xf32>
        %mul3A_1057 = vector.broadcast %squeeze3A_1048 : f32 to vector<16xf32>
        %mul3A_1058 = arith.mulf %get3A_1056, %mul3A_1057 : vector<16xf32>
        %swap3A_1059 = arith.index_cast %add3A_1052 : i32 to index
        %swap3A_1060 = arith.constant 0 : index
        %swap3A_1061 = tpu.vector_load %arg10[%swap3A_1059, %swap3A_1060] {strides = array<i32>} : memref<128x128xf32, #tpu.memory_space<vmem>>, vector<1x16xf32>,
        %swap3A_1062 = vector.shape_cast %swap3A_1061 : vector<1x16xf32> to vector<16xf32>
        %swap3A_1063 = vector.shape_cast %mul3A_1058 : vector<16xf32> to vector<1x16xf32>
        tpu.vector_store %arg10[%swap3A_1059, %swap3A_1060], %swap3A_1063 {strides = array<i32>} : memref<128x128xf32, #tpu.memory_space<vmem>>, vector<1x16xf32>,
        %get3A_1064 = arith.index_cast %add3A_1052 : i32 to index
        %get3A_1065 = arith.constant 16 : index
        %get3A_1066 = tpu.vector_load %arg10[%get3A_1064, %get3A_1065] {strides = array<i32>} : memref<128x128xf32, #tpu.memory_space<vmem>>, vector<1x16xf32>,
        %get3A_1067 = vector.shape_cast %get3A_1066 : vector<1x16xf32> to vector<16xf32>
        %mul3A_1068 = vector.broadcast %squeeze3A_1048 : f32 to vector<16xf32>
        %mul3A_1069 = arith.mulf %get3A_1067, %mul3A_1068 : vector<16xf32>
        %swap3A_1070 = arith.index_cast %add3A_1052 : i32 to index
        %swap3A_1071 = arith.constant 16 : index
        %swap3A_1072 = tpu.vector_load %arg10[%swap3A_1070, %swap3A_1071] {strides = array<i32>} : memref<128x128xf32, #tpu.memory_space<vmem>>, vector<1x16xf32>,
        %swap3A_1073 = vector.shape_cast %swap3A_1072 : vector<1x16xf32> to vector<16xf32>
        %swap3A_1074 = vector.shape_cast %mul3A_1069 : vector<16xf32> to vector<1x16xf32>
        tpu.vector_store %arg10[%swap3A_1070, %swap3A_1071], %swap3A_1074 {strides = array<i32>} : memref<128x128xf32, #tpu.memory_space<vmem>>, vector<1x16xf32>,
        %get3A_1075 = arith.index_cast %add3A_1052 : i32 to index
        %get3A_1076 = arith.constant 32 : index
        %get3A_1077 = tpu.vector_load %arg10[%get3A_1075, %get3A_1076] {strides = array<i32>} : memref<128x128xf32, #tpu.memory_space<vmem>>, vector<1x16xf32>,
        %get3A_1078 = vector.shape_cast %get3A_1077 : vector<1x16xf32> to vector<16xf32>
        %mul3A_1079 = vector.broadcast %squeeze3A_1048 : f32 to vector<16xf32>
        %mul3A_1080 = arith.mulf %get3A_1078, %mul3A_1079 : vector<16xf32>
        %swap3A_1081 = arith.index_cast %add3A_1052 : i32 to index
        %swap3A_1082 = arith.constant 32 : index
        %swap3A_1083 = tpu.vector_load %arg10[%swap3A_1081, %swap3A_1082] {strides = array<i32>} : memref<128x128xf32, #tpu.memory_space<vmem>>, vector<1x16xf32>,
        %swap3A_1084 = vector.shape_cast %swap3A_1083 : vector<1x16xf32> to vector<16xf32>
        %swap3A_1085 = vector.shape_cast %mul3A_1080 : vector<16xf32> to vector<1x16xf32>
        tpu.vector_store %arg10[%swap3A_1081, %swap3A_1082], %swap3A_1085 {strides = array<i32>} : memref<128x128xf32, #tpu.memory_space<vmem>>, vector<1x16xf32>,
        %get3A_1086 = arith.index_cast %add3A_1052 : i32 to index
        %get3A_1087 = arith.constant 48 : index
        %get3A_1088 = tpu.vector_load %arg10[%get3A_1086, %get3A_1087] {strides = array<i32>} : memref<128x128xf32, #tpu.memory_space<vmem>>, vector<1x16xf32>,
        %get3A_1089 = vector.shape_cast %get3A_1088 : vector<1x16xf32> to vector<16xf32>
        %mul3A_1090 = vector.broadcast %squeeze3A_1048 : f32 to vector<16xf32>
        %mul3A_1091 = arith.mulf %get3A_1089, %mul3A_1090 : vector<16xf32>
        %swap3A_1092 = arith.index_cast %add3A_1052 : i32 to index
        %swap3A_1093 = arith.constant 48 : index
        %swap3A_1094 = tpu.vector_load %arg10[%swap3A_1092, %swap3A_1093] {strides = array<i32>} : memref<128x128xf32, #tpu.memory_space<vmem>>, vector<1x16xf32>,
        %swap3A_1095 = vector.shape_cast %swap3A_1094 : vector<1x16xf32> to vector<16xf32>
        %swap3A_1096 = vector.shape_cast %mul3A_1091 : vector<16xf32> to vector<1x16xf32>
        tpu.vector_store %arg10[%swap3A_1092, %swap3A_1093], %swap3A_1096 {strides = array<i32>} : memref<128x128xf32, #tpu.memory_space<vmem>>, vector<1x16xf32>,
        %get3A_1097 = arith.index_cast %add3A_1052 : i32 to index
        %get3A_1098 = arith.constant 64 : index
        %get3A_1099 = tpu.vector_load %arg10[%get3A_1097, %get3A_1098] {strides = array<i32>} : memref<128x128xf32, #tpu.memory_space<vmem>>, vector<1x16xf32>,
        %get3A_1100 = vector.shape_cast %get3A_1099 : vector<1x16xf32> to vector<16xf32>
        %mul3A_1101 = vector.broadcast %squeeze3A_1048 : f32 to vector<16xf32>
        %mul3A_1102 = arith.mulf %get3A_1100, %mul3A_1101 : vector<16xf32>
        %swap3A_1103 = arith.index_cast %add3A_1052 : i32 to index
        %swap3A_1104 = arith.constant 64 : index
        %swap3A_1105 = tpu.vector_load %arg10[%swap3A_1103, %swap3A_1104] {strides = array<i32>} : memref<128x128xf32, #tpu.memory_space<vmem>>, vector<1x16xf32>,
        %swap3A_1106 = vector.shape_cast %swap3A_1105 : vector<1x16xf32> to vector<16xf32>
        %swap3A_1107 = vector.shape_cast %mul3A_1102 : vector<16xf32> to vector<1x16xf32>
        tpu.vector_store %arg10[%swap3A_1103, %swap3A_1104], %swap3A_1107 {strides = array<i32>} : memref<128x128xf32, #tpu.memory_space<vmem>>, vector<1x16xf32>,
        %get3A_1108 = arith.index_cast %add3A_1052 : i32 to index
        %get3A_1109 = arith.constant 80 : index
        %get3A_1110 = tpu.vector_load %arg10[%get3A_1108, %get3A_1109] {strides = array<i32>} : memref<128x128xf32, #tpu.memory_space<vmem>>, vector<1x16xf32>,
        %get3A_1111 = vector.shape_cast %get3A_1110 : vector<1x16xf32> to vector<16xf32>
        %mul3A_1112 = vector.broadcast %squeeze3A_1048 : f32 to vector<16xf32>
        %mul3A_1113 = arith.mulf %get3A_1111, %mul3A_1112 : vector<16xf32>
        %swap3A_1114 = arith.index_cast %add3A_1052 : i32 to index
        %swap3A_1115 = arith.constant 80 : index
        %swap3A_1116 = tpu.vector_load %arg10[%swap3A_1114, %swap3A_1115] {strides = array<i32>} : memref<128x128xf32, #tpu.memory_space<vmem>>, vector<1x16xf32>,
        %swap3A_1117 = vector.shape_cast %swap3A_1116 : vector<1x16xf32> to vector<16xf32>
        %swap3A_1118 = vector.shape_cast %mul3A_1113 : vector<16xf32> to vector<1x16xf32>
        tpu.vector_store %arg10[%swap3A_1114, %swap3A_1115], %swap3A_1118 {strides = array<i32>} : memref<128x128xf32, #tpu.memory_space<vmem>>, vector<1x16xf32>,
        %get3A_1119 = arith.index_cast %add3A_1052 : i32 to index
        %get3A_1120 = arith.constant 96 : index
        %get3A_1121 = tpu.vector_load %arg10[%get3A_1119, %get3A_1120] {strides = array<i32>} : memref<128x128xf32, #tpu.memory_space<vmem>>, vector<1x16xf32>,
        %get3A_1122 = vector.shape_cast %get3A_1121 : vector<1x16xf32> to vector<16xf32>
        %mul3A_1123 = vector.broadcast %squeeze3A_1048 : f32 to vector<16xf32>
        %mul3A_1124 = arith.mulf %get3A_1122, %mul3A_1123 : vector<16xf32>
        %swap3A_1125 = arith.index_cast %add3A_1052 : i32 to index
        %swap3A_1126 = arith.constant 96 : index
        %swap3A_1127 = tpu.vector_load %arg10[%swap3A_1125, %swap3A_1126] {strides = array<i32>} : memref<128x128xf32, #tpu.memory_space<vmem>>, vector<1x16xf32>,
        %swap3A_1128 = vector.shape_cast %swap3A_1127 : vector<1x16xf32> to vector<16xf32>
        %swap3A_1129 = vector.shape_cast %mul3A_1124 : vector<16xf32> to vector<1x16xf32>
        tpu.vector_store %arg10[%swap3A_1125, %swap3A_1126], %swap3A_1129 {strides = array<i32>} : memref<128x128xf32, #tpu.memory_space<vmem>>, vector<1x16xf32>,
        %get3A_1130 = arith.index_cast %add3A_1052 : i32 to index
        %get3A_1131 = arith.constant 112 : index
        %get3A_1132 = tpu.vector_load %arg10[%get3A_1130, %get3A_1131] {strides = array<i32>} : memref<128x128xf32, #tpu.memory_space<vmem>>, vector<1x16xf32>,
        %get3A_1133 = vector.shape_cast %get3A_1132 : vector<1x16xf32> to vector<16xf32>
        %mul3A_1134 = vector.broadcast %squeeze3A_1048 : f32 to vector<16xf32>
        %mul3A_1135 = arith.mulf %get3A_1133, %mul3A_1134 : vector<16xf32>
        %swap3A_1136 = arith.index_cast %add3A_1052 : i32 to index
        %swap3A_1137 = arith.constant 112 : index
        %swap3A_1138 = tpu.vector_load %arg10[%swap3A_1136, %swap3A_1137] {strides = array<i32>} : memref<128x128xf32, #tpu.memory_space<vmem>>, vector<1x16xf32>,
        %swap3A_1139 = vector.shape_cast %swap3A_1138 : vector<1x16xf32> to vector<16xf32>
        %swap3A_1140 = vector.shape_cast %mul3A_1135 : vector<16xf32> to vector<1x16xf32>
        tpu.vector_store %arg10[%swap3A_1136, %swap3A_1137], %swap3A_1140 {strides = array<i32>} : memref<128x128xf32, #tpu.memory_space<vmem>>, vector<1x16xf32>,
        %slice3A_1141 = vector.extract_strided_slice %get3A_109 {offsets = [11], sizes = [1], strides = [1]} : vector<16xf32> to vector<1xf32>
        %squeeze3A_1142 = vector.extract %slice3A_1141[0] : f32 from vector<1xf32>
        %mul3A_1143 = arith.constant 16 : i32
        %mul3A_1144 = arith.muli %add3A_103, %mul3A_1143 : i32
        %add3A_1145 = arith.constant 11 : i32
        %add3A_1146 = arith.addi %mul3A_1144, %add3A_1145 : i32
        %get3A_1147 = arith.index_cast %add3A_1146 : i32 to index
        %get3A_1148 = arith.constant 0 : index
        %get3A_1149 = tpu.vector_load %arg10[%get3A_1147, %get3A_1148] {strides = array<i32>} : memref<128x128xf32, #tpu.memory_space<vmem>>, vector<1x16xf32>,
        %get3A_1150 = vector.shape_cast %get3A_1149 : vector<1x16xf32> to vector<16xf32>
        %mul3A_1151 = vector.broadcast %squeeze3A_1142 : f32 to vector<16xf32>
        %mul3A_1152 = arith.mulf %get3A_1150, %mul3A_1151 : vector<16xf32>
        %swap3A_1153 = arith.index_cast %add3A_1146 : i32 to index
        %swap3A_1154 = arith.constant 0 : index
        %swap3A_1155 = tpu.vector_load %arg10[%swap3A_1153, %swap3A_1154] {strides = array<i32>} : memref<128x128xf32, #tpu.memory_space<vmem>>, vector<1x16xf32>,
        %swap3A_1156 = vector.shape_cast %swap3A_1155 : vector<1x16xf32> to vector<16xf32>
        %swap3A_1157 = vector.shape_cast %mul3A_1152 : vector<16xf32> to vector<1x16xf32>
        tpu.vector_store %arg10[%swap3A_1153, %swap3A_1154], %swap3A_1157 {strides = array<i32>} : memref<128x128xf32, #tpu.memory_space<vmem>>, vector<1x16xf32>,
        %get3A_1158 = arith.index_cast %add3A_1146 : i32 to index
        %get3A_1159 = arith.constant 16 : index
        %get3A_1160 = tpu.vector_load %arg10[%get3A_1158, %get3A_1159] {strides = array<i32>} : memref<128x128xf32, #tpu.memory_space<vmem>>, vector<1x16xf32>,
        %get3A_1161 = vector.shape_cast %get3A_1160 : vector<1x16xf32> to vector<16xf32>
        %mul3A_1162 = vector.broadcast %squeeze3A_1142 : f32 to vector<16xf32>
        %mul3A_1163 = arith.mulf %get3A_1161, %mul3A_1162 : vector<16xf32>
        %swap3A_1164 = arith.index_cast %add3A_1146 : i32 to index
        %swap3A_1165 = arith.constant 16 : index
        %swap3A_1166 = tpu.vector_load %arg10[%swap3A_1164, %swap3A_1165] {strides = array<i32>} : memref<128x128xf32, #tpu.memory_space<vmem>>, vector<1x16xf32>,
        %swap3A_1167 = vector.shape_cast %swap3A_1166 : vector<1x16xf32> to vector<16xf32>
        %swap3A_1168 = vector.shape_cast %mul3A_1163 : vector<16xf32> to vector<1x16xf32>
        tpu.vector_store %arg10[%swap3A_1164, %swap3A_1165], %swap3A_1168 {strides = array<i32>} : memref<128x128xf32, #tpu.memory_space<vmem>>, vector<1x16xf32>,
        %get3A_1169 = arith.index_cast %add3A_1146 : i32 to index
        %get3A_1170 = arith.constant 32 : index
        %get3A_1171 = tpu.vector_load %arg10[%get3A_1169, %get3A_1170] {strides = array<i32>} : memref<128x128xf32, #tpu.memory_space<vmem>>, vector<1x16xf32>,
        %get3A_1172 = vector.shape_cast %get3A_1171 : vector<1x16xf32> to vector<16xf32>
        %mul3A_1173 = vector.broadcast %squeeze3A_1142 : f32 to vector<16xf32>
        %mul3A_1174 = arith.mulf %get3A_1172, %mul3A_1173 : vector<16xf32>
        %swap3A_1175 = arith.index_cast %add3A_1146 : i32 to index
        %swap3A_1176 = arith.constant 32 : index
        %swap3A_1177 = tpu.vector_load %arg10[%swap3A_1175, %swap3A_1176] {strides = array<i32>} : memref<128x128xf32, #tpu.memory_space<vmem>>, vector<1x16xf32>,
        %swap3A_1178 = vector.shape_cast %swap3A_1177 : vector<1x16xf32> to vector<16xf32>
        %swap3A_1179 = vector.shape_cast %mul3A_1174 : vector<16xf32> to vector<1x16xf32>
        tpu.vector_store %arg10[%swap3A_1175, %swap3A_1176], %swap3A_1179 {strides = array<i32>} : memref<128x128xf32, #tpu.memory_space<vmem>>, vector<1x16xf32>,
        %get3A_1180 = arith.index_cast %add3A_1146 : i32 to index
        %get3A_1181 = arith.constant 48 : index
        %get3A_1182 = tpu.vector_load %arg10[%get3A_1180, %get3A_1181] {strides = array<i32>} : memref<128x128xf32, #tpu.memory_space<vmem>>, vector<1x16xf32>,
        %get3A_1183 = vector.shape_cast %get3A_1182 : vector<1x16xf32> to vector<16xf32>
        %mul3A_1184 = vector.broadcast %squeeze3A_1142 : f32 to vector<16xf32>
        %mul3A_1185 = arith.mulf %get3A_1183, %mul3A_1184 : vector<16xf32>
        %swap3A_1186 = arith.index_cast %add3A_1146 : i32 to index
        %swap3A_1187 = arith.constant 48 : index
        %swap3A_1188 = tpu.vector_load %arg10[%swap3A_1186, %swap3A_1187] {strides = array<i32>} : memref<128x128xf32, #tpu.memory_space<vmem>>, vector<1x16xf32>,
        %swap3A_1189 = vector.shape_cast %swap3A_1188 : vector<1x16xf32> to vector<16xf32>
        %swap3A_1190 = vector.shape_cast %mul3A_1185 : vector<16xf32> to vector<1x16xf32>
        tpu.vector_store %arg10[%swap3A_1186, %swap3A_1187], %swap3A_1190 {strides = array<i32>} : memref<128x128xf32, #tpu.memory_space<vmem>>, vector<1x16xf32>,
        %get3A_1191 = arith.index_cast %add3A_1146 : i32 to index
        %get3A_1192 = arith.constant 64 : index
        %get3A_1193 = tpu.vector_load %arg10[%get3A_1191, %get3A_1192] {strides = array<i32>} : memref<128x128xf32, #tpu.memory_space<vmem>>, vector<1x16xf32>,
        %get3A_1194 = vector.shape_cast %get3A_1193 : vector<1x16xf32> to vector<16xf32>
        %mul3A_1195 = vector.broadcast %squeeze3A_1142 : f32 to vector<16xf32>
        %mul3A_1196 = arith.mulf %get3A_1194, %mul3A_1195 : vector<16xf32>
        %swap3A_1197 = arith.index_cast %add3A_1146 : i32 to index
        %swap3A_1198 = arith.constant 64 : index
        %swap3A_1199 = tpu.vector_load %arg10[%swap3A_1197, %swap3A_1198] {strides = array<i32>} : memref<128x128xf32, #tpu.memory_space<vmem>>, vector<1x16xf32>,
        %swap3A_1200 = vector.shape_cast %swap3A_1199 : vector<1x16xf32> to vector<16xf32>
        %swap3A_1201 = vector.shape_cast %mul3A_1196 : vector<16xf32> to vector<1x16xf32>
        tpu.vector_store %arg10[%swap3A_1197, %swap3A_1198], %swap3A_1201 {strides = array<i32>} : memref<128x128xf32, #tpu.memory_space<vmem>>, vector<1x16xf32>,
        %get3A_1202 = arith.index_cast %add3A_1146 : i32 to index
        %get3A_1203 = arith.constant 80 : index
        %get3A_1204 = tpu.vector_load %arg10[%get3A_1202, %get3A_1203] {strides = array<i32>} : memref<128x128xf32, #tpu.memory_space<vmem>>, vector<1x16xf32>,
        %get3A_1205 = vector.shape_cast %get3A_1204 : vector<1x16xf32> to vector<16xf32>
        %mul3A_1206 = vector.broadcast %squeeze3A_1142 : f32 to vector<16xf32>
        %mul3A_1207 = arith.mulf %get3A_1205, %mul3A_1206 : vector<16xf32>
        %swap3A_1208 = arith.index_cast %add3A_1146 : i32 to index
        %swap3A_1209 = arith.constant 80 : index
        %swap3A_1210 = tpu.vector_load %arg10[%swap3A_1208, %swap3A_1209] {strides = array<i32>} : memref<128x128xf32, #tpu.memory_space<vmem>>, vector<1x16xf32>,
        %swap3A_1211 = vector.shape_cast %swap3A_1210 : vector<1x16xf32> to vector<16xf32>
        %swap3A_1212 = vector.shape_cast %mul3A_1207 : vector<16xf32> to vector<1x16xf32>
        tpu.vector_store %arg10[%swap3A_1208, %swap3A_1209], %swap3A_1212 {strides = array<i32>} : memref<128x128xf32, #tpu.memory_space<vmem>>, vector<1x16xf32>,
        %get3A_1213 = arith.index_cast %add3A_1146 : i32 to index
        %get3A_1214 = arith.constant 96 : index
        %get3A_1215 = tpu.vector_load %arg10[%get3A_1213, %get3A_1214] {strides = array<i32>} : memref<128x128xf32, #tpu.memory_space<vmem>>, vector<1x16xf32>,
        %get3A_1216 = vector.shape_cast %get3A_1215 : vector<1x16xf32> to vector<16xf32>
        %mul3A_1217 = vector.broadcast %squeeze3A_1142 : f32 to vector<16xf32>
        %mul3A_1218 = arith.mulf %get3A_1216, %mul3A_1217 : vector<16xf32>
        %swap3A_1219 = arith.index_cast %add3A_1146 : i32 to index
        %swap3A_1220 = arith.constant 96 : index
        %swap3A_1221 = tpu.vector_load %arg10[%swap3A_1219, %swap3A_1220] {strides = array<i32>} : memref<128x128xf32, #tpu.memory_space<vmem>>, vector<1x16xf32>,
        %swap3A_1222 = vector.shape_cast %swap3A_1221 : vector<1x16xf32> to vector<16xf32>
        %swap3A_1223 = vector.shape_cast %mul3A_1218 : vector<16xf32> to vector<1x16xf32>
        tpu.vector_store %arg10[%swap3A_1219, %swap3A_1220], %swap3A_1223 {strides = array<i32>} : memref<128x128xf32, #tpu.memory_space<vmem>>, vector<1x16xf32>,
        %get3A_1224 = arith.index_cast %add3A_1146 : i32 to index
        %get3A_1225 = arith.constant 112 : index
        %get3A_1226 = tpu.vector_load %arg10[%get3A_1224, %get3A_1225] {strides = array<i32>} : memref<128x128xf32, #tpu.memory_space<vmem>>, vector<1x16xf32>,
        %get3A_1227 = vector.shape_cast %get3A_1226 : vector<1x16xf32> to vector<16xf32>
        %mul3A_1228 = vector.broadcast %squeeze3A_1142 : f32 to vector<16xf32>
        %mul3A_1229 = arith.mulf %get3A_1227, %mul3A_1228 : vector<16xf32>
        %swap3A_1230 = arith.index_cast %add3A_1146 : i32 to index
        %swap3A_1231 = arith.constant 112 : index
        %swap3A_1232 = tpu.vector_load %arg10[%swap3A_1230, %swap3A_1231] {strides = array<i32>} : memref<128x128xf32, #tpu.memory_space<vmem>>, vector<1x16xf32>,
        %swap3A_1233 = vector.shape_cast %swap3A_1232 : vector<1x16xf32> to vector<16xf32>
        %swap3A_1234 = vector.shape_cast %mul3A_1229 : vector<16xf32> to vector<1x16xf32>
        tpu.vector_store %arg10[%swap3A_1230, %swap3A_1231], %swap3A_1234 {strides = array<i32>} : memref<128x128xf32, #tpu.memory_space<vmem>>, vector<1x16xf32>,
        %slice3A_1235 = vector.extract_strided_slice %get3A_109 {offsets = [12], sizes = [1], strides = [1]} : vector<16xf32> to vector<1xf32>
        %squeeze3A_1236 = vector.extract %slice3A_1235[0] : f32 from vector<1xf32>
        %mul3A_1237 = arith.constant 16 : i32
        %mul3A_1238 = arith.muli %add3A_103, %mul3A_1237 : i32
        %add3A_1239 = arith.constant 12 : i32
        %add3A_1240 = arith.addi %mul3A_1238, %add3A_1239 : i32
        %get3A_1241 = arith.index_cast %add3A_1240 : i32 to index
        %get3A_1242 = arith.constant 0 : index
        %get3A_1243 = tpu.vector_load %arg10[%get3A_1241, %get3A_1242] {strides = array<i32>} : memref<128x128xf32, #tpu.memory_space<vmem>>, vector<1x16xf32>,
        %get3A_1244 = vector.shape_cast %get3A_1243 : vector<1x16xf32> to vector<16xf32>
        %mul3A_1245 = vector.broadcast %squeeze3A_1236 : f32 to vector<16xf32>
        %mul3A_1246 = arith.mulf %get3A_1244, %mul3A_1245 : vector<16xf32>
        %swap3A_1247 = arith.index_cast %add3A_1240 : i32 to index
        %swap3A_1248 = arith.constant 0 : index
        %swap3A_1249 = tpu.vector_load %arg10[%swap3A_1247, %swap3A_1248] {strides = array<i32>} : memref<128x128xf32, #tpu.memory_space<vmem>>, vector<1x16xf32>,
        %swap3A_1250 = vector.shape_cast %swap3A_1249 : vector<1x16xf32> to vector<16xf32>
        %swap3A_1251 = vector.shape_cast %mul3A_1246 : vector<16xf32> to vector<1x16xf32>
        tpu.vector_store %arg10[%swap3A_1247, %swap3A_1248], %swap3A_1251 {strides = array<i32>} : memref<128x128xf32, #tpu.memory_space<vmem>>, vector<1x16xf32>,
        %get3A_1252 = arith.index_cast %add3A_1240 : i32 to index
        %get3A_1253 = arith.constant 16 : index
        %get3A_1254 = tpu.vector_load %arg10[%get3A_1252, %get3A_1253] {strides = array<i32>} : memref<128x128xf32, #tpu.memory_space<vmem>>, vector<1x16xf32>,
        %get3A_1255 = vector.shape_cast %get3A_1254 : vector<1x16xf32> to vector<16xf32>
        %mul3A_1256 = vector.broadcast %squeeze3A_1236 : f32 to vector<16xf32>
        %mul3A_1257 = arith.mulf %get3A_1255, %mul3A_1256 : vector<16xf32>
        %swap3A_1258 = arith.index_cast %add3A_1240 : i32 to index
        %swap3A_1259 = arith.constant 16 : index
        %swap3A_1260 = tpu.vector_load %arg10[%swap3A_1258, %swap3A_1259] {strides = array<i32>} : memref<128x128xf32, #tpu.memory_space<vmem>>, vector<1x16xf32>,
        %swap3A_1261 = vector.shape_cast %swap3A_1260 : vector<1x16xf32> to vector<16xf32>
        %swap3A_1262 = vector.shape_cast %mul3A_1257 : vector<16xf32> to vector<1x16xf32>
        tpu.vector_store %arg10[%swap3A_1258, %swap3A_1259], %swap3A_1262 {strides = array<i32>} : memref<128x128xf32, #tpu.memory_space<vmem>>, vector<1x16xf32>,
        %get3A_1263 = arith.index_cast %add3A_1240 : i32 to index
        %get3A_1264 = arith.constant 32 : index
        %get3A_1265 = tpu.vector_load %arg10[%get3A_1263, %get3A_1264] {strides = array<i32>} : memref<128x128xf32, #tpu.memory_space<vmem>>, vector<1x16xf32>,
        %get3A_1266 = vector.shape_cast %get3A_1265 : vector<1x16xf32> to vector<16xf32>
        %mul3A_1267 = vector.broadcast %squeeze3A_1236 : f32 to vector<16xf32>
        %mul3A_1268 = arith.mulf %get3A_1266, %mul3A_1267 : vector<16xf32>
        %swap3A_1269 = arith.index_cast %add3A_1240 : i32 to index
        %swap3A_1270 = arith.constant 32 : index
        %swap3A_1271 = tpu.vector_load %arg10[%swap3A_1269, %swap3A_1270] {strides = array<i32>} : memref<128x128xf32, #tpu.memory_space<vmem>>, vector<1x16xf32>,
        %swap3A_1272 = vector.shape_cast %swap3A_1271 : vector<1x16xf32> to vector<16xf32>
        %swap3A_1273 = vector.shape_cast %mul3A_1268 : vector<16xf32> to vector<1x16xf32>
        tpu.vector_store %arg10[%swap3A_1269, %swap3A_1270], %swap3A_1273 {strides = array<i32>} : memref<128x128xf32, #tpu.memory_space<vmem>>, vector<1x16xf32>,
        %get3A_1274 = arith.index_cast %add3A_1240 : i32 to index
        %get3A_1275 = arith.constant 48 : index
        %get3A_1276 = tpu.vector_load %arg10[%get3A_1274, %get3A_1275] {strides = array<i32>} : memref<128x128xf32, #tpu.memory_space<vmem>>, vector<1x16xf32>,
        %get3A_1277 = vector.shape_cast %get3A_1276 : vector<1x16xf32> to vector<16xf32>
        %mul3A_1278 = vector.broadcast %squeeze3A_1236 : f32 to vector<16xf32>
        %mul3A_1279 = arith.mulf %get3A_1277, %mul3A_1278 : vector<16xf32>
        %swap3A_1280 = arith.index_cast %add3A_1240 : i32 to index
        %swap3A_1281 = arith.constant 48 : index
        %swap3A_1282 = tpu.vector_load %arg10[%swap3A_1280, %swap3A_1281] {strides = array<i32>} : memref<128x128xf32, #tpu.memory_space<vmem>>, vector<1x16xf32>,
        %swap3A_1283 = vector.shape_cast %swap3A_1282 : vector<1x16xf32> to vector<16xf32>
        %swap3A_1284 = vector.shape_cast %mul3A_1279 : vector<16xf32> to vector<1x16xf32>
        tpu.vector_store %arg10[%swap3A_1280, %swap3A_1281], %swap3A_1284 {strides = array<i32>} : memref<128x128xf32, #tpu.memory_space<vmem>>, vector<1x16xf32>,
        %get3A_1285 = arith.index_cast %add3A_1240 : i32 to index
        %get3A_1286 = arith.constant 64 : index
        %get3A_1287 = tpu.vector_load %arg10[%get3A_1285, %get3A_1286] {strides = array<i32>} : memref<128x128xf32, #tpu.memory_space<vmem>>, vector<1x16xf32>,
        %get3A_1288 = vector.shape_cast %get3A_1287 : vector<1x16xf32> to vector<16xf32>
        %mul3A_1289 = vector.broadcast %squeeze3A_1236 : f32 to vector<16xf32>
        %mul3A_1290 = arith.mulf %get3A_1288, %mul3A_1289 : vector<16xf32>
        %swap3A_1291 = arith.index_cast %add3A_1240 : i32 to index
        %swap3A_1292 = arith.constant 64 : index
        %swap3A_1293 = tpu.vector_load %arg10[%swap3A_1291, %swap3A_1292] {strides = array<i32>} : memref<128x128xf32, #tpu.memory_space<vmem>>, vector<1x16xf32>,
        %swap3A_1294 = vector.shape_cast %swap3A_1293 : vector<1x16xf32> to vector<16xf32>
        %swap3A_1295 = vector.shape_cast %mul3A_1290 : vector<16xf32> to vector<1x16xf32>
        tpu.vector_store %arg10[%swap3A_1291, %swap3A_1292], %swap3A_1295 {strides = array<i32>} : memref<128x128xf32, #tpu.memory_space<vmem>>, vector<1x16xf32>,
        %get3A_1296 = arith.index_cast %add3A_1240 : i32 to index
        %get3A_1297 = arith.constant 80 : index
        %get3A_1298 = tpu.vector_load %arg10[%get3A_1296, %get3A_1297] {strides = array<i32>} : memref<128x128xf32, #tpu.memory_space<vmem>>, vector<1x16xf32>,
        %get3A_1299 = vector.shape_cast %get3A_1298 : vector<1x16xf32> to vector<16xf32>
        %mul3A_1300 = vector.broadcast %squeeze3A_1236 : f32 to vector<16xf32>
        %mul3A_1301 = arith.mulf %get3A_1299, %mul3A_1300 : vector<16xf32>
        %swap3A_1302 = arith.index_cast %add3A_1240 : i32 to index
        %swap3A_1303 = arith.constant 80 : index
        %swap3A_1304 = tpu.vector_load %arg10[%swap3A_1302, %swap3A_1303] {strides = array<i32>} : memref<128x128xf32, #tpu.memory_space<vmem>>, vector<1x16xf32>,
        %swap3A_1305 = vector.shape_cast %swap3A_1304 : vector<1x16xf32> to vector<16xf32>
        %swap3A_1306 = vector.shape_cast %mul3A_1301 : vector<16xf32> to vector<1x16xf32>
        tpu.vector_store %arg10[%swap3A_1302, %swap3A_1303], %swap3A_1306 {strides = array<i32>} : memref<128x128xf32, #tpu.memory_space<vmem>>, vector<1x16xf32>,
        %get3A_1307 = arith.index_cast %add3A_1240 : i32 to index
        %get3A_1308 = arith.constant 96 : index
        %get3A_1309 = tpu.vector_load %arg10[%get3A_1307, %get3A_1308] {strides = array<i32>} : memref<128x128xf32, #tpu.memory_space<vmem>>, vector<1x16xf32>,
        %get3A_1310 = vector.shape_cast %get3A_1309 : vector<1x16xf32> to vector<16xf32>
        %mul3A_1311 = vector.broadcast %squeeze3A_1236 : f32 to vector<16xf32>
        %mul3A_1312 = arith.mulf %get3A_1310, %mul3A_1311 : vector<16xf32>
        %swap3A_1313 = arith.index_cast %add3A_1240 : i32 to index
        %swap3A_1314 = arith.constant 96 : index
        %swap3A_1315 = tpu.vector_load %arg10[%swap3A_1313, %swap3A_1314] {strides = array<i32>} : memref<128x128xf32, #tpu.memory_space<vmem>>, vector<1x16xf32>,
        %swap3A_1316 = vector.shape_cast %swap3A_1315 : vector<1x16xf32> to vector<16xf32>
        %swap3A_1317 = vector.shape_cast %mul3A_1312 : vector<16xf32> to vector<1x16xf32>
        tpu.vector_store %arg10[%swap3A_1313, %swap3A_1314], %swap3A_1317 {strides = array<i32>} : memref<128x128xf32, #tpu.memory_space<vmem>>, vector<1x16xf32>,
        %get3A_1318 = arith.index_cast %add3A_1240 : i32 to index
        %get3A_1319 = arith.constant 112 : index
        %get3A_1320 = tpu.vector_load %arg10[%get3A_1318, %get3A_1319] {strides = array<i32>} : memref<128x128xf32, #tpu.memory_space<vmem>>, vector<1x16xf32>,
        %get3A_1321 = vector.shape_cast %get3A_1320 : vector<1x16xf32> to vector<16xf32>
        %mul3A_1322 = vector.broadcast %squeeze3A_1236 : f32 to vector<16xf32>
        %mul3A_1323 = arith.mulf %get3A_1321, %mul3A_1322 : vector<16xf32>
        %swap3A_1324 = arith.index_cast %add3A_1240 : i32 to index
        %swap3A_1325 = arith.constant 112 : index
        %swap3A_1326 = tpu.vector_load %arg10[%swap3A_1324, %swap3A_1325] {strides = array<i32>} : memref<128x128xf32, #tpu.memory_space<vmem>>, vector<1x16xf32>,
        %swap3A_1327 = vector.shape_cast %swap3A_1326 : vector<1x16xf32> to vector<16xf32>
        %swap3A_1328 = vector.shape_cast %mul3A_1323 : vector<16xf32> to vector<1x16xf32>
        tpu.vector_store %arg10[%swap3A_1324, %swap3A_1325], %swap3A_1328 {strides = array<i32>} : memref<128x128xf32, #tpu.memory_space<vmem>>, vector<1x16xf32>,
        %slice3A_1329 = vector.extract_strided_slice %get3A_109 {offsets = [13], sizes = [1], strides = [1]} : vector<16xf32> to vector<1xf32>
        %squeeze3A_1330 = vector.extract %slice3A_1329[0] : f32 from vector<1xf32>
        %mul3A_1331 = arith.constant 16 : i32
        %mul3A_1332 = arith.muli %add3A_103, %mul3A_1331 : i32
        %add3A_1333 = arith.constant 13 : i32
        %add3A_1334 = arith.addi %mul3A_1332, %add3A_1333 : i32
        %get3A_1335 = arith.index_cast %add3A_1334 : i32 to index
        %get3A_1336 = arith.constant 0 : index
        %get3A_1337 = tpu.vector_load %arg10[%get3A_1335, %get3A_1336] {strides = array<i32>} : memref<128x128xf32, #tpu.memory_space<vmem>>, vector<1x16xf32>,
        %get3A_1338 = vector.shape_cast %get3A_1337 : vector<1x16xf32> to vector<16xf32>
        %mul3A_1339 = vector.broadcast %squeeze3A_1330 : f32 to vector<16xf32>
        %mul3A_1340 = arith.mulf %get3A_1338, %mul3A_1339 : vector<16xf32>
        %swap3A_1341 = arith.index_cast %add3A_1334 : i32 to index
        %swap3A_1342 = arith.constant 0 : index
        %swap3A_1343 = tpu.vector_load %arg10[%swap3A_1341, %swap3A_1342] {strides = array<i32>} : memref<128x128xf32, #tpu.memory_space<vmem>>, vector<1x16xf32>,
        %swap3A_1344 = vector.shape_cast %swap3A_1343 : vector<1x16xf32> to vector<16xf32>
        %swap3A_1345 = vector.shape_cast %mul3A_1340 : vector<16xf32> to vector<1x16xf32>
        tpu.vector_store %arg10[%swap3A_1341, %swap3A_1342], %swap3A_1345 {strides = array<i32>} : memref<128x128xf32, #tpu.memory_space<vmem>>, vector<1x16xf32>,
        %get3A_1346 = arith.index_cast %add3A_1334 : i32 to index
        %get3A_1347 = arith.constant 16 : index
        %get3A_1348 = tpu.vector_load %arg10[%get3A_1346, %get3A_1347] {strides = array<i32>} : memref<128x128xf32, #tpu.memory_space<vmem>>, vector<1x16xf32>,
        %get3A_1349 = vector.shape_cast %get3A_1348 : vector<1x16xf32> to vector<16xf32>
        %mul3A_1350 = vector.broadcast %squeeze3A_1330 : f32 to vector<16xf32>
        %mul3A_1351 = arith.mulf %get3A_1349, %mul3A_1350 : vector<16xf32>
        %swap3A_1352 = arith.index_cast %add3A_1334 : i32 to index
        %swap3A_1353 = arith.constant 16 : index
        %swap3A_1354 = tpu.vector_load %arg10[%swap3A_1352, %swap3A_1353] {strides = array<i32>} : memref<128x128xf32, #tpu.memory_space<vmem>>, vector<1x16xf32>,
        %swap3A_1355 = vector.shape_cast %swap3A_1354 : vector<1x16xf32> to vector<16xf32>
        %swap3A_1356 = vector.shape_cast %mul3A_1351 : vector<16xf32> to vector<1x16xf32>
        tpu.vector_store %arg10[%swap3A_1352, %swap3A_1353], %swap3A_1356 {strides = array<i32>} : memref<128x128xf32, #tpu.memory_space<vmem>>, vector<1x16xf32>,
        %get3A_1357 = arith.index_cast %add3A_1334 : i32 to index
        %get3A_1358 = arith.constant 32 : index
        %get3A_1359 = tpu.vector_load %arg10[%get3A_1357, %get3A_1358] {strides = array<i32>} : memref<128x128xf32, #tpu.memory_space<vmem>>, vector<1x16xf32>,
        %get3A_1360 = vector.shape_cast %get3A_1359 : vector<1x16xf32> to vector<16xf32>
        %mul3A_1361 = vector.broadcast %squeeze3A_1330 : f32 to vector<16xf32>
        %mul3A_1362 = arith.mulf %get3A_1360, %mul3A_1361 : vector<16xf32>
        %swap3A_1363 = arith.index_cast %add3A_1334 : i32 to index
        %swap3A_1364 = arith.constant 32 : index
        %swap3A_1365 = tpu.vector_load %arg10[%swap3A_1363, %swap3A_1364] {strides = array<i32>} : memref<128x128xf32, #tpu.memory_space<vmem>>, vector<1x16xf32>,
        %swap3A_1366 = vector.shape_cast %swap3A_1365 : vector<1x16xf32> to vector<16xf32>
        %swap3A_1367 = vector.shape_cast %mul3A_1362 : vector<16xf32> to vector<1x16xf32>
        tpu.vector_store %arg10[%swap3A_1363, %swap3A_1364], %swap3A_1367 {strides = array<i32>} : memref<128x128xf32, #tpu.memory_space<vmem>>, vector<1x16xf32>,
        %get3A_1368 = arith.index_cast %add3A_1334 : i32 to index
        %get3A_1369 = arith.constant 48 : index
        %get3A_1370 = tpu.vector_load %arg10[%get3A_1368, %get3A_1369] {strides = array<i32>} : memref<128x128xf32, #tpu.memory_space<vmem>>, vector<1x16xf32>,
        %get3A_1371 = vector.shape_cast %get3A_1370 : vector<1x16xf32> to vector<16xf32>
        %mul3A_1372 = vector.broadcast %squeeze3A_1330 : f32 to vector<16xf32>
        %mul3A_1373 = arith.mulf %get3A_1371, %mul3A_1372 : vector<16xf32>
        %swap3A_1374 = arith.index_cast %add3A_1334 : i32 to index
        %swap3A_1375 = arith.constant 48 : index
        %swap3A_1376 = tpu.vector_load %arg10[%swap3A_1374, %swap3A_1375] {strides = array<i32>} : memref<128x128xf32, #tpu.memory_space<vmem>>, vector<1x16xf32>,
        %swap3A_1377 = vector.shape_cast %swap3A_1376 : vector<1x16xf32> to vector<16xf32>
        %swap3A_1378 = vector.shape_cast %mul3A_1373 : vector<16xf32> to vector<1x16xf32>
        tpu.vector_store %arg10[%swap3A_1374, %swap3A_1375], %swap3A_1378 {strides = array<i32>} : memref<128x128xf32, #tpu.memory_space<vmem>>, vector<1x16xf32>,
        %get3A_1379 = arith.index_cast %add3A_1334 : i32 to index
        %get3A_1380 = arith.constant 64 : index
        %get3A_1381 = tpu.vector_load %arg10[%get3A_1379, %get3A_1380] {strides = array<i32>} : memref<128x128xf32, #tpu.memory_space<vmem>>, vector<1x16xf32>,
        %get3A_1382 = vector.shape_cast %get3A_1381 : vector<1x16xf32> to vector<16xf32>
        %mul3A_1383 = vector.broadcast %squeeze3A_1330 : f32 to vector<16xf32>
        %mul3A_1384 = arith.mulf %get3A_1382, %mul3A_1383 : vector<16xf32>
        %swap3A_1385 = arith.index_cast %add3A_1334 : i32 to index
        %swap3A_1386 = arith.constant 64 : index
        %swap3A_1387 = tpu.vector_load %arg10[%swap3A_1385, %swap3A_1386] {strides = array<i32>} : memref<128x128xf32, #tpu.memory_space<vmem>>, vector<1x16xf32>,
        %swap3A_1388 = vector.shape_cast %swap3A_1387 : vector<1x16xf32> to vector<16xf32>
        %swap3A_1389 = vector.shape_cast %mul3A_1384 : vector<16xf32> to vector<1x16xf32>
        tpu.vector_store %arg10[%swap3A_1385, %swap3A_1386], %swap3A_1389 {strides = array<i32>} : memref<128x128xf32, #tpu.memory_space<vmem>>, vector<1x16xf32>,
        %get3A_1390 = arith.index_cast %add3A_1334 : i32 to index
        %get3A_1391 = arith.constant 80 : index
        %get3A_1392 = tpu.vector_load %arg10[%get3A_1390, %get3A_1391] {strides = array<i32>} : memref<128x128xf32, #tpu.memory_space<vmem>>, vector<1x16xf32>,
        %get3A_1393 = vector.shape_cast %get3A_1392 : vector<1x16xf32> to vector<16xf32>
        %mul3A_1394 = vector.broadcast %squeeze3A_1330 : f32 to vector<16xf32>
        %mul3A_1395 = arith.mulf %get3A_1393, %mul3A_1394 : vector<16xf32>
        %swap3A_1396 = arith.index_cast %add3A_1334 : i32 to index
        %swap3A_1397 = arith.constant 80 : index
        %swap3A_1398 = tpu.vector_load %arg10[%swap3A_1396, %swap3A_1397] {strides = array<i32>} : memref<128x128xf32, #tpu.memory_space<vmem>>, vector<1x16xf32>,
        %swap3A_1399 = vector.shape_cast %swap3A_1398 : vector<1x16xf32> to vector<16xf32>
        %swap3A_1400 = vector.shape_cast %mul3A_1395 : vector<16xf32> to vector<1x16xf32>
        tpu.vector_store %arg10[%swap3A_1396, %swap3A_1397], %swap3A_1400 {strides = array<i32>} : memref<128x128xf32, #tpu.memory_space<vmem>>, vector<1x16xf32>,
        %get3A_1401 = arith.index_cast %add3A_1334 : i32 to index
        %get3A_1402 = arith.constant 96 : index
        %get3A_1403 = tpu.vector_load %arg10[%get3A_1401, %get3A_1402] {strides = array<i32>} : memref<128x128xf32, #tpu.memory_space<vmem>>, vector<1x16xf32>,
        %get3A_1404 = vector.shape_cast %get3A_1403 : vector<1x16xf32> to vector<16xf32>
        %mul3A_1405 = vector.broadcast %squeeze3A_1330 : f32 to vector<16xf32>
        %mul3A_1406 = arith.mulf %get3A_1404, %mul3A_1405 : vector<16xf32>
        %swap3A_1407 = arith.index_cast %add3A_1334 : i32 to index
        %swap3A_1408 = arith.constant 96 : index
        %swap3A_1409 = tpu.vector_load %arg10[%swap3A_1407, %swap3A_1408] {strides = array<i32>} : memref<128x128xf32, #tpu.memory_space<vmem>>, vector<1x16xf32>,
        %swap3A_1410 = vector.shape_cast %swap3A_1409 : vector<1x16xf32> to vector<16xf32>
        %swap3A_1411 = vector.shape_cast %mul3A_1406 : vector<16xf32> to vector<1x16xf32>
        tpu.vector_store %arg10[%swap3A_1407, %swap3A_1408], %swap3A_1411 {strides = array<i32>} : memref<128x128xf32, #tpu.memory_space<vmem>>, vector<1x16xf32>,
        %get3A_1412 = arith.index_cast %add3A_1334 : i32 to index
        %get3A_1413 = arith.constant 112 : index
        %get3A_1414 = tpu.vector_load %arg10[%get3A_1412, %get3A_1413] {strides = array<i32>} : memref<128x128xf32, #tpu.memory_space<vmem>>, vector<1x16xf32>,
        %get3A_1415 = vector.shape_cast %get3A_1414 : vector<1x16xf32> to vector<16xf32>
        %mul3A_1416 = vector.broadcast %squeeze3A_1330 : f32 to vector<16xf32>
        %mul3A_1417 = arith.mulf %get3A_1415, %mul3A_1416 : vector<16xf32>
        %swap3A_1418 = arith.index_cast %add3A_1334 : i32 to index
        %swap3A_1419 = arith.constant 112 : index
        %swap3A_1420 = tpu.vector_load %arg10[%swap3A_1418, %swap3A_1419] {strides = array<i32>} : memref<128x128xf32, #tpu.memory_space<vmem>>, vector<1x16xf32>,
        %swap3A_1421 = vector.shape_cast %swap3A_1420 : vector<1x16xf32> to vector<16xf32>
        %swap3A_1422 = vector.shape_cast %mul3A_1417 : vector<16xf32> to vector<1x16xf32>
        tpu.vector_store %arg10[%swap3A_1418, %swap3A_1419], %swap3A_1422 {strides = array<i32>} : memref<128x128xf32, #tpu.memory_space<vmem>>, vector<1x16xf32>,
        %slice3A_1423 = vector.extract_strided_slice %get3A_109 {offsets = [14], sizes = [1], strides = [1]} : vector<16xf32> to vector<1xf32>
        %squeeze3A_1424 = vector.extract %slice3A_1423[0] : f32 from vector<1xf32>
        %mul3A_1425 = arith.constant 16 : i32
        %mul3A_1426 = arith.muli %add3A_103, %mul3A_1425 : i32
        %add3A_1427 = arith.constant 14 : i32
        %add3A_1428 = arith.addi %mul3A_1426, %add3A_1427 : i32
        %get3A_1429 = arith.index_cast %add3A_1428 : i32 to index
        %get3A_1430 = arith.constant 0 : index
        %get3A_1431 = tpu.vector_load %arg10[%get3A_1429, %get3A_1430] {strides = array<i32>} : memref<128x128xf32, #tpu.memory_space<vmem>>, vector<1x16xf32>,
        %get3A_1432 = vector.shape_cast %get3A_1431 : vector<1x16xf32> to vector<16xf32>
        %mul3A_1433 = vector.broadcast %squeeze3A_1424 : f32 to vector<16xf32>
        %mul3A_1434 = arith.mulf %get3A_1432, %mul3A_1433 : vector<16xf32>
        %swap3A_1435 = arith.index_cast %add3A_1428 : i32 to index
        %swap3A_1436 = arith.constant 0 : index
        %swap3A_1437 = tpu.vector_load %arg10[%swap3A_1435, %swap3A_1436] {strides = array<i32>} : memref<128x128xf32, #tpu.memory_space<vmem>>, vector<1x16xf32>,
        %swap3A_1438 = vector.shape_cast %swap3A_1437 : vector<1x16xf32> to vector<16xf32>
        %swap3A_1439 = vector.shape_cast %mul3A_1434 : vector<16xf32> to vector<1x16xf32>
        tpu.vector_store %arg10[%swap3A_1435, %swap3A_1436], %swap3A_1439 {strides = array<i32>} : memref<128x128xf32, #tpu.memory_space<vmem>>, vector<1x16xf32>,
        %get3A_1440 = arith.index_cast %add3A_1428 : i32 to index
        %get3A_1441 = arith.constant 16 : index
        %get3A_1442 = tpu.vector_load %arg10[%get3A_1440, %get3A_1441] {strides = array<i32>} : memref<128x128xf32, #tpu.memory_space<vmem>>, vector<1x16xf32>,
        %get3A_1443 = vector.shape_cast %get3A_1442 : vector<1x16xf32> to vector<16xf32>
        %mul3A_1444 = vector.broadcast %squeeze3A_1424 : f32 to vector<16xf32>
        %mul3A_1445 = arith.mulf %get3A_1443, %mul3A_1444 : vector<16xf32>
        %swap3A_1446 = arith.index_cast %add3A_1428 : i32 to index
        %swap3A_1447 = arith.constant 16 : index
        %swap3A_1448 = tpu.vector_load %arg10[%swap3A_1446, %swap3A_1447] {strides = array<i32>} : memref<128x128xf32, #tpu.memory_space<vmem>>, vector<1x16xf32>,
        %swap3A_1449 = vector.shape_cast %swap3A_1448 : vector<1x16xf32> to vector<16xf32>
        %swap3A_1450 = vector.shape_cast %mul3A_1445 : vector<16xf32> to vector<1x16xf32>
        tpu.vector_store %arg10[%swap3A_1446, %swap3A_1447], %swap3A_1450 {strides = array<i32>} : memref<128x128xf32, #tpu.memory_space<vmem>>, vector<1x16xf32>,
        %get3A_1451 = arith.index_cast %add3A_1428 : i32 to index
        %get3A_1452 = arith.constant 32 : index
        %get3A_1453 = tpu.vector_load %arg10[%get3A_1451, %get3A_1452] {strides = array<i32>} : memref<128x128xf32, #tpu.memory_space<vmem>>, vector<1x16xf32>,
        %get3A_1454 = vector.shape_cast %get3A_1453 : vector<1x16xf32> to vector<16xf32>
        %mul3A_1455 = vector.broadcast %squeeze3A_1424 : f32 to vector<16xf32>
        %mul3A_1456 = arith.mulf %get3A_1454, %mul3A_1455 : vector<16xf32>
        %swap3A_1457 = arith.index_cast %add3A_1428 : i32 to index
        %swap3A_1458 = arith.constant 32 : index
        %swap3A_1459 = tpu.vector_load %arg10[%swap3A_1457, %swap3A_1458] {strides = array<i32>} : memref<128x128xf32, #tpu.memory_space<vmem>>, vector<1x16xf32>,
        %swap3A_1460 = vector.shape_cast %swap3A_1459 : vector<1x16xf32> to vector<16xf32>
        %swap3A_1461 = vector.shape_cast %mul3A_1456 : vector<16xf32> to vector<1x16xf32>
        tpu.vector_store %arg10[%swap3A_1457, %swap3A_1458], %swap3A_1461 {strides = array<i32>} : memref<128x128xf32, #tpu.memory_space<vmem>>, vector<1x16xf32>,
        %get3A_1462 = arith.index_cast %add3A_1428 : i32 to index
        %get3A_1463 = arith.constant 48 : index
        %get3A_1464 = tpu.vector_load %arg10[%get3A_1462, %get3A_1463] {strides = array<i32>} : memref<128x128xf32, #tpu.memory_space<vmem>>, vector<1x16xf32>,
        %get3A_1465 = vector.shape_cast %get3A_1464 : vector<1x16xf32> to vector<16xf32>
        %mul3A_1466 = vector.broadcast %squeeze3A_1424 : f32 to vector<16xf32>
        %mul3A_1467 = arith.mulf %get3A_1465, %mul3A_1466 : vector<16xf32>
        %swap3A_1468 = arith.index_cast %add3A_1428 : i32 to index
        %swap3A_1469 = arith.constant 48 : index
        %swap3A_1470 = tpu.vector_load %arg10[%swap3A_1468, %swap3A_1469] {strides = array<i32>} : memref<128x128xf32, #tpu.memory_space<vmem>>, vector<1x16xf32>,
        %swap3A_1471 = vector.shape_cast %swap3A_1470 : vector<1x16xf32> to vector<16xf32>
        %swap3A_1472 = vector.shape_cast %mul3A_1467 : vector<16xf32> to vector<1x16xf32>
        tpu.vector_store %arg10[%swap3A_1468, %swap3A_1469], %swap3A_1472 {strides = array<i32>} : memref<128x128xf32, #tpu.memory_space<vmem>>, vector<1x16xf32>,
        %get3A_1473 = arith.index_cast %add3A_1428 : i32 to index
        %get3A_1474 = arith.constant 64 : index
        %get3A_1475 = tpu.vector_load %arg10[%get3A_1473, %get3A_1474] {strides = array<i32>} : memref<128x128xf32, #tpu.memory_space<vmem>>, vector<1x16xf32>,
        %get3A_1476 = vector.shape_cast %get3A_1475 : vector<1x16xf32> to vector<16xf32>
        %mul3A_1477 = vector.broadcast %squeeze3A_1424 : f32 to vector<16xf32>
        %mul3A_1478 = arith.mulf %get3A_1476, %mul3A_1477 : vector<16xf32>
        %swap3A_1479 = arith.index_cast %add3A_1428 : i32 to index
        %swap3A_1480 = arith.constant 64 : index
        %swap3A_1481 = tpu.vector_load %arg10[%swap3A_1479, %swap3A_1480] {strides = array<i32>} : memref<128x128xf32, #tpu.memory_space<vmem>>, vector<1x16xf32>,
        %swap3A_1482 = vector.shape_cast %swap3A_1481 : vector<1x16xf32> to vector<16xf32>
        %swap3A_1483 = vector.shape_cast %mul3A_1478 : vector<16xf32> to vector<1x16xf32>
        tpu.vector_store %arg10[%swap3A_1479, %swap3A_1480], %swap3A_1483 {strides = array<i32>} : memref<128x128xf32, #tpu.memory_space<vmem>>, vector<1x16xf32>,
        %get3A_1484 = arith.index_cast %add3A_1428 : i32 to index
        %get3A_1485 = arith.constant 80 : index
        %get3A_1486 = tpu.vector_load %arg10[%get3A_1484, %get3A_1485] {strides = array<i32>} : memref<128x128xf32, #tpu.memory_space<vmem>>, vector<1x16xf32>,
        %get3A_1487 = vector.shape_cast %get3A_1486 : vector<1x16xf32> to vector<16xf32>
        %mul3A_1488 = vector.broadcast %squeeze3A_1424 : f32 to vector<16xf32>
        %mul3A_1489 = arith.mulf %get3A_1487, %mul3A_1488 : vector<16xf32>
        %swap3A_1490 = arith.index_cast %add3A_1428 : i32 to index
        %swap3A_1491 = arith.constant 80 : index
        %swap3A_1492 = tpu.vector_load %arg10[%swap3A_1490, %swap3A_1491] {strides = array<i32>} : memref<128x128xf32, #tpu.memory_space<vmem>>, vector<1x16xf32>,
        %swap3A_1493 = vector.shape_cast %swap3A_1492 : vector<1x16xf32> to vector<16xf32>
        %swap3A_1494 = vector.shape_cast %mul3A_1489 : vector<16xf32> to vector<1x16xf32>
        tpu.vector_store %arg10[%swap3A_1490, %swap3A_1491], %swap3A_1494 {strides = array<i32>} : memref<128x128xf32, #tpu.memory_space<vmem>>, vector<1x16xf32>,
        %get3A_1495 = arith.index_cast %add3A_1428 : i32 to index
        %get3A_1496 = arith.constant 96 : index
        %get3A_1497 = tpu.vector_load %arg10[%get3A_1495, %get3A_1496] {strides = array<i32>} : memref<128x128xf32, #tpu.memory_space<vmem>>, vector<1x16xf32>,
        %get3A_1498 = vector.shape_cast %get3A_1497 : vector<1x16xf32> to vector<16xf32>
        %mul3A_1499 = vector.broadcast %squeeze3A_1424 : f32 to vector<16xf32>
        %mul3A_1500 = arith.mulf %get3A_1498, %mul3A_1499 : vector<16xf32>
        %swap3A_1501 = arith.index_cast %add3A_1428 : i32 to index
        %swap3A_1502 = arith.constant 96 : index
        %swap3A_1503 = tpu.vector_load %arg10[%swap3A_1501, %swap3A_1502] {strides = array<i32>} : memref<128x128xf32, #tpu.memory_space<vmem>>, vector<1x16xf32>,
        %swap3A_1504 = vector.shape_cast %swap3A_1503 : vector<1x16xf32> to vector<16xf32>
        %swap3A_1505 = vector.shape_cast %mul3A_1500 : vector<16xf32> to vector<1x16xf32>
        tpu.vector_store %arg10[%swap3A_1501, %swap3A_1502], %swap3A_1505 {strides = array<i32>} : memref<128x128xf32, #tpu.memory_space<vmem>>, vector<1x16xf32>,
        %get3A_1506 = arith.index_cast %add3A_1428 : i32 to index
        %get3A_1507 = arith.constant 112 : index
        %get3A_1508 = tpu.vector_load %arg10[%get3A_1506, %get3A_1507] {strides = array<i32>} : memref<128x128xf32, #tpu.memory_space<vmem>>, vector<1x16xf32>,
        %get3A_1509 = vector.shape_cast %get3A_1508 : vector<1x16xf32> to vector<16xf32>
        %mul3A_1510 = vector.broadcast %squeeze3A_1424 : f32 to vector<16xf32>
        %mul3A_1511 = arith.mulf %get3A_1509, %mul3A_1510 : vector<16xf32>
        %swap3A_1512 = arith.index_cast %add3A_1428 : i32 to index
        %swap3A_1513 = arith.constant 112 : index
        %swap3A_1514 = tpu.vector_load %arg10[%swap3A_1512, %swap3A_1513] {strides = array<i32>} : memref<128x128xf32, #tpu.memory_space<vmem>>, vector<1x16xf32>,
        %swap3A_1515 = vector.shape_cast %swap3A_1514 : vector<1x16xf32> to vector<16xf32>
        %swap3A_1516 = vector.shape_cast %mul3A_1511 : vector<16xf32> to vector<1x16xf32>
        tpu.vector_store %arg10[%swap3A_1512, %swap3A_1513], %swap3A_1516 {strides = array<i32>} : memref<128x128xf32, #tpu.memory_space<vmem>>, vector<1x16xf32>,
        %slice3A_1517 = vector.extract_strided_slice %get3A_109 {offsets = [15], sizes = [1], strides = [1]} : vector<16xf32> to vector<1xf32>
        %squeeze3A_1518 = vector.extract %slice3A_1517[0] : f32 from vector<1xf32>
        %mul3A_1519 = arith.constant 16 : i32
        %mul3A_1520 = arith.muli %add3A_103, %mul3A_1519 : i32
        %add3A_1521 = arith.constant 15 : i32
        %add3A_1522 = arith.addi %mul3A_1520, %add3A_1521 : i32
        %get3A_1523 = arith.index_cast %add3A_1522 : i32 to index
        %get3A_1524 = arith.constant 0 : index
        %get3A_1525 = tpu.vector_load %arg10[%get3A_1523, %get3A_1524] {strides = array<i32>} : memref<128x128xf32, #tpu.memory_space<vmem>>, vector<1x16xf32>,
        %get3A_1526 = vector.shape_cast %get3A_1525 : vector<1x16xf32> to vector<16xf32>
        %mul3A_1527 = vector.broadcast %squeeze3A_1518 : f32 to vector<16xf32>
        %mul3A_1528 = arith.mulf %get3A_1526, %mul3A_1527 : vector<16xf32>
        %swap3A_1529 = arith.index_cast %add3A_1522 : i32 to index
        %swap3A_1530 = arith.constant 0 : index
        %swap3A_1531 = tpu.vector_load %arg10[%swap3A_1529, %swap3A_1530] {strides = array<i32>} : memref<128x128xf32, #tpu.memory_space<vmem>>, vector<1x16xf32>,
        %swap3A_1532 = vector.shape_cast %swap3A_1531 : vector<1x16xf32> to vector<16xf32>
        %swap3A_1533 = vector.shape_cast %mul3A_1528 : vector<16xf32> to vector<1x16xf32>
        tpu.vector_store %arg10[%swap3A_1529, %swap3A_1530], %swap3A_1533 {strides = array<i32>} : memref<128x128xf32, #tpu.memory_space<vmem>>, vector<1x16xf32>,
        %get3A_1534 = arith.index_cast %add3A_1522 : i32 to index
        %get3A_1535 = arith.constant 16 : index
        %get3A_1536 = tpu.vector_load %arg10[%get3A_1534, %get3A_1535] {strides = array<i32>} : memref<128x128xf32, #tpu.memory_space<vmem>>, vector<1x16xf32>,
        %get3A_1537 = vector.shape_cast %get3A_1536 : vector<1x16xf32> to vector<16xf32>
        %mul3A_1538 = vector.broadcast %squeeze3A_1518 : f32 to vector<16xf32>
        %mul3A_1539 = arith.mulf %get3A_1537, %mul3A_1538 : vector<16xf32>
        %swap3A_1540 = arith.index_cast %add3A_1522 : i32 to index
        %swap3A_1541 = arith.constant 16 : index
        %swap3A_1542 = tpu.vector_load %arg10[%swap3A_1540, %swap3A_1541] {strides = array<i32>} : memref<128x128xf32, #tpu.memory_space<vmem>>, vector<1x16xf32>,
        %swap3A_1543 = vector.shape_cast %swap3A_1542 : vector<1x16xf32> to vector<16xf32>
        %swap3A_1544 = vector.shape_cast %mul3A_1539 : vector<16xf32> to vector<1x16xf32>
        tpu.vector_store %arg10[%swap3A_1540, %swap3A_1541], %swap3A_1544 {strides = array<i32>} : memref<128x128xf32, #tpu.memory_space<vmem>>, vector<1x16xf32>,
        %get3A_1545 = arith.index_cast %add3A_1522 : i32 to index
        %get3A_1546 = arith.constant 32 : index
        %get3A_1547 = tpu.vector_load %arg10[%get3A_1545, %get3A_1546] {strides = array<i32>} : memref<128x128xf32, #tpu.memory_space<vmem>>, vector<1x16xf32>,
        %get3A_1548 = vector.shape_cast %get3A_1547 : vector<1x16xf32> to vector<16xf32>
        %mul3A_1549 = vector.broadcast %squeeze3A_1518 : f32 to vector<16xf32>
        %mul3A_1550 = arith.mulf %get3A_1548, %mul3A_1549 : vector<16xf32>
        %swap3A_1551 = arith.index_cast %add3A_1522 : i32 to index
        %swap3A_1552 = arith.constant 32 : index
        %swap3A_1553 = tpu.vector_load %arg10[%swap3A_1551, %swap3A_1552] {strides = array<i32>} : memref<128x128xf32, #tpu.memory_space<vmem>>, vector<1x16xf32>,
        %swap3A_1554 = vector.shape_cast %swap3A_1553 : vector<1x16xf32> to vector<16xf32>
        %swap3A_1555 = vector.shape_cast %mul3A_1550 : vector<16xf32> to vector<1x16xf32>
        tpu.vector_store %arg10[%swap3A_1551, %swap3A_1552], %swap3A_1555 {strides = array<i32>} : memref<128x128xf32, #tpu.memory_space<vmem>>, vector<1x16xf32>,
        %get3A_1556 = arith.index_cast %add3A_1522 : i32 to index
        %get3A_1557 = arith.constant 48 : index
        %get3A_1558 = tpu.vector_load %arg10[%get3A_1556, %get3A_1557] {strides = array<i32>} : memref<128x128xf32, #tpu.memory_space<vmem>>, vector<1x16xf32>,
        %get3A_1559 = vector.shape_cast %get3A_1558 : vector<1x16xf32> to vector<16xf32>
        %mul3A_1560 = vector.broadcast %squeeze3A_1518 : f32 to vector<16xf32>
        %mul3A_1561 = arith.mulf %get3A_1559, %mul3A_1560 : vector<16xf32>
        %swap3A_1562 = arith.index_cast %add3A_1522 : i32 to index
        %swap3A_1563 = arith.constant 48 : index
        %swap3A_1564 = tpu.vector_load %arg10[%swap3A_1562, %swap3A_1563] {strides = array<i32>} : memref<128x128xf32, #tpu.memory_space<vmem>>, vector<1x16xf32>,
        %swap3A_1565 = vector.shape_cast %swap3A_1564 : vector<1x16xf32> to vector<16xf32>
        %swap3A_1566 = vector.shape_cast %mul3A_1561 : vector<16xf32> to vector<1x16xf32>
        tpu.vector_store %arg10[%swap3A_1562, %swap3A_1563], %swap3A_1566 {strides = array<i32>} : memref<128x128xf32, #tpu.memory_space<vmem>>, vector<1x16xf32>,
        %get3A_1567 = arith.index_cast %add3A_1522 : i32 to index
        %get3A_1568 = arith.constant 64 : index
        %get3A_1569 = tpu.vector_load %arg10[%get3A_1567, %get3A_1568] {strides = array<i32>} : memref<128x128xf32, #tpu.memory_space<vmem>>, vector<1x16xf32>,
        %get3A_1570 = vector.shape_cast %get3A_1569 : vector<1x16xf32> to vector<16xf32>
        %mul3A_1571 = vector.broadcast %squeeze3A_1518 : f32 to vector<16xf32>
        %mul3A_1572 = arith.mulf %get3A_1570, %mul3A_1571 : vector<16xf32>
        %swap3A_1573 = arith.index_cast %add3A_1522 : i32 to index
        %swap3A_1574 = arith.constant 64 : index
        %swap3A_1575 = tpu.vector_load %arg10[%swap3A_1573, %swap3A_1574] {strides = array<i32>} : memref<128x128xf32, #tpu.memory_space<vmem>>, vector<1x16xf32>,
        %swap3A_1576 = vector.shape_cast %swap3A_1575 : vector<1x16xf32> to vector<16xf32>
        %swap3A_1577 = vector.shape_cast %mul3A_1572 : vector<16xf32> to vector<1x16xf32>
        tpu.vector_store %arg10[%swap3A_1573, %swap3A_1574], %swap3A_1577 {strides = array<i32>} : memref<128x128xf32, #tpu.memory_space<vmem>>, vector<1x16xf32>,
        %get3A_1578 = arith.index_cast %add3A_1522 : i32 to index
        %get3A_1579 = arith.constant 80 : index
        %get3A_1580 = tpu.vector_load %arg10[%get3A_1578, %get3A_1579] {strides = array<i32>} : memref<128x128xf32, #tpu.memory_space<vmem>>, vector<1x16xf32>,
        %get3A_1581 = vector.shape_cast %get3A_1580 : vector<1x16xf32> to vector<16xf32>
        %mul3A_1582 = vector.broadcast %squeeze3A_1518 : f32 to vector<16xf32>
        %mul3A_1583 = arith.mulf %get3A_1581, %mul3A_1582 : vector<16xf32>
        %swap3A_1584 = arith.index_cast %add3A_1522 : i32 to index
        %swap3A_1585 = arith.constant 80 : index
        %swap3A_1586 = tpu.vector_load %arg10[%swap3A_1584, %swap3A_1585] {strides = array<i32>} : memref<128x128xf32, #tpu.memory_space<vmem>>, vector<1x16xf32>,
        %swap3A_1587 = vector.shape_cast %swap3A_1586 : vector<1x16xf32> to vector<16xf32>
        %swap3A_1588 = vector.shape_cast %mul3A_1583 : vector<16xf32> to vector<1x16xf32>
        tpu.vector_store %arg10[%swap3A_1584, %swap3A_1585], %swap3A_1588 {strides = array<i32>} : memref<128x128xf32, #tpu.memory_space<vmem>>, vector<1x16xf32>,
        %get3A_1589 = arith.index_cast %add3A_1522 : i32 to index
        %get3A_1590 = arith.constant 96 : index
        %get3A_1591 = tpu.vector_load %arg10[%get3A_1589, %get3A_1590] {strides = array<i32>} : memref<128x128xf32, #tpu.memory_space<vmem>>, vector<1x16xf32>,
        %get3A_1592 = vector.shape_cast %get3A_1591 : vector<1x16xf32> to vector<16xf32>
        %mul3A_1593 = vector.broadcast %squeeze3A_1518 : f32 to vector<16xf32>
        %mul3A_1594 = arith.mulf %get3A_1592, %mul3A_1593 : vector<16xf32>
        %swap3A_1595 = arith.index_cast %add3A_1522 : i32 to index
        %swap3A_1596 = arith.constant 96 : index
        %swap3A_1597 = tpu.vector_load %arg10[%swap3A_1595, %swap3A_1596] {strides = array<i32>} : memref<128x128xf32, #tpu.memory_space<vmem>>, vector<1x16xf32>,
        %swap3A_1598 = vector.shape_cast %swap3A_1597 : vector<1x16xf32> to vector<16xf32>
        %swap3A_1599 = vector.shape_cast %mul3A_1594 : vector<16xf32> to vector<1x16xf32>
        tpu.vector_store %arg10[%swap3A_1595, %swap3A_1596], %swap3A_1599 {strides = array<i32>} : memref<128x128xf32, #tpu.memory_space<vmem>>, vector<1x16xf32>,
        %get3A_1600 = arith.index_cast %add3A_1522 : i32 to index
        %get3A_1601 = arith.constant 112 : index
        %get3A_1602 = tpu.vector_load %arg10[%get3A_1600, %get3A_1601] {strides = array<i32>} : memref<128x128xf32, #tpu.memory_space<vmem>>, vector<1x16xf32>,
        %get3A_1603 = vector.shape_cast %get3A_1602 : vector<1x16xf32> to vector<16xf32>
        %mul3A_1604 = vector.broadcast %squeeze3A_1518 : f32 to vector<16xf32>
        %mul3A_1605 = arith.mulf %get3A_1603, %mul3A_1604 : vector<16xf32>
        %swap3A_1606 = arith.index_cast %add3A_1522 : i32 to index
        %swap3A_1607 = arith.constant 112 : index
        %swap3A_1608 = tpu.vector_load %arg10[%swap3A_1606, %swap3A_1607] {strides = array<i32>} : memref<128x128xf32, #tpu.memory_space<vmem>>, vector<1x16xf32>,
        %swap3A_1609 = vector.shape_cast %swap3A_1608 : vector<1x16xf32> to vector<16xf32>
        %swap3A_1610 = vector.shape_cast %mul3A_1605 : vector<16xf32> to vector<1x16xf32>
        tpu.vector_store %arg10[%swap3A_1606, %swap3A_1607], %swap3A_1610 {strides = array<i32>} : memref<128x128xf32, #tpu.memory_space<vmem>>, vector<1x16xf32>,
      }
      %scan3A_53 = arith.constant 8 : i32
      %dma_start3A_54 = arith.constant 0 : i32
      %dma_start3A_55 = arith.constant 1 : i32
      %dma_start3A_56 = arith.constant 0 : i32
      %dma_start3A_57 = tpu.memref_slice %arg8[%dma_start3A_54, %dma_start3A_55, %dma_start3A_56] : memref<2x2x128xi32, #tpu.memory_space<vmem>> -> memref<1x1x128xi32, #tpu.memory_space<vmem>>
      %dma_start3A_58 = tpu.memref_squeeze %dma_start3A_57 : memref<1x1x128xi32, #tpu.memory_space<vmem>> -> memref<128xi32, #tpu.memory_space<vmem>>
      %dma_start3A_59 = arith.constant 0 : i32
      %dma_start3A_60 = arith.constant 0 : i32
      %dma_start3A_61 = tpu.memref_slice %arg7[%dma_start3A_59, %dma_start3A_60] : memref<10112x128xf32, #tpu.memory_space<vmem_shared>> -> memref<10112x128xf32, #tpu.memory_space<vmem_shared>>
      tpu.enqueue_indirect_dma source(%arg10 : memref<128x128xf32, #tpu.memory_space<vmem>>) target(%dma_start3A_61 : memref<10112x128xf32, #tpu.memory_space<vmem_shared>>) offsets(%dma_start3A_58 : memref<128xi32, #tpu.memory_space<vmem>>) semaphore(%arg13 : memref<!tpu.dma_semaphore, #tpu.memory_space<semaphore_mem>>) {add = true}
      %dma_wait3A_62 = arith.constant 1 : i32
      %dma_wait3A_63 = arith.constant 0 : i32
      %dma_wait3A_64 = arith.constant 0 : i32
      %dma_wait3A_65 = tpu.memref_slice %arg8[%dma_wait3A_62, %dma_wait3A_63, %dma_wait3A_64] : memref<2x2x128xi32, #tpu.memory_space<vmem>> -> memref<1x1x128xi32, #tpu.memory_space<vmem>>
      %dma_wait3A_66 = tpu.memref_squeeze %dma_wait3A_65 : memref<1x1x128xi32, #tpu.memory_space<vmem>> -> memref<128xi32, #tpu.memory_space<vmem>>
      %dma_wait3A_67 = arith.constant 0 : i32
      %dma_wait3A_68 = arith.constant 0 : i32
      %dma_wait3A_69 = tpu.memref_slice %arg2[%dma_wait3A_67, %dma_wait3A_68] : memref<20224x128xf32, #tpu.memory_space<hbm>> -> memref<20224x128xf32, #tpu.memory_space<hbm>>
      tpu.wait_indirect_dma semaphore(%arg12 : memref<!tpu.dma_semaphore, #tpu.memory_space<semaphore_mem>>) src(%dma_wait3A_69 : memref<20224x128xf32, #tpu.memory_space<hbm>>) dst(%arg11 : memref<128x128xf32, #tpu.memory_space<vmem>>)
      %scan3A_70 = arith.constant 0 : i32
      %scan3A_71 = arith.constant 8 : i32
      %scan3A_72 = arith.addi %scan3A_70, %scan3A_71 : i32
      %scan3A_73 = arith.constant 1 : i32
      scf.for %scan3A_99 = %scan3A_70 to %scan3A_72 step %scan3A_73  : i32 {
        %mul3A_100 = arith.constant 1 : i32
        %mul3A_101 = arith.muli %scan3A_99, %mul3A_100 : i32
        %add3A_102 = arith.constant 0 : i32
        %add3A_103 = arith.addi %add3A_102, %mul3A_101 : i32
        %mul3A_104 = arith.constant 16 : i32
        %mul3A_105 = arith.muli %add3A_103, %mul3A_104 : i32
        %get3A = arith.constant 1 : i32
        %get3A_106 = arith.index_cast %get3A : i32 to index
        %get3A_107 = arith.index_cast %mul3A_105 : i32 to index
        %get3A_108 = tpu.vector_load %arg9[%get3A_106, %get3A_107] {strides = array<i32>} : memref<2x128xf32, #tpu.memory_space<vmem>>, vector<1x16xf32>,
        %get3A_109 = vector.shape_cast %get3A_108 : vector<1x16xf32> to vector<16xf32>
        %slice3A = vector.extract_strided_slice %get3A_109 {offsets = [0], sizes = [1], strides = [1]} : vector<16xf32> to vector<1xf32>
        %squeeze3A = vector.extract %slice3A[0] : f32 from vector<1xf32>
        %mul3A_110 = arith.constant 16 : i32
        %mul3A_111 = arith.muli %add3A_103, %mul3A_110 : i32
        %add3A_112 = arith.constant 0 : i32
        %add3A_113 = arith.addi %mul3A_111, %add3A_112 : i32
        %get3A_114 = arith.index_cast %add3A_113 : i32 to index
        %get3A_115 = arith.constant 0 : index
        %get3A_116 = tpu.vector_load %arg11[%get3A_114, %get3A_115] {strides = array<i32>} : memref<128x128xf32, #tpu.memory_space<vmem>>, vector<1x16xf32>,
        %get3A_117 = vector.shape_cast %get3A_116 : vector<1x16xf32> to vector<16xf32>
        %mul3A_118 = vector.broadcast %squeeze3A : f32 to vector<16xf32>
        %mul3A_119 = arith.mulf %get3A_117, %mul3A_118 : vector<16xf32>
        %swap3A = arith.index_cast %add3A_113 : i32 to index
        %swap3A_120 = arith.constant 0 : index
        %swap3A_121 = tpu.vector_load %arg11[%swap3A, %swap3A_120] {strides = array<i32>} : memref<128x128xf32, #tpu.memory_space<vmem>>, vector<1x16xf32>,
        %swap3A_122 = vector.shape_cast %swap3A_121 : vector<1x16xf32> to vector<16xf32>
        %swap3A_123 = vector.shape_cast %mul3A_119 : vector<16xf32> to vector<1x16xf32>
        tpu.vector_store %arg11[%swap3A, %swap3A_120], %swap3A_123 {strides = array<i32>} : memref<128x128xf32, #tpu.memory_space<vmem>>, vector<1x16xf32>,
        %get3A_124 = arith.index_cast %add3A_113 : i32 to index
        %get3A_125 = arith.constant 16 : index
        %get3A_126 = tpu.vector_load %arg11[%get3A_124, %get3A_125] {strides = array<i32>} : memref<128x128xf32, #tpu.memory_space<vmem>>, vector<1x16xf32>,
        %get3A_127 = vector.shape_cast %get3A_126 : vector<1x16xf32> to vector<16xf32>
        %mul3A_128 = vector.broadcast %squeeze3A : f32 to vector<16xf32>
        %mul3A_129 = arith.mulf %get3A_127, %mul3A_128 : vector<16xf32>
        %swap3A_130 = arith.index_cast %add3A_113 : i32 to index
        %swap3A_131 = arith.constant 16 : index
        %swap3A_132 = tpu.vector_load %arg11[%swap3A_130, %swap3A_131] {strides = array<i32>} : memref<128x128xf32, #tpu.memory_space<vmem>>, vector<1x16xf32>,
        %swap3A_133 = vector.shape_cast %swap3A_132 : vector<1x16xf32> to vector<16xf32>
        %swap3A_134 = vector.shape_cast %mul3A_129 : vector<16xf32> to vector<1x16xf32>
        tpu.vector_store %arg11[%swap3A_130, %swap3A_131], %swap3A_134 {strides = array<i32>} : memref<128x128xf32, #tpu.memory_space<vmem>>, vector<1x16xf32>,
        %get3A_135 = arith.index_cast %add3A_113 : i32 to index
        %get3A_136 = arith.constant 32 : index
        %get3A_137 = tpu.vector_load %arg11[%get3A_135, %get3A_136] {strides = array<i32>} : memref<128x128xf32, #tpu.memory_space<vmem>>, vector<1x16xf32>,
        %get3A_138 = vector.shape_cast %get3A_137 : vector<1x16xf32> to vector<16xf32>
        %mul3A_139 = vector.broadcast %squeeze3A : f32 to vector<16xf32>
        %mul3A_140 = arith.mulf %get3A_138, %mul3A_139 : vector<16xf32>
        %swap3A_141 = arith.index_cast %add3A_113 : i32 to index
        %swap3A_142 = arith.constant 32 : index
        %swap3A_143 = tpu.vector_load %arg11[%swap3A_141, %swap3A_142] {strides = array<i32>} : memref<128x128xf32, #tpu.memory_space<vmem>>, vector<1x16xf32>,
        %swap3A_144 = vector.shape_cast %swap3A_143 : vector<1x16xf32> to vector<16xf32>
        %swap3A_145 = vector.shape_cast %mul3A_140 : vector<16xf32> to vector<1x16xf32>
        tpu.vector_store %arg11[%swap3A_141, %swap3A_142], %swap3A_145 {strides = array<i32>} : memref<128x128xf32, #tpu.memory_space<vmem>>, vector<1x16xf32>,
        %get3A_146 = arith.index_cast %add3A_113 : i32 to index
        %get3A_147 = arith.constant 48 : index
        %get3A_148 = tpu.vector_load %arg11[%get3A_146, %get3A_147] {strides = array<i32>} : memref<128x128xf32, #tpu.memory_space<vmem>>, vector<1x16xf32>,
        %get3A_149 = vector.shape_cast %get3A_148 : vector<1x16xf32> to vector<16xf32>
        %mul3A_150 = vector.broadcast %squeeze3A : f32 to vector<16xf32>
        %mul3A_151 = arith.mulf %get3A_149, %mul3A_150 : vector<16xf32>
        %swap3A_152 = arith.index_cast %add3A_113 : i32 to index
        %swap3A_153 = arith.constant 48 : index
        %swap3A_154 = tpu.vector_load %arg11[%swap3A_152, %swap3A_153] {strides = array<i32>} : memref<128x128xf32, #tpu.memory_space<vmem>>, vector<1x16xf32>,
        %swap3A_155 = vector.shape_cast %swap3A_154 : vector<1x16xf32> to vector<16xf32>
        %swap3A_156 = vector.shape_cast %mul3A_151 : vector<16xf32> to vector<1x16xf32>
        tpu.vector_store %arg11[%swap3A_152, %swap3A_153], %swap3A_156 {strides = array<i32>} : memref<128x128xf32, #tpu.memory_space<vmem>>, vector<1x16xf32>,
        %get3A_157 = arith.index_cast %add3A_113 : i32 to index
        %get3A_158 = arith.constant 64 : index
        %get3A_159 = tpu.vector_load %arg11[%get3A_157, %get3A_158] {strides = array<i32>} : memref<128x128xf32, #tpu.memory_space<vmem>>, vector<1x16xf32>,
        %get3A_160 = vector.shape_cast %get3A_159 : vector<1x16xf32> to vector<16xf32>
        %mul3A_161 = vector.broadcast %squeeze3A : f32 to vector<16xf32>
        %mul3A_162 = arith.mulf %get3A_160, %mul3A_161 : vector<16xf32>
        %swap3A_163 = arith.index_cast %add3A_113 : i32 to index
        %swap3A_164 = arith.constant 64 : index
        %swap3A_165 = tpu.vector_load %arg11[%swap3A_163, %swap3A_164] {strides = array<i32>} : memref<128x128xf32, #tpu.memory_space<vmem>>, vector<1x16xf32>,
        %swap3A_166 = vector.shape_cast %swap3A_165 : vector<1x16xf32> to vector<16xf32>
        %swap3A_167 = vector.shape_cast %mul3A_162 : vector<16xf32> to vector<1x16xf32>
        tpu.vector_store %arg11[%swap3A_163, %swap3A_164], %swap3A_167 {strides = array<i32>} : memref<128x128xf32, #tpu.memory_space<vmem>>, vector<1x16xf32>,
        %get3A_168 = arith.index_cast %add3A_113 : i32 to index
        %get3A_169 = arith.constant 80 : index
        %get3A_170 = tpu.vector_load %arg11[%get3A_168, %get3A_169] {strides = array<i32>} : memref<128x128xf32, #tpu.memory_space<vmem>>, vector<1x16xf32>,
        %get3A_171 = vector.shape_cast %get3A_170 : vector<1x16xf32> to vector<16xf32>
        %mul3A_172 = vector.broadcast %squeeze3A : f32 to vector<16xf32>
        %mul3A_173 = arith.mulf %get3A_171, %mul3A_172 : vector<16xf32>
        %swap3A_174 = arith.index_cast %add3A_113 : i32 to index
        %swap3A_175 = arith.constant 80 : index
        %swap3A_176 = tpu.vector_load %arg11[%swap3A_174, %swap3A_175] {strides = array<i32>} : memref<128x128xf32, #tpu.memory_space<vmem>>, vector<1x16xf32>,
        %swap3A_177 = vector.shape_cast %swap3A_176 : vector<1x16xf32> to vector<16xf32>
        %swap3A_178 = vector.shape_cast %mul3A_173 : vector<16xf32> to vector<1x16xf32>
        tpu.vector_store %arg11[%swap3A_174, %swap3A_175], %swap3A_178 {strides = array<i32>} : memref<128x128xf32, #tpu.memory_space<vmem>>, vector<1x16xf32>,
        %get3A_179 = arith.index_cast %add3A_113 : i32 to index
        %get3A_180 = arith.constant 96 : index
        %get3A_181 = tpu.vector_load %arg11[%get3A_179, %get3A_180] {strides = array<i32>} : memref<128x128xf32, #tpu.memory_space<vmem>>, vector<1x16xf32>,
        %get3A_182 = vector.shape_cast %get3A_181 : vector<1x16xf32> to vector<16xf32>
        %mul3A_183 = vector.broadcast %squeeze3A : f32 to vector<16xf32>
        %mul3A_184 = arith.mulf %get3A_182, %mul3A_183 : vector<16xf32>
        %swap3A_185 = arith.index_cast %add3A_113 : i32 to index
        %swap3A_186 = arith.constant 96 : index
        %swap3A_187 = tpu.vector_load %arg11[%swap3A_185, %swap3A_186] {strides = array<i32>} : memref<128x128xf32, #tpu.memory_space<vmem>>, vector<1x16xf32>,
        %swap3A_188 = vector.shape_cast %swap3A_187 : vector<1x16xf32> to vector<16xf32>
        %swap3A_189 = vector.shape_cast %mul3A_184 : vector<16xf32> to vector<1x16xf32>
        tpu.vector_store %arg11[%swap3A_185, %swap3A_186], %swap3A_189 {strides = array<i32>} : memref<128x128xf32, #tpu.memory_space<vmem>>, vector<1x16xf32>,
        %get3A_190 = arith.index_cast %add3A_113 : i32 to index
        %get3A_191 = arith.constant 112 : index
        %get3A_192 = tpu.vector_load %arg11[%get3A_190, %get3A_191] {strides = array<i32>} : memref<128x128xf32, #tpu.memory_space<vmem>>, vector<1x16xf32>,
        %get3A_193 = vector.shape_cast %get3A_192 : vector<1x16xf32> to vector<16xf32>
        %mul3A_194 = vector.broadcast %squeeze3A : f32 to vector<16xf32>
        %mul3A_195 = arith.mulf %get3A_193, %mul3A_194 : vector<16xf32>
        %swap3A_196 = arith.index_cast %add3A_113 : i32 to index
        %swap3A_197 = arith.constant 112 : index
        %swap3A_198 = tpu.vector_load %arg11[%swap3A_196, %swap3A_197] {strides = array<i32>} : memref<128x128xf32, #tpu.memory_space<vmem>>, vector<1x16xf32>,
        %swap3A_199 = vector.shape_cast %swap3A_198 : vector<1x16xf32> to vector<16xf32>
        %swap3A_200 = vector.shape_cast %mul3A_195 : vector<16xf32> to vector<1x16xf32>
        tpu.vector_store %arg11[%swap3A_196, %swap3A_197], %swap3A_200 {strides = array<i32>} : memref<128x128xf32, #tpu.memory_space<vmem>>, vector<1x16xf32>,
        %slice3A_201 = vector.extract_strided_slice %get3A_109 {offsets = [1], sizes = [1], strides = [1]} : vector<16xf32> to vector<1xf32>
        %squeeze3A_202 = vector.extract %slice3A_201[0] : f32 from vector<1xf32>
        %mul3A_203 = arith.constant 16 : i32
        %mul3A_204 = arith.muli %add3A_103, %mul3A_203 : i32
        %add3A_205 = arith.constant 1 : i32
        %add3A_206 = arith.addi %mul3A_204, %add3A_205 : i32
        %get3A_207 = arith.index_cast %add3A_206 : i32 to index
        %get3A_208 = arith.constant 0 : index
        %get3A_209 = tpu.vector_load %arg11[%get3A_207, %get3A_208] {strides = array<i32>} : memref<128x128xf32, #tpu.memory_space<vmem>>, vector<1x16xf32>,
        %get3A_210 = vector.shape_cast %get3A_209 : vector<1x16xf32> to vector<16xf32>
        %mul3A_211 = vector.broadcast %squeeze3A_202 : f32 to vector<16xf32>
        %mul3A_212 = arith.mulf %get3A_210, %mul3A_211 : vector<16xf32>
        %swap3A_213 = arith.index_cast %add3A_206 : i32 to index
        %swap3A_214 = arith.constant 0 : index
        %swap3A_215 = tpu.vector_load %arg11[%swap3A_213, %swap3A_214] {strides = array<i32>} : memref<128x128xf32, #tpu.memory_space<vmem>>, vector<1x16xf32>,
        %swap3A_216 = vector.shape_cast %swap3A_215 : vector<1x16xf32> to vector<16xf32>
        %swap3A_217 = vector.shape_cast %mul3A_212 : vector<16xf32> to vector<1x16xf32>
        tpu.vector_store %arg11[%swap3A_213, %swap3A_214], %swap3A_217 {strides = array<i32>} : memref<128x128xf32, #tpu.memory_space<vmem>>, vector<1x16xf32>,
        %get3A_218 = arith.index_cast %add3A_206 : i32 to index
        %get3A_219 = arith.constant 16 : index
        %get3A_220 = tpu.vector_load %arg11[%get3A_218, %get3A_219] {strides = array<i32>} : memref<128x128xf32, #tpu.memory_space<vmem>>, vector<1x16xf32>,
        %get3A_221 = vector.shape_cast %get3A_220 : vector<1x16xf32> to vector<16xf32>
        %mul3A_222 = vector.broadcast %squeeze3A_202 : f32 to vector<16xf32>
        %mul3A_223 = arith.mulf %get3A_221, %mul3A_222 : vector<16xf32>
        %swap3A_224 = arith.index_cast %add3A_206 : i32 to index
        %swap3A_225 = arith.constant 16 : index
        %swap3A_226 = tpu.vector_load %arg11[%swap3A_224, %swap3A_225] {strides = array<i32>} : memref<128x128xf32, #tpu.memory_space<vmem>>, vector<1x16xf32>,
        %swap3A_227 = vector.shape_cast %swap3A_226 : vector<1x16xf32> to vector<16xf32>
        %swap3A_228 = vector.shape_cast %mul3A_223 : vector<16xf32> to vector<1x16xf32>
        tpu.vector_store %arg11[%swap3A_224, %swap3A_225], %swap3A_228 {strides = array<i32>} : memref<128x128xf32, #tpu.memory_space<vmem>>, vector<1x16xf32>,
        %get3A_229 = arith.index_cast %add3A_206 : i32 to index
        %get3A_230 = arith.constant 32 : index
        %get3A_231 = tpu.vector_load %arg11[%get3A_229, %get3A_230] {strides = array<i32>} : memref<128x128xf32, #tpu.memory_space<vmem>>, vector<1x16xf32>,
        %get3A_232 = vector.shape_cast %get3A_231 : vector<1x16xf32> to vector<16xf32>
        %mul3A_233 = vector.broadcast %squeeze3A_202 : f32 to vector<16xf32>
        %mul3A_234 = arith.mulf %get3A_232, %mul3A_233 : vector<16xf32>
        %swap3A_235 = arith.index_cast %add3A_206 : i32 to index
        %swap3A_236 = arith.constant 32 : index
        %swap3A_237 = tpu.vector_load %arg11[%swap3A_235, %swap3A_236] {strides = array<i32>} : memref<128x128xf32, #tpu.memory_space<vmem>>, vector<1x16xf32>,
        %swap3A_238 = vector.shape_cast %swap3A_237 : vector<1x16xf32> to vector<16xf32>
        %swap3A_239 = vector.shape_cast %mul3A_234 : vector<16xf32> to vector<1x16xf32>
        tpu.vector_store %arg11[%swap3A_235, %swap3A_236], %swap3A_239 {strides = array<i32>} : memref<128x128xf32, #tpu.memory_space<vmem>>, vector<1x16xf32>,
        %get3A_240 = arith.index_cast %add3A_206 : i32 to index
        %get3A_241 = arith.constant 48 : index
        %get3A_242 = tpu.vector_load %arg11[%get3A_240, %get3A_241] {strides = array<i32>} : memref<128x128xf32, #tpu.memory_space<vmem>>, vector<1x16xf32>,
        %get3A_243 = vector.shape_cast %get3A_242 : vector<1x16xf32> to vector<16xf32>
        %mul3A_244 = vector.broadcast %squeeze3A_202 : f32 to vector<16xf32>
        %mul3A_245 = arith.mulf %get3A_243, %mul3A_244 : vector<16xf32>
        %swap3A_246 = arith.index_cast %add3A_206 : i32 to index
        %swap3A_247 = arith.constant 48 : index
        %swap3A_248 = tpu.vector_load %arg11[%swap3A_246, %swap3A_247] {strides = array<i32>} : memref<128x128xf32, #tpu.memory_space<vmem>>, vector<1x16xf32>,
        %swap3A_249 = vector.shape_cast %swap3A_248 : vector<1x16xf32> to vector<16xf32>
        %swap3A_250 = vector.shape_cast %mul3A_245 : vector<16xf32> to vector<1x16xf32>
        tpu.vector_store %arg11[%swap3A_246, %swap3A_247], %swap3A_250 {strides = array<i32>} : memref<128x128xf32, #tpu.memory_space<vmem>>, vector<1x16xf32>,
        %get3A_251 = arith.index_cast %add3A_206 : i32 to index
        %get3A_252 = arith.constant 64 : index
        %get3A_253 = tpu.vector_load %arg11[%get3A_251, %get3A_252] {strides = array<i32>} : memref<128x128xf32, #tpu.memory_space<vmem>>, vector<1x16xf32>,
        %get3A_254 = vector.shape_cast %get3A_253 : vector<1x16xf32> to vector<16xf32>
        %mul3A_255 = vector.broadcast %squeeze3A_202 : f32 to vector<16xf32>
        %mul3A_256 = arith.mulf %get3A_254, %mul3A_255 : vector<16xf32>
        %swap3A_257 = arith.index_cast %add3A_206 : i32 to index
        %swap3A_258 = arith.constant 64 : index
        %swap3A_259 = tpu.vector_load %arg11[%swap3A_257, %swap3A_258] {strides = array<i32>} : memref<128x128xf32, #tpu.memory_space<vmem>>, vector<1x16xf32>,
        %swap3A_260 = vector.shape_cast %swap3A_259 : vector<1x16xf32> to vector<16xf32>
        %swap3A_261 = vector.shape_cast %mul3A_256 : vector<16xf32> to vector<1x16xf32>
        tpu.vector_store %arg11[%swap3A_257, %swap3A_258], %swap3A_261 {strides = array<i32>} : memref<128x128xf32, #tpu.memory_space<vmem>>, vector<1x16xf32>,
        %get3A_262 = arith.index_cast %add3A_206 : i32 to index
        %get3A_263 = arith.constant 80 : index
        %get3A_264 = tpu.vector_load %arg11[%get3A_262, %get3A_263] {strides = array<i32>} : memref<128x128xf32, #tpu.memory_space<vmem>>, vector<1x16xf32>,
        %get3A_265 = vector.shape_cast %get3A_264 : vector<1x16xf32> to vector<16xf32>
        %mul3A_266 = vector.broadcast %squeeze3A_202 : f32 to vector<16xf32>
        %mul3A_267 = arith.mulf %get3A_265, %mul3A_266 : vector<16xf32>
        %swap3A_268 = arith.index_cast %add3A_206 : i32 to index
        %swap3A_269 = arith.constant 80 : index
        %swap3A_270 = tpu.vector_load %arg11[%swap3A_268, %swap3A_269] {strides = array<i32>} : memref<128x128xf32, #tpu.memory_space<vmem>>, vector<1x16xf32>,
        %swap3A_271 = vector.shape_cast %swap3A_270 : vector<1x16xf32> to vector<16xf32>
        %swap3A_272 = vector.shape_cast %mul3A_267 : vector<16xf32> to vector<1x16xf32>
        tpu.vector_store %arg11[%swap3A_268, %swap3A_269], %swap3A_272 {strides = array<i32>} : memref<128x128xf32, #tpu.memory_space<vmem>>, vector<1x16xf32>,
        %get3A_273 = arith.index_cast %add3A_206 : i32 to index
        %get3A_274 = arith.constant 96 : index
        %get3A_275 = tpu.vector_load %arg11[%get3A_273, %get3A_274] {strides = array<i32>} : memref<128x128xf32, #tpu.memory_space<vmem>>, vector<1x16xf32>,
        %get3A_276 = vector.shape_cast %get3A_275 : vector<1x16xf32> to vector<16xf32>
        %mul3A_277 = vector.broadcast %squeeze3A_202 : f32 to vector<16xf32>
        %mul3A_278 = arith.mulf %get3A_276, %mul3A_277 : vector<16xf32>
        %swap3A_279 = arith.index_cast %add3A_206 : i32 to index
        %swap3A_280 = arith.constant 96 : index
        %swap3A_281 = tpu.vector_load %arg11[%swap3A_279, %swap3A_280] {strides = array<i32>} : memref<128x128xf32, #tpu.memory_space<vmem>>, vector<1x16xf32>,
        %swap3A_282 = vector.shape_cast %swap3A_281 : vector<1x16xf32> to vector<16xf32>
        %swap3A_283 = vector.shape_cast %mul3A_278 : vector<16xf32> to vector<1x16xf32>
        tpu.vector_store %arg11[%swap3A_279, %swap3A_280], %swap3A_283 {strides = array<i32>} : memref<128x128xf32, #tpu.memory_space<vmem>>, vector<1x16xf32>,
        %get3A_284 = arith.index_cast %add3A_206 : i32 to index
        %get3A_285 = arith.constant 112 : index
        %get3A_286 = tpu.vector_load %arg11[%get3A_284, %get3A_285] {strides = array<i32>} : memref<128x128xf32, #tpu.memory_space<vmem>>, vector<1x16xf32>,
        %get3A_287 = vector.shape_cast %get3A_286 : vector<1x16xf32> to vector<16xf32>
        %mul3A_288 = vector.broadcast %squeeze3A_202 : f32 to vector<16xf32>
        %mul3A_289 = arith.mulf %get3A_287, %mul3A_288 : vector<16xf32>
        %swap3A_290 = arith.index_cast %add3A_206 : i32 to index
        %swap3A_291 = arith.constant 112 : index
        %swap3A_292 = tpu.vector_load %arg11[%swap3A_290, %swap3A_291] {strides = array<i32>} : memref<128x128xf32, #tpu.memory_space<vmem>>, vector<1x16xf32>,
        %swap3A_293 = vector.shape_cast %swap3A_292 : vector<1x16xf32> to vector<16xf32>
        %swap3A_294 = vector.shape_cast %mul3A_289 : vector<16xf32> to vector<1x16xf32>
        tpu.vector_store %arg11[%swap3A_290, %swap3A_291], %swap3A_294 {strides = array<i32>} : memref<128x128xf32, #tpu.memory_space<vmem>>, vector<1x16xf32>,
        %slice3A_295 = vector.extract_strided_slice %get3A_109 {offsets = [2], sizes = [1], strides = [1]} : vector<16xf32> to vector<1xf32>
        %squeeze3A_296 = vector.extract %slice3A_295[0] : f32 from vector<1xf32>
        %mul3A_297 = arith.constant 16 : i32
        %mul3A_298 = arith.muli %add3A_103, %mul3A_297 : i32
        %add3A_299 = arith.constant 2 : i32
        %add3A_300 = arith.addi %mul3A_298, %add3A_299 : i32
        %get3A_301 = arith.index_cast %add3A_300 : i32 to index
        %get3A_302 = arith.constant 0 : index
        %get3A_303 = tpu.vector_load %arg11[%get3A_301, %get3A_302] {strides = array<i32>} : memref<128x128xf32, #tpu.memory_space<vmem>>, vector<1x16xf32>,
        %get3A_304 = vector.shape_cast %get3A_303 : vector<1x16xf32> to vector<16xf32>
        %mul3A_305 = vector.broadcast %squeeze3A_296 : f32 to vector<16xf32>
        %mul3A_306 = arith.mulf %get3A_304, %mul3A_305 : vector<16xf32>
        %swap3A_307 = arith.index_cast %add3A_300 : i32 to index
        %swap3A_308 = arith.constant 0 : index
        %swap3A_309 = tpu.vector_load %arg11[%swap3A_307, %swap3A_308] {strides = array<i32>} : memref<128x128xf32, #tpu.memory_space<vmem>>, vector<1x16xf32>,
        %swap3A_310 = vector.shape_cast %swap3A_309 : vector<1x16xf32> to vector<16xf32>
        %swap3A_311 = vector.shape_cast %mul3A_306 : vector<16xf32> to vector<1x16xf32>
        tpu.vector_store %arg11[%swap3A_307, %swap3A_308], %swap3A_311 {strides = array<i32>} : memref<128x128xf32, #tpu.memory_space<vmem>>, vector<1x16xf32>,
        %get3A_312 = arith.index_cast %add3A_300 : i32 to index
        %get3A_313 = arith.constant 16 : index
        %get3A_314 = tpu.vector_load %arg11[%get3A_312, %get3A_313] {strides = array<i32>} : memref<128x128xf32, #tpu.memory_space<vmem>>, vector<1x16xf32>,
        %get3A_315 = vector.shape_cast %get3A_314 : vector<1x16xf32> to vector<16xf32>
        %mul3A_316 = vector.broadcast %squeeze3A_296 : f32 to vector<16xf32>
        %mul3A_317 = arith.mulf %get3A_315, %mul3A_316 : vector<16xf32>
        %swap3A_318 = arith.index_cast %add3A_300 : i32 to index
        %swap3A_319 = arith.constant 16 : index
        %swap3A_320 = tpu.vector_load %arg11[%swap3A_318, %swap3A_319] {strides = array<i32>} : memref<128x128xf32, #tpu.memory_space<vmem>>, vector<1x16xf32>,
        %swap3A_321 = vector.shape_cast %swap3A_320 : vector<1x16xf32> to vector<16xf32>
        %swap3A_322 = vector.shape_cast %mul3A_317 : vector<16xf32> to vector<1x16xf32>
        tpu.vector_store %arg11[%swap3A_318, %swap3A_319], %swap3A_322 {strides = array<i32>} : memref<128x128xf32, #tpu.memory_space<vmem>>, vector<1x16xf32>,
        %get3A_323 = arith.index_cast %add3A_300 : i32 to index
        %get3A_324 = arith.constant 32 : index
        %get3A_325 = tpu.vector_load %arg11[%get3A_323, %get3A_324] {strides = array<i32>} : memref<128x128xf32, #tpu.memory_space<vmem>>, vector<1x16xf32>,
        %get3A_326 = vector.shape_cast %get3A_325 : vector<1x16xf32> to vector<16xf32>
        %mul3A_327 = vector.broadcast %squeeze3A_296 : f32 to vector<16xf32>
        %mul3A_328 = arith.mulf %get3A_326, %mul3A_327 : vector<16xf32>
        %swap3A_329 = arith.index_cast %add3A_300 : i32 to index
        %swap3A_330 = arith.constant 32 : index
        %swap3A_331 = tpu.vector_load %arg11[%swap3A_329, %swap3A_330] {strides = array<i32>} : memref<128x128xf32, #tpu.memory_space<vmem>>, vector<1x16xf32>,
        %swap3A_332 = vector.shape_cast %swap3A_331 : vector<1x16xf32> to vector<16xf32>
        %swap3A_333 = vector.shape_cast %mul3A_328 : vector<16xf32> to vector<1x16xf32>
        tpu.vector_store %arg11[%swap3A_329, %swap3A_330], %swap3A_333 {strides = array<i32>} : memref<128x128xf32, #tpu.memory_space<vmem>>, vector<1x16xf32>,
        %get3A_334 = arith.index_cast %add3A_300 : i32 to index
        %get3A_335 = arith.constant 48 : index
        %get3A_336 = tpu.vector_load %arg11[%get3A_334, %get3A_335] {strides = array<i32>} : memref<128x128xf32, #tpu.memory_space<vmem>>, vector<1x16xf32>,
        %get3A_337 = vector.shape_cast %get3A_336 : vector<1x16xf32> to vector<16xf32>
        %mul3A_338 = vector.broadcast %squeeze3A_296 : f32 to vector<16xf32>
        %mul3A_339 = arith.mulf %get3A_337, %mul3A_338 : vector<16xf32>
        %swap3A_340 = arith.index_cast %add3A_300 : i32 to index
        %swap3A_341 = arith.constant 48 : index
        %swap3A_342 = tpu.vector_load %arg11[%swap3A_340, %swap3A_341] {strides = array<i32>} : memref<128x128xf32, #tpu.memory_space<vmem>>, vector<1x16xf32>,
        %swap3A_343 = vector.shape_cast %swap3A_342 : vector<1x16xf32> to vector<16xf32>
        %swap3A_344 = vector.shape_cast %mul3A_339 : vector<16xf32> to vector<1x16xf32>
        tpu.vector_store %arg11[%swap3A_340, %swap3A_341], %swap3A_344 {strides = array<i32>} : memref<128x128xf32, #tpu.memory_space<vmem>>, vector<1x16xf32>,
        %get3A_345 = arith.index_cast %add3A_300 : i32 to index
        %get3A_346 = arith.constant 64 : index
        %get3A_347 = tpu.vector_load %arg11[%get3A_345, %get3A_346] {strides = array<i32>} : memref<128x128xf32, #tpu.memory_space<vmem>>, vector<1x16xf32>,
        %get3A_348 = vector.shape_cast %get3A_347 : vector<1x16xf32> to vector<16xf32>
        %mul3A_349 = vector.broadcast %squeeze3A_296 : f32 to vector<16xf32>
        %mul3A_350 = arith.mulf %get3A_348, %mul3A_349 : vector<16xf32>
        %swap3A_351 = arith.index_cast %add3A_300 : i32 to index
        %swap3A_352 = arith.constant 64 : index
        %swap3A_353 = tpu.vector_load %arg11[%swap3A_351, %swap3A_352] {strides = array<i32>} : memref<128x128xf32, #tpu.memory_space<vmem>>, vector<1x16xf32>,
        %swap3A_354 = vector.shape_cast %swap3A_353 : vector<1x16xf32> to vector<16xf32>
        %swap3A_355 = vector.shape_cast %mul3A_350 : vector<16xf32> to vector<1x16xf32>
        tpu.vector_store %arg11[%swap3A_351, %swap3A_352], %swap3A_355 {strides = array<i32>} : memref<128x128xf32, #tpu.memory_space<vmem>>, vector<1x16xf32>,
        %get3A_356 = arith.index_cast %add3A_300 : i32 to index
        %get3A_357 = arith.constant 80 : index
        %get3A_358 = tpu.vector_load %arg11[%get3A_356, %get3A_357] {strides = array<i32>} : memref<128x128xf32, #tpu.memory_space<vmem>>, vector<1x16xf32>,
        %get3A_359 = vector.shape_cast %get3A_358 : vector<1x16xf32> to vector<16xf32>
        %mul3A_360 = vector.broadcast %squeeze3A_296 : f32 to vector<16xf32>
        %mul3A_361 = arith.mulf %get3A_359, %mul3A_360 : vector<16xf32>
        %swap3A_362 = arith.index_cast %add3A_300 : i32 to index
        %swap3A_363 = arith.constant 80 : index
        %swap3A_364 = tpu.vector_load %arg11[%swap3A_362, %swap3A_363] {strides = array<i32>} : memref<128x128xf32, #tpu.memory_space<vmem>>, vector<1x16xf32>,
        %swap3A_365 = vector.shape_cast %swap3A_364 : vector<1x16xf32> to vector<16xf32>
        %swap3A_366 = vector.shape_cast %mul3A_361 : vector<16xf32> to vector<1x16xf32>
        tpu.vector_store %arg11[%swap3A_362, %swap3A_363], %swap3A_366 {strides = array<i32>} : memref<128x128xf32, #tpu.memory_space<vmem>>, vector<1x16xf32>,
        %get3A_367 = arith.index_cast %add3A_300 : i32 to index
        %get3A_368 = arith.constant 96 : index
        %get3A_369 = tpu.vector_load %arg11[%get3A_367, %get3A_368] {strides = array<i32>} : memref<128x128xf32, #tpu.memory_space<vmem>>, vector<1x16xf32>,
        %get3A_370 = vector.shape_cast %get3A_369 : vector<1x16xf32> to vector<16xf32>
        %mul3A_371 = vector.broadcast %squeeze3A_296 : f32 to vector<16xf32>
        %mul3A_372 = arith.mulf %get3A_370, %mul3A_371 : vector<16xf32>
        %swap3A_373 = arith.index_cast %add3A_300 : i32 to index
        %swap3A_374 = arith.constant 96 : index
        %swap3A_375 = tpu.vector_load %arg11[%swap3A_373, %swap3A_374] {strides = array<i32>} : memref<128x128xf32, #tpu.memory_space<vmem>>, vector<1x16xf32>,
        %swap3A_376 = vector.shape_cast %swap3A_375 : vector<1x16xf32> to vector<16xf32>
        %swap3A_377 = vector.shape_cast %mul3A_372 : vector<16xf32> to vector<1x16xf32>
        tpu.vector_store %arg11[%swap3A_373, %swap3A_374], %swap3A_377 {strides = array<i32>} : memref<128x128xf32, #tpu.memory_space<vmem>>, vector<1x16xf32>,
        %get3A_378 = arith.index_cast %add3A_300 : i32 to index
        %get3A_379 = arith.constant 112 : index
        %get3A_380 = tpu.vector_load %arg11[%get3A_378, %get3A_379] {strides = array<i32>} : memref<128x128xf32, #tpu.memory_space<vmem>>, vector<1x16xf32>,
        %get3A_381 = vector.shape_cast %get3A_380 : vector<1x16xf32> to vector<16xf32>
        %mul3A_382 = vector.broadcast %squeeze3A_296 : f32 to vector<16xf32>
        %mul3A_383 = arith.mulf %get3A_381, %mul3A_382 : vector<16xf32>
        %swap3A_384 = arith.index_cast %add3A_300 : i32 to index
        %swap3A_385 = arith.constant 112 : index
        %swap3A_386 = tpu.vector_load %arg11[%swap3A_384, %swap3A_385] {strides = array<i32>} : memref<128x128xf32, #tpu.memory_space<vmem>>, vector<1x16xf32>,
        %swap3A_387 = vector.shape_cast %swap3A_386 : vector<1x16xf32> to vector<16xf32>
        %swap3A_388 = vector.shape_cast %mul3A_383 : vector<16xf32> to vector<1x16xf32>
        tpu.vector_store %arg11[%swap3A_384, %swap3A_385], %swap3A_388 {strides = array<i32>} : memref<128x128xf32, #tpu.memory_space<vmem>>, vector<1x16xf32>,
        %slice3A_389 = vector.extract_strided_slice %get3A_109 {offsets = [3], sizes = [1], strides = [1]} : vector<16xf32> to vector<1xf32>
        %squeeze3A_390 = vector.extract %slice3A_389[0] : f32 from vector<1xf32>
        %mul3A_391 = arith.constant 16 : i32
        %mul3A_392 = arith.muli %add3A_103, %mul3A_391 : i32
        %add3A_393 = arith.constant 3 : i32
        %add3A_394 = arith.addi %mul3A_392, %add3A_393 : i32
        %get3A_395 = arith.index_cast %add3A_394 : i32 to index
        %get3A_396 = arith.constant 0 : index
        %get3A_397 = tpu.vector_load %arg11[%get3A_395, %get3A_396] {strides = array<i32>} : memref<128x128xf32, #tpu.memory_space<vmem>>, vector<1x16xf32>,
        %get3A_398 = vector.shape_cast %get3A_397 : vector<1x16xf32> to vector<16xf32>
        %mul3A_399 = vector.broadcast %squeeze3A_390 : f32 to vector<16xf32>
        %mul3A_400 = arith.mulf %get3A_398, %mul3A_399 : vector<16xf32>
        %swap3A_401 = arith.index_cast %add3A_394 : i32 to index
        %swap3A_402 = arith.constant 0 : index
        %swap3A_403 = tpu.vector_load %arg11[%swap3A_401, %swap3A_402] {strides = array<i32>} : memref<128x128xf32, #tpu.memory_space<vmem>>, vector<1x16xf32>,
        %swap3A_404 = vector.shape_cast %swap3A_403 : vector<1x16xf32> to vector<16xf32>
        %swap3A_405 = vector.shape_cast %mul3A_400 : vector<16xf32> to vector<1x16xf32>
        tpu.vector_store %arg11[%swap3A_401, %swap3A_402], %swap3A_405 {strides = array<i32>} : memref<128x128xf32, #tpu.memory_space<vmem>>, vector<1x16xf32>,
        %get3A_406 = arith.index_cast %add3A_394 : i32 to index
        %get3A_407 = arith.constant 16 : index
        %get3A_408 = tpu.vector_load %arg11[%get3A_406, %get3A_407] {strides = array<i32>} : memref<128x128xf32, #tpu.memory_space<vmem>>, vector<1x16xf32>,
        %get3A_409 = vector.shape_cast %get3A_408 : vector<1x16xf32> to vector<16xf32>
        %mul3A_410 = vector.broadcast %squeeze3A_390 : f32 to vector<16xf32>
        %mul3A_411 = arith.mulf %get3A_409, %mul3A_410 : vector<16xf32>
        %swap3A_412 = arith.index_cast %add3A_394 : i32 to index
        %swap3A_413 = arith.constant 16 : index
        %swap3A_414 = tpu.vector_load %arg11[%swap3A_412, %swap3A_413] {strides = array<i32>} : memref<128x128xf32, #tpu.memory_space<vmem>>, vector<1x16xf32>,
        %swap3A_415 = vector.shape_cast %swap3A_414 : vector<1x16xf32> to vector<16xf32>
        %swap3A_416 = vector.shape_cast %mul3A_411 : vector<16xf32> to vector<1x16xf32>
        tpu.vector_store %arg11[%swap3A_412, %swap3A_413], %swap3A_416 {strides = array<i32>} : memref<128x128xf32, #tpu.memory_space<vmem>>, vector<1x16xf32>,
        %get3A_417 = arith.index_cast %add3A_394 : i32 to index
        %get3A_418 = arith.constant 32 : index
        %get3A_419 = tpu.vector_load %arg11[%get3A_417, %get3A_418] {strides = array<i32>} : memref<128x128xf32, #tpu.memory_space<vmem>>, vector<1x16xf32>,
        %get3A_420 = vector.shape_cast %get3A_419 : vector<1x16xf32> to vector<16xf32>
        %mul3A_421 = vector.broadcast %squeeze3A_390 : f32 to vector<16xf32>
        %mul3A_422 = arith.mulf %get3A_420, %mul3A_421 : vector<16xf32>
        %swap3A_423 = arith.index_cast %add3A_394 : i32 to index
        %swap3A_424 = arith.constant 32 : index
        %swap3A_425 = tpu.vector_load %arg11[%swap3A_423, %swap3A_424] {strides = array<i32>} : memref<128x128xf32, #tpu.memory_space<vmem>>, vector<1x16xf32>,
        %swap3A_426 = vector.shape_cast %swap3A_425 : vector<1x16xf32> to vector<16xf32>
        %swap3A_427 = vector.shape_cast %mul3A_422 : vector<16xf32> to vector<1x16xf32>
        tpu.vector_store %arg11[%swap3A_423, %swap3A_424], %swap3A_427 {strides = array<i32>} : memref<128x128xf32, #tpu.memory_space<vmem>>, vector<1x16xf32>,
        %get3A_428 = arith.index_cast %add3A_394 : i32 to index
        %get3A_429 = arith.constant 48 : index
        %get3A_430 = tpu.vector_load %arg11[%get3A_428, %get3A_429] {strides = array<i32>} : memref<128x128xf32, #tpu.memory_space<vmem>>, vector<1x16xf32>,
        %get3A_431 = vector.shape_cast %get3A_430 : vector<1x16xf32> to vector<16xf32>
        %mul3A_432 = vector.broadcast %squeeze3A_390 : f32 to vector<16xf32>
        %mul3A_433 = arith.mulf %get3A_431, %mul3A_432 : vector<16xf32>
        %swap3A_434 = arith.index_cast %add3A_394 : i32 to index
        %swap3A_435 = arith.constant 48 : index
        %swap3A_436 = tpu.vector_load %arg11[%swap3A_434, %swap3A_435] {strides = array<i32>} : memref<128x128xf32, #tpu.memory_space<vmem>>, vector<1x16xf32>,
        %swap3A_437 = vector.shape_cast %swap3A_436 : vector<1x16xf32> to vector<16xf32>
        %swap3A_438 = vector.shape_cast %mul3A_433 : vector<16xf32> to vector<1x16xf32>
        tpu.vector_store %arg11[%swap3A_434, %swap3A_435], %swap3A_438 {strides = array<i32>} : memref<128x128xf32, #tpu.memory_space<vmem>>, vector<1x16xf32>,
        %get3A_439 = arith.index_cast %add3A_394 : i32 to index
        %get3A_440 = arith.constant 64 : index
        %get3A_441 = tpu.vector_load %arg11[%get3A_439, %get3A_440] {strides = array<i32>} : memref<128x128xf32, #tpu.memory_space<vmem>>, vector<1x16xf32>,
        %get3A_442 = vector.shape_cast %get3A_441 : vector<1x16xf32> to vector<16xf32>
        %mul3A_443 = vector.broadcast %squeeze3A_390 : f32 to vector<16xf32>
        %mul3A_444 = arith.mulf %get3A_442, %mul3A_443 : vector<16xf32>
        %swap3A_445 = arith.index_cast %add3A_394 : i32 to index
        %swap3A_446 = arith.constant 64 : index
        %swap3A_447 = tpu.vector_load %arg11[%swap3A_445, %swap3A_446] {strides = array<i32>} : memref<128x128xf32, #tpu.memory_space<vmem>>, vector<1x16xf32>,
        %swap3A_448 = vector.shape_cast %swap3A_447 : vector<1x16xf32> to vector<16xf32>
        %swap3A_449 = vector.shape_cast %mul3A_444 : vector<16xf32> to vector<1x16xf32>
        tpu.vector_store %arg11[%swap3A_445, %swap3A_446], %swap3A_449 {strides = array<i32>} : memref<128x128xf32, #tpu.memory_space<vmem>>, vector<1x16xf32>,
        %get3A_450 = arith.index_cast %add3A_394 : i32 to index
        %get3A_451 = arith.constant 80 : index
        %get3A_452 = tpu.vector_load %arg11[%get3A_450, %get3A_451] {strides = array<i32>} : memref<128x128xf32, #tpu.memory_space<vmem>>, vector<1x16xf32>,
        %get3A_453 = vector.shape_cast %get3A_452 : vector<1x16xf32> to vector<16xf32>
        %mul3A_454 = vector.broadcast %squeeze3A_390 : f32 to vector<16xf32>
        %mul3A_455 = arith.mulf %get3A_453, %mul3A_454 : vector<16xf32>
        %swap3A_456 = arith.index_cast %add3A_394 : i32 to index
        %swap3A_457 = arith.constant 80 : index
        %swap3A_458 = tpu.vector_load %arg11[%swap3A_456, %swap3A_457] {strides = array<i32>} : memref<128x128xf32, #tpu.memory_space<vmem>>, vector<1x16xf32>,
        %swap3A_459 = vector.shape_cast %swap3A_458 : vector<1x16xf32> to vector<16xf32>
        %swap3A_460 = vector.shape_cast %mul3A_455 : vector<16xf32> to vector<1x16xf32>
        tpu.vector_store %arg11[%swap3A_456, %swap3A_457], %swap3A_460 {strides = array<i32>} : memref<128x128xf32, #tpu.memory_space<vmem>>, vector<1x16xf32>,
        %get3A_461 = arith.index_cast %add3A_394 : i32 to index
        %get3A_462 = arith.constant 96 : index
        %get3A_463 = tpu.vector_load %arg11[%get3A_461, %get3A_462] {strides = array<i32>} : memref<128x128xf32, #tpu.memory_space<vmem>>, vector<1x16xf32>,
        %get3A_464 = vector.shape_cast %get3A_463 : vector<1x16xf32> to vector<16xf32>
        %mul3A_465 = vector.broadcast %squeeze3A_390 : f32 to vector<16xf32>
        %mul3A_466 = arith.mulf %get3A_464, %mul3A_465 : vector<16xf32>
        %swap3A_467 = arith.index_cast %add3A_394 : i32 to index
        %swap3A_468 = arith.constant 96 : index
        %swap3A_469 = tpu.vector_load %arg11[%swap3A_467, %swap3A_468] {strides = array<i32>} : memref<128x128xf32, #tpu.memory_space<vmem>>, vector<1x16xf32>,
        %swap3A_470 = vector.shape_cast %swap3A_469 : vector<1x16xf32> to vector<16xf32>
        %swap3A_471 = vector.shape_cast %mul3A_466 : vector<16xf32> to vector<1x16xf32>
        tpu.vector_store %arg11[%swap3A_467, %swap3A_468], %swap3A_471 {strides = array<i32>} : memref<128x128xf32, #tpu.memory_space<vmem>>, vector<1x16xf32>,
        %get3A_472 = arith.index_cast %add3A_394 : i32 to index
        %get3A_473 = arith.constant 112 : index
        %get3A_474 = tpu.vector_load %arg11[%get3A_472, %get3A_473] {strides = array<i32>} : memref<128x128xf32, #tpu.memory_space<vmem>>, vector<1x16xf32>,
        %get3A_475 = vector.shape_cast %get3A_474 : vector<1x16xf32> to vector<16xf32>
        %mul3A_476 = vector.broadcast %squeeze3A_390 : f32 to vector<16xf32>
        %mul3A_477 = arith.mulf %get3A_475, %mul3A_476 : vector<16xf32>
        %swap3A_478 = arith.index_cast %add3A_394 : i32 to index
        %swap3A_479 = arith.constant 112 : index
        %swap3A_480 = tpu.vector_load %arg11[%swap3A_478, %swap3A_479] {strides = array<i32>} : memref<128x128xf32, #tpu.memory_space<vmem>>, vector<1x16xf32>,
        %swap3A_481 = vector.shape_cast %swap3A_480 : vector<1x16xf32> to vector<16xf32>
        %swap3A_482 = vector.shape_cast %mul3A_477 : vector<16xf32> to vector<1x16xf32>
        tpu.vector_store %arg11[%swap3A_478, %swap3A_479], %swap3A_482 {strides = array<i32>} : memref<128x128xf32, #tpu.memory_space<vmem>>, vector<1x16xf32>,
        %slice3A_483 = vector.extract_strided_slice %get3A_109 {offsets = [4], sizes = [1], strides = [1]} : vector<16xf32> to vector<1xf32>
        %squeeze3A_484 = vector.extract %slice3A_483[0] : f32 from vector<1xf32>
        %mul3A_485 = arith.constant 16 : i32
        %mul3A_486 = arith.muli %add3A_103, %mul3A_485 : i32
        %add3A_487 = arith.constant 4 : i32
        %add3A_488 = arith.addi %mul3A_486, %add3A_487 : i32
        %get3A_489 = arith.index_cast %add3A_488 : i32 to index
        %get3A_490 = arith.constant 0 : index
        %get3A_491 = tpu.vector_load %arg11[%get3A_489, %get3A_490] {strides = array<i32>} : memref<128x128xf32, #tpu.memory_space<vmem>>, vector<1x16xf32>,
        %get3A_492 = vector.shape_cast %get3A_491 : vector<1x16xf32> to vector<16xf32>
        %mul3A_493 = vector.broadcast %squeeze3A_484 : f32 to vector<16xf32>
        %mul3A_494 = arith.mulf %get3A_492, %mul3A_493 : vector<16xf32>
        %swap3A_495 = arith.index_cast %add3A_488 : i32 to index
        %swap3A_496 = arith.constant 0 : index
        %swap3A_497 = tpu.vector_load %arg11[%swap3A_495, %swap3A_496] {strides = array<i32>} : memref<128x128xf32, #tpu.memory_space<vmem>>, vector<1x16xf32>,
        %swap3A_498 = vector.shape_cast %swap3A_497 : vector<1x16xf32> to vector<16xf32>
        %swap3A_499 = vector.shape_cast %mul3A_494 : vector<16xf32> to vector<1x16xf32>
        tpu.vector_store %arg11[%swap3A_495, %swap3A_496], %swap3A_499 {strides = array<i32>} : memref<128x128xf32, #tpu.memory_space<vmem>>, vector<1x16xf32>,
        %get3A_500 = arith.index_cast %add3A_488 : i32 to index
        %get3A_501 = arith.constant 16 : index
        %get3A_502 = tpu.vector_load %arg11[%get3A_500, %get3A_501] {strides = array<i32>} : memref<128x128xf32, #tpu.memory_space<vmem>>, vector<1x16xf32>,
        %get3A_503 = vector.shape_cast %get3A_502 : vector<1x16xf32> to vector<16xf32>
        %mul3A_504 = vector.broadcast %squeeze3A_484 : f32 to vector<16xf32>
        %mul3A_505 = arith.mulf %get3A_503, %mul3A_504 : vector<16xf32>
        %swap3A_506 = arith.index_cast %add3A_488 : i32 to index
        %swap3A_507 = arith.constant 16 : index
        %swap3A_508 = tpu.vector_load %arg11[%swap3A_506, %swap3A_507] {strides = array<i32>} : memref<128x128xf32, #tpu.memory_space<vmem>>, vector<1x16xf32>,
        %swap3A_509 = vector.shape_cast %swap3A_508 : vector<1x16xf32> to vector<16xf32>
        %swap3A_510 = vector.shape_cast %mul3A_505 : vector<16xf32> to vector<1x16xf32>
        tpu.vector_store %arg11[%swap3A_506, %swap3A_507], %swap3A_510 {strides = array<i32>} : memref<128x128xf32, #tpu.memory_space<vmem>>, vector<1x16xf32>,
        %get3A_511 = arith.index_cast %add3A_488 : i32 to index
        %get3A_512 = arith.constant 32 : index
        %get3A_513 = tpu.vector_load %arg11[%get3A_511, %get3A_512] {strides = array<i32>} : memref<128x128xf32, #tpu.memory_space<vmem>>, vector<1x16xf32>,
        %get3A_514 = vector.shape_cast %get3A_513 : vector<1x16xf32> to vector<16xf32>
        %mul3A_515 = vector.broadcast %squeeze3A_484 : f32 to vector<16xf32>
        %mul3A_516 = arith.mulf %get3A_514, %mul3A_515 : vector<16xf32>
        %swap3A_517 = arith.index_cast %add3A_488 : i32 to index
        %swap3A_518 = arith.constant 32 : index
        %swap3A_519 = tpu.vector_load %arg11[%swap3A_517, %swap3A_518] {strides = array<i32>} : memref<128x128xf32, #tpu.memory_space<vmem>>, vector<1x16xf32>,
        %swap3A_520 = vector.shape_cast %swap3A_519 : vector<1x16xf32> to vector<16xf32>
        %swap3A_521 = vector.shape_cast %mul3A_516 : vector<16xf32> to vector<1x16xf32>
        tpu.vector_store %arg11[%swap3A_517, %swap3A_518], %swap3A_521 {strides = array<i32>} : memref<128x128xf32, #tpu.memory_space<vmem>>, vector<1x16xf32>,
        %get3A_522 = arith.index_cast %add3A_488 : i32 to index
        %get3A_523 = arith.constant 48 : index
        %get3A_524 = tpu.vector_load %arg11[%get3A_522, %get3A_523] {strides = array<i32>} : memref<128x128xf32, #tpu.memory_space<vmem>>, vector<1x16xf32>,
        %get3A_525 = vector.shape_cast %get3A_524 : vector<1x16xf32> to vector<16xf32>
        %mul3A_526 = vector.broadcast %squeeze3A_484 : f32 to vector<16xf32>
        %mul3A_527 = arith.mulf %get3A_525, %mul3A_526 : vector<16xf32>
        %swap3A_528 = arith.index_cast %add3A_488 : i32 to index
        %swap3A_529 = arith.constant 48 : index
        %swap3A_530 = tpu.vector_load %arg11[%swap3A_528, %swap3A_529] {strides = array<i32>} : memref<128x128xf32, #tpu.memory_space<vmem>>, vector<1x16xf32>,
        %swap3A_531 = vector.shape_cast %swap3A_530 : vector<1x16xf32> to vector<16xf32>
        %swap3A_532 = vector.shape_cast %mul3A_527 : vector<16xf32> to vector<1x16xf32>
        tpu.vector_store %arg11[%swap3A_528, %swap3A_529], %swap3A_532 {strides = array<i32>} : memref<128x128xf32, #tpu.memory_space<vmem>>, vector<1x16xf32>,
        %get3A_533 = arith.index_cast %add3A_488 : i32 to index
        %get3A_534 = arith.constant 64 : index
        %get3A_535 = tpu.vector_load %arg11[%get3A_533, %get3A_534] {strides = array<i32>} : memref<128x128xf32, #tpu.memory_space<vmem>>, vector<1x16xf32>,
        %get3A_536 = vector.shape_cast %get3A_535 : vector<1x16xf32> to vector<16xf32>
        %mul3A_537 = vector.broadcast %squeeze3A_484 : f32 to vector<16xf32>
        %mul3A_538 = arith.mulf %get3A_536, %mul3A_537 : vector<16xf32>
        %swap3A_539 = arith.index_cast %add3A_488 : i32 to index
        %swap3A_540 = arith.constant 64 : index
        %swap3A_541 = tpu.vector_load %arg11[%swap3A_539, %swap3A_540] {strides = array<i32>} : memref<128x128xf32, #tpu.memory_space<vmem>>, vector<1x16xf32>,
        %swap3A_542 = vector.shape_cast %swap3A_541 : vector<1x16xf32> to vector<16xf32>
        %swap3A_543 = vector.shape_cast %mul3A_538 : vector<16xf32> to vector<1x16xf32>
        tpu.vector_store %arg11[%swap3A_539, %swap3A_540], %swap3A_543 {strides = array<i32>} : memref<128x128xf32, #tpu.memory_space<vmem>>, vector<1x16xf32>,
        %get3A_544 = arith.index_cast %add3A_488 : i32 to index
        %get3A_545 = arith.constant 80 : index
        %get3A_546 = tpu.vector_load %arg11[%get3A_544, %get3A_545] {strides = array<i32>} : memref<128x128xf32, #tpu.memory_space<vmem>>, vector<1x16xf32>,
        %get3A_547 = vector.shape_cast %get3A_546 : vector<1x16xf32> to vector<16xf32>
        %mul3A_548 = vector.broadcast %squeeze3A_484 : f32 to vector<16xf32>
        %mul3A_549 = arith.mulf %get3A_547, %mul3A_548 : vector<16xf32>
        %swap3A_550 = arith.index_cast %add3A_488 : i32 to index
        %swap3A_551 = arith.constant 80 : index
        %swap3A_552 = tpu.vector_load %arg11[%swap3A_550, %swap3A_551] {strides = array<i32>} : memref<128x128xf32, #tpu.memory_space<vmem>>, vector<1x16xf32>,
        %swap3A_553 = vector.shape_cast %swap3A_552 : vector<1x16xf32> to vector<16xf32>
        %swap3A_554 = vector.shape_cast %mul3A_549 : vector<16xf32> to vector<1x16xf32>
        tpu.vector_store %arg11[%swap3A_550, %swap3A_551], %swap3A_554 {strides = array<i32>} : memref<128x128xf32, #tpu.memory_space<vmem>>, vector<1x16xf32>,
        %get3A_555 = arith.index_cast %add3A_488 : i32 to index
        %get3A_556 = arith.constant 96 : index
        %get3A_557 = tpu.vector_load %arg11[%get3A_555, %get3A_556] {strides = array<i32>} : memref<128x128xf32, #tpu.memory_space<vmem>>, vector<1x16xf32>,
        %get3A_558 = vector.shape_cast %get3A_557 : vector<1x16xf32> to vector<16xf32>
        %mul3A_559 = vector.broadcast %squeeze3A_484 : f32 to vector<16xf32>
        %mul3A_560 = arith.mulf %get3A_558, %mul3A_559 : vector<16xf32>
        %swap3A_561 = arith.index_cast %add3A_488 : i32 to index
        %swap3A_562 = arith.constant 96 : index
        %swap3A_563 = tpu.vector_load %arg11[%swap3A_561, %swap3A_562] {strides = array<i32>} : memref<128x128xf32, #tpu.memory_space<vmem>>, vector<1x16xf32>,
        %swap3A_564 = vector.shape_cast %swap3A_563 : vector<1x16xf32> to vector<16xf32>
        %swap3A_565 = vector.shape_cast %mul3A_560 : vector<16xf32> to vector<1x16xf32>
        tpu.vector_store %arg11[%swap3A_561, %swap3A_562], %swap3A_565 {strides = array<i32>} : memref<128x128xf32, #tpu.memory_space<vmem>>, vector<1x16xf32>,
        %get3A_566 = arith.index_cast %add3A_488 : i32 to index
        %get3A_567 = arith.constant 112 : index
        %get3A_568 = tpu.vector_load %arg11[%get3A_566, %get3A_567] {strides = array<i32>} : memref<128x128xf32, #tpu.memory_space<vmem>>, vector<1x16xf32>,
        %get3A_569 = vector.shape_cast %get3A_568 : vector<1x16xf32> to vector<16xf32>
        %mul3A_570 = vector.broadcast %squeeze3A_484 : f32 to vector<16xf32>
        %mul3A_571 = arith.mulf %get3A_569, %mul3A_570 : vector<16xf32>
        %swap3A_572 = arith.index_cast %add3A_488 : i32 to index
        %swap3A_573 = arith.constant 112 : index
        %swap3A_574 = tpu.vector_load %arg11[%swap3A_572, %swap3A_573] {strides = array<i32>} : memref<128x128xf32, #tpu.memory_space<vmem>>, vector<1x16xf32>,
        %swap3A_575 = vector.shape_cast %swap3A_574 : vector<1x16xf32> to vector<16xf32>
        %swap3A_576 = vector.shape_cast %mul3A_571 : vector<16xf32> to vector<1x16xf32>
        tpu.vector_store %arg11[%swap3A_572, %swap3A_573], %swap3A_576 {strides = array<i32>} : memref<128x128xf32, #tpu.memory_space<vmem>>, vector<1x16xf32>,
        %slice3A_577 = vector.extract_strided_slice %get3A_109 {offsets = [5], sizes = [1], strides = [1]} : vector<16xf32> to vector<1xf32>
        %squeeze3A_578 = vector.extract %slice3A_577[0] : f32 from vector<1xf32>
        %mul3A_579 = arith.constant 16 : i32
        %mul3A_580 = arith.muli %add3A_103, %mul3A_579 : i32
        %add3A_581 = arith.constant 5 : i32
        %add3A_582 = arith.addi %mul3A_580, %add3A_581 : i32
        %get3A_583 = arith.index_cast %add3A_582 : i32 to index
        %get3A_584 = arith.constant 0 : index
        %get3A_585 = tpu.vector_load %arg11[%get3A_583, %get3A_584] {strides = array<i32>} : memref<128x128xf32, #tpu.memory_space<vmem>>, vector<1x16xf32>,
        %get3A_586 = vector.shape_cast %get3A_585 : vector<1x16xf32> to vector<16xf32>
        %mul3A_587 = vector.broadcast %squeeze3A_578 : f32 to vector<16xf32>
        %mul3A_588 = arith.mulf %get3A_586, %mul3A_587 : vector<16xf32>
        %swap3A_589 = arith.index_cast %add3A_582 : i32 to index
        %swap3A_590 = arith.constant 0 : index
        %swap3A_591 = tpu.vector_load %arg11[%swap3A_589, %swap3A_590] {strides = array<i32>} : memref<128x128xf32, #tpu.memory_space<vmem>>, vector<1x16xf32>,
        %swap3A_592 = vector.shape_cast %swap3A_591 : vector<1x16xf32> to vector<16xf32>
        %swap3A_593 = vector.shape_cast %mul3A_588 : vector<16xf32> to vector<1x16xf32>
        tpu.vector_store %arg11[%swap3A_589, %swap3A_590], %swap3A_593 {strides = array<i32>} : memref<128x128xf32, #tpu.memory_space<vmem>>, vector<1x16xf32>,
        %get3A_594 = arith.index_cast %add3A_582 : i32 to index
        %get3A_595 = arith.constant 16 : index
        %get3A_596 = tpu.vector_load %arg11[%get3A_594, %get3A_595] {strides = array<i32>} : memref<128x128xf32, #tpu.memory_space<vmem>>, vector<1x16xf32>,
        %get3A_597 = vector.shape_cast %get3A_596 : vector<1x16xf32> to vector<16xf32>
        %mul3A_598 = vector.broadcast %squeeze3A_578 : f32 to vector<16xf32>
        %mul3A_599 = arith.mulf %get3A_597, %mul3A_598 : vector<16xf32>
        %swap3A_600 = arith.index_cast %add3A_582 : i32 to index
        %swap3A_601 = arith.constant 16 : index
        %swap3A_602 = tpu.vector_load %arg11[%swap3A_600, %swap3A_601] {strides = array<i32>} : memref<128x128xf32, #tpu.memory_space<vmem>>, vector<1x16xf32>,
        %swap3A_603 = vector.shape_cast %swap3A_602 : vector<1x16xf32> to vector<16xf32>
        %swap3A_604 = vector.shape_cast %mul3A_599 : vector<16xf32> to vector<1x16xf32>
        tpu.vector_store %arg11[%swap3A_600, %swap3A_601], %swap3A_604 {strides = array<i32>} : memref<128x128xf32, #tpu.memory_space<vmem>>, vector<1x16xf32>,
        %get3A_605 = arith.index_cast %add3A_582 : i32 to index
        %get3A_606 = arith.constant 32 : index
        %get3A_607 = tpu.vector_load %arg11[%get3A_605, %get3A_606] {strides = array<i32>} : memref<128x128xf32, #tpu.memory_space<vmem>>, vector<1x16xf32>,
        %get3A_608 = vector.shape_cast %get3A_607 : vector<1x16xf32> to vector<16xf32>
        %mul3A_609 = vector.broadcast %squeeze3A_578 : f32 to vector<16xf32>
        %mul3A_610 = arith.mulf %get3A_608, %mul3A_609 : vector<16xf32>
        %swap3A_611 = arith.index_cast %add3A_582 : i32 to index
        %swap3A_612 = arith.constant 32 : index
        %swap3A_613 = tpu.vector_load %arg11[%swap3A_611, %swap3A_612] {strides = array<i32>} : memref<128x128xf32, #tpu.memory_space<vmem>>, vector<1x16xf32>,
        %swap3A_614 = vector.shape_cast %swap3A_613 : vector<1x16xf32> to vector<16xf32>
        %swap3A_615 = vector.shape_cast %mul3A_610 : vector<16xf32> to vector<1x16xf32>
        tpu.vector_store %arg11[%swap3A_611, %swap3A_612], %swap3A_615 {strides = array<i32>} : memref<128x128xf32, #tpu.memory_space<vmem>>, vector<1x16xf32>,
        %get3A_616 = arith.index_cast %add3A_582 : i32 to index
        %get3A_617 = arith.constant 48 : index
        %get3A_618 = tpu.vector_load %arg11[%get3A_616, %get3A_617] {strides = array<i32>} : memref<128x128xf32, #tpu.memory_space<vmem>>, vector<1x16xf32>,
        %get3A_619 = vector.shape_cast %get3A_618 : vector<1x16xf32> to vector<16xf32>
        %mul3A_620 = vector.broadcast %squeeze3A_578 : f32 to vector<16xf32>
        %mul3A_621 = arith.mulf %get3A_619, %mul3A_620 : vector<16xf32>
        %swap3A_622 = arith.index_cast %add3A_582 : i32 to index
        %swap3A_623 = arith.constant 48 : index
        %swap3A_624 = tpu.vector_load %arg11[%swap3A_622, %swap3A_623] {strides = array<i32>} : memref<128x128xf32, #tpu.memory_space<vmem>>, vector<1x16xf32>,
        %swap3A_625 = vector.shape_cast %swap3A_624 : vector<1x16xf32> to vector<16xf32>
        %swap3A_626 = vector.shape_cast %mul3A_621 : vector<16xf32> to vector<1x16xf32>
        tpu.vector_store %arg11[%swap3A_622, %swap3A_623], %swap3A_626 {strides = array<i32>} : memref<128x128xf32, #tpu.memory_space<vmem>>, vector<1x16xf32>,
        %get3A_627 = arith.index_cast %add3A_582 : i32 to index
        %get3A_628 = arith.constant 64 : index
        %get3A_629 = tpu.vector_load %arg11[%get3A_627, %get3A_628] {strides = array<i32>} : memref<128x128xf32, #tpu.memory_space<vmem>>, vector<1x16xf32>,
        %get3A_630 = vector.shape_cast %get3A_629 : vector<1x16xf32> to vector<16xf32>
        %mul3A_631 = vector.broadcast %squeeze3A_578 : f32 to vector<16xf32>
        %mul3A_632 = arith.mulf %get3A_630, %mul3A_631 : vector<16xf32>
        %swap3A_633 = arith.index_cast %add3A_582 : i32 to index
        %swap3A_634 = arith.constant 64 : index
        %swap3A_635 = tpu.vector_load %arg11[%swap3A_633, %swap3A_634] {strides = array<i32>} : memref<128x128xf32, #tpu.memory_space<vmem>>, vector<1x16xf32>,
        %swap3A_636 = vector.shape_cast %swap3A_635 : vector<1x16xf32> to vector<16xf32>
        %swap3A_637 = vector.shape_cast %mul3A_632 : vector<16xf32> to vector<1x16xf32>
        tpu.vector_store %arg11[%swap3A_633, %swap3A_634], %swap3A_637 {strides = array<i32>} : memref<128x128xf32, #tpu.memory_space<vmem>>, vector<1x16xf32>,
        %get3A_638 = arith.index_cast %add3A_582 : i32 to index
        %get3A_639 = arith.constant 80 : index
        %get3A_640 = tpu.vector_load %arg11[%get3A_638, %get3A_639] {strides = array<i32>} : memref<128x128xf32, #tpu.memory_space<vmem>>, vector<1x16xf32>,
        %get3A_641 = vector.shape_cast %get3A_640 : vector<1x16xf32> to vector<16xf32>
        %mul3A_642 = vector.broadcast %squeeze3A_578 : f32 to vector<16xf32>
        %mul3A_643 = arith.mulf %get3A_641, %mul3A_642 : vector<16xf32>
        %swap3A_644 = arith.index_cast %add3A_582 : i32 to index
        %swap3A_645 = arith.constant 80 : index
        %swap3A_646 = tpu.vector_load %arg11[%swap3A_644, %swap3A_645] {strides = array<i32>} : memref<128x128xf32, #tpu.memory_space<vmem>>, vector<1x16xf32>,
        %swap3A_647 = vector.shape_cast %swap3A_646 : vector<1x16xf32> to vector<16xf32>
        %swap3A_648 = vector.shape_cast %mul3A_643 : vector<16xf32> to vector<1x16xf32>
        tpu.vector_store %arg11[%swap3A_644, %swap3A_645], %swap3A_648 {strides = array<i32>} : memref<128x128xf32, #tpu.memory_space<vmem>>, vector<1x16xf32>,
        %get3A_649 = arith.index_cast %add3A_582 : i32 to index
        %get3A_650 = arith.constant 96 : index
        %get3A_651 = tpu.vector_load %arg11[%get3A_649, %get3A_650] {strides = array<i32>} : memref<128x128xf32, #tpu.memory_space<vmem>>, vector<1x16xf32>,
        %get3A_652 = vector.shape_cast %get3A_651 : vector<1x16xf32> to vector<16xf32>
        %mul3A_653 = vector.broadcast %squeeze3A_578 : f32 to vector<16xf32>
        %mul3A_654 = arith.mulf %get3A_652, %mul3A_653 : vector<16xf32>
        %swap3A_655 = arith.index_cast %add3A_582 : i32 to index
        %swap3A_656 = arith.constant 96 : index
        %swap3A_657 = tpu.vector_load %arg11[%swap3A_655, %swap3A_656] {strides = array<i32>} : memref<128x128xf32, #tpu.memory_space<vmem>>, vector<1x16xf32>,
        %swap3A_658 = vector.shape_cast %swap3A_657 : vector<1x16xf32> to vector<16xf32>
        %swap3A_659 = vector.shape_cast %mul3A_654 : vector<16xf32> to vector<1x16xf32>
        tpu.vector_store %arg11[%swap3A_655, %swap3A_656], %swap3A_659 {strides = array<i32>} : memref<128x128xf32, #tpu.memory_space<vmem>>, vector<1x16xf32>,
        %get3A_660 = arith.index_cast %add3A_582 : i32 to index
        %get3A_661 = arith.constant 112 : index
        %get3A_662 = tpu.vector_load %arg11[%get3A_660, %get3A_661] {strides = array<i32>} : memref<128x128xf32, #tpu.memory_space<vmem>>, vector<1x16xf32>,
        %get3A_663 = vector.shape_cast %get3A_662 : vector<1x16xf32> to vector<16xf32>
        %mul3A_664 = vector.broadcast %squeeze3A_578 : f32 to vector<16xf32>
        %mul3A_665 = arith.mulf %get3A_663, %mul3A_664 : vector<16xf32>
        %swap3A_666 = arith.index_cast %add3A_582 : i32 to index
        %swap3A_667 = arith.constant 112 : index
        %swap3A_668 = tpu.vector_load %arg11[%swap3A_666, %swap3A_667] {strides = array<i32>} : memref<128x128xf32, #tpu.memory_space<vmem>>, vector<1x16xf32>,
        %swap3A_669 = vector.shape_cast %swap3A_668 : vector<1x16xf32> to vector<16xf32>
        %swap3A_670 = vector.shape_cast %mul3A_665 : vector<16xf32> to vector<1x16xf32>
        tpu.vector_store %arg11[%swap3A_666, %swap3A_667], %swap3A_670 {strides = array<i32>} : memref<128x128xf32, #tpu.memory_space<vmem>>, vector<1x16xf32>,
        %slice3A_671 = vector.extract_strided_slice %get3A_109 {offsets = [6], sizes = [1], strides = [1]} : vector<16xf32> to vector<1xf32>
        %squeeze3A_672 = vector.extract %slice3A_671[0] : f32 from vector<1xf32>
        %mul3A_673 = arith.constant 16 : i32
        %mul3A_674 = arith.muli %add3A_103, %mul3A_673 : i32
        %add3A_675 = arith.constant 6 : i32
        %add3A_676 = arith.addi %mul3A_674, %add3A_675 : i32
        %get3A_677 = arith.index_cast %add3A_676 : i32 to index
        %get3A_678 = arith.constant 0 : index
        %get3A_679 = tpu.vector_load %arg11[%get3A_677, %get3A_678] {strides = array<i32>} : memref<128x128xf32, #tpu.memory_space<vmem>>, vector<1x16xf32>,
        %get3A_680 = vector.shape_cast %get3A_679 : vector<1x16xf32> to vector<16xf32>
        %mul3A_681 = vector.broadcast %squeeze3A_672 : f32 to vector<16xf32>
        %mul3A_682 = arith.mulf %get3A_680, %mul3A_681 : vector<16xf32>
        %swap3A_683 = arith.index_cast %add3A_676 : i32 to index
        %swap3A_684 = arith.constant 0 : index
        %swap3A_685 = tpu.vector_load %arg11[%swap3A_683, %swap3A_684] {strides = array<i32>} : memref<128x128xf32, #tpu.memory_space<vmem>>, vector<1x16xf32>,
        %swap3A_686 = vector.shape_cast %swap3A_685 : vector<1x16xf32> to vector<16xf32>
        %swap3A_687 = vector.shape_cast %mul3A_682 : vector<16xf32> to vector<1x16xf32>
        tpu.vector_store %arg11[%swap3A_683, %swap3A_684], %swap3A_687 {strides = array<i32>} : memref<128x128xf32, #tpu.memory_space<vmem>>, vector<1x16xf32>,
        %get3A_688 = arith.index_cast %add3A_676 : i32 to index
        %get3A_689 = arith.constant 16 : index
        %get3A_690 = tpu.vector_load %arg11[%get3A_688, %get3A_689] {strides = array<i32>} : memref<128x128xf32, #tpu.memory_space<vmem>>, vector<1x16xf32>,
        %get3A_691 = vector.shape_cast %get3A_690 : vector<1x16xf32> to vector<16xf32>
        %mul3A_692 = vector.broadcast %squeeze3A_672 : f32 to vector<16xf32>
        %mul3A_693 = arith.mulf %get3A_691, %mul3A_692 : vector<16xf32>
        %swap3A_694 = arith.index_cast %add3A_676 : i32 to index
        %swap3A_695 = arith.constant 16 : index
        %swap3A_696 = tpu.vector_load %arg11[%swap3A_694, %swap3A_695] {strides = array<i32>} : memref<128x128xf32, #tpu.memory_space<vmem>>, vector<1x16xf32>,
        %swap3A_697 = vector.shape_cast %swap3A_696 : vector<1x16xf32> to vector<16xf32>
        %swap3A_698 = vector.shape_cast %mul3A_693 : vector<16xf32> to vector<1x16xf32>
        tpu.vector_store %arg11[%swap3A_694, %swap3A_695], %swap3A_698 {strides = array<i32>} : memref<128x128xf32, #tpu.memory_space<vmem>>, vector<1x16xf32>,
        %get3A_699 = arith.index_cast %add3A_676 : i32 to index
        %get3A_700 = arith.constant 32 : index
        %get3A_701 = tpu.vector_load %arg11[%get3A_699, %get3A_700] {strides = array<i32>} : memref<128x128xf32, #tpu.memory_space<vmem>>, vector<1x16xf32>,
        %get3A_702 = vector.shape_cast %get3A_701 : vector<1x16xf32> to vector<16xf32>
        %mul3A_703 = vector.broadcast %squeeze3A_672 : f32 to vector<16xf32>
        %mul3A_704 = arith.mulf %get3A_702, %mul3A_703 : vector<16xf32>
        %swap3A_705 = arith.index_cast %add3A_676 : i32 to index
        %swap3A_706 = arith.constant 32 : index
        %swap3A_707 = tpu.vector_load %arg11[%swap3A_705, %swap3A_706] {strides = array<i32>} : memref<128x128xf32, #tpu.memory_space<vmem>>, vector<1x16xf32>,
        %swap3A_708 = vector.shape_cast %swap3A_707 : vector<1x16xf32> to vector<16xf32>
        %swap3A_709 = vector.shape_cast %mul3A_704 : vector<16xf32> to vector<1x16xf32>
        tpu.vector_store %arg11[%swap3A_705, %swap3A_706], %swap3A_709 {strides = array<i32>} : memref<128x128xf32, #tpu.memory_space<vmem>>, vector<1x16xf32>,
        %get3A_710 = arith.index_cast %add3A_676 : i32 to index
        %get3A_711 = arith.constant 48 : index
        %get3A_712 = tpu.vector_load %arg11[%get3A_710, %get3A_711] {strides = array<i32>} : memref<128x128xf32, #tpu.memory_space<vmem>>, vector<1x16xf32>,
        %get3A_713 = vector.shape_cast %get3A_712 : vector<1x16xf32> to vector<16xf32>
        %mul3A_714 = vector.broadcast %squeeze3A_672 : f32 to vector<16xf32>
        %mul3A_715 = arith.mulf %get3A_713, %mul3A_714 : vector<16xf32>
        %swap3A_716 = arith.index_cast %add3A_676 : i32 to index
        %swap3A_717 = arith.constant 48 : index
        %swap3A_718 = tpu.vector_load %arg11[%swap3A_716, %swap3A_717] {strides = array<i32>} : memref<128x128xf32, #tpu.memory_space<vmem>>, vector<1x16xf32>,
        %swap3A_719 = vector.shape_cast %swap3A_718 : vector<1x16xf32> to vector<16xf32>
        %swap3A_720 = vector.shape_cast %mul3A_715 : vector<16xf32> to vector<1x16xf32>
        tpu.vector_store %arg11[%swap3A_716, %swap3A_717], %swap3A_720 {strides = array<i32>} : memref<128x128xf32, #tpu.memory_space<vmem>>, vector<1x16xf32>,
        %get3A_721 = arith.index_cast %add3A_676 : i32 to index
        %get3A_722 = arith.constant 64 : index
        %get3A_723 = tpu.vector_load %arg11[%get3A_721, %get3A_722] {strides = array<i32>} : memref<128x128xf32, #tpu.memory_space<vmem>>, vector<1x16xf32>,
        %get3A_724 = vector.shape_cast %get3A_723 : vector<1x16xf32> to vector<16xf32>
        %mul3A_725 = vector.broadcast %squeeze3A_672 : f32 to vector<16xf32>
        %mul3A_726 = arith.mulf %get3A_724, %mul3A_725 : vector<16xf32>
        %swap3A_727 = arith.index_cast %add3A_676 : i32 to index
        %swap3A_728 = arith.constant 64 : index
        %swap3A_729 = tpu.vector_load %arg11[%swap3A_727, %swap3A_728] {strides = array<i32>} : memref<128x128xf32, #tpu.memory_space<vmem>>, vector<1x16xf32>,
        %swap3A_730 = vector.shape_cast %swap3A_729 : vector<1x16xf32> to vector<16xf32>
        %swap3A_731 = vector.shape_cast %mul3A_726 : vector<16xf32> to vector<1x16xf32>
        tpu.vector_store %arg11[%swap3A_727, %swap3A_728], %swap3A_731 {strides = array<i32>} : memref<128x128xf32, #tpu.memory_space<vmem>>, vector<1x16xf32>,
        %get3A_732 = arith.index_cast %add3A_676 : i32 to index
        %get3A_733 = arith.constant 80 : index
        %get3A_734 = tpu.vector_load %arg11[%get3A_732, %get3A_733] {strides = array<i32>} : memref<128x128xf32, #tpu.memory_space<vmem>>, vector<1x16xf32>,
        %get3A_735 = vector.shape_cast %get3A_734 : vector<1x16xf32> to vector<16xf32>
        %mul3A_736 = vector.broadcast %squeeze3A_672 : f32 to vector<16xf32>
        %mul3A_737 = arith.mulf %get3A_735, %mul3A_736 : vector<16xf32>
        %swap3A_738 = arith.index_cast %add3A_676 : i32 to index
        %swap3A_739 = arith.constant 80 : index
        %swap3A_740 = tpu.vector_load %arg11[%swap3A_738, %swap3A_739] {strides = array<i32>} : memref<128x128xf32, #tpu.memory_space<vmem>>, vector<1x16xf32>,
        %swap3A_741 = vector.shape_cast %swap3A_740 : vector<1x16xf32> to vector<16xf32>
        %swap3A_742 = vector.shape_cast %mul3A_737 : vector<16xf32> to vector<1x16xf32>
        tpu.vector_store %arg11[%swap3A_738, %swap3A_739], %swap3A_742 {strides = array<i32>} : memref<128x128xf32, #tpu.memory_space<vmem>>, vector<1x16xf32>,
        %get3A_743 = arith.index_cast %add3A_676 : i32 to index
        %get3A_744 = arith.constant 96 : index
        %get3A_745 = tpu.vector_load %arg11[%get3A_743, %get3A_744] {strides = array<i32>} : memref<128x128xf32, #tpu.memory_space<vmem>>, vector<1x16xf32>,
        %get3A_746 = vector.shape_cast %get3A_745 : vector<1x16xf32> to vector<16xf32>
        %mul3A_747 = vector.broadcast %squeeze3A_672 : f32 to vector<16xf32>
        %mul3A_748 = arith.mulf %get3A_746, %mul3A_747 : vector<16xf32>
        %swap3A_749 = arith.index_cast %add3A_676 : i32 to index
        %swap3A_750 = arith.constant 96 : index
        %swap3A_751 = tpu.vector_load %arg11[%swap3A_749, %swap3A_750] {strides = array<i32>} : memref<128x128xf32, #tpu.memory_space<vmem>>, vector<1x16xf32>,
        %swap3A_752 = vector.shape_cast %swap3A_751 : vector<1x16xf32> to vector<16xf32>
        %swap3A_753 = vector.shape_cast %mul3A_748 : vector<16xf32> to vector<1x16xf32>
        tpu.vector_store %arg11[%swap3A_749, %swap3A_750], %swap3A_753 {strides = array<i32>} : memref<128x128xf32, #tpu.memory_space<vmem>>, vector<1x16xf32>,
        %get3A_754 = arith.index_cast %add3A_676 : i32 to index
        %get3A_755 = arith.constant 112 : index
        %get3A_756 = tpu.vector_load %arg11[%get3A_754, %get3A_755] {strides = array<i32>} : memref<128x128xf32, #tpu.memory_space<vmem>>, vector<1x16xf32>,
        %get3A_757 = vector.shape_cast %get3A_756 : vector<1x16xf32> to vector<16xf32>
        %mul3A_758 = vector.broadcast %squeeze3A_672 : f32 to vector<16xf32>
        %mul3A_759 = arith.mulf %get3A_757, %mul3A_758 : vector<16xf32>
        %swap3A_760 = arith.index_cast %add3A_676 : i32 to index
        %swap3A_761 = arith.constant 112 : index
        %swap3A_762 = tpu.vector_load %arg11[%swap3A_760, %swap3A_761] {strides = array<i32>} : memref<128x128xf32, #tpu.memory_space<vmem>>, vector<1x16xf32>,
        %swap3A_763 = vector.shape_cast %swap3A_762 : vector<1x16xf32> to vector<16xf32>
        %swap3A_764 = vector.shape_cast %mul3A_759 : vector<16xf32> to vector<1x16xf32>
        tpu.vector_store %arg11[%swap3A_760, %swap3A_761], %swap3A_764 {strides = array<i32>} : memref<128x128xf32, #tpu.memory_space<vmem>>, vector<1x16xf32>,
        %slice3A_765 = vector.extract_strided_slice %get3A_109 {offsets = [7], sizes = [1], strides = [1]} : vector<16xf32> to vector<1xf32>
        %squeeze3A_766 = vector.extract %slice3A_765[0] : f32 from vector<1xf32>
        %mul3A_767 = arith.constant 16 : i32
        %mul3A_768 = arith.muli %add3A_103, %mul3A_767 : i32
        %add3A_769 = arith.constant 7 : i32
        %add3A_770 = arith.addi %mul3A_768, %add3A_769 : i32
        %get3A_771 = arith.index_cast %add3A_770 : i32 to index
        %get3A_772 = arith.constant 0 : index
        %get3A_773 = tpu.vector_load %arg11[%get3A_771, %get3A_772] {strides = array<i32>} : memref<128x128xf32, #tpu.memory_space<vmem>>, vector<1x16xf32>,
        %get3A_774 = vector.shape_cast %get3A_773 : vector<1x16xf32> to vector<16xf32>
        %mul3A_775 = vector.broadcast %squeeze3A_766 : f32 to vector<16xf32>
        %mul3A_776 = arith.mulf %get3A_774, %mul3A_775 : vector<16xf32>
        %swap3A_777 = arith.index_cast %add3A_770 : i32 to index
        %swap3A_778 = arith.constant 0 : index
        %swap3A_779 = tpu.vector_load %arg11[%swap3A_777, %swap3A_778] {strides = array<i32>} : memref<128x128xf32, #tpu.memory_space<vmem>>, vector<1x16xf32>,
        %swap3A_780 = vector.shape_cast %swap3A_779 : vector<1x16xf32> to vector<16xf32>
        %swap3A_781 = vector.shape_cast %mul3A_776 : vector<16xf32> to vector<1x16xf32>
        tpu.vector_store %arg11[%swap3A_777, %swap3A_778], %swap3A_781 {strides = array<i32>} : memref<128x128xf32, #tpu.memory_space<vmem>>, vector<1x16xf32>,
        %get3A_782 = arith.index_cast %add3A_770 : i32 to index
        %get3A_783 = arith.constant 16 : index
        %get3A_784 = tpu.vector_load %arg11[%get3A_782, %get3A_783] {strides = array<i32>} : memref<128x128xf32, #tpu.memory_space<vmem>>, vector<1x16xf32>,
        %get3A_785 = vector.shape_cast %get3A_784 : vector<1x16xf32> to vector<16xf32>
        %mul3A_786 = vector.broadcast %squeeze3A_766 : f32 to vector<16xf32>
        %mul3A_787 = arith.mulf %get3A_785, %mul3A_786 : vector<16xf32>
        %swap3A_788 = arith.index_cast %add3A_770 : i32 to index
        %swap3A_789 = arith.constant 16 : index
        %swap3A_790 = tpu.vector_load %arg11[%swap3A_788, %swap3A_789] {strides = array<i32>} : memref<128x128xf32, #tpu.memory_space<vmem>>, vector<1x16xf32>,
        %swap3A_791 = vector.shape_cast %swap3A_790 : vector<1x16xf32> to vector<16xf32>
        %swap3A_792 = vector.shape_cast %mul3A_787 : vector<16xf32> to vector<1x16xf32>
        tpu.vector_store %arg11[%swap3A_788, %swap3A_789], %swap3A_792 {strides = array<i32>} : memref<128x128xf32, #tpu.memory_space<vmem>>, vector<1x16xf32>,
        %get3A_793 = arith.index_cast %add3A_770 : i32 to index
        %get3A_794 = arith.constant 32 : index
        %get3A_795 = tpu.vector_load %arg11[%get3A_793, %get3A_794] {strides = array<i32>} : memref<128x128xf32, #tpu.memory_space<vmem>>, vector<1x16xf32>,
        %get3A_796 = vector.shape_cast %get3A_795 : vector<1x16xf32> to vector<16xf32>
        %mul3A_797 = vector.broadcast %squeeze3A_766 : f32 to vector<16xf32>
        %mul3A_798 = arith.mulf %get3A_796, %mul3A_797 : vector<16xf32>
        %swap3A_799 = arith.index_cast %add3A_770 : i32 to index
        %swap3A_800 = arith.constant 32 : index
        %swap3A_801 = tpu.vector_load %arg11[%swap3A_799, %swap3A_800] {strides = array<i32>} : memref<128x128xf32, #tpu.memory_space<vmem>>, vector<1x16xf32>,
        %swap3A_802 = vector.shape_cast %swap3A_801 : vector<1x16xf32> to vector<16xf32>
        %swap3A_803 = vector.shape_cast %mul3A_798 : vector<16xf32> to vector<1x16xf32>
        tpu.vector_store %arg11[%swap3A_799, %swap3A_800], %swap3A_803 {strides = array<i32>} : memref<128x128xf32, #tpu.memory_space<vmem>>, vector<1x16xf32>,
        %get3A_804 = arith.index_cast %add3A_770 : i32 to index
        %get3A_805 = arith.constant 48 : index
        %get3A_806 = tpu.vector_load %arg11[%get3A_804, %get3A_805] {strides = array<i32>} : memref<128x128xf32, #tpu.memory_space<vmem>>, vector<1x16xf32>,
        %get3A_807 = vector.shape_cast %get3A_806 : vector<1x16xf32> to vector<16xf32>
        %mul3A_808 = vector.broadcast %squeeze3A_766 : f32 to vector<16xf32>
        %mul3A_809 = arith.mulf %get3A_807, %mul3A_808 : vector<16xf32>
        %swap3A_810 = arith.index_cast %add3A_770 : i32 to index
        %swap3A_811 = arith.constant 48 : index
        %swap3A_812 = tpu.vector_load %arg11[%swap3A_810, %swap3A_811] {strides = array<i32>} : memref<128x128xf32, #tpu.memory_space<vmem>>, vector<1x16xf32>,
        %swap3A_813 = vector.shape_cast %swap3A_812 : vector<1x16xf32> to vector<16xf32>
        %swap3A_814 = vector.shape_cast %mul3A_809 : vector<16xf32> to vector<1x16xf32>
        tpu.vector_store %arg11[%swap3A_810, %swap3A_811], %swap3A_814 {strides = array<i32>} : memref<128x128xf32, #tpu.memory_space<vmem>>, vector<1x16xf32>,
        %get3A_815 = arith.index_cast %add3A_770 : i32 to index
        %get3A_816 = arith.constant 64 : index
        %get3A_817 = tpu.vector_load %arg11[%get3A_815, %get3A_816] {strides = array<i32>} : memref<128x128xf32, #tpu.memory_space<vmem>>, vector<1x16xf32>,
        %get3A_818 = vector.shape_cast %get3A_817 : vector<1x16xf32> to vector<16xf32>
        %mul3A_819 = vector.broadcast %squeeze3A_766 : f32 to vector<16xf32>
        %mul3A_820 = arith.mulf %get3A_818, %mul3A_819 : vector<16xf32>
        %swap3A_821 = arith.index_cast %add3A_770 : i32 to index
        %swap3A_822 = arith.constant 64 : index
        %swap3A_823 = tpu.vector_load %arg11[%swap3A_821, %swap3A_822] {strides = array<i32>} : memref<128x128xf32, #tpu.memory_space<vmem>>, vector<1x16xf32>,
        %swap3A_824 = vector.shape_cast %swap3A_823 : vector<1x16xf32> to vector<16xf32>
        %swap3A_825 = vector.shape_cast %mul3A_820 : vector<16xf32> to vector<1x16xf32>
        tpu.vector_store %arg11[%swap3A_821, %swap3A_822], %swap3A_825 {strides = array<i32>} : memref<128x128xf32, #tpu.memory_space<vmem>>, vector<1x16xf32>,
        %get3A_826 = arith.index_cast %add3A_770 : i32 to index
        %get3A_827 = arith.constant 80 : index
        %get3A_828 = tpu.vector_load %arg11[%get3A_826, %get3A_827] {strides = array<i32>} : memref<128x128xf32, #tpu.memory_space<vmem>>, vector<1x16xf32>,
        %get3A_829 = vector.shape_cast %get3A_828 : vector<1x16xf32> to vector<16xf32>
        %mul3A_830 = vector.broadcast %squeeze3A_766 : f32 to vector<16xf32>
        %mul3A_831 = arith.mulf %get3A_829, %mul3A_830 : vector<16xf32>
        %swap3A_832 = arith.index_cast %add3A_770 : i32 to index
        %swap3A_833 = arith.constant 80 : index
        %swap3A_834 = tpu.vector_load %arg11[%swap3A_832, %swap3A_833] {strides = array<i32>} : memref<128x128xf32, #tpu.memory_space<vmem>>, vector<1x16xf32>,
        %swap3A_835 = vector.shape_cast %swap3A_834 : vector<1x16xf32> to vector<16xf32>
        %swap3A_836 = vector.shape_cast %mul3A_831 : vector<16xf32> to vector<1x16xf32>
        tpu.vector_store %arg11[%swap3A_832, %swap3A_833], %swap3A_836 {strides = array<i32>} : memref<128x128xf32, #tpu.memory_space<vmem>>, vector<1x16xf32>,
        %get3A_837 = arith.index_cast %add3A_770 : i32 to index
        %get3A_838 = arith.constant 96 : index
        %get3A_839 = tpu.vector_load %arg11[%get3A_837, %get3A_838] {strides = array<i32>} : memref<128x128xf32, #tpu.memory_space<vmem>>, vector<1x16xf32>,
        %get3A_840 = vector.shape_cast %get3A_839 : vector<1x16xf32> to vector<16xf32>
        %mul3A_841 = vector.broadcast %squeeze3A_766 : f32 to vector<16xf32>
        %mul3A_842 = arith.mulf %get3A_840, %mul3A_841 : vector<16xf32>
        %swap3A_843 = arith.index_cast %add3A_770 : i32 to index
        %swap3A_844 = arith.constant 96 : index
        %swap3A_845 = tpu.vector_load %arg11[%swap3A_843, %swap3A_844] {strides = array<i32>} : memref<128x128xf32, #tpu.memory_space<vmem>>, vector<1x16xf32>,
        %swap3A_846 = vector.shape_cast %swap3A_845 : vector<1x16xf32> to vector<16xf32>
        %swap3A_847 = vector.shape_cast %mul3A_842 : vector<16xf32> to vector<1x16xf32>
        tpu.vector_store %arg11[%swap3A_843, %swap3A_844], %swap3A_847 {strides = array<i32>} : memref<128x128xf32, #tpu.memory_space<vmem>>, vector<1x16xf32>,
        %get3A_848 = arith.index_cast %add3A_770 : i32 to index
        %get3A_849 = arith.constant 112 : index
        %get3A_850 = tpu.vector_load %arg11[%get3A_848, %get3A_849] {strides = array<i32>} : memref<128x128xf32, #tpu.memory_space<vmem>>, vector<1x16xf32>,
        %get3A_851 = vector.shape_cast %get3A_850 : vector<1x16xf32> to vector<16xf32>
        %mul3A_852 = vector.broadcast %squeeze3A_766 : f32 to vector<16xf32>
        %mul3A_853 = arith.mulf %get3A_851, %mul3A_852 : vector<16xf32>
        %swap3A_854 = arith.index_cast %add3A_770 : i32 to index
        %swap3A_855 = arith.constant 112 : index
        %swap3A_856 = tpu.vector_load %arg11[%swap3A_854, %swap3A_855] {strides = array<i32>} : memref<128x128xf32, #tpu.memory_space<vmem>>, vector<1x16xf32>,
        %swap3A_857 = vector.shape_cast %swap3A_856 : vector<1x16xf32> to vector<16xf32>
        %swap3A_858 = vector.shape_cast %mul3A_853 : vector<16xf32> to vector<1x16xf32>
        tpu.vector_store %arg11[%swap3A_854, %swap3A_855], %swap3A_858 {strides = array<i32>} : memref<128x128xf32, #tpu.memory_space<vmem>>, vector<1x16xf32>,
        %slice3A_859 = vector.extract_strided_slice %get3A_109 {offsets = [8], sizes = [1], strides = [1]} : vector<16xf32> to vector<1xf32>
        %squeeze3A_860 = vector.extract %slice3A_859[0] : f32 from vector<1xf32>
        %mul3A_861 = arith.constant 16 : i32
        %mul3A_862 = arith.muli %add3A_103, %mul3A_861 : i32
        %add3A_863 = arith.constant 8 : i32
        %add3A_864 = arith.addi %mul3A_862, %add3A_863 : i32
        %get3A_865 = arith.index_cast %add3A_864 : i32 to index
        %get3A_866 = arith.constant 0 : index
        %get3A_867 = tpu.vector_load %arg11[%get3A_865, %get3A_866] {strides = array<i32>} : memref<128x128xf32, #tpu.memory_space<vmem>>, vector<1x16xf32>,
        %get3A_868 = vector.shape_cast %get3A_867 : vector<1x16xf32> to vector<16xf32>
        %mul3A_869 = vector.broadcast %squeeze3A_860 : f32 to vector<16xf32>
        %mul3A_870 = arith.mulf %get3A_868, %mul3A_869 : vector<16xf32>
        %swap3A_871 = arith.index_cast %add3A_864 : i32 to index
        %swap3A_872 = arith.constant 0 : index
        %swap3A_873 = tpu.vector_load %arg11[%swap3A_871, %swap3A_872] {strides = array<i32>} : memref<128x128xf32, #tpu.memory_space<vmem>>, vector<1x16xf32>,
        %swap3A_874 = vector.shape_cast %swap3A_873 : vector<1x16xf32> to vector<16xf32>
        %swap3A_875 = vector.shape_cast %mul3A_870 : vector<16xf32> to vector<1x16xf32>
        tpu.vector_store %arg11[%swap3A_871, %swap3A_872], %swap3A_875 {strides = array<i32>} : memref<128x128xf32, #tpu.memory_space<vmem>>, vector<1x16xf32>,
        %get3A_876 = arith.index_cast %add3A_864 : i32 to index
        %get3A_877 = arith.constant 16 : index
        %get3A_878 = tpu.vector_load %arg11[%get3A_876, %get3A_877] {strides = array<i32>} : memref<128x128xf32, #tpu.memory_space<vmem>>, vector<1x16xf32>,
        %get3A_879 = vector.shape_cast %get3A_878 : vector<1x16xf32> to vector<16xf32>
        %mul3A_880 = vector.broadcast %squeeze3A_860 : f32 to vector<16xf32>
        %mul3A_881 = arith.mulf %get3A_879, %mul3A_880 : vector<16xf32>
        %swap3A_882 = arith.index_cast %add3A_864 : i32 to index
        %swap3A_883 = arith.constant 16 : index
        %swap3A_884 = tpu.vector_load %arg11[%swap3A_882, %swap3A_883] {strides = array<i32>} : memref<128x128xf32, #tpu.memory_space<vmem>>, vector<1x16xf32>,
        %swap3A_885 = vector.shape_cast %swap3A_884 : vector<1x16xf32> to vector<16xf32>
        %swap3A_886 = vector.shape_cast %mul3A_881 : vector<16xf32> to vector<1x16xf32>
        tpu.vector_store %arg11[%swap3A_882, %swap3A_883], %swap3A_886 {strides = array<i32>} : memref<128x128xf32, #tpu.memory_space<vmem>>, vector<1x16xf32>,
        %get3A_887 = arith.index_cast %add3A_864 : i32 to index
        %get3A_888 = arith.constant 32 : index
        %get3A_889 = tpu.vector_load %arg11[%get3A_887, %get3A_888] {strides = array<i32>} : memref<128x128xf32, #tpu.memory_space<vmem>>, vector<1x16xf32>,
        %get3A_890 = vector.shape_cast %get3A_889 : vector<1x16xf32> to vector<16xf32>
        %mul3A_891 = vector.broadcast %squeeze3A_860 : f32 to vector<16xf32>
        %mul3A_892 = arith.mulf %get3A_890, %mul3A_891 : vector<16xf32>
        %swap3A_893 = arith.index_cast %add3A_864 : i32 to index
        %swap3A_894 = arith.constant 32 : index
        %swap3A_895 = tpu.vector_load %arg11[%swap3A_893, %swap3A_894] {strides = array<i32>} : memref<128x128xf32, #tpu.memory_space<vmem>>, vector<1x16xf32>,
        %swap3A_896 = vector.shape_cast %swap3A_895 : vector<1x16xf32> to vector<16xf32>
        %swap3A_897 = vector.shape_cast %mul3A_892 : vector<16xf32> to vector<1x16xf32>
        tpu.vector_store %arg11[%swap3A_893, %swap3A_894], %swap3A_897 {strides = array<i32>} : memref<128x128xf32, #tpu.memory_space<vmem>>, vector<1x16xf32>,
        %get3A_898 = arith.index_cast %add3A_864 : i32 to index
        %get3A_899 = arith.constant 48 : index
        %get3A_900 = tpu.vector_load %arg11[%get3A_898, %get3A_899] {strides = array<i32>} : memref<128x128xf32, #tpu.memory_space<vmem>>, vector<1x16xf32>,
        %get3A_901 = vector.shape_cast %get3A_900 : vector<1x16xf32> to vector<16xf32>
        %mul3A_902 = vector.broadcast %squeeze3A_860 : f32 to vector<16xf32>
        %mul3A_903 = arith.mulf %get3A_901, %mul3A_902 : vector<16xf32>
        %swap3A_904 = arith.index_cast %add3A_864 : i32 to index
        %swap3A_905 = arith.constant 48 : index
        %swap3A_906 = tpu.vector_load %arg11[%swap3A_904, %swap3A_905] {strides = array<i32>} : memref<128x128xf32, #tpu.memory_space<vmem>>, vector<1x16xf32>,
        %swap3A_907 = vector.shape_cast %swap3A_906 : vector<1x16xf32> to vector<16xf32>
        %swap3A_908 = vector.shape_cast %mul3A_903 : vector<16xf32> to vector<1x16xf32>
        tpu.vector_store %arg11[%swap3A_904, %swap3A_905], %swap3A_908 {strides = array<i32>} : memref<128x128xf32, #tpu.memory_space<vmem>>, vector<1x16xf32>,
        %get3A_909 = arith.index_cast %add3A_864 : i32 to index
        %get3A_910 = arith.constant 64 : index
        %get3A_911 = tpu.vector_load %arg11[%get3A_909, %get3A_910] {strides = array<i32>} : memref<128x128xf32, #tpu.memory_space<vmem>>, vector<1x16xf32>,
        %get3A_912 = vector.shape_cast %get3A_911 : vector<1x16xf32> to vector<16xf32>
        %mul3A_913 = vector.broadcast %squeeze3A_860 : f32 to vector<16xf32>
        %mul3A_914 = arith.mulf %get3A_912, %mul3A_913 : vector<16xf32>
        %swap3A_915 = arith.index_cast %add3A_864 : i32 to index
        %swap3A_916 = arith.constant 64 : index
        %swap3A_917 = tpu.vector_load %arg11[%swap3A_915, %swap3A_916] {strides = array<i32>} : memref<128x128xf32, #tpu.memory_space<vmem>>, vector<1x16xf32>,
        %swap3A_918 = vector.shape_cast %swap3A_917 : vector<1x16xf32> to vector<16xf32>
        %swap3A_919 = vector.shape_cast %mul3A_914 : vector<16xf32> to vector<1x16xf32>
        tpu.vector_store %arg11[%swap3A_915, %swap3A_916], %swap3A_919 {strides = array<i32>} : memref<128x128xf32, #tpu.memory_space<vmem>>, vector<1x16xf32>,
        %get3A_920 = arith.index_cast %add3A_864 : i32 to index
        %get3A_921 = arith.constant 80 : index
        %get3A_922 = tpu.vector_load %arg11[%get3A_920, %get3A_921] {strides = array<i32>} : memref<128x128xf32, #tpu.memory_space<vmem>>, vector<1x16xf32>,
        %get3A_923 = vector.shape_cast %get3A_922 : vector<1x16xf32> to vector<16xf32>
        %mul3A_924 = vector.broadcast %squeeze3A_860 : f32 to vector<16xf32>
        %mul3A_925 = arith.mulf %get3A_923, %mul3A_924 : vector<16xf32>
        %swap3A_926 = arith.index_cast %add3A_864 : i32 to index
        %swap3A_927 = arith.constant 80 : index
        %swap3A_928 = tpu.vector_load %arg11[%swap3A_926, %swap3A_927] {strides = array<i32>} : memref<128x128xf32, #tpu.memory_space<vmem>>, vector<1x16xf32>,
        %swap3A_929 = vector.shape_cast %swap3A_928 : vector<1x16xf32> to vector<16xf32>
        %swap3A_930 = vector.shape_cast %mul3A_925 : vector<16xf32> to vector<1x16xf32>
        tpu.vector_store %arg11[%swap3A_926, %swap3A_927], %swap3A_930 {strides = array<i32>} : memref<128x128xf32, #tpu.memory_space<vmem>>, vector<1x16xf32>,
        %get3A_931 = arith.index_cast %add3A_864 : i32 to index
        %get3A_932 = arith.constant 96 : index
        %get3A_933 = tpu.vector_load %arg11[%get3A_931, %get3A_932] {strides = array<i32>} : memref<128x128xf32, #tpu.memory_space<vmem>>, vector<1x16xf32>,
        %get3A_934 = vector.shape_cast %get3A_933 : vector<1x16xf32> to vector<16xf32>
        %mul3A_935 = vector.broadcast %squeeze3A_860 : f32 to vector<16xf32>
        %mul3A_936 = arith.mulf %get3A_934, %mul3A_935 : vector<16xf32>
        %swap3A_937 = arith.index_cast %add3A_864 : i32 to index
        %swap3A_938 = arith.constant 96 : index
        %swap3A_939 = tpu.vector_load %arg11[%swap3A_937, %swap3A_938] {strides = array<i32>} : memref<128x128xf32, #tpu.memory_space<vmem>>, vector<1x16xf32>,
        %swap3A_940 = vector.shape_cast %swap3A_939 : vector<1x16xf32> to vector<16xf32>
        %swap3A_941 = vector.shape_cast %mul3A_936 : vector<16xf32> to vector<1x16xf32>
        tpu.vector_store %arg11[%swap3A_937, %swap3A_938], %swap3A_941 {strides = array<i32>} : memref<128x128xf32, #tpu.memory_space<vmem>>, vector<1x16xf32>,
        %get3A_942 = arith.index_cast %add3A_864 : i32 to index
        %get3A_943 = arith.constant 112 : index
        %get3A_944 = tpu.vector_load %arg11[%get3A_942, %get3A_943] {strides = array<i32>} : memref<128x128xf32, #tpu.memory_space<vmem>>, vector<1x16xf32>,
        %get3A_945 = vector.shape_cast %get3A_944 : vector<1x16xf32> to vector<16xf32>
        %mul3A_946 = vector.broadcast %squeeze3A_860 : f32 to vector<16xf32>
        %mul3A_947 = arith.mulf %get3A_945, %mul3A_946 : vector<16xf32>
        %swap3A_948 = arith.index_cast %add3A_864 : i32 to index
        %swap3A_949 = arith.constant 112 : index
        %swap3A_950 = tpu.vector_load %arg11[%swap3A_948, %swap3A_949] {strides = array<i32>} : memref<128x128xf32, #tpu.memory_space<vmem>>, vector<1x16xf32>,
        %swap3A_951 = vector.shape_cast %swap3A_950 : vector<1x16xf32> to vector<16xf32>
        %swap3A_952 = vector.shape_cast %mul3A_947 : vector<16xf32> to vector<1x16xf32>
        tpu.vector_store %arg11[%swap3A_948, %swap3A_949], %swap3A_952 {strides = array<i32>} : memref<128x128xf32, #tpu.memory_space<vmem>>, vector<1x16xf32>,
        %slice3A_953 = vector.extract_strided_slice %get3A_109 {offsets = [9], sizes = [1], strides = [1]} : vector<16xf32> to vector<1xf32>
        %squeeze3A_954 = vector.extract %slice3A_953[0] : f32 from vector<1xf32>
        %mul3A_955 = arith.constant 16 : i32
        %mul3A_956 = arith.muli %add3A_103, %mul3A_955 : i32
        %add3A_957 = arith.constant 9 : i32
        %add3A_958 = arith.addi %mul3A_956, %add3A_957 : i32
        %get3A_959 = arith.index_cast %add3A_958 : i32 to index
        %get3A_960 = arith.constant 0 : index
        %get3A_961 = tpu.vector_load %arg11[%get3A_959, %get3A_960] {strides = array<i32>} : memref<128x128xf32, #tpu.memory_space<vmem>>, vector<1x16xf32>,
        %get3A_962 = vector.shape_cast %get3A_961 : vector<1x16xf32> to vector<16xf32>
        %mul3A_963 = vector.broadcast %squeeze3A_954 : f32 to vector<16xf32>
        %mul3A_964 = arith.mulf %get3A_962, %mul3A_963 : vector<16xf32>
        %swap3A_965 = arith.index_cast %add3A_958 : i32 to index
        %swap3A_966 = arith.constant 0 : index
        %swap3A_967 = tpu.vector_load %arg11[%swap3A_965, %swap3A_966] {strides = array<i32>} : memref<128x128xf32, #tpu.memory_space<vmem>>, vector<1x16xf32>,
        %swap3A_968 = vector.shape_cast %swap3A_967 : vector<1x16xf32> to vector<16xf32>
        %swap3A_969 = vector.shape_cast %mul3A_964 : vector<16xf32> to vector<1x16xf32>
        tpu.vector_store %arg11[%swap3A_965, %swap3A_966], %swap3A_969 {strides = array<i32>} : memref<128x128xf32, #tpu.memory_space<vmem>>, vector<1x16xf32>,
        %get3A_970 = arith.index_cast %add3A_958 : i32 to index
        %get3A_971 = arith.constant 16 : index
        %get3A_972 = tpu.vector_load %arg11[%get3A_970, %get3A_971] {strides = array<i32>} : memref<128x128xf32, #tpu.memory_space<vmem>>, vector<1x16xf32>,
        %get3A_973 = vector.shape_cast %get3A_972 : vector<1x16xf32> to vector<16xf32>
        %mul3A_974 = vector.broadcast %squeeze3A_954 : f32 to vector<16xf32>
        %mul3A_975 = arith.mulf %get3A_973, %mul3A_974 : vector<16xf32>
        %swap3A_976 = arith.index_cast %add3A_958 : i32 to index
        %swap3A_977 = arith.constant 16 : index
        %swap3A_978 = tpu.vector_load %arg11[%swap3A_976, %swap3A_977] {strides = array<i32>} : memref<128x128xf32, #tpu.memory_space<vmem>>, vector<1x16xf32>,
        %swap3A_979 = vector.shape_cast %swap3A_978 : vector<1x16xf32> to vector<16xf32>
        %swap3A_980 = vector.shape_cast %mul3A_975 : vector<16xf32> to vector<1x16xf32>
        tpu.vector_store %arg11[%swap3A_976, %swap3A_977], %swap3A_980 {strides = array<i32>} : memref<128x128xf32, #tpu.memory_space<vmem>>, vector<1x16xf32>,
        %get3A_981 = arith.index_cast %add3A_958 : i32 to index
        %get3A_982 = arith.constant 32 : index
        %get3A_983 = tpu.vector_load %arg11[%get3A_981, %get3A_982] {strides = array<i32>} : memref<128x128xf32, #tpu.memory_space<vmem>>, vector<1x16xf32>,
        %get3A_984 = vector.shape_cast %get3A_983 : vector<1x16xf32> to vector<16xf32>
        %mul3A_985 = vector.broadcast %squeeze3A_954 : f32 to vector<16xf32>
        %mul3A_986 = arith.mulf %get3A_984, %mul3A_985 : vector<16xf32>
        %swap3A_987 = arith.index_cast %add3A_958 : i32 to index
        %swap3A_988 = arith.constant 32 : index
        %swap3A_989 = tpu.vector_load %arg11[%swap3A_987, %swap3A_988] {strides = array<i32>} : memref<128x128xf32, #tpu.memory_space<vmem>>, vector<1x16xf32>,
        %swap3A_990 = vector.shape_cast %swap3A_989 : vector<1x16xf32> to vector<16xf32>
        %swap3A_991 = vector.shape_cast %mul3A_986 : vector<16xf32> to vector<1x16xf32>
        tpu.vector_store %arg11[%swap3A_987, %swap3A_988], %swap3A_991 {strides = array<i32>} : memref<128x128xf32, #tpu.memory_space<vmem>>, vector<1x16xf32>,
        %get3A_992 = arith.index_cast %add3A_958 : i32 to index
        %get3A_993 = arith.constant 48 : index
        %get3A_994 = tpu.vector_load %arg11[%get3A_992, %get3A_993] {strides = array<i32>} : memref<128x128xf32, #tpu.memory_space<vmem>>, vector<1x16xf32>,
        %get3A_995 = vector.shape_cast %get3A_994 : vector<1x16xf32> to vector<16xf32>
        %mul3A_996 = vector.broadcast %squeeze3A_954 : f32 to vector<16xf32>
        %mul3A_997 = arith.mulf %get3A_995, %mul3A_996 : vector<16xf32>
        %swap3A_998 = arith.index_cast %add3A_958 : i32 to index
        %swap3A_999 = arith.constant 48 : index
        %swap3A_1000 = tpu.vector_load %arg11[%swap3A_998, %swap3A_999] {strides = array<i32>} : memref<128x128xf32, #tpu.memory_space<vmem>>, vector<1x16xf32>,
        %swap3A_1001 = vector.shape_cast %swap3A_1000 : vector<1x16xf32> to vector<16xf32>
        %swap3A_1002 = vector.shape_cast %mul3A_997 : vector<16xf32> to vector<1x16xf32>
        tpu.vector_store %arg11[%swap3A_998, %swap3A_999], %swap3A_1002 {strides = array<i32>} : memref<128x128xf32, #tpu.memory_space<vmem>>, vector<1x16xf32>,
        %get3A_1003 = arith.index_cast %add3A_958 : i32 to index
        %get3A_1004 = arith.constant 64 : index
        %get3A_1005 = tpu.vector_load %arg11[%get3A_1003, %get3A_1004] {strides = array<i32>} : memref<128x128xf32, #tpu.memory_space<vmem>>, vector<1x16xf32>,
        %get3A_1006 = vector.shape_cast %get3A_1005 : vector<1x16xf32> to vector<16xf32>
        %mul3A_1007 = vector.broadcast %squeeze3A_954 : f32 to vector<16xf32>
        %mul3A_1008 = arith.mulf %get3A_1006, %mul3A_1007 : vector<16xf32>
        %swap3A_1009 = arith.index_cast %add3A_958 : i32 to index
        %swap3A_1010 = arith.constant 64 : index
        %swap3A_1011 = tpu.vector_load %arg11[%swap3A_1009, %swap3A_1010] {strides = array<i32>} : memref<128x128xf32, #tpu.memory_space<vmem>>, vector<1x16xf32>,
        %swap3A_1012 = vector.shape_cast %swap3A_1011 : vector<1x16xf32> to vector<16xf32>
        %swap3A_1013 = vector.shape_cast %mul3A_1008 : vector<16xf32> to vector<1x16xf32>
        tpu.vector_store %arg11[%swap3A_1009, %swap3A_1010], %swap3A_1013 {strides = array<i32>} : memref<128x128xf32, #tpu.memory_space<vmem>>, vector<1x16xf32>,
        %get3A_1014 = arith.index_cast %add3A_958 : i32 to index
        %get3A_1015 = arith.constant 80 : index
        %get3A_1016 = tpu.vector_load %arg11[%get3A_1014, %get3A_1015] {strides = array<i32>} : memref<128x128xf32, #tpu.memory_space<vmem>>, vector<1x16xf32>,
        %get3A_1017 = vector.shape_cast %get3A_1016 : vector<1x16xf32> to vector<16xf32>
        %mul3A_1018 = vector.broadcast %squeeze3A_954 : f32 to vector<16xf32>
        %mul3A_1019 = arith.mulf %get3A_1017, %mul3A_1018 : vector<16xf32>
        %swap3A_1020 = arith.index_cast %add3A_958 : i32 to index
        %swap3A_1021 = arith.constant 80 : index
        %swap3A_1022 = tpu.vector_load %arg11[%swap3A_1020, %swap3A_1021] {strides = array<i32>} : memref<128x128xf32, #tpu.memory_space<vmem>>, vector<1x16xf32>,
        %swap3A_1023 = vector.shape_cast %swap3A_1022 : vector<1x16xf32> to vector<16xf32>
        %swap3A_1024 = vector.shape_cast %mul3A_1019 : vector<16xf32> to vector<1x16xf32>
        tpu.vector_store %arg11[%swap3A_1020, %swap3A_1021], %swap3A_1024 {strides = array<i32>} : memref<128x128xf32, #tpu.memory_space<vmem>>, vector<1x16xf32>,
        %get3A_1025 = arith.index_cast %add3A_958 : i32 to index
        %get3A_1026 = arith.constant 96 : index
        %get3A_1027 = tpu.vector_load %arg11[%get3A_1025, %get3A_1026] {strides = array<i32>} : memref<128x128xf32, #tpu.memory_space<vmem>>, vector<1x16xf32>,
        %get3A_1028 = vector.shape_cast %get3A_1027 : vector<1x16xf32> to vector<16xf32>
        %mul3A_1029 = vector.broadcast %squeeze3A_954 : f32 to vector<16xf32>
        %mul3A_1030 = arith.mulf %get3A_1028, %mul3A_1029 : vector<16xf32>
        %swap3A_1031 = arith.index_cast %add3A_958 : i32 to index
        %swap3A_1032 = arith.constant 96 : index
        %swap3A_1033 = tpu.vector_load %arg11[%swap3A_1031, %swap3A_1032] {strides = array<i32>} : memref<128x128xf32, #tpu.memory_space<vmem>>, vector<1x16xf32>,
        %swap3A_1034 = vector.shape_cast %swap3A_1033 : vector<1x16xf32> to vector<16xf32>
        %swap3A_1035 = vector.shape_cast %mul3A_1030 : vector<16xf32> to vector<1x16xf32>
        tpu.vector_store %arg11[%swap3A_1031, %swap3A_1032], %swap3A_1035 {strides = array<i32>} : memref<128x128xf32, #tpu.memory_space<vmem>>, vector<1x16xf32>,
        %get3A_1036 = arith.index_cast %add3A_958 : i32 to index
        %get3A_1037 = arith.constant 112 : index
        %get3A_1038 = tpu.vector_load %arg11[%get3A_1036, %get3A_1037] {strides = array<i32>} : memref<128x128xf32, #tpu.memory_space<vmem>>, vector<1x16xf32>,
        %get3A_1039 = vector.shape_cast %get3A_1038 : vector<1x16xf32> to vector<16xf32>
        %mul3A_1040 = vector.broadcast %squeeze3A_954 : f32 to vector<16xf32>
        %mul3A_1041 = arith.mulf %get3A_1039, %mul3A_1040 : vector<16xf32>
        %swap3A_1042 = arith.index_cast %add3A_958 : i32 to index
        %swap3A_1043 = arith.constant 112 : index
        %swap3A_1044 = tpu.vector_load %arg11[%swap3A_1042, %swap3A_1043] {strides = array<i32>} : memref<128x128xf32, #tpu.memory_space<vmem>>, vector<1x16xf32>,
        %swap3A_1045 = vector.shape_cast %swap3A_1044 : vector<1x16xf32> to vector<16xf32>
        %swap3A_1046 = vector.shape_cast %mul3A_1041 : vector<16xf32> to vector<1x16xf32>
        tpu.vector_store %arg11[%swap3A_1042, %swap3A_1043], %swap3A_1046 {strides = array<i32>} : memref<128x128xf32, #tpu.memory_space<vmem>>, vector<1x16xf32>,
        %slice3A_1047 = vector.extract_strided_slice %get3A_109 {offsets = [10], sizes = [1], strides = [1]} : vector<16xf32> to vector<1xf32>
        %squeeze3A_1048 = vector.extract %slice3A_1047[0] : f32 from vector<1xf32>
        %mul3A_1049 = arith.constant 16 : i32
        %mul3A_1050 = arith.muli %add3A_103, %mul3A_1049 : i32
        %add3A_1051 = arith.constant 10 : i32
        %add3A_1052 = arith.addi %mul3A_1050, %add3A_1051 : i32
        %get3A_1053 = arith.index_cast %add3A_1052 : i32 to index
        %get3A_1054 = arith.constant 0 : index
        %get3A_1055 = tpu.vector_load %arg11[%get3A_1053, %get3A_1054] {strides = array<i32>} : memref<128x128xf32, #tpu.memory_space<vmem>>, vector<1x16xf32>,
        %get3A_1056 = vector.shape_cast %get3A_1055 : vector<1x16xf32> to vector<16xf32>
        %mul3A_1057 = vector.broadcast %squeeze3A_1048 : f32 to vector<16xf32>
        %mul3A_1058 = arith.mulf %get3A_1056, %mul3A_1057 : vector<16xf32>
        %swap3A_1059 = arith.index_cast %add3A_1052 : i32 to index
        %swap3A_1060 = arith.constant 0 : index
        %swap3A_1061 = tpu.vector_load %arg11[%swap3A_1059, %swap3A_1060] {strides = array<i32>} : memref<128x128xf32, #tpu.memory_space<vmem>>, vector<1x16xf32>,
        %swap3A_1062 = vector.shape_cast %swap3A_1061 : vector<1x16xf32> to vector<16xf32>
        %swap3A_1063 = vector.shape_cast %mul3A_1058 : vector<16xf32> to vector<1x16xf32>
        tpu.vector_store %arg11[%swap3A_1059, %swap3A_1060], %swap3A_1063 {strides = array<i32>} : memref<128x128xf32, #tpu.memory_space<vmem>>, vector<1x16xf32>,
        %get3A_1064 = arith.index_cast %add3A_1052 : i32 to index
        %get3A_1065 = arith.constant 16 : index
        %get3A_1066 = tpu.vector_load %arg11[%get3A_1064, %get3A_1065] {strides = array<i32>} : memref<128x128xf32, #tpu.memory_space<vmem>>, vector<1x16xf32>,
        %get3A_1067 = vector.shape_cast %get3A_1066 : vector<1x16xf32> to vector<16xf32>
        %mul3A_1068 = vector.broadcast %squeeze3A_1048 : f32 to vector<16xf32>
        %mul3A_1069 = arith.mulf %get3A_1067, %mul3A_1068 : vector<16xf32>
        %swap3A_1070 = arith.index_cast %add3A_1052 : i32 to index
        %swap3A_1071 = arith.constant 16 : index
        %swap3A_1072 = tpu.vector_load %arg11[%swap3A_1070, %swap3A_1071] {strides = array<i32>} : memref<128x128xf32, #tpu.memory_space<vmem>>, vector<1x16xf32>,
        %swap3A_1073 = vector.shape_cast %swap3A_1072 : vector<1x16xf32> to vector<16xf32>
        %swap3A_1074 = vector.shape_cast %mul3A_1069 : vector<16xf32> to vector<1x16xf32>
        tpu.vector_store %arg11[%swap3A_1070, %swap3A_1071], %swap3A_1074 {strides = array<i32>} : memref<128x128xf32, #tpu.memory_space<vmem>>, vector<1x16xf32>,
        %get3A_1075 = arith.index_cast %add3A_1052 : i32 to index
        %get3A_1076 = arith.constant 32 : index
        %get3A_1077 = tpu.vector_load %arg11[%get3A_1075, %get3A_1076] {strides = array<i32>} : memref<128x128xf32, #tpu.memory_space<vmem>>, vector<1x16xf32>,
        %get3A_1078 = vector.shape_cast %get3A_1077 : vector<1x16xf32> to vector<16xf32>
        %mul3A_1079 = vector.broadcast %squeeze3A_1048 : f32 to vector<16xf32>
        %mul3A_1080 = arith.mulf %get3A_1078, %mul3A_1079 : vector<16xf32>
        %swap3A_1081 = arith.index_cast %add3A_1052 : i32 to index
        %swap3A_1082 = arith.constant 32 : index
        %swap3A_1083 = tpu.vector_load %arg11[%swap3A_1081, %swap3A_1082] {strides = array<i32>} : memref<128x128xf32, #tpu.memory_space<vmem>>, vector<1x16xf32>,
        %swap3A_1084 = vector.shape_cast %swap3A_1083 : vector<1x16xf32> to vector<16xf32>
        %swap3A_1085 = vector.shape_cast %mul3A_1080 : vector<16xf32> to vector<1x16xf32>
        tpu.vector_store %arg11[%swap3A_1081, %swap3A_1082], %swap3A_1085 {strides = array<i32>} : memref<128x128xf32, #tpu.memory_space<vmem>>, vector<1x16xf32>,
        %get3A_1086 = arith.index_cast %add3A_1052 : i32 to index
        %get3A_1087 = arith.constant 48 : index
        %get3A_1088 = tpu.vector_load %arg11[%get3A_1086, %get3A_1087] {strides = array<i32>} : memref<128x128xf32, #tpu.memory_space<vmem>>, vector<1x16xf32>,
        %get3A_1089 = vector.shape_cast %get3A_1088 : vector<1x16xf32> to vector<16xf32>
        %mul3A_1090 = vector.broadcast %squeeze3A_1048 : f32 to vector<16xf32>
        %mul3A_1091 = arith.mulf %get3A_1089, %mul3A_1090 : vector<16xf32>
        %swap3A_1092 = arith.index_cast %add3A_1052 : i32 to index
        %swap3A_1093 = arith.constant 48 : index
        %swap3A_1094 = tpu.vector_load %arg11[%swap3A_1092, %swap3A_1093] {strides = array<i32>} : memref<128x128xf32, #tpu.memory_space<vmem>>, vector<1x16xf32>,
        %swap3A_1095 = vector.shape_cast %swap3A_1094 : vector<1x16xf32> to vector<16xf32>
        %swap3A_1096 = vector.shape_cast %mul3A_1091 : vector<16xf32> to vector<1x16xf32>
        tpu.vector_store %arg11[%swap3A_1092, %swap3A_1093], %swap3A_1096 {strides = array<i32>} : memref<128x128xf32, #tpu.memory_space<vmem>>, vector<1x16xf32>,
        %get3A_1097 = arith.index_cast %add3A_1052 : i32 to index
        %get3A_1098 = arith.constant 64 : index
        %get3A_1099 = tpu.vector_load %arg11[%get3A_1097, %get3A_1098] {strides = array<i32>} : memref<128x128xf32, #tpu.memory_space<vmem>>, vector<1x16xf32>,
        %get3A_1100 = vector.shape_cast %get3A_1099 : vector<1x16xf32> to vector<16xf32>
        %mul3A_1101 = vector.broadcast %squeeze3A_1048 : f32 to vector<16xf32>
        %mul3A_1102 = arith.mulf %get3A_1100, %mul3A_1101 : vector<16xf32>
        %swap3A_1103 = arith.index_cast %add3A_1052 : i32 to index
        %swap3A_1104 = arith.constant 64 : index
        %swap3A_1105 = tpu.vector_load %arg11[%swap3A_1103, %swap3A_1104] {strides = array<i32>} : memref<128x128xf32, #tpu.memory_space<vmem>>, vector<1x16xf32>,
        %swap3A_1106 = vector.shape_cast %swap3A_1105 : vector<1x16xf32> to vector<16xf32>
        %swap3A_1107 = vector.shape_cast %mul3A_1102 : vector<16xf32> to vector<1x16xf32>
        tpu.vector_store %arg11[%swap3A_1103, %swap3A_1104], %swap3A_1107 {strides = array<i32>} : memref<128x128xf32, #tpu.memory_space<vmem>>, vector<1x16xf32>,
        %get3A_1108 = arith.index_cast %add3A_1052 : i32 to index
        %get3A_1109 = arith.constant 80 : index
        %get3A_1110 = tpu.vector_load %arg11[%get3A_1108, %get3A_1109] {strides = array<i32>} : memref<128x128xf32, #tpu.memory_space<vmem>>, vector<1x16xf32>,
        %get3A_1111 = vector.shape_cast %get3A_1110 : vector<1x16xf32> to vector<16xf32>
        %mul3A_1112 = vector.broadcast %squeeze3A_1048 : f32 to vector<16xf32>
        %mul3A_1113 = arith.mulf %get3A_1111, %mul3A_1112 : vector<16xf32>
        %swap3A_1114 = arith.index_cast %add3A_1052 : i32 to index
        %swap3A_1115 = arith.constant 80 : index
        %swap3A_1116 = tpu.vector_load %arg11[%swap3A_1114, %swap3A_1115] {strides = array<i32>} : memref<128x128xf32, #tpu.memory_space<vmem>>, vector<1x16xf32>,
        %swap3A_1117 = vector.shape_cast %swap3A_1116 : vector<1x16xf32> to vector<16xf32>
        %swap3A_1118 = vector.shape_cast %mul3A_1113 : vector<16xf32> to vector<1x16xf32>
        tpu.vector_store %arg11[%swap3A_1114, %swap3A_1115], %swap3A_1118 {strides = array<i32>} : memref<128x128xf32, #tpu.memory_space<vmem>>, vector<1x16xf32>,
        %get3A_1119 = arith.index_cast %add3A_1052 : i32 to index
        %get3A_1120 = arith.constant 96 : index
        %get3A_1121 = tpu.vector_load %arg11[%get3A_1119, %get3A_1120] {strides = array<i32>} : memref<128x128xf32, #tpu.memory_space<vmem>>, vector<1x16xf32>,
        %get3A_1122 = vector.shape_cast %get3A_1121 : vector<1x16xf32> to vector<16xf32>
        %mul3A_1123 = vector.broadcast %squeeze3A_1048 : f32 to vector<16xf32>
        %mul3A_1124 = arith.mulf %get3A_1122, %mul3A_1123 : vector<16xf32>
        %swap3A_1125 = arith.index_cast %add3A_1052 : i32 to index
        %swap3A_1126 = arith.constant 96 : index
        %swap3A_1127 = tpu.vector_load %arg11[%swap3A_1125, %swap3A_1126] {strides = array<i32>} : memref<128x128xf32, #tpu.memory_space<vmem>>, vector<1x16xf32>,
        %swap3A_1128 = vector.shape_cast %swap3A_1127 : vector<1x16xf32> to vector<16xf32>
        %swap3A_1129 = vector.shape_cast %mul3A_1124 : vector<16xf32> to vector<1x16xf32>
        tpu.vector_store %arg11[%swap3A_1125, %swap3A_1126], %swap3A_1129 {strides = array<i32>} : memref<128x128xf32, #tpu.memory_space<vmem>>, vector<1x16xf32>,
        %get3A_1130 = arith.index_cast %add3A_1052 : i32 to index
        %get3A_1131 = arith.constant 112 : index
        %get3A_1132 = tpu.vector_load %arg11[%get3A_1130, %get3A_1131] {strides = array<i32>} : memref<128x128xf32, #tpu.memory_space<vmem>>, vector<1x16xf32>,
        %get3A_1133 = vector.shape_cast %get3A_1132 : vector<1x16xf32> to vector<16xf32>
        %mul3A_1134 = vector.broadcast %squeeze3A_1048 : f32 to vector<16xf32>
        %mul3A_1135 = arith.mulf %get3A_1133, %mul3A_1134 : vector<16xf32>
        %swap3A_1136 = arith.index_cast %add3A_1052 : i32 to index
        %swap3A_1137 = arith.constant 112 : index
        %swap3A_1138 = tpu.vector_load %arg11[%swap3A_1136, %swap3A_1137] {strides = array<i32>} : memref<128x128xf32, #tpu.memory_space<vmem>>, vector<1x16xf32>,
        %swap3A_1139 = vector.shape_cast %swap3A_1138 : vector<1x16xf32> to vector<16xf32>
        %swap3A_1140 = vector.shape_cast %mul3A_1135 : vector<16xf32> to vector<1x16xf32>
        tpu.vector_store %arg11[%swap3A_1136, %swap3A_1137], %swap3A_1140 {strides = array<i32>} : memref<128x128xf32, #tpu.memory_space<vmem>>, vector<1x16xf32>,
        %slice3A_1141 = vector.extract_strided_slice %get3A_109 {offsets = [11], sizes = [1], strides = [1]} : vector<16xf32> to vector<1xf32>
        %squeeze3A_1142 = vector.extract %slice3A_1141[0] : f32 from vector<1xf32>
        %mul3A_1143 = arith.constant 16 : i32
        %mul3A_1144 = arith.muli %add3A_103, %mul3A_1143 : i32
        %add3A_1145 = arith.constant 11 : i32
        %add3A_1146 = arith.addi %mul3A_1144, %add3A_1145 : i32
        %get3A_1147 = arith.index_cast %add3A_1146 : i32 to index
        %get3A_1148 = arith.constant 0 : index
        %get3A_1149 = tpu.vector_load %arg11[%get3A_1147, %get3A_1148] {strides = array<i32>} : memref<128x128xf32, #tpu.memory_space<vmem>>, vector<1x16xf32>,
        %get3A_1150 = vector.shape_cast %get3A_1149 : vector<1x16xf32> to vector<16xf32>
        %mul3A_1151 = vector.broadcast %squeeze3A_1142 : f32 to vector<16xf32>
        %mul3A_1152 = arith.mulf %get3A_1150, %mul3A_1151 : vector<16xf32>
        %swap3A_1153 = arith.index_cast %add3A_1146 : i32 to index
        %swap3A_1154 = arith.constant 0 : index
        %swap3A_1155 = tpu.vector_load %arg11[%swap3A_1153, %swap3A_1154] {strides = array<i32>} : memref<128x128xf32, #tpu.memory_space<vmem>>, vector<1x16xf32>,
        %swap3A_1156 = vector.shape_cast %swap3A_1155 : vector<1x16xf32> to vector<16xf32>
        %swap3A_1157 = vector.shape_cast %mul3A_1152 : vector<16xf32> to vector<1x16xf32>
        tpu.vector_store %arg11[%swap3A_1153, %swap3A_1154], %swap3A_1157 {strides = array<i32>} : memref<128x128xf32, #tpu.memory_space<vmem>>, vector<1x16xf32>,
        %get3A_1158 = arith.index_cast %add3A_1146 : i32 to index
        %get3A_1159 = arith.constant 16 : index
        %get3A_1160 = tpu.vector_load %arg11[%get3A_1158, %get3A_1159] {strides = array<i32>} : memref<128x128xf32, #tpu.memory_space<vmem>>, vector<1x16xf32>,
        %get3A_1161 = vector.shape_cast %get3A_1160 : vector<1x16xf32> to vector<16xf32>
        %mul3A_1162 = vector.broadcast %squeeze3A_1142 : f32 to vector<16xf32>
        %mul3A_1163 = arith.mulf %get3A_1161, %mul3A_1162 : vector<16xf32>
        %swap3A_1164 = arith.index_cast %add3A_1146 : i32 to index
        %swap3A_1165 = arith.constant 16 : index
        %swap3A_1166 = tpu.vector_load %arg11[%swap3A_1164, %swap3A_1165] {strides = array<i32>} : memref<128x128xf32, #tpu.memory_space<vmem>>, vector<1x16xf32>,
        %swap3A_1167 = vector.shape_cast %swap3A_1166 : vector<1x16xf32> to vector<16xf32>
        %swap3A_1168 = vector.shape_cast %mul3A_1163 : vector<16xf32> to vector<1x16xf32>
        tpu.vector_store %arg11[%swap3A_1164, %swap3A_1165], %swap3A_1168 {strides = array<i32>} : memref<128x128xf32, #tpu.memory_space<vmem>>, vector<1x16xf32>,
        %get3A_1169 = arith.index_cast %add3A_1146 : i32 to index
        %get3A_1170 = arith.constant 32 : index
        %get3A_1171 = tpu.vector_load %arg11[%get3A_1169, %get3A_1170] {strides = array<i32>} : memref<128x128xf32, #tpu.memory_space<vmem>>, vector<1x16xf32>,
        %get3A_1172 = vector.shape_cast %get3A_1171 : vector<1x16xf32> to vector<16xf32>
        %mul3A_1173 = vector.broadcast %squeeze3A_1142 : f32 to vector<16xf32>
        %mul3A_1174 = arith.mulf %get3A_1172, %mul3A_1173 : vector<16xf32>
        %swap3A_1175 = arith.index_cast %add3A_1146 : i32 to index
        %swap3A_1176 = arith.constant 32 : index
        %swap3A_1177 = tpu.vector_load %arg11[%swap3A_1175, %swap3A_1176] {strides = array<i32>} : memref<128x128xf32, #tpu.memory_space<vmem>>, vector<1x16xf32>,
        %swap3A_1178 = vector.shape_cast %swap3A_1177 : vector<1x16xf32> to vector<16xf32>
        %swap3A_1179 = vector.shape_cast %mul3A_1174 : vector<16xf32> to vector<1x16xf32>
        tpu.vector_store %arg11[%swap3A_1175, %swap3A_1176], %swap3A_1179 {strides = array<i32>} : memref<128x128xf32, #tpu.memory_space<vmem>>, vector<1x16xf32>,
        %get3A_1180 = arith.index_cast %add3A_1146 : i32 to index
        %get3A_1181 = arith.constant 48 : index
        %get3A_1182 = tpu.vector_load %arg11[%get3A_1180, %get3A_1181] {strides = array<i32>} : memref<128x128xf32, #tpu.memory_space<vmem>>, vector<1x16xf32>,
        %get3A_1183 = vector.shape_cast %get3A_1182 : vector<1x16xf32> to vector<16xf32>
        %mul3A_1184 = vector.broadcast %squeeze3A_1142 : f32 to vector<16xf32>
        %mul3A_1185 = arith.mulf %get3A_1183, %mul3A_1184 : vector<16xf32>
        %swap3A_1186 = arith.index_cast %add3A_1146 : i32 to index
        %swap3A_1187 = arith.constant 48 : index
        %swap3A_1188 = tpu.vector_load %arg11[%swap3A_1186, %swap3A_1187] {strides = array<i32>} : memref<128x128xf32, #tpu.memory_space<vmem>>, vector<1x16xf32>,
        %swap3A_1189 = vector.shape_cast %swap3A_1188 : vector<1x16xf32> to vector<16xf32>
        %swap3A_1190 = vector.shape_cast %mul3A_1185 : vector<16xf32> to vector<1x16xf32>
        tpu.vector_store %arg11[%swap3A_1186, %swap3A_1187], %swap3A_1190 {strides = array<i32>} : memref<128x128xf32, #tpu.memory_space<vmem>>, vector<1x16xf32>,
        %get3A_1191 = arith.index_cast %add3A_1146 : i32 to index
        %get3A_1192 = arith.constant 64 : index
        %get3A_1193 = tpu.vector_load %arg11[%get3A_1191, %get3A_1192] {strides = array<i32>} : memref<128x128xf32, #tpu.memory_space<vmem>>, vector<1x16xf32>,
        %get3A_1194 = vector.shape_cast %get3A_1193 : vector<1x16xf32> to vector<16xf32>
        %mul3A_1195 = vector.broadcast %squeeze3A_1142 : f32 to vector<16xf32>
        %mul3A_1196 = arith.mulf %get3A_1194, %mul3A_1195 : vector<16xf32>
        %swap3A_1197 = arith.index_cast %add3A_1146 : i32 to index
        %swap3A_1198 = arith.constant 64 : index
        %swap3A_1199 = tpu.vector_load %arg11[%swap3A_1197, %swap3A_1198] {strides = array<i32>} : memref<128x128xf32, #tpu.memory_space<vmem>>, vector<1x16xf32>,
        %swap3A_1200 = vector.shape_cast %swap3A_1199 : vector<1x16xf32> to vector<16xf32>
        %swap3A_1201 = vector.shape_cast %mul3A_1196 : vector<16xf32> to vector<1x16xf32>
        tpu.vector_store %arg11[%swap3A_1197, %swap3A_1198], %swap3A_1201 {strides = array<i32>} : memref<128x128xf32, #tpu.memory_space<vmem>>, vector<1x16xf32>,
        %get3A_1202 = arith.index_cast %add3A_1146 : i32 to index
        %get3A_1203 = arith.constant 80 : index
        %get3A_1204 = tpu.vector_load %arg11[%get3A_1202, %get3A_1203] {strides = array<i32>} : memref<128x128xf32, #tpu.memory_space<vmem>>, vector<1x16xf32>,
        %get3A_1205 = vector.shape_cast %get3A_1204 : vector<1x16xf32> to vector<16xf32>
        %mul3A_1206 = vector.broadcast %squeeze3A_1142 : f32 to vector<16xf32>
        %mul3A_1207 = arith.mulf %get3A_1205, %mul3A_1206 : vector<16xf32>
        %swap3A_1208 = arith.index_cast %add3A_1146 : i32 to index
        %swap3A_1209 = arith.constant 80 : index
        %swap3A_1210 = tpu.vector_load %arg11[%swap3A_1208, %swap3A_1209] {strides = array<i32>} : memref<128x128xf32, #tpu.memory_space<vmem>>, vector<1x16xf32>,
        %swap3A_1211 = vector.shape_cast %swap3A_1210 : vector<1x16xf32> to vector<16xf32>
        %swap3A_1212 = vector.shape_cast %mul3A_1207 : vector<16xf32> to vector<1x16xf32>
        tpu.vector_store %arg11[%swap3A_1208, %swap3A_1209], %swap3A_1212 {strides = array<i32>} : memref<128x128xf32, #tpu.memory_space<vmem>>, vector<1x16xf32>,
        %get3A_1213 = arith.index_cast %add3A_1146 : i32 to index
        %get3A_1214 = arith.constant 96 : index
        %get3A_1215 = tpu.vector_load %arg11[%get3A_1213, %get3A_1214] {strides = array<i32>} : memref<128x128xf32, #tpu.memory_space<vmem>>, vector<1x16xf32>,
        %get3A_1216 = vector.shape_cast %get3A_1215 : vector<1x16xf32> to vector<16xf32>
        %mul3A_1217 = vector.broadcast %squeeze3A_1142 : f32 to vector<16xf32>
        %mul3A_1218 = arith.mulf %get3A_1216, %mul3A_1217 : vector<16xf32>
        %swap3A_1219 = arith.index_cast %add3A_1146 : i32 to index
        %swap3A_1220 = arith.constant 96 : index
        %swap3A_1221 = tpu.vector_load %arg11[%swap3A_1219, %swap3A_1220] {strides = array<i32>} : memref<128x128xf32, #tpu.memory_space<vmem>>, vector<1x16xf32>,
        %swap3A_1222 = vector.shape_cast %swap3A_1221 : vector<1x16xf32> to vector<16xf32>
        %swap3A_1223 = vector.shape_cast %mul3A_1218 : vector<16xf32> to vector<1x16xf32>
        tpu.vector_store %arg11[%swap3A_1219, %swap3A_1220], %swap3A_1223 {strides = array<i32>} : memref<128x128xf32, #tpu.memory_space<vmem>>, vector<1x16xf32>,
        %get3A_1224 = arith.index_cast %add3A_1146 : i32 to index
        %get3A_1225 = arith.constant 112 : index
        %get3A_1226 = tpu.vector_load %arg11[%get3A_1224, %get3A_1225] {strides = array<i32>} : memref<128x128xf32, #tpu.memory_space<vmem>>, vector<1x16xf32>,
        %get3A_1227 = vector.shape_cast %get3A_1226 : vector<1x16xf32> to vector<16xf32>
        %mul3A_1228 = vector.broadcast %squeeze3A_1142 : f32 to vector<16xf32>
        %mul3A_1229 = arith.mulf %get3A_1227, %mul3A_1228 : vector<16xf32>
        %swap3A_1230 = arith.index_cast %add3A_1146 : i32 to index
        %swap3A_1231 = arith.constant 112 : index
        %swap3A_1232 = tpu.vector_load %arg11[%swap3A_1230, %swap3A_1231] {strides = array<i32>} : memref<128x128xf32, #tpu.memory_space<vmem>>, vector<1x16xf32>,
        %swap3A_1233 = vector.shape_cast %swap3A_1232 : vector<1x16xf32> to vector<16xf32>
        %swap3A_1234 = vector.shape_cast %mul3A_1229 : vector<16xf32> to vector<1x16xf32>
        tpu.vector_store %arg11[%swap3A_1230, %swap3A_1231], %swap3A_1234 {strides = array<i32>} : memref<128x128xf32, #tpu.memory_space<vmem>>, vector<1x16xf32>,
        %slice3A_1235 = vector.extract_strided_slice %get3A_109 {offsets = [12], sizes = [1], strides = [1]} : vector<16xf32> to vector<1xf32>
        %squeeze3A_1236 = vector.extract %slice3A_1235[0] : f32 from vector<1xf32>
        %mul3A_1237 = arith.constant 16 : i32
        %mul3A_1238 = arith.muli %add3A_103, %mul3A_1237 : i32
        %add3A_1239 = arith.constant 12 : i32
        %add3A_1240 = arith.addi %mul3A_1238, %add3A_1239 : i32
        %get3A_1241 = arith.index_cast %add3A_1240 : i32 to index
        %get3A_1242 = arith.constant 0 : index
        %get3A_1243 = tpu.vector_load %arg11[%get3A_1241, %get3A_1242] {strides = array<i32>} : memref<128x128xf32, #tpu.memory_space<vmem>>, vector<1x16xf32>,
        %get3A_1244 = vector.shape_cast %get3A_1243 : vector<1x16xf32> to vector<16xf32>
        %mul3A_1245 = vector.broadcast %squeeze3A_1236 : f32 to vector<16xf32>
        %mul3A_1246 = arith.mulf %get3A_1244, %mul3A_1245 : vector<16xf32>
        %swap3A_1247 = arith.index_cast %add3A_1240 : i32 to index
        %swap3A_1248 = arith.constant 0 : index
        %swap3A_1249 = tpu.vector_load %arg11[%swap3A_1247, %swap3A_1248] {strides = array<i32>} : memref<128x128xf32, #tpu.memory_space<vmem>>, vector<1x16xf32>,
        %swap3A_1250 = vector.shape_cast %swap3A_1249 : vector<1x16xf32> to vector<16xf32>
        %swap3A_1251 = vector.shape_cast %mul3A_1246 : vector<16xf32> to vector<1x16xf32>
        tpu.vector_store %arg11[%swap3A_1247, %swap3A_1248], %swap3A_1251 {strides = array<i32>} : memref<128x128xf32, #tpu.memory_space<vmem>>, vector<1x16xf32>,
        %get3A_1252 = arith.index_cast %add3A_1240 : i32 to index
        %get3A_1253 = arith.constant 16 : index
        %get3A_1254 = tpu.vector_load %arg11[%get3A_1252, %get3A_1253] {strides = array<i32>} : memref<128x128xf32, #tpu.memory_space<vmem>>, vector<1x16xf32>,
        %get3A_1255 = vector.shape_cast %get3A_1254 : vector<1x16xf32> to vector<16xf32>
        %mul3A_1256 = vector.broadcast %squeeze3A_1236 : f32 to vector<16xf32>
        %mul3A_1257 = arith.mulf %get3A_1255, %mul3A_1256 : vector<16xf32>
        %swap3A_1258 = arith.index_cast %add3A_1240 : i32 to index
        %swap3A_1259 = arith.constant 16 : index
        %swap3A_1260 = tpu.vector_load %arg11[%swap3A_1258, %swap3A_1259] {strides = array<i32>} : memref<128x128xf32, #tpu.memory_space<vmem>>, vector<1x16xf32>,
        %swap3A_1261 = vector.shape_cast %swap3A_1260 : vector<1x16xf32> to vector<16xf32>
        %swap3A_1262 = vector.shape_cast %mul3A_1257 : vector<16xf32> to vector<1x16xf32>
        tpu.vector_store %arg11[%swap3A_1258, %swap3A_1259], %swap3A_1262 {strides = array<i32>} : memref<128x128xf32, #tpu.memory_space<vmem>>, vector<1x16xf32>,
        %get3A_1263 = arith.index_cast %add3A_1240 : i32 to index
        %get3A_1264 = arith.constant 32 : index
        %get3A_1265 = tpu.vector_load %arg11[%get3A_1263, %get3A_1264] {strides = array<i32>} : memref<128x128xf32, #tpu.memory_space<vmem>>, vector<1x16xf32>,
        %get3A_1266 = vector.shape_cast %get3A_1265 : vector<1x16xf32> to vector<16xf32>
        %mul3A_1267 = vector.broadcast %squeeze3A_1236 : f32 to vector<16xf32>
        %mul3A_1268 = arith.mulf %get3A_1266, %mul3A_1267 : vector<16xf32>
        %swap3A_1269 = arith.index_cast %add3A_1240 : i32 to index
        %swap3A_1270 = arith.constant 32 : index
        %swap3A_1271 = tpu.vector_load %arg11[%swap3A_1269, %swap3A_1270] {strides = array<i32>} : memref<128x128xf32, #tpu.memory_space<vmem>>, vector<1x16xf32>,
        %swap3A_1272 = vector.shape_cast %swap3A_1271 : vector<1x16xf32> to vector<16xf32>
        %swap3A_1273 = vector.shape_cast %mul3A_1268 : vector<16xf32> to vector<1x16xf32>
        tpu.vector_store %arg11[%swap3A_1269, %swap3A_1270], %swap3A_1273 {strides = array<i32>} : memref<128x128xf32, #tpu.memory_space<vmem>>, vector<1x16xf32>,
        %get3A_1274 = arith.index_cast %add3A_1240 : i32 to index
        %get3A_1275 = arith.constant 48 : index
        %get3A_1276 = tpu.vector_load %arg11[%get3A_1274, %get3A_1275] {strides = array<i32>} : memref<128x128xf32, #tpu.memory_space<vmem>>, vector<1x16xf32>,
        %get3A_1277 = vector.shape_cast %get3A_1276 : vector<1x16xf32> to vector<16xf32>
        %mul3A_1278 = vector.broadcast %squeeze3A_1236 : f32 to vector<16xf32>
        %mul3A_1279 = arith.mulf %get3A_1277, %mul3A_1278 : vector<16xf32>
        %swap3A_1280 = arith.index_cast %add3A_1240 : i32 to index
        %swap3A_1281 = arith.constant 48 : index
        %swap3A_1282 = tpu.vector_load %arg11[%swap3A_1280, %swap3A_1281] {strides = array<i32>} : memref<128x128xf32, #tpu.memory_space<vmem>>, vector<1x16xf32>,
        %swap3A_1283 = vector.shape_cast %swap3A_1282 : vector<1x16xf32> to vector<16xf32>
        %swap3A_1284 = vector.shape_cast %mul3A_1279 : vector<16xf32> to vector<1x16xf32>
        tpu.vector_store %arg11[%swap3A_1280, %swap3A_1281], %swap3A_1284 {strides = array<i32>} : memref<128x128xf32, #tpu.memory_space<vmem>>, vector<1x16xf32>,
        %get3A_1285 = arith.index_cast %add3A_1240 : i32 to index
        %get3A_1286 = arith.constant 64 : index
        %get3A_1287 = tpu.vector_load %arg11[%get3A_1285, %get3A_1286] {strides = array<i32>} : memref<128x128xf32, #tpu.memory_space<vmem>>, vector<1x16xf32>,
        %get3A_1288 = vector.shape_cast %get3A_1287 : vector<1x16xf32> to vector<16xf32>
        %mul3A_1289 = vector.broadcast %squeeze3A_1236 : f32 to vector<16xf32>
        %mul3A_1290 = arith.mulf %get3A_1288, %mul3A_1289 : vector<16xf32>
        %swap3A_1291 = arith.index_cast %add3A_1240 : i32 to index
        %swap3A_1292 = arith.constant 64 : index
        %swap3A_1293 = tpu.vector_load %arg11[%swap3A_1291, %swap3A_1292] {strides = array<i32>} : memref<128x128xf32, #tpu.memory_space<vmem>>, vector<1x16xf32>,
        %swap3A_1294 = vector.shape_cast %swap3A_1293 : vector<1x16xf32> to vector<16xf32>
        %swap3A_1295 = vector.shape_cast %mul3A_1290 : vector<16xf32> to vector<1x16xf32>
        tpu.vector_store %arg11[%swap3A_1291, %swap3A_1292], %swap3A_1295 {strides = array<i32>} : memref<128x128xf32, #tpu.memory_space<vmem>>, vector<1x16xf32>,
        %get3A_1296 = arith.index_cast %add3A_1240 : i32 to index
        %get3A_1297 = arith.constant 80 : index
        %get3A_1298 = tpu.vector_load %arg11[%get3A_1296, %get3A_1297] {strides = array<i32>} : memref<128x128xf32, #tpu.memory_space<vmem>>, vector<1x16xf32>,
        %get3A_1299 = vector.shape_cast %get3A_1298 : vector<1x16xf32> to vector<16xf32>
        %mul3A_1300 = vector.broadcast %squeeze3A_1236 : f32 to vector<16xf32>
        %mul3A_1301 = arith.mulf %get3A_1299, %mul3A_1300 : vector<16xf32>
        %swap3A_1302 = arith.index_cast %add3A_1240 : i32 to index
        %swap3A_1303 = arith.constant 80 : index
        %swap3A_1304 = tpu.vector_load %arg11[%swap3A_1302, %swap3A_1303] {strides = array<i32>} : memref<128x128xf32, #tpu.memory_space<vmem>>, vector<1x16xf32>,
        %swap3A_1305 = vector.shape_cast %swap3A_1304 : vector<1x16xf32> to vector<16xf32>
        %swap3A_1306 = vector.shape_cast %mul3A_1301 : vector<16xf32> to vector<1x16xf32>
        tpu.vector_store %arg11[%swap3A_1302, %swap3A_1303], %swap3A_1306 {strides = array<i32>} : memref<128x128xf32, #tpu.memory_space<vmem>>, vector<1x16xf32>,
        %get3A_1307 = arith.index_cast %add3A_1240 : i32 to index
        %get3A_1308 = arith.constant 96 : index
        %get3A_1309 = tpu.vector_load %arg11[%get3A_1307, %get3A_1308] {strides = array<i32>} : memref<128x128xf32, #tpu.memory_space<vmem>>, vector<1x16xf32>,
        %get3A_1310 = vector.shape_cast %get3A_1309 : vector<1x16xf32> to vector<16xf32>
        %mul3A_1311 = vector.broadcast %squeeze3A_1236 : f32 to vector<16xf32>
        %mul3A_1312 = arith.mulf %get3A_1310, %mul3A_1311 : vector<16xf32>
        %swap3A_1313 = arith.index_cast %add3A_1240 : i32 to index
        %swap3A_1314 = arith.constant 96 : index
        %swap3A_1315 = tpu.vector_load %arg11[%swap3A_1313, %swap3A_1314] {strides = array<i32>} : memref<128x128xf32, #tpu.memory_space<vmem>>, vector<1x16xf32>,
        %swap3A_1316 = vector.shape_cast %swap3A_1315 : vector<1x16xf32> to vector<16xf32>
        %swap3A_1317 = vector.shape_cast %mul3A_1312 : vector<16xf32> to vector<1x16xf32>
        tpu.vector_store %arg11[%swap3A_1313, %swap3A_1314], %swap3A_1317 {strides = array<i32>} : memref<128x128xf32, #tpu.memory_space<vmem>>, vector<1x16xf32>,
        %get3A_1318 = arith.index_cast %add3A_1240 : i32 to index
        %get3A_1319 = arith.constant 112 : index
        %get3A_1320 = tpu.vector_load %arg11[%get3A_1318, %get3A_1319] {strides = array<i32>} : memref<128x128xf32, #tpu.memory_space<vmem>>, vector<1x16xf32>,
        %get3A_1321 = vector.shape_cast %get3A_1320 : vector<1x16xf32> to vector<16xf32>
        %mul3A_1322 = vector.broadcast %squeeze3A_1236 : f32 to vector<16xf32>
        %mul3A_1323 = arith.mulf %get3A_1321, %mul3A_1322 : vector<16xf32>
        %swap3A_1324 = arith.index_cast %add3A_1240 : i32 to index
        %swap3A_1325 = arith.constant 112 : index
        %swap3A_1326 = tpu.vector_load %arg11[%swap3A_1324, %swap3A_1325] {strides = array<i32>} : memref<128x128xf32, #tpu.memory_space<vmem>>, vector<1x16xf32>,
        %swap3A_1327 = vector.shape_cast %swap3A_1326 : vector<1x16xf32> to vector<16xf32>
        %swap3A_1328 = vector.shape_cast %mul3A_1323 : vector<16xf32> to vector<1x16xf32>
        tpu.vector_store %arg11[%swap3A_1324, %swap3A_1325], %swap3A_1328 {strides = array<i32>} : memref<128x128xf32, #tpu.memory_space<vmem>>, vector<1x16xf32>,
        %slice3A_1329 = vector.extract_strided_slice %get3A_109 {offsets = [13], sizes = [1], strides = [1]} : vector<16xf32> to vector<1xf32>
        %squeeze3A_1330 = vector.extract %slice3A_1329[0] : f32 from vector<1xf32>
        %mul3A_1331 = arith.constant 16 : i32
        %mul3A_1332 = arith.muli %add3A_103, %mul3A_1331 : i32
        %add3A_1333 = arith.constant 13 : i32
        %add3A_1334 = arith.addi %mul3A_1332, %add3A_1333 : i32
        %get3A_1335 = arith.index_cast %add3A_1334 : i32 to index
        %get3A_1336 = arith.constant 0 : index
        %get3A_1337 = tpu.vector_load %arg11[%get3A_1335, %get3A_1336] {strides = array<i32>} : memref<128x128xf32, #tpu.memory_space<vmem>>, vector<1x16xf32>,
        %get3A_1338 = vector.shape_cast %get3A_1337 : vector<1x16xf32> to vector<16xf32>
        %mul3A_1339 = vector.broadcast %squeeze3A_1330 : f32 to vector<16xf32>
        %mul3A_1340 = arith.mulf %get3A_1338, %mul3A_1339 : vector<16xf32>
        %swap3A_1341 = arith.index_cast %add3A_1334 : i32 to index
        %swap3A_1342 = arith.constant 0 : index
        %swap3A_1343 = tpu.vector_load %arg11[%swap3A_1341, %swap3A_1342] {strides = array<i32>} : memref<128x128xf32, #tpu.memory_space<vmem>>, vector<1x16xf32>,
        %swap3A_1344 = vector.shape_cast %swap3A_1343 : vector<1x16xf32> to vector<16xf32>
        %swap3A_1345 = vector.shape_cast %mul3A_1340 : vector<16xf32> to vector<1x16xf32>
        tpu.vector_store %arg11[%swap3A_1341, %swap3A_1342], %swap3A_1345 {strides = array<i32>} : memref<128x128xf32, #tpu.memory_space<vmem>>, vector<1x16xf32>,
        %get3A_1346 = arith.index_cast %add3A_1334 : i32 to index
        %get3A_1347 = arith.constant 16 : index
        %get3A_1348 = tpu.vector_load %arg11[%get3A_1346, %get3A_1347] {strides = array<i32>} : memref<128x128xf32, #tpu.memory_space<vmem>>, vector<1x16xf32>,
        %get3A_1349 = vector.shape_cast %get3A_1348 : vector<1x16xf32> to vector<16xf32>
        %mul3A_1350 = vector.broadcast %squeeze3A_1330 : f32 to vector<16xf32>
        %mul3A_1351 = arith.mulf %get3A_1349, %mul3A_1350 : vector<16xf32>
        %swap3A_1352 = arith.index_cast %add3A_1334 : i32 to index
        %swap3A_1353 = arith.constant 16 : index
        %swap3A_1354 = tpu.vector_load %arg11[%swap3A_1352, %swap3A_1353] {strides = array<i32>} : memref<128x128xf32, #tpu.memory_space<vmem>>, vector<1x16xf32>,
        %swap3A_1355 = vector.shape_cast %swap3A_1354 : vector<1x16xf32> to vector<16xf32>
        %swap3A_1356 = vector.shape_cast %mul3A_1351 : vector<16xf32> to vector<1x16xf32>
        tpu.vector_store %arg11[%swap3A_1352, %swap3A_1353], %swap3A_1356 {strides = array<i32>} : memref<128x128xf32, #tpu.memory_space<vmem>>, vector<1x16xf32>,
        %get3A_1357 = arith.index_cast %add3A_1334 : i32 to index
        %get3A_1358 = arith.constant 32 : index
        %get3A_1359 = tpu.vector_load %arg11[%get3A_1357, %get3A_1358] {strides = array<i32>} : memref<128x128xf32, #tpu.memory_space<vmem>>, vector<1x16xf32>,
        %get3A_1360 = vector.shape_cast %get3A_1359 : vector<1x16xf32> to vector<16xf32>
        %mul3A_1361 = vector.broadcast %squeeze3A_1330 : f32 to vector<16xf32>
        %mul3A_1362 = arith.mulf %get3A_1360, %mul3A_1361 : vector<16xf32>
        %swap3A_1363 = arith.index_cast %add3A_1334 : i32 to index
        %swap3A_1364 = arith.constant 32 : index
        %swap3A_1365 = tpu.vector_load %arg11[%swap3A_1363, %swap3A_1364] {strides = array<i32>} : memref<128x128xf32, #tpu.memory_space<vmem>>, vector<1x16xf32>,
        %swap3A_1366 = vector.shape_cast %swap3A_1365 : vector<1x16xf32> to vector<16xf32>
        %swap3A_1367 = vector.shape_cast %mul3A_1362 : vector<16xf32> to vector<1x16xf32>
        tpu.vector_store %arg11[%swap3A_1363, %swap3A_1364], %swap3A_1367 {strides = array<i32>} : memref<128x128xf32, #tpu.memory_space<vmem>>, vector<1x16xf32>,
        %get3A_1368 = arith.index_cast %add3A_1334 : i32 to index
        %get3A_1369 = arith.constant 48 : index
        %get3A_1370 = tpu.vector_load %arg11[%get3A_1368, %get3A_1369] {strides = array<i32>} : memref<128x128xf32, #tpu.memory_space<vmem>>, vector<1x16xf32>,
        %get3A_1371 = vector.shape_cast %get3A_1370 : vector<1x16xf32> to vector<16xf32>
        %mul3A_1372 = vector.broadcast %squeeze3A_1330 : f32 to vector<16xf32>
        %mul3A_1373 = arith.mulf %get3A_1371, %mul3A_1372 : vector<16xf32>
        %swap3A_1374 = arith.index_cast %add3A_1334 : i32 to index
        %swap3A_1375 = arith.constant 48 : index
        %swap3A_1376 = tpu.vector_load %arg11[%swap3A_1374, %swap3A_1375] {strides = array<i32>} : memref<128x128xf32, #tpu.memory_space<vmem>>, vector<1x16xf32>,
        %swap3A_1377 = vector.shape_cast %swap3A_1376 : vector<1x16xf32> to vector<16xf32>
        %swap3A_1378 = vector.shape_cast %mul3A_1373 : vector<16xf32> to vector<1x16xf32>
        tpu.vector_store %arg11[%swap3A_1374, %swap3A_1375], %swap3A_1378 {strides = array<i32>} : memref<128x128xf32, #tpu.memory_space<vmem>>, vector<1x16xf32>,
        %get3A_1379 = arith.index_cast %add3A_1334 : i32 to index
        %get3A_1380 = arith.constant 64 : index
        %get3A_1381 = tpu.vector_load %arg11[%get3A_1379, %get3A_1380] {strides = array<i32>} : memref<128x128xf32, #tpu.memory_space<vmem>>, vector<1x16xf32>,
        %get3A_1382 = vector.shape_cast %get3A_1381 : vector<1x16xf32> to vector<16xf32>
        %mul3A_1383 = vector.broadcast %squeeze3A_1330 : f32 to vector<16xf32>
        %mul3A_1384 = arith.mulf %get3A_1382, %mul3A_1383 : vector<16xf32>
        %swap3A_1385 = arith.index_cast %add3A_1334 : i32 to index
        %swap3A_1386 = arith.constant 64 : index
        %swap3A_1387 = tpu.vector_load %arg11[%swap3A_1385, %swap3A_1386] {strides = array<i32>} : memref<128x128xf32, #tpu.memory_space<vmem>>, vector<1x16xf32>,
        %swap3A_1388 = vector.shape_cast %swap3A_1387 : vector<1x16xf32> to vector<16xf32>
        %swap3A_1389 = vector.shape_cast %mul3A_1384 : vector<16xf32> to vector<1x16xf32>
        tpu.vector_store %arg11[%swap3A_1385, %swap3A_1386], %swap3A_1389 {strides = array<i32>} : memref<128x128xf32, #tpu.memory_space<vmem>>, vector<1x16xf32>,
        %get3A_1390 = arith.index_cast %add3A_1334 : i32 to index
        %get3A_1391 = arith.constant 80 : index
        %get3A_1392 = tpu.vector_load %arg11[%get3A_1390, %get3A_1391] {strides = array<i32>} : memref<128x128xf32, #tpu.memory_space<vmem>>, vector<1x16xf32>,
        %get3A_1393 = vector.shape_cast %get3A_1392 : vector<1x16xf32> to vector<16xf32>
        %mul3A_1394 = vector.broadcast %squeeze3A_1330 : f32 to vector<16xf32>
        %mul3A_1395 = arith.mulf %get3A_1393, %mul3A_1394 : vector<16xf32>
        %swap3A_1396 = arith.index_cast %add3A_1334 : i32 to index
        %swap3A_1397 = arith.constant 80 : index
        %swap3A_1398 = tpu.vector_load %arg11[%swap3A_1396, %swap3A_1397] {strides = array<i32>} : memref<128x128xf32, #tpu.memory_space<vmem>>, vector<1x16xf32>,
        %swap3A_1399 = vector.shape_cast %swap3A_1398 : vector<1x16xf32> to vector<16xf32>
        %swap3A_1400 = vector.shape_cast %mul3A_1395 : vector<16xf32> to vector<1x16xf32>
        tpu.vector_store %arg11[%swap3A_1396, %swap3A_1397], %swap3A_1400 {strides = array<i32>} : memref<128x128xf32, #tpu.memory_space<vmem>>, vector<1x16xf32>,
        %get3A_1401 = arith.index_cast %add3A_1334 : i32 to index
        %get3A_1402 = arith.constant 96 : index
        %get3A_1403 = tpu.vector_load %arg11[%get3A_1401, %get3A_1402] {strides = array<i32>} : memref<128x128xf32, #tpu.memory_space<vmem>>, vector<1x16xf32>,
        %get3A_1404 = vector.shape_cast %get3A_1403 : vector<1x16xf32> to vector<16xf32>
        %mul3A_1405 = vector.broadcast %squeeze3A_1330 : f32 to vector<16xf32>
        %mul3A_1406 = arith.mulf %get3A_1404, %mul3A_1405 : vector<16xf32>
        %swap3A_1407 = arith.index_cast %add3A_1334 : i32 to index
        %swap3A_1408 = arith.constant 96 : index
        %swap3A_1409 = tpu.vector_load %arg11[%swap3A_1407, %swap3A_1408] {strides = array<i32>} : memref<128x128xf32, #tpu.memory_space<vmem>>, vector<1x16xf32>,
        %swap3A_1410 = vector.shape_cast %swap3A_1409 : vector<1x16xf32> to vector<16xf32>
        %swap3A_1411 = vector.shape_cast %mul3A_1406 : vector<16xf32> to vector<1x16xf32>
        tpu.vector_store %arg11[%swap3A_1407, %swap3A_1408], %swap3A_1411 {strides = array<i32>} : memref<128x128xf32, #tpu.memory_space<vmem>>, vector<1x16xf32>,
        %get3A_1412 = arith.index_cast %add3A_1334 : i32 to index
        %get3A_1413 = arith.constant 112 : index
        %get3A_1414 = tpu.vector_load %arg11[%get3A_1412, %get3A_1413] {strides = array<i32>} : memref<128x128xf32, #tpu.memory_space<vmem>>, vector<1x16xf32>,
        %get3A_1415 = vector.shape_cast %get3A_1414 : vector<1x16xf32> to vector<16xf32>
        %mul3A_1416 = vector.broadcast %squeeze3A_1330 : f32 to vector<16xf32>
        %mul3A_1417 = arith.mulf %get3A_1415, %mul3A_1416 : vector<16xf32>
        %swap3A_1418 = arith.index_cast %add3A_1334 : i32 to index
        %swap3A_1419 = arith.constant 112 : index
        %swap3A_1420 = tpu.vector_load %arg11[%swap3A_1418, %swap3A_1419] {strides = array<i32>} : memref<128x128xf32, #tpu.memory_space<vmem>>, vector<1x16xf32>,
        %swap3A_1421 = vector.shape_cast %swap3A_1420 : vector<1x16xf32> to vector<16xf32>
        %swap3A_1422 = vector.shape_cast %mul3A_1417 : vector<16xf32> to vector<1x16xf32>
        tpu.vector_store %arg11[%swap3A_1418, %swap3A_1419], %swap3A_1422 {strides = array<i32>} : memref<128x128xf32, #tpu.memory_space<vmem>>, vector<1x16xf32>,
        %slice3A_1423 = vector.extract_strided_slice %get3A_109 {offsets = [14], sizes = [1], strides = [1]} : vector<16xf32> to vector<1xf32>
        %squeeze3A_1424 = vector.extract %slice3A_1423[0] : f32 from vector<1xf32>
        %mul3A_1425 = arith.constant 16 : i32
        %mul3A_1426 = arith.muli %add3A_103, %mul3A_1425 : i32
        %add3A_1427 = arith.constant 14 : i32
        %add3A_1428 = arith.addi %mul3A_1426, %add3A_1427 : i32
        %get3A_1429 = arith.index_cast %add3A_1428 : i32 to index
        %get3A_1430 = arith.constant 0 : index
        %get3A_1431 = tpu.vector_load %arg11[%get3A_1429, %get3A_1430] {strides = array<i32>} : memref<128x128xf32, #tpu.memory_space<vmem>>, vector<1x16xf32>,
        %get3A_1432 = vector.shape_cast %get3A_1431 : vector<1x16xf32> to vector<16xf32>
        %mul3A_1433 = vector.broadcast %squeeze3A_1424 : f32 to vector<16xf32>
        %mul3A_1434 = arith.mulf %get3A_1432, %mul3A_1433 : vector<16xf32>
        %swap3A_1435 = arith.index_cast %add3A_1428 : i32 to index
        %swap3A_1436 = arith.constant 0 : index
        %swap3A_1437 = tpu.vector_load %arg11[%swap3A_1435, %swap3A_1436] {strides = array<i32>} : memref<128x128xf32, #tpu.memory_space<vmem>>, vector<1x16xf32>,
        %swap3A_1438 = vector.shape_cast %swap3A_1437 : vector<1x16xf32> to vector<16xf32>
        %swap3A_1439 = vector.shape_cast %mul3A_1434 : vector<16xf32> to vector<1x16xf32>
        tpu.vector_store %arg11[%swap3A_1435, %swap3A_1436], %swap3A_1439 {strides = array<i32>} : memref<128x128xf32, #tpu.memory_space<vmem>>, vector<1x16xf32>,
        %get3A_1440 = arith.index_cast %add3A_1428 : i32 to index
        %get3A_1441 = arith.constant 16 : index
        %get3A_1442 = tpu.vector_load %arg11[%get3A_1440, %get3A_1441] {strides = array<i32>} : memref<128x128xf32, #tpu.memory_space<vmem>>, vector<1x16xf32>,
        %get3A_1443 = vector.shape_cast %get3A_1442 : vector<1x16xf32> to vector<16xf32>
        %mul3A_1444 = vector.broadcast %squeeze3A_1424 : f32 to vector<16xf32>
        %mul3A_1445 = arith.mulf %get3A_1443, %mul3A_1444 : vector<16xf32>
        %swap3A_1446 = arith.index_cast %add3A_1428 : i32 to index
        %swap3A_1447 = arith.constant 16 : index
        %swap3A_1448 = tpu.vector_load %arg11[%swap3A_1446, %swap3A_1447] {strides = array<i32>} : memref<128x128xf32, #tpu.memory_space<vmem>>, vector<1x16xf32>,
        %swap3A_1449 = vector.shape_cast %swap3A_1448 : vector<1x16xf32> to vector<16xf32>
        %swap3A_1450 = vector.shape_cast %mul3A_1445 : vector<16xf32> to vector<1x16xf32>
        tpu.vector_store %arg11[%swap3A_1446, %swap3A_1447], %swap3A_1450 {strides = array<i32>} : memref<128x128xf32, #tpu.memory_space<vmem>>, vector<1x16xf32>,
        %get3A_1451 = arith.index_cast %add3A_1428 : i32 to index
        %get3A_1452 = arith.constant 32 : index
        %get3A_1453 = tpu.vector_load %arg11[%get3A_1451, %get3A_1452] {strides = array<i32>} : memref<128x128xf32, #tpu.memory_space<vmem>>, vector<1x16xf32>,
        %get3A_1454 = vector.shape_cast %get3A_1453 : vector<1x16xf32> to vector<16xf32>
        %mul3A_1455 = vector.broadcast %squeeze3A_1424 : f32 to vector<16xf32>
        %mul3A_1456 = arith.mulf %get3A_1454, %mul3A_1455 : vector<16xf32>
        %swap3A_1457 = arith.index_cast %add3A_1428 : i32 to index
        %swap3A_1458 = arith.constant 32 : index
        %swap3A_1459 = tpu.vector_load %arg11[%swap3A_1457, %swap3A_1458] {strides = array<i32>} : memref<128x128xf32, #tpu.memory_space<vmem>>, vector<1x16xf32>,
        %swap3A_1460 = vector.shape_cast %swap3A_1459 : vector<1x16xf32> to vector<16xf32>
        %swap3A_1461 = vector.shape_cast %mul3A_1456 : vector<16xf32> to vector<1x16xf32>
        tpu.vector_store %arg11[%swap3A_1457, %swap3A_1458], %swap3A_1461 {strides = array<i32>} : memref<128x128xf32, #tpu.memory_space<vmem>>, vector<1x16xf32>,
        %get3A_1462 = arith.index_cast %add3A_1428 : i32 to index
        %get3A_1463 = arith.constant 48 : index
        %get3A_1464 = tpu.vector_load %arg11[%get3A_1462, %get3A_1463] {strides = array<i32>} : memref<128x128xf32, #tpu.memory_space<vmem>>, vector<1x16xf32>,
        %get3A_1465 = vector.shape_cast %get3A_1464 : vector<1x16xf32> to vector<16xf32>
        %mul3A_1466 = vector.broadcast %squeeze3A_1424 : f32 to vector<16xf32>
        %mul3A_1467 = arith.mulf %get3A_1465, %mul3A_1466 : vector<16xf32>
        %swap3A_1468 = arith.index_cast %add3A_1428 : i32 to index
        %swap3A_1469 = arith.constant 48 : index
        %swap3A_1470 = tpu.vector_load %arg11[%swap3A_1468, %swap3A_1469] {strides = array<i32>} : memref<128x128xf32, #tpu.memory_space<vmem>>, vector<1x16xf32>,
        %swap3A_1471 = vector.shape_cast %swap3A_1470 : vector<1x16xf32> to vector<16xf32>
        %swap3A_1472 = vector.shape_cast %mul3A_1467 : vector<16xf32> to vector<1x16xf32>
        tpu.vector_store %arg11[%swap3A_1468, %swap3A_1469], %swap3A_1472 {strides = array<i32>} : memref<128x128xf32, #tpu.memory_space<vmem>>, vector<1x16xf32>,
        %get3A_1473 = arith.index_cast %add3A_1428 : i32 to index
        %get3A_1474 = arith.constant 64 : index
        %get3A_1475 = tpu.vector_load %arg11[%get3A_1473, %get3A_1474] {strides = array<i32>} : memref<128x128xf32, #tpu.memory_space<vmem>>, vector<1x16xf32>,
        %get3A_1476 = vector.shape_cast %get3A_1475 : vector<1x16xf32> to vector<16xf32>
        %mul3A_1477 = vector.broadcast %squeeze3A_1424 : f32 to vector<16xf32>
        %mul3A_1478 = arith.mulf %get3A_1476, %mul3A_1477 : vector<16xf32>
        %swap3A_1479 = arith.index_cast %add3A_1428 : i32 to index
        %swap3A_1480 = arith.constant 64 : index
        %swap3A_1481 = tpu.vector_load %arg11[%swap3A_1479, %swap3A_1480] {strides = array<i32>} : memref<128x128xf32, #tpu.memory_space<vmem>>, vector<1x16xf32>,
        %swap3A_1482 = vector.shape_cast %swap3A_1481 : vector<1x16xf32> to vector<16xf32>
        %swap3A_1483 = vector.shape_cast %mul3A_1478 : vector<16xf32> to vector<1x16xf32>
        tpu.vector_store %arg11[%swap3A_1479, %swap3A_1480], %swap3A_1483 {strides = array<i32>} : memref<128x128xf32, #tpu.memory_space<vmem>>, vector<1x16xf32>,
        %get3A_1484 = arith.index_cast %add3A_1428 : i32 to index
        %get3A_1485 = arith.constant 80 : index
        %get3A_1486 = tpu.vector_load %arg11[%get3A_1484, %get3A_1485] {strides = array<i32>} : memref<128x128xf32, #tpu.memory_space<vmem>>, vector<1x16xf32>,
        %get3A_1487 = vector.shape_cast %get3A_1486 : vector<1x16xf32> to vector<16xf32>
        %mul3A_1488 = vector.broadcast %squeeze3A_1424 : f32 to vector<16xf32>
        %mul3A_1489 = arith.mulf %get3A_1487, %mul3A_1488 : vector<16xf32>
        %swap3A_1490 = arith.index_cast %add3A_1428 : i32 to index
        %swap3A_1491 = arith.constant 80 : index
        %swap3A_1492 = tpu.vector_load %arg11[%swap3A_1490, %swap3A_1491] {strides = array<i32>} : memref<128x128xf32, #tpu.memory_space<vmem>>, vector<1x16xf32>,
        %swap3A_1493 = vector.shape_cast %swap3A_1492 : vector<1x16xf32> to vector<16xf32>
        %swap3A_1494 = vector.shape_cast %mul3A_1489 : vector<16xf32> to vector<1x16xf32>
        tpu.vector_store %arg11[%swap3A_1490, %swap3A_1491], %swap3A_1494 {strides = array<i32>} : memref<128x128xf32, #tpu.memory_space<vmem>>, vector<1x16xf32>,
        %get3A_1495 = arith.index_cast %add3A_1428 : i32 to index
        %get3A_1496 = arith.constant 96 : index
        %get3A_1497 = tpu.vector_load %arg11[%get3A_1495, %get3A_1496] {strides = array<i32>} : memref<128x128xf32, #tpu.memory_space<vmem>>, vector<1x16xf32>,
        %get3A_1498 = vector.shape_cast %get3A_1497 : vector<1x16xf32> to vector<16xf32>
        %mul3A_1499 = vector.broadcast %squeeze3A_1424 : f32 to vector<16xf32>
        %mul3A_1500 = arith.mulf %get3A_1498, %mul3A_1499 : vector<16xf32>
        %swap3A_1501 = arith.index_cast %add3A_1428 : i32 to index
        %swap3A_1502 = arith.constant 96 : index
        %swap3A_1503 = tpu.vector_load %arg11[%swap3A_1501, %swap3A_1502] {strides = array<i32>} : memref<128x128xf32, #tpu.memory_space<vmem>>, vector<1x16xf32>,
        %swap3A_1504 = vector.shape_cast %swap3A_1503 : vector<1x16xf32> to vector<16xf32>
        %swap3A_1505 = vector.shape_cast %mul3A_1500 : vector<16xf32> to vector<1x16xf32>
        tpu.vector_store %arg11[%swap3A_1501, %swap3A_1502], %swap3A_1505 {strides = array<i32>} : memref<128x128xf32, #tpu.memory_space<vmem>>, vector<1x16xf32>,
        %get3A_1506 = arith.index_cast %add3A_1428 : i32 to index
        %get3A_1507 = arith.constant 112 : index
        %get3A_1508 = tpu.vector_load %arg11[%get3A_1506, %get3A_1507] {strides = array<i32>} : memref<128x128xf32, #tpu.memory_space<vmem>>, vector<1x16xf32>,
        %get3A_1509 = vector.shape_cast %get3A_1508 : vector<1x16xf32> to vector<16xf32>
        %mul3A_1510 = vector.broadcast %squeeze3A_1424 : f32 to vector<16xf32>
        %mul3A_1511 = arith.mulf %get3A_1509, %mul3A_1510 : vector<16xf32>
        %swap3A_1512 = arith.index_cast %add3A_1428 : i32 to index
        %swap3A_1513 = arith.constant 112 : index
        %swap3A_1514 = tpu.vector_load %arg11[%swap3A_1512, %swap3A_1513] {strides = array<i32>} : memref<128x128xf32, #tpu.memory_space<vmem>>, vector<1x16xf32>,
        %swap3A_1515 = vector.shape_cast %swap3A_1514 : vector<1x16xf32> to vector<16xf32>
        %swap3A_1516 = vector.shape_cast %mul3A_1511 : vector<16xf32> to vector<1x16xf32>
        tpu.vector_store %arg11[%swap3A_1512, %swap3A_1513], %swap3A_1516 {strides = array<i32>} : memref<128x128xf32, #tpu.memory_space<vmem>>, vector<1x16xf32>,
        %slice3A_1517 = vector.extract_strided_slice %get3A_109 {offsets = [15], sizes = [1], strides = [1]} : vector<16xf32> to vector<1xf32>
        %squeeze3A_1518 = vector.extract %slice3A_1517[0] : f32 from vector<1xf32>
        %mul3A_1519 = arith.constant 16 : i32
        %mul3A_1520 = arith.muli %add3A_103, %mul3A_1519 : i32
        %add3A_1521 = arith.constant 15 : i32
        %add3A_1522 = arith.addi %mul3A_1520, %add3A_1521 : i32
        %get3A_1523 = arith.index_cast %add3A_1522 : i32 to index
        %get3A_1524 = arith.constant 0 : index
        %get3A_1525 = tpu.vector_load %arg11[%get3A_1523, %get3A_1524] {strides = array<i32>} : memref<128x128xf32, #tpu.memory_space<vmem>>, vector<1x16xf32>,
        %get3A_1526 = vector.shape_cast %get3A_1525 : vector<1x16xf32> to vector<16xf32>
        %mul3A_1527 = vector.broadcast %squeeze3A_1518 : f32 to vector<16xf32>
        %mul3A_1528 = arith.mulf %get3A_1526, %mul3A_1527 : vector<16xf32>
        %swap3A_1529 = arith.index_cast %add3A_1522 : i32 to index
        %swap3A_1530 = arith.constant 0 : index
        %swap3A_1531 = tpu.vector_load %arg11[%swap3A_1529, %swap3A_1530] {strides = array<i32>} : memref<128x128xf32, #tpu.memory_space<vmem>>, vector<1x16xf32>,
        %swap3A_1532 = vector.shape_cast %swap3A_1531 : vector<1x16xf32> to vector<16xf32>
        %swap3A_1533 = vector.shape_cast %mul3A_1528 : vector<16xf32> to vector<1x16xf32>
        tpu.vector_store %arg11[%swap3A_1529, %swap3A_1530], %swap3A_1533 {strides = array<i32>} : memref<128x128xf32, #tpu.memory_space<vmem>>, vector<1x16xf32>,
        %get3A_1534 = arith.index_cast %add3A_1522 : i32 to index
        %get3A_1535 = arith.constant 16 : index
        %get3A_1536 = tpu.vector_load %arg11[%get3A_1534, %get3A_1535] {strides = array<i32>} : memref<128x128xf32, #tpu.memory_space<vmem>>, vector<1x16xf32>,
        %get3A_1537 = vector.shape_cast %get3A_1536 : vector<1x16xf32> to vector<16xf32>
        %mul3A_1538 = vector.broadcast %squeeze3A_1518 : f32 to vector<16xf32>
        %mul3A_1539 = arith.mulf %get3A_1537, %mul3A_1538 : vector<16xf32>
        %swap3A_1540 = arith.index_cast %add3A_1522 : i32 to index
        %swap3A_1541 = arith.constant 16 : index
        %swap3A_1542 = tpu.vector_load %arg11[%swap3A_1540, %swap3A_1541] {strides = array<i32>} : memref<128x128xf32, #tpu.memory_space<vmem>>, vector<1x16xf32>,
        %swap3A_1543 = vector.shape_cast %swap3A_1542 : vector<1x16xf32> to vector<16xf32>
        %swap3A_1544 = vector.shape_cast %mul3A_1539 : vector<16xf32> to vector<1x16xf32>
        tpu.vector_store %arg11[%swap3A_1540, %swap3A_1541], %swap3A_1544 {strides = array<i32>} : memref<128x128xf32, #tpu.memory_space<vmem>>, vector<1x16xf32>,
        %get3A_1545 = arith.index_cast %add3A_1522 : i32 to index
        %get3A_1546 = arith.constant 32 : index
        %get3A_1547 = tpu.vector_load %arg11[%get3A_1545, %get3A_1546] {strides = array<i32>} : memref<128x128xf32, #tpu.memory_space<vmem>>, vector<1x16xf32>,
        %get3A_1548 = vector.shape_cast %get3A_1547 : vector<1x16xf32> to vector<16xf32>
        %mul3A_1549 = vector.broadcast %squeeze3A_1518 : f32 to vector<16xf32>
        %mul3A_1550 = arith.mulf %get3A_1548, %mul3A_1549 : vector<16xf32>
        %swap3A_1551 = arith.index_cast %add3A_1522 : i32 to index
        %swap3A_1552 = arith.constant 32 : index
        %swap3A_1553 = tpu.vector_load %arg11[%swap3A_1551, %swap3A_1552] {strides = array<i32>} : memref<128x128xf32, #tpu.memory_space<vmem>>, vector<1x16xf32>,
        %swap3A_1554 = vector.shape_cast %swap3A_1553 : vector<1x16xf32> to vector<16xf32>
        %swap3A_1555 = vector.shape_cast %mul3A_1550 : vector<16xf32> to vector<1x16xf32>
        tpu.vector_store %arg11[%swap3A_1551, %swap3A_1552], %swap3A_1555 {strides = array<i32>} : memref<128x128xf32, #tpu.memory_space<vmem>>, vector<1x16xf32>,
        %get3A_1556 = arith.index_cast %add3A_1522 : i32 to index
        %get3A_1557 = arith.constant 48 : index
        %get3A_1558 = tpu.vector_load %arg11[%get3A_1556, %get3A_1557] {strides = array<i32>} : memref<128x128xf32, #tpu.memory_space<vmem>>, vector<1x16xf32>,
        %get3A_1559 = vector.shape_cast %get3A_1558 : vector<1x16xf32> to vector<16xf32>
        %mul3A_1560 = vector.broadcast %squeeze3A_1518 : f32 to vector<16xf32>
        %mul3A_1561 = arith.mulf %get3A_1559, %mul3A_1560 : vector<16xf32>
        %swap3A_1562 = arith.index_cast %add3A_1522 : i32 to index
        %swap3A_1563 = arith.constant 48 : index
        %swap3A_1564 = tpu.vector_load %arg11[%swap3A_1562, %swap3A_1563] {strides = array<i32>} : memref<128x128xf32, #tpu.memory_space<vmem>>, vector<1x16xf32>,
        %swap3A_1565 = vector.shape_cast %swap3A_1564 : vector<1x16xf32> to vector<16xf32>
        %swap3A_1566 = vector.shape_cast %mul3A_1561 : vector<16xf32> to vector<1x16xf32>
        tpu.vector_store %arg11[%swap3A_1562, %swap3A_1563], %swap3A_1566 {strides = array<i32>} : memref<128x128xf32, #tpu.memory_space<vmem>>, vector<1x16xf32>,
        %get3A_1567 = arith.index_cast %add3A_1522 : i32 to index
        %get3A_1568 = arith.constant 64 : index
        %get3A_1569 = tpu.vector_load %arg11[%get3A_1567, %get3A_1568] {strides = array<i32>} : memref<128x128xf32, #tpu.memory_space<vmem>>, vector<1x16xf32>,
        %get3A_1570 = vector.shape_cast %get3A_1569 : vector<1x16xf32> to vector<16xf32>
        %mul3A_1571 = vector.broadcast %squeeze3A_1518 : f32 to vector<16xf32>
        %mul3A_1572 = arith.mulf %get3A_1570, %mul3A_1571 : vector<16xf32>
        %swap3A_1573 = arith.index_cast %add3A_1522 : i32 to index
        %swap3A_1574 = arith.constant 64 : index
        %swap3A_1575 = tpu.vector_load %arg11[%swap3A_1573, %swap3A_1574] {strides = array<i32>} : memref<128x128xf32, #tpu.memory_space<vmem>>, vector<1x16xf32>,
        %swap3A_1576 = vector.shape_cast %swap3A_1575 : vector<1x16xf32> to vector<16xf32>
        %swap3A_1577 = vector.shape_cast %mul3A_1572 : vector<16xf32> to vector<1x16xf32>
        tpu.vector_store %arg11[%swap3A_1573, %swap3A_1574], %swap3A_1577 {strides = array<i32>} : memref<128x128xf32, #tpu.memory_space<vmem>>, vector<1x16xf32>,
        %get3A_1578 = arith.index_cast %add3A_1522 : i32 to index
        %get3A_1579 = arith.constant 80 : index
        %get3A_1580 = tpu.vector_load %arg11[%get3A_1578, %get3A_1579] {strides = array<i32>} : memref<128x128xf32, #tpu.memory_space<vmem>>, vector<1x16xf32>,
        %get3A_1581 = vector.shape_cast %get3A_1580 : vector<1x16xf32> to vector<16xf32>
        %mul3A_1582 = vector.broadcast %squeeze3A_1518 : f32 to vector<16xf32>
        %mul3A_1583 = arith.mulf %get3A_1581, %mul3A_1582 : vector<16xf32>
        %swap3A_1584 = arith.index_cast %add3A_1522 : i32 to index
        %swap3A_1585 = arith.constant 80 : index
        %swap3A_1586 = tpu.vector_load %arg11[%swap3A_1584, %swap3A_1585] {strides = array<i32>} : memref<128x128xf32, #tpu.memory_space<vmem>>, vector<1x16xf32>,
        %swap3A_1587 = vector.shape_cast %swap3A_1586 : vector<1x16xf32> to vector<16xf32>
        %swap3A_1588 = vector.shape_cast %mul3A_1583 : vector<16xf32> to vector<1x16xf32>
        tpu.vector_store %arg11[%swap3A_1584, %swap3A_1585], %swap3A_1588 {strides = array<i32>} : memref<128x128xf32, #tpu.memory_space<vmem>>, vector<1x16xf32>,
        %get3A_1589 = arith.index_cast %add3A_1522 : i32 to index
        %get3A_1590 = arith.constant 96 : index
        %get3A_1591 = tpu.vector_load %arg11[%get3A_1589, %get3A_1590] {strides = array<i32>} : memref<128x128xf32, #tpu.memory_space<vmem>>, vector<1x16xf32>,
        %get3A_1592 = vector.shape_cast %get3A_1591 : vector<1x16xf32> to vector<16xf32>
        %mul3A_1593 = vector.broadcast %squeeze3A_1518 : f32 to vector<16xf32>
        %mul3A_1594 = arith.mulf %get3A_1592, %mul3A_1593 : vector<16xf32>
        %swap3A_1595 = arith.index_cast %add3A_1522 : i32 to index
        %swap3A_1596 = arith.constant 96 : index
        %swap3A_1597 = tpu.vector_load %arg11[%swap3A_1595, %swap3A_1596] {strides = array<i32>} : memref<128x128xf32, #tpu.memory_space<vmem>>, vector<1x16xf32>,
        %swap3A_1598 = vector.shape_cast %swap3A_1597 : vector<1x16xf32> to vector<16xf32>
        %swap3A_1599 = vector.shape_cast %mul3A_1594 : vector<16xf32> to vector<1x16xf32>
        tpu.vector_store %arg11[%swap3A_1595, %swap3A_1596], %swap3A_1599 {strides = array<i32>} : memref<128x128xf32, #tpu.memory_space<vmem>>, vector<1x16xf32>,
        %get3A_1600 = arith.index_cast %add3A_1522 : i32 to index
        %get3A_1601 = arith.constant 112 : index
        %get3A_1602 = tpu.vector_load %arg11[%get3A_1600, %get3A_1601] {strides = array<i32>} : memref<128x128xf32, #tpu.memory_space<vmem>>, vector<1x16xf32>,
        %get3A_1603 = vector.shape_cast %get3A_1602 : vector<1x16xf32> to vector<16xf32>
        %mul3A_1604 = vector.broadcast %squeeze3A_1518 : f32 to vector<16xf32>
        %mul3A_1605 = arith.mulf %get3A_1603, %mul3A_1604 : vector<16xf32>
        %swap3A_1606 = arith.index_cast %add3A_1522 : i32 to index
        %swap3A_1607 = arith.constant 112 : index
        %swap3A_1608 = tpu.vector_load %arg11[%swap3A_1606, %swap3A_1607] {strides = array<i32>} : memref<128x128xf32, #tpu.memory_space<vmem>>, vector<1x16xf32>,
        %swap3A_1609 = vector.shape_cast %swap3A_1608 : vector<1x16xf32> to vector<16xf32>
        %swap3A_1610 = vector.shape_cast %mul3A_1605 : vector<16xf32> to vector<1x16xf32>
        tpu.vector_store %arg11[%swap3A_1606, %swap3A_1607], %swap3A_1610 {strides = array<i32>} : memref<128x128xf32, #tpu.memory_space<vmem>>, vector<1x16xf32>,
      }
      %scan3A_74 = arith.constant 8 : i32
      %dma_start3A_75 = arith.constant 1 : i32
      %dma_start3A_76 = arith.constant 1 : i32
      %dma_start3A_77 = arith.constant 0 : i32
      %dma_start3A_78 = tpu.memref_slice %arg8[%dma_start3A_75, %dma_start3A_76, %dma_start3A_77] : memref<2x2x128xi32, #tpu.memory_space<vmem>> -> memref<1x1x128xi32, #tpu.memory_space<vmem>>
      %dma_start3A_79 = tpu.memref_squeeze %dma_start3A_78 : memref<1x1x128xi32, #tpu.memory_space<vmem>> -> memref<128xi32, #tpu.memory_space<vmem>>
      %dma_start3A_80 = arith.constant 0 : i32
      %dma_start3A_81 = arith.constant 0 : i32
      %dma_start3A_82 = tpu.memref_slice %arg7[%dma_start3A_80, %dma_start3A_81] : memref<10112x128xf32, #tpu.memory_space<vmem_shared>> -> memref<10112x128xf32, #tpu.memory_space<vmem_shared>>
      tpu.enqueue_indirect_dma source(%arg11 : memref<128x128xf32, #tpu.memory_space<vmem>>) target(%dma_start3A_82 : memref<10112x128xf32, #tpu.memory_space<vmem_shared>>) offsets(%dma_start3A_79 : memref<128xi32, #tpu.memory_space<vmem>>) semaphore(%arg13 : memref<!tpu.dma_semaphore, #tpu.memory_space<semaphore_mem>>) {add = true}
      %dma_wait3A_83 = arith.constant 0 : i32
      %dma_wait3A_84 = arith.constant 1 : i32
      %dma_wait3A_85 = arith.constant 0 : i32
      %dma_wait3A_86 = tpu.memref_slice %arg8[%dma_wait3A_83, %dma_wait3A_84, %dma_wait3A_85] : memref<2x2x128xi32, #tpu.memory_space<vmem>> -> memref<1x1x128xi32, #tpu.memory_space<vmem>>
      %dma_wait3A_87 = tpu.memref_squeeze %dma_wait3A_86 : memref<1x1x128xi32, #tpu.memory_space<vmem>> -> memref<128xi32, #tpu.memory_space<vmem>>
      %dma_wait3A_88 = arith.constant 0 : i32
      %dma_wait3A_89 = arith.constant 0 : i32
      %dma_wait3A_90 = tpu.memref_slice %arg7[%dma_wait3A_88, %dma_wait3A_89] : memref<10112x128xf32, #tpu.memory_space<vmem_shared>> -> memref<10112x128xf32, #tpu.memory_space<vmem_shared>>
      tpu.wait_indirect_dma semaphore(%arg13 : memref<!tpu.dma_semaphore, #tpu.memory_space<semaphore_mem>>) src(%arg10 : memref<128x128xf32, #tpu.memory_space<vmem>>) dst(%dma_wait3A_90 : memref<10112x128xf32, #tpu.memory_space<vmem_shared>>)
      %dma_wait3A_91 = arith.constant 1 : i32
      %dma_wait3A_92 = arith.constant 1 : i32
      %dma_wait3A_93 = arith.constant 0 : i32
      %dma_wait3A_94 = tpu.memref_slice %arg8[%dma_wait3A_91, %dma_wait3A_92, %dma_wait3A_93] : memref<2x2x128xi32, #tpu.memory_space<vmem>> -> memref<1x1x128xi32, #tpu.memory_space<vmem>>
      %dma_wait3A_95 = tpu.memref_squeeze %dma_wait3A_94 : memref<1x1x128xi32, #tpu.memory_space<vmem>> -> memref<128xi32, #tpu.memory_space<vmem>>
      %dma_wait3A_96 = arith.constant 0 : i32
      %dma_wait3A_97 = arith.constant 0 : i32
      %dma_wait3A_98 = tpu.memref_slice %arg7[%dma_wait3A_96, %dma_wait3A_97] : memref<10112x128xf32, #tpu.memory_space<vmem_shared>> -> memref<10112x128xf32, #tpu.memory_space<vmem_shared>>
      tpu.wait_indirect_dma semaphore(%arg13 : memref<!tpu.dma_semaphore, #tpu.memory_space<semaphore_mem>>) src(%arg11 : memref<128x128xf32, #tpu.memory_space<vmem>>) dst(%dma_wait3A_98 : memref<10112x128xf32, #tpu.memory_space<vmem_shared>>)
    }
    %scan3A_8 = arith.constant 40 : i32
    %barrier3A_9 = arith.constant 0 : index
    tpu.barrier barrier_id(%barrier3A_9)
    %mul3A_10 = arith.constant 632 : i32
    %mul3A_11 = arith.muli %arg1, %mul3A_10 : i32
    %mul3A_12 = arith.constant 10112 : i32
    %mul3A_13 = arith.muli %arg0, %mul3A_12 : i32
    %mul3A_14 = arith.constant 632 : i32
    %mul3A_15 = arith.muli %arg1, %mul3A_14 : i32
    %add3A = arith.addi %mul3A_13, %mul3A_15 : i32
    "tpu.region"() ({
      %run_scoped3A = tpu.sem_alloc : memref<!tpu.dma_semaphore, #tpu.memory_space<semaphore_mem>>
      %dma_start3A = arith.constant 0 : i32
      %dma_start3A_16 = tpu.memref_slice %arg6[%add3A, %dma_start3A] : memref<20224x128xf32, #tpu.memory_space<hbm>> -> memref<632x128xf32, #tpu.memory_space<hbm>>
      %dma_start3A_17 = arith.constant 0 : i32
      %dma_start3A_18 = tpu.memref_slice %arg7[%mul3A_11, %dma_start3A_17] : memref<10112x128xf32, #tpu.memory_space<vmem_shared>> -> memref<632x128xf32, #tpu.memory_space<vmem_shared>>
      tpu.enqueue_dma source(%dma_start3A_18 : memref<632x128xf32, #tpu.memory_space<vmem_shared>>) target(%dma_start3A_16 : memref<632x128xf32, #tpu.memory_space<hbm>>) target_semaphore(%run_scoped3A : memref<!tpu.dma_semaphore, #tpu.memory_space<semaphore_mem>>)
      %dma_wait3A = arith.constant 0 : i32
      %dma_wait3A_19 = tpu.memref_slice %arg6[%add3A, %dma_wait3A] : memref<20224x128xf32, #tpu.memory_space<hbm>> -> memref<632x128xf32, #tpu.memory_space<hbm>>
      %dma_wait3A_20 = arith.constant 0 : i32
      %dma_wait3A_21 = tpu.memref_slice %arg7[%mul3A_11, %dma_wait3A_20] : memref<10112x128xf32, #tpu.memory_space<vmem_shared>> -> memref<632x128xf32, #tpu.memory_space<vmem_shared>>
      tpu.wait_dma2 semaphore(%run_scoped3A : memref<!tpu.dma_semaphore, #tpu.memory_space<semaphore_mem>>) src(%dma_wait3A_21 : memref<632x128xf32, #tpu.memory_space<vmem_shared>>) dst(%dma_wait3A_19 : memref<632x128xf32, #tpu.memory_space<hbm>>)
      tpu.yield
    }) : () -> ()
    return
  }
}

module attributes {stable_mosaic.version = 14 : i64} {
  func.func @body(%arg0: i32, %arg1: memref<1264x128xf32, #tpu.memory_space<vmem>>, %arg2: memref<1264x128xf32, #tpu.memory_space<vmem>>, %arg3: memref<1264x128xf32, #tpu.memory_space<vmem>>) attributes {dimension_semantics = [#tpu.dimension_semantics<arbitrary>], iteration_bounds = array<i64: 16>, scalar_prefetch = 0 : i64, scratch_operands = 0 : i64, tpu.core_type = #tpu.core_type<tc>, window_params = [{transform_indices = @transform_0, window_bounds = array<i64: 1264, 128>}, {transform_indices = @transform_1, window_bounds = array<i64: 1264, 128>}, {transform_indices = @transform_2, window_bounds = array<i64: 1264, 128>}]} {
    %get3A = arith.constant 0 : index
    %get3A_0 = arith.constant 0 : index
    %get3A_1 = vector.load %arg1[%get3A, %get3A_0] : memref<1264x128xf32, #tpu.memory_space<vmem>>, vector<1264x128xf32>
    %get3A_2 = arith.constant 0 : index
    %get3A_3 = arith.constant 0 : index
    %get3A_4 = vector.load %arg2[%get3A_2, %get3A_3] : memref<1264x128xf32, #tpu.memory_space<vmem>>, vector<1264x128xf32>
    %add3A = arith.addf %get3A_1, %get3A_4 : vector<1264x128xf32>
    %swap3A = arith.constant 0 : index
    %swap3A_5 = arith.constant 0 : index
    %swap3A_6 = vector.load %arg3[%swap3A, %swap3A_5] : memref<1264x128xf32, #tpu.memory_space<vmem>>, vector<1264x128xf32>
    tpu.vector_store %arg3[%swap3A, %swap3A_5], %add3A {strides = array<i32>} : memref<1264x128xf32, #tpu.memory_space<vmem>>, vector<1264x128xf32>,
    return
  }
  func.func @transform_0(%arg0: i32) -> (i32, i32) {
    %c0_i32 = arith.constant 0 : i32
    %c0_i32_0 = arith.constant 0 : i32
    return %arg0, %c0_i32 : i32, i32
  }
  func.func @transform_1(%arg0: i32) -> (i32, i32) {
    %c0_i32 = arith.constant 0 : i32
    %c0_i32_0 = arith.constant 0 : i32
    return %arg0, %c0_i32 : i32, i32
  }
  func.func @transform_2(%arg0: i32) -> (i32, i32) {
    %c0_i32 = arith.constant 0 : i32
    %c0_i32_0 = arith.constant 0 : i32
    return %arg0, %c0_i32 : i32, i32
  }
}

module attributes {stable_mosaic.version = 14 : i64} {
  func.func @body(%arg0: i32, %arg1: memref<1xf32, #tpu.memory_space<smem>>, %arg2: memref<1264x128xf32, #tpu.memory_space<vmem>>, %arg3: memref<1264x128xf32, #tpu.memory_space<vmem>>) attributes {dimension_semantics = [#tpu.dimension_semantics<arbitrary>], iteration_bounds = array<i64: 16>, scalar_prefetch = 0 : i64, scratch_operands = 0 : i64, tpu.core_type = #tpu.core_type<tc>, window_params = [{transform_indices = @transform_0, window_bounds = array<i64: 1>}, {transform_indices = @transform_1, window_bounds = array<i64: 1264, 128>}, {transform_indices = @transform_2, window_bounds = array<i64: 1264, 128>}]} {
    %get3A = arith.constant 0 : index
    %get3A_0 = arith.constant 0 : index
    %get3A_1 = vector.load %arg2[%get3A, %get3A_0] : memref<1264x128xf32, #tpu.memory_space<vmem>>, vector<1264x128xf32>
    %get3A_2 = arith.constant 0 : index
    %get3A_3 = memref.load %arg1[%get3A_2] : memref<1xf32, #tpu.memory_space<smem>>
    %mul3A = vector.broadcast %get3A_3 : f32 to vector<1264x128xf32>
    %mul3A_4 = arith.mulf %get3A_1, %mul3A : vector<1264x128xf32>
    %swap3A = arith.constant 0 : index
    %swap3A_5 = arith.constant 0 : index
    %swap3A_6 = vector.load %arg3[%swap3A, %swap3A_5] : memref<1264x128xf32, #tpu.memory_space<vmem>>, vector<1264x128xf32>
    tpu.vector_store %arg3[%swap3A, %swap3A_5], %mul3A_4 {strides = array<i32>} : memref<1264x128xf32, #tpu.memory_space<vmem>>, vector<1264x128xf32>,
    return
  }
  func.func @transform_0(%arg0: i32) -> i32 {
    %c0_i32 = arith.constant 0 : i32
    %c0_i32_0 = arith.constant 0 : i32
    return %c0_i32 : i32
  }
  func.func @transform_1(%arg0: i32) -> (i32, i32) {
    %c0_i32 = arith.constant 0 : i32
    %c0_i32_0 = arith.constant 0 : i32
    return %arg0, %c0_i32 : i32, i32
  }
  func.func @transform_2(%arg0: i32) -> (i32, i32) {
    %c0_i32 = arith.constant 0 : i32
    %c0_i32_0 = arith.constant 0 : i32
    return %arg0, %c0_i32 : i32, i32
  }
}

</mosaic_0001>

<sc_bundles>
// kernel: body.8.cloned.1.call-start
scs
__scs_entry_jumppad:
0x0: {  	(pc) =	sbr.rel $0x88, $3  }
0x1: {  	(tag) =	ssettag $0x0;
	lr =	simm.s32 $0x1  }
0x2: {  	[smem:$0x3F9C] =	sst lr;
	_ =	strace $0xD0000000  }
0x3: {  	_ = 	snop  }
0x4: {  	_ = 	snop  }
0x5: {  	_ = 	snop  }
0x6: {  	_ = 	snop  }
0x7: {  	_ = 	snop  }
__scs_overlays_trampoline_lowered:
0x8: {  	[smem:$0x3FAB] =	sst s0  }
0x9: {  	[smem:$0x3FAC] =	sst s1  }
0xa: {  	[smem:$0x3FAD] =	sst s2  }
0xb: {  	[smem:$0x3FAE] =	sst s3  }
0xc: {  	[smem:$0x3FAF] =	sst s4  }
0xd: {  	[smem:$0x3FB0] =	sst s5  }
0xe: {  	[smem:$0x3FB1] =	sst s6  }
0xf: {  	[smem:$0x3FB2] =	sst s7  }
0x10: {  	[smem:$0x3FB3] =	sst s8  }
0x11: {  	[smem:$0x3FB4] =	sst s9;
	s0 =	simm.s32 @!p0 $0x0  }
0x12: {  	s1 =	sld [smem:$0x3F9A];
	s0 =	simm.s32 @p0 $0x1  }
0x13: {  	[smem:$0x3FB5] =	sst s0;
	s0 =	simm.s32 @!p1 $0x0  }
0x14: {  	s2 =	sld [smem:$0x3F99];
	s0 =	simm.s32 @p1 $0x1  }
0x15: {  	[smem:$0x3FB6] =	sst s0;
	s0 =	simm.s32 @!p2 $0x0  }
0x16: {  	s3 =	sld [smem:$0x3FDB];
	s0 =	simm.s32 @p2 $0x1  }
0x17: {  	s4 =	simm.s32 $0x1BF5;
	[smem:$0x3FB8] =	sst s0  }
0x18: {  	s0 =	sld [smem:$0x3F9B];
	_ =	swait.ge [sflag:s4], $0x0  }
0x19: {  	s7 =	sld [smem:$0x3F9C]  }
0x1a: {  	s8 =	sadd.s32 $0xFFFFE003, lr  }
0x1b: {  	s9 =	sadd.s32 $0xFFFFFEF7, lr;
	s5 =	simm.s32 $0xFFFFFFFF;
	p2 =	slt.u32 s8, $0xFFFFF086  }
0x1c: {  	p1 =	slt.u32 s9, $0xF7A;
	s5 =	simm.s32 @!p2 $0x0  }
0x1d: {  	s5 =	simm.s32 @p1 $0x1;
	p0 =	seq.s32 s7, s2  }
0x1e: {  	s7 =	smul.u32 @!p0 $0xF7A, s2;
	p2 =	seq.s32 @!p0 s5, $0x0  }
0x1f: {  	s9 =	smul.u32 $0xF7A, s1;
	s8 =	simm.s32 @!p0 $0x1BF5;
	p2 =	por !p2, p0  }
0x20: {  	[sflag:s8] =	ssyncset.s32 @!p0 $0xFFFFF086;
	s6 =	sadd.s32 @!p0 s3, s7;
	s7 =	simm.s32 @!p0 $0x108  }
0x21: {  	s3 =	sadd.s32 s3, s9;
	s6 =	sadd.s32 @!p0 $0x88, s6;
	s7 =	simm.s32 @p2 $0x1082  }
0x22: {  	[simem:s7], [sflag:s8] =	dma.local @!p0 [hbm:s6], $0xF7A  }
0x23: {  	s9 =	sor.u32 $0xD0000000, s2;
	s6 =	simm.s32 $0x108;
	_ =	swait.ge @!p0 [sflag:s8], $0x0  }
0x24: {  	s3 =	sadd.s32 $0x88, s3;
	s6 =	simm.s32 @!p1 $0x1082;
	[sflag:s4] =	ssyncset.s32 $0xFFFFF086  }
0x25: {  	[simem:s6], [sflag:s4] =	dma.local [hbm:s3], $0xF7A  }
0x26: {  	[smem:$0x3F9C] =	sst s1;
	(tag) =	ssettag s2;
	_ =	strace s9  }
0x27: {  	s1 =	sld [smem:$0x3FAC]  }
0x28: {  	s2 =	sld [smem:$0x3FAD]  }
0x29: {  	s4 =	sld [smem:$0x3FAF]  }
0x2a: {  	p0 =	seq.s32 s5, $0x0;
	s5 =	sld [smem:$0x3FB0]  }
0x2b: {  	s6 =	sld [smem:$0x3FB1]  }
0x2c: {  	s7 =	sld [smem:$0x3FB2]  }
0x2d: {  	s3 =	simm.s32 $0x108;
	s8 =	sld [smem:$0x3FB3]  }
0x2e: {  	s3 =	simm.s32 @!p0 $0x1082;
	s9 =	sld [smem:$0x3FB4]  }
0x2f: {  	lr =	sadd.s32 s0, s3;
	s0 =	sld [smem:$0x3FAB]  }
0x30: {  	s3 =	sld [smem:$0x3FAE]  }
0x31: {  	[smem:$0x3FB7] =	sst s10  }
0x32: {  	s10 =	sld [smem:$0x3FB5];
	_ =	sdelay $0x3  }
0x33: {  	p0 =	seq.s32 s10, $0x1;
	s10 =	sld [smem:$0x3FB7];
	_ =	sdelay $0x3  }
0x34: {  	[smem:$0x3FB7] =	sst s10  }
0x35: {  	s10 =	sld [smem:$0x3FB6];
	_ =	sdelay $0x3  }
0x36: {  	p1 =	seq.s32 s10, $0x1;
	s10 =	sld [smem:$0x3FB7];
	_ =	sdelay $0x3  }
0x37: {  	[smem:$0x3FB7] =	sst s10  }
0x38: {  	s10 =	sld [smem:$0x3FB8]  }
0x39: {  	_ = 	snop;
	(pc) =	sbr.ind lr, $3  }
0x3a: {  	_ = 	snop  }
0x3b: {  	_ = 	snop  }
0x3c: {  	p2 =	seq.s32 s10, $0x1;
	s10 =	sld [smem:$0x3FB7]  }
0x3d: {  	_ =	shalt  }
0x3e: {  	_ =	shalt  }
0x3f: {  	_ =	shalt  }
0x40: {  	_ =	shalt  }
0x41: {  	_ =	shalt  }
0x42: {  	_ =	shalt  }
0x43: {  	_ =	shalt  }
0x44: {  	_ =	shalt  }
0x45: {  	_ =	shalt  }
0x46: {  	_ =	shalt  }
0x47: {  	_ =	shalt  }
0x48: {  	_ =	shalt  }
0x49: {  	_ =	shalt  }
0x4a: {  	_ =	shalt  }
0x4b: {  	_ =	shalt  }
0x4c: {  	_ =	shalt  }
0x4d: {  	_ =	shalt  }
0x4e: {  	_ =	shalt  }
0x4f: {  	_ =	shalt  }
0x50: {  	_ =	shalt  }
0x51: {  	_ =	shalt  }
0x52: {  	_ =	shalt  }
0x53: {  	_ =	shalt  }
0x54: {  	_ =	shalt  }
0x55: {  	_ =	shalt  }
0x56: {  	_ =	shalt  }
0x57: {  	_ =	shalt  }
0x58: {  	_ =	shalt  }
0x59: {  	_ =	shalt  }
0x5a: {  	_ =	shalt  }
0x5b: {  	_ =	shalt  }
0x5c: {  	_ =	shalt  }
0x5d: {  	_ =	shalt  }
0x5e: {  	_ =	shalt  }
0x5f: {  	_ =	shalt  }
0x60: {  	_ =	shalt  }
0x61: {  	_ =	shalt  }
0x62: {  	_ =	shalt  }
0x63: {  	_ =	shalt  }
0x64: {  	_ =	shalt  }
0x65: {  	_ =	shalt  }
0x66: {  	_ =	shalt  }
0x67: {  	_ =	shalt  }
0x68: {  	_ =	shalt  }
0x69: {  	_ =	shalt  }
0x6a: {  	_ =	shalt  }
0x6b: {  	_ =	shalt  }
0x6c: {  	_ =	shalt  }
0x6d: {  	_ =	shalt  }
0x6e: {  	_ =	shalt  }
0x6f: {  	_ =	shalt  }
0x70: {  	_ =	shalt  }
0x71: {  	_ =	shalt  }
0x72: {  	_ =	shalt  }
0x73: {  	_ =	shalt  }
0x74: {  	_ =	shalt  }
0x75: {  	_ =	shalt  }
0x76: {  	_ =	shalt  }
0x77: {  	_ =	shalt  }
0x78: {  	_ =	shalt  }
0x79: {  	_ =	shalt  }
0x7a: {  	_ =	shalt  }
0x7b: {  	_ =	shalt  }
0x7c: {  	_ =	shalt  }
0x7d: {  	_ =	shalt  }
0x7e: {  	_ =	shalt  }
0x7f: {  	_ =	shalt  }
0x80: {  	_ =	shalt  }
0x81: {  	_ =	shalt  }
0x82: {  	_ =	shalt  }
0x83: {  	_ =	shalt  }
0x84: {  	_ =	shalt  }
0x85: {  	_ =	shalt  }
0x86: {  	_ =	shalt  }
0x87: {  	_ =	shalt  }
.Lfunc_end0:
.L_simem_size_0:
called_computation_lowered:
.L_overlay_start_0:
0x88: {  	s2 =	sld [smem:$0x3FD9]  }
0x89: {  	s3 =	sld [smem:$0x3FFE];
	_ =	sdelay $0x1  }
0x8a: {  	s1 =	srdreg.scid  }
0x8b: {  	s0 =	sand.u32 $0x1, s1  }
0x8c: {  	s14 =	sshll.u32 s0, $0xA;
	s2 =	sadd.s32 s3, s2  }
0x8d: {  	s2 =	sadd.s32 s2, s14  }
0x8e: {  	[smem:$0x3FC3] =	sst s2  }
0x8f: {  	_ = 	snop  }
0x90: {  	s2 =	sld [smem:$0x3FD0];
	_ =	sdelay $0x2  }
0x91: {  	s15 =	simm.s32 $0xA;
	s4 =	simm.s32 $0x10  }
0x92: {  	[smem:s4], [sflag:s15] =	dma.local [hbm:s2], $0x1  }
0x93: {  	_ =	swait.eq [sflag:s15], $0x1  }
0x94: {  	[sflag:s15] =	ssyncset.done $0x0  }
0x95: {  	s16 =	sld [smem:$0x10];
	[sflag:s15] =	ssyncadd.s32 $0xFFFFFFFF  }
0x96: {  	s17 =	sld [smem:$0x11];
	(tm) =	ssettm $0x1  }
0x97: {  	s18 =	sld [smem:$0x3FFB];
	_ =	sdelay $0x3  }
0x98: {  	_ =	strace s18  }
0x99: {  	s4 =	sld [smem:$0x3FFC];
	_ =	sdelay $0x3  }
0x9a: {  	_ =	strace s4  }
0x9b: {  	s4 =	sld [smem:$0x3FFD];
	_ =	sdelay $0x3  }
0x9c: {  	_ =	strace s4  }
0x9d: {  	_ =	strace $0x8FFFFFFF  }
0x9e: {  	s19 =	sld [smem:$0x3FDB];
	_ =	sdelay $0x1  }
0x9f: {  	s5 =	simm.s32 $_scs_section_size  }
0xa0: {  	s6 =	simm.s32 $_size__tile_overlayer_lowered;
	s7 =	simm.s32 $_tile_overlayer_lowered  }
0xa1: {  	s22 =	simm.s32 $0x1BFF;
	s21 =	sshll.u32 s7, $0x1;
	s4 =	sadd.s32 s5, s19  }
0xa2: {  	s8 =	simm.s32 $0x0;
	s20 =	sshll.u32 s6, $0x1;
	s6 =	sadd.s32 s21, s4  }
0xa3: {  	[timem:s8], [sflag:s22] =	dma.local [hbm:s6], s20  }
0xa4: {  	_ =	swait.ge [sflag:s22], s20  }
0xa5: {  	s5 =	ssub.s32 $0x0, s20;
	[sflag:s22] =	ssyncset.done $0x0  }
0xa6: {  	[sflag:s22] =	ssyncadd.s32 s5;
	_ =	sdelay $0x1  }
0xa7: {  	s23 =	simm.s32 $0x1B8B  }
0xa8: {  	_ =	swait.ge [sflag:s23], $0x1  }
0xa9: {  	[sflag:s23] =	ssyncset.done $0x0  }
0xaa: {  	s25 =	simm.s32 $0x1B8E;
	s24 =	sld [smem:$0x3FFE];
	[sflag:s23] =	ssyncadd.s32 $0xFFFFFFFF  }
0xab: {  	s26 =	simm.s32 $execute0_lowered;
	[smem:$0x3FD2] =	sst s25  }
0xac: {  	s6 =	sshll.u32 s26, $0x1;
	_ =	strace $0x80000046;
	[dreg:$0x1] =	wrdreg $0xFFFFFFFF  }
0xad: {  	s28 =	simm.s32 $_size_execute0_lowered;
	s4 =	sadd.s32 s4, s6;
	[dreg:$0x0] =	wrdreg $0x0  }
0xae: {  	s6 =	sshll.u32 s28, $0x1;
	[dreg:$0x2] =	wrdreg s4  }
0xaf: {  	[dreg:$0x3] =	wrdreg s6  }
0xb0: {  	[dreg:$0x4] =	wrdreg $0xC0  }
0xb1: {  	_ =	task [dreg:s8], $0x5FFFF  }
0xb2: {  	[dreg:$0x1] =	wrdreg $0xFFFFFFFF  }
0xb3: {  	[dreg:$0x0] =	wrdreg $0x60  }
0xb4: {  	[dreg:$0x2] =	wrdreg s24  }
0xb5: {  	[dreg:$0x3] =	wrdreg s17  }
0xb6: {  	[dreg:$0x4] =	wrdreg s16  }
0xb7: {  	[dreg:$0x5] =	wrdreg $0x0  }
0xb8: {  	[dreg:$0x6] =	wrdreg $0x9  }
0xb9: {  	_ =	task.clear_ibuf [dreg:s8], $0x7FFFF;
	_ =	strace $0x90000046  }
0xba: {  	s29 =	simm.s32 $0x9;
	_ =	strace $0x80000048  }
0xbb: {  	_ =	swait.ge [sflag:s29], $0x1  }
0xbc: {  	[sflag:s29] =	ssyncadd.s32 $0xFFFFFFFF  }
0xbd: {  	_ =	strace $0x90000048  }
0xbe: {  	_ =	sfence  }
0xbf: {  	s30 =	sld [smem:$0x0];
	_ =	sdelay $0x2  }
0xc0: {  	s31 =	sshll.u32 s1, $0xD;
	s1 =	sshrl.u32 s1, $0x2  }
0xc1: {  	s3 =	sand.u32 $0x4000, s31;
	s1 =	sadd.s32 s1, s30  }
0xc2: {  	s0 =	sor.u32 s3, s0;
	s1 =	sshll.u32 s1, $0x11  }
0xc3: {  	s0 =	sor.u32 s1, s0  }
0xc4: {  	s0 =	sadd.s32 $0x8F2B, s0  }
0xc5: {  	[sflag:s0] =	ssyncadd.remote.s32 $0x1  }
0xc6: {  	_ =	sfence.sel $0xFFFF  }
0xc7: {  	[dreg:$0x0] =	wrdreg $0xFFFFFFFF;
	(pc) =	sbr.abs _section_cstart, $3  }
0xc8: {  	[dreg:$0x1] =	wrdreg $0xFFFFFFFF  }
0xc9: {  	_ =	task.clear_ibuf [dreg:s8], $0x2FFFF;
	_ =	strace $0x9FFFFFFF  }
0xca: {  	(tm) =	ssettm $0x7FFFFFFF  }
0xcb: {  	_ =	shalt  }
tec
execute0_lowered:
.L_overlay_start_1:
0x0: {  	(tag) =	ssettag $0x1  }
0x1: {  	s7 =	rddreg [dreg:$0x0]  }
0x2: {  	s1 =	rddreg [dreg:$0x1]  }
0x3: {  	s8 =	rddreg [dreg:$0x2]  }
0x4: {  	s3 =	rddreg [dreg:$0x3]  }
0x5: {  	s0 =	rddreg [dreg:$0x4]  }
0x6: {  	s5 =	srdreg.scid;
	s2 =	stileid.u32;
	s4 =	simm.s32 $0x0  }
0x7: {  	s16 =	simm.s32 $0x13E00;
	s17 =	simm.s32 $0x80;
	s18 =	simm.s32 $0x13F00  }
0x8: {  	s19 =	simm.s32 $0x13D00;
	s20 =	simm.s32 $0x17F00;
	s21 =	simm.s32 $0x1  }
0x9: {  	s22 =	simm.s32 $0x13C80;
	s23 =	simm.s32 $0x13D80;
	s10 =	smul.u32 $0x2780, s2  }
0xa: {  	s24 =	simm.s32 $0x2;
	s9 =	sand.u32 $0x1, s5;
	s12 =	smul.u32 $0x4F000, s2  }
0xb: {  	[smem:$0x7FF] =	sst s4;
	s5 =	sadd.s32 $0x56A00, s7;
	s14 =	smul.u32 $0x5000, s2  }
0xc: {  	s6 =	sadd.s32 $0x51A00, s7;
	s31 =	sshll.u32 s2, $0x6;
	s11 =	smul.u32 $0x27800, s9  }
0xd: {  	_ =	strace $0x80000047;
	s30 =	ssub.s32 $0x2, s9;
	s9 =	smul.u32 $0x50000, s9  }
0xe: {  	s13 =	sshrl.u32 s30, $0x1;
	s12 =	sshrl.u32 s12, $0x2;
	s11 =	sadd.s32 s10, s11  }
0xf: {  	s13 =	ssub.s32 s30, s13;
	s15 =	sadd.s32 s12, s3;
	s9 =	sadd.s32 s14, s9  }
0x10: {  	s14 =	simm.s32 $0x3;
	s11 =	sadd.s32 s11, s7;
	s7 =	sadd.s32 s8, s10  }
0x11: {  	s8 =	sor.u32 $0x1C03, s31;
	s10 =	smul.u32 $0x28, s2;
	s12 =	smax.u32 s13, $0x1  }
0x12: {  	s13 =	sshrl.u32 s15, $0x3;
	s15 =	simm.s32 $0x13C00;
	s11 =	sadd.s32 $0xA5A00, s11  }
.LBB2_1:
0x13: {  	[spmem:s13], [sflag:s8] =	dma.local [hbm:s7], $0x2780  }
0x14: {  	_ =	swait.ge [sflag:s14], $0x2780  }
0x15: {  	[sflag:s14] =	ssyncset.done $0x0  }
0x16: {  	[sflag:s14] =	ssyncadd.s32 $0xFFFFD880  }
0x17: {  	s25 =	simm.s32 $0x0;
	[bflag:$0x0] =	sbarrier.arrive $0xFFFF  }
.LBB2_2:
0x18: {  	s26 =	sshll.u32 s25, $0x9  }
0x19: {  	s26 =	sadd.s32 s26, s9  }
0x1a: {  	s26 =	sshrl.u32 s26, $0x3  }
0x1b: {  	s28 =	simm.s32 $0x0;
	s26 =	sadd.s32 s1, s26  }
0x1c: {  	[tilespmem:s15], [sflag:$0x3] =	stream.linear.gather [hbm4b:s26+s28], $0x200, $0x38;
	[tilespmem:$0x1BF00] =	vst v63  }
0x1d: {  	s30 =	sadd.s32 s10, s25;
	_ =	swait.ge [sflag:s14], $0x200  }
0x1e: {  	s26 =	sshll.u32 s30, $0x5;
	[sflag:s14] =	ssyncset.done $0x0  }
0x1f: {  	s26 =	sadd.s32 s6, s26;
	[sflag:s14] =	ssyncadd.s32 $0xFFFFFE00  }
0x20: {  	[tilespmem:s16], [sflag:$0x3] =	stream.linear.gather [hbm4b:s26+s28], $0x100, $0x38;
	[tilespmem:$0x1BF00] =	vst v63  }
0x21: {  	_ =	swait.ge [sflag:s14], $0x100  }
0x22: {  	[sflag:s14] =	ssyncset.done $0x0  }
0x23: {  	[sflag:s14] =	ssyncadd.s32 $0xFFFFFF00  }
0x24: {  	[tilespmem:s18], [sflag:$0x1] =	stream.indirect.gather [hbm4b:s5+s17], $0x80, s15, s17, $0xb8;
	[tilespmem:$0x1BF00] =	vst v63  }
0x25: {  	_ = 	snop  }
0x26: {  	[tilespmem:s20], [sflag:$0x1] =	stream.indirect.gather [hbm4b:s5+s17], $0x80, s19, s17, $0xb8;
	[tilespmem:$0x1BF00] =	vst v63  }
0x27: {  	_ =	swait.ge [sflag:s21], $0x4000  }
0x28: {  	s31 =	simm.s32 $0x0;
	[sflag:s21] =	ssyncset.done $0x0  }
0x29: {  	s26 =	sand.u32 $0x3FFFFFF0, s31;
	s28 =	simm.s32 $0x0;
	[sflag:s21] =	ssyncadd.s32 $0xFFFFC000  }
0x2a: {  	v0 =	vld [tilespmem:s26+$0x13E00];
	s26 =	sand.u32 $0x3FFFF800, s28  }
0x2b: {  	v6 =	vld [tilespmem:s26+$0x13FC0]  }
0x2c: {  	v2 =	vld [tilespmem:s26+$0x13F20]  }
0x2d: {  	v3 =	vld [tilespmem:s26+$0x13F30]  }
0x2e: {  	v9 =	vld [tilespmem:s26+$0x13F60]  }
0x2f: {  	v10 =	vld [tilespmem:s26+$0x13F70];
	v1 =	vbroadcast v0, $0x0  }
0x30: {  	v11 =	vld [tilespmem:s26+$0x13F80]  }
0x31: {  	v12 =	vld [tilespmem:s26+$0x13F90];
	v2 =	vmul.f32 v2, v1  }
0x32: {  	v13 =	vld [tilespmem:s26+$0x13FA0];
	v3 =	vmul.f32 v3, v1  }
0x33: {  	v8 =	vld [tilespmem:s26+$0x13FB0];
	v28 =	vbroadcast v0, $0x1;
	v27 =	vmul.f32 v9, v1;
	[tilespmem:s26+$0x13F20] =	vst v2  }
0x34: {  	v7 =	vld [tilespmem:s26+$0x13FD0];
	v10 =	vmul.f32 v10, v1;
	[tilespmem:s26+$0x13F30] =	vst v3  }
0x35: {  	v5 =	vld [tilespmem:s26+$0x14470];
	v11 =	vmul.f32 v11, v28;
	[tilespmem:s26+$0x13F60] =	vst v27  }
0x36: {  	v30 =	vld [tilespmem:s26+$0x13FF0];
	v12 =	vmul.f32 v12, v28;
	[tilespmem:s26+$0x13F70] =	vst v10  }
0x37: {  	v31 =	vld [tilespmem:s26+$0x14000];
	v13 =	vmul.f32 v13, v28;
	[tilespmem:s26+$0x13F80] =	vst v11  }
0x38: {  	v32 =	vld [tilespmem:s26+$0x14010];
	v8 =	vmul.f32 v8, v28;
	[tilespmem:s26+$0x13F90] =	vst v12  }
0x39: {  	v29 =	vld [tilespmem:s26+$0x13FE0];
	v6 =	vmul.f32 v6, v28;
	[tilespmem:s26+$0x13FA0] =	vst v13  }
0x3a: {  	v33 =	vld [tilespmem:s26+$0x14020];
	v14 =	vbroadcast v0, $0x2;
	v7 =	vmul.f32 v7, v28;
	[tilespmem:s26+$0x13FB0] =	vst v8  }
0x3b: {  	v34 =	vld [tilespmem:s26+$0x14030];
	v9 =	vmul.f32 v30, v28;
	[tilespmem:s26+$0x13FC0] =	vst v6  }
0x3c: {  	v35 =	vld [tilespmem:s26+$0x14040];
	v4 =	vbroadcast v0, $0xA;
	v37 =	vmul.f32 v31, v14;
	[tilespmem:s26+$0x13FD0] =	vst v7  }
0x3d: {  	v36 =	vld [tilespmem:s26+$0x14050];
	v39 =	vmul.f32 v32, v14;
	[tilespmem:s26+$0x13FF0] =	vst v9  }
0x3e: {  	v38 =	vld [tilespmem:s26+$0x14060];
	v2 =	vmul.f32 v5, v4;
	[tilespmem:s26+$0x14000] =	vst v37  }
0x3f: {  	v40 =	vld [tilespmem:s26+$0x14070];
	v10 =	vmul.f32 v29, v28;
	[tilespmem:s26+$0x14010] =	vst v39  }
0x40: {  	v41 =	vld [tilespmem:s26+$0x14080];
	v8 =	vmul.f32 v33, v14;
	[tilespmem:s26+$0x14470] =	vst v2  }
0x41: {  	v42 =	vld [tilespmem:s26+$0x14090];
	v6 =	vmul.f32 v34, v14;
	[tilespmem:s26+$0x13FE0] =	vst v10  }
0x42: {  	v43 =	vld [tilespmem:s26+$0x140A0];
	v7 =	vmul.f32 v35, v14;
	[tilespmem:s26+$0x14020] =	vst v8  }
0x43: {  	v44 =	vld [tilespmem:s26+$0x140B0];
	v46 =	vbroadcast v0, $0x3;
	v9 =	vmul.f32 v38, v14;
	[tilespmem:s26+$0x14030] =	vst v6  }
0x44: {  	v45 =	vld [tilespmem:s26+$0x140C0];
	v11 =	vmul.f32 v40, v14;
	[tilespmem:s26+$0x14040] =	vst v7  }
0x45: {  	v47 =	vld [tilespmem:s26+$0x140D0];
	v12 =	vmul.f32 v41, v46;
	[tilespmem:s26+$0x14060] =	vst v9  }
0x46: {  	v48 =	vld [tilespmem:s26+$0x140E0];
	v10 =	vmul.f32 v36, v14;
	[tilespmem:s26+$0x14070] =	vst v11  }
0x47: {  	v49 =	vld [tilespmem:s26+$0x140F0];
	v8 =	vmul.f32 v42, v46;
	[tilespmem:s26+$0x14080] =	vst v12  }
0x48: {  	v50 =	vld [tilespmem:s26+$0x14100];
	v6 =	vmul.f32 v43, v46;
	[tilespmem:s26+$0x14050] =	vst v10  }
0x49: {  	v51 =	vld [tilespmem:s26+$0x14110];
	v7 =	vmul.f32 v44, v46;
	[tilespmem:s26+$0x14090] =	vst v8  }
0x4a: {  	v52 =	vld [tilespmem:s26+$0x14120];
	v9 =	vmul.f32 v47, v46;
	[tilespmem:s26+$0x140A0] =	vst v6  }
0x4b: {  	v53 =	vld [tilespmem:s26+$0x14130];
	v11 =	vmul.f32 v48, v46;
	[tilespmem:s26+$0x140B0] =	vst v7  }
0x4c: {  	v54 =	vld [tilespmem:s26+$0x14140];
	v55 =	vbroadcast v0, $0x4;
	v12 =	vmul.f32 v49, v46;
	[tilespmem:s26+$0x140D0] =	vst v9  }
0x4d: {  	v56 =	vld [tilespmem:s26+$0x14150];
	v10 =	vmul.f32 v45, v46;
	[tilespmem:s26+$0x140E0] =	vst v11  }
0x4e: {  	v57 =	vld [tilespmem:s26+$0x14160];
	v8 =	vmul.f32 v50, v55;
	[tilespmem:s26+$0x140F0] =	vst v12  }
0x4f: {  	v58 =	vld [tilespmem:s26+$0x14170];
	v6 =	vmul.f32 v51, v55;
	[tilespmem:s26+$0x140C0] =	vst v10  }
0x50: {  	v59 =	vld [tilespmem:s26+$0x14180];
	v7 =	vmul.f32 v52, v55;
	[tilespmem:s26+$0x14100] =	vst v8  }
0x51: {  	v60 =	vld [tilespmem:s26+$0x14190];
	v9 =	vmul.f32 v54, v55;
	[tilespmem:s26+$0x14110] =	vst v6  }
0x52: {  	v61 =	vld [tilespmem:s26+$0x141A0];
	v11 =	vmul.f32 v56, v55;
	[tilespmem:s26+$0x14120] =	vst v7  }
0x53: {  	v62 =	vld [tilespmem:s26+$0x141B0];
	v12 =	vmul.f32 v57, v55;
	[tilespmem:s26+$0x14140] =	vst v9  }
0x54: {  	v63 =	vld [tilespmem:s26+$0x141C0];
	v16 =	vbroadcast v0, $0x5;
	v10 =	vmul.f32 v53, v55;
	[tilespmem:s26+$0x14150] =	vst v11  }
0x55: {  	v17 =	vld [tilespmem:s26+$0x141D0];
	v8 =	vmul.f32 v58, v55;
	[tilespmem:s26+$0x14160] =	vst v12  }
0x56: {  	v18 =	vld [tilespmem:s26+$0x141E0];
	v6 =	vmul.f32 v59, v16;
	[tilespmem:s26+$0x14130] =	vst v10  }
0x57: {  	v19 =	vld [tilespmem:s26+$0x141F0];
	v7 =	vmul.f32 v60, v16;
	[tilespmem:s26+$0x14170] =	vst v8  }
0x58: {  	v20 =	vld [tilespmem:s26+$0x14200];
	v9 =	vmul.f32 v62, v16;
	[tilespmem:s26+$0x14180] =	vst v6  }
0x59: {  	v21 =	vld [tilespmem:s26+$0x14210];
	v11 =	vmul.f32 v63, v16;
	[tilespmem:s26+$0x14190] =	vst v7  }
0x5a: {  	v22 =	vld [tilespmem:s26+$0x14220];
	v12 =	vmul.f32 v17, v16;
	[tilespmem:s26+$0x141B0] =	vst v9  }
0x5b: {  	v23 =	vld [tilespmem:s26+$0x14230];
	v10 =	vmul.f32 v61, v16;
	[tilespmem:s26+$0x141C0] =	vst v11  }
0x5c: {  	v24 =	vld [tilespmem:s26+$0x14240];
	v25 =	vbroadcast v0, $0x6;
	v8 =	vmul.f32 v18, v16;
	[tilespmem:s26+$0x141D0] =	vst v12  }
0x5d: {  	v56 =	vld [tilespmem:s26+$0x14400];
	v6 =	vmul.f32 v19, v16;
	[tilespmem:s26+$0x141A0] =	vst v10  }
0x5e: {  	v26 =	vld [tilespmem:s26+$0x14250];
	v7 =	vmul.f32 v20, v25;
	[tilespmem:s26+$0x141E0] =	vst v8  }
0x5f: {  	v30 =	vld [tilespmem:s26+$0x14290];
	v9 =	vmul.f32 v22, v25;
	[tilespmem:s26+$0x141F0] =	vst v6  }
0x60: {  	v27 =	vld [tilespmem:s26+$0x14260];
	v11 =	vmul.f32 v23, v25;
	[tilespmem:s26+$0x14200] =	vst v7  }
0x61: {  	v28 =	vld [tilespmem:s26+$0x14270];
	v12 =	vmul.f32 v24, v25;
	[tilespmem:s26+$0x14220] =	vst v9  }
0x62: {  	v31 =	vld [tilespmem:s26+$0x142A0];
	v62 =	vmul.f32 v56, v4;
	[tilespmem:s26+$0x14230] =	vst v11  }
0x63: {  	v32 =	vld [tilespmem:s26+$0x142B0];
	v10 =	vmul.f32 v21, v25;
	[tilespmem:s26+$0x14240] =	vst v12  }
0x64: {  	v3 =	vld [tilespmem:s26+$0x14480];
	v8 =	vmul.f32 v26, v25;
	[tilespmem:s26+$0x14400] =	vst v62  }
0x65: {  	v5 =	vld [tilespmem:s26+$0x14490];
	v34 =	vbroadcast v0, $0x7;
	v6 =	vmul.f32 v27, v25;
	[tilespmem:s26+$0x14210] =	vst v10  }
0x66: {  	v29 =	vld [tilespmem:s26+$0x14280];
	v7 =	vmul.f32 v28, v25;
	[tilespmem:s26+$0x14250] =	vst v8  }
0x67: {  	v60 =	vld [tilespmem:s26+$0x14440];
	v9 =	vmul.f32 v30, v34;
	[tilespmem:s26+$0x14260] =	vst v6  }
0x68: {  	v33 =	vld [tilespmem:s26+$0x142C0];
	v24 =	vbroadcast v0, $0xB;
	v11 =	vmul.f32 v31, v34;
	[tilespmem:s26+$0x14270] =	vst v7  }
0x69: {  	v35 =	vld [tilespmem:s26+$0x142D0];
	v12 =	vmul.f32 v32, v34;
	[tilespmem:s26+$0x14290] =	vst v9  }
0x6a: {  	v38 =	vld [tilespmem:s26+$0x14300];
	v3 =	vmul.f32 v3, v24;
	[tilespmem:s26+$0x142A0] =	vst v11  }
0x6b: {  	v36 =	vld [tilespmem:s26+$0x142E0];
	v5 =	vmul.f32 v5, v24;
	[tilespmem:s26+$0x142B0] =	vst v12  }
0x6c: {  	v2 =	vld [tilespmem:s26+$0x146D0];
	v19 =	vmul.f32 v60, v4;
	[tilespmem:s26+$0x14480] =	vst v3  }
0x6d: {  	v39 =	vld [tilespmem:s26+$0x14310];
	v10 =	vmul.f32 v29, v34;
	[tilespmem:s26+$0x14490] =	vst v5  }
0x6e: {  	v40 =	vld [tilespmem:s26+$0x14320];
	v8 =	vmul.f32 v33, v34;
	[tilespmem:s26+$0x14440] =	vst v19  }
0x6f: {  	v43 =	vbroadcast v0, $0x8;
	v61 =	vld [tilespmem:s26+$0x14450];
	v6 =	vmul.f32 v35, v34;
	[tilespmem:s26+$0x14280] =	vst v10  }
0x70: {  	v16 =	vld [tilespmem:s26+$0x13F00];
	v7 =	vmul.f32 v36, v34;
	[tilespmem:s26+$0x142C0] =	vst v8  }
0x71: {  	v37 =	vld [tilespmem:s26+$0x142F0];
	v9 =	vmul.f32 v38, v43;
	[tilespmem:s26+$0x142D0] =	vst v6  }
0x72: {  	v41 =	vld [tilespmem:s26+$0x14330];
	v11 =	vmul.f32 v39, v43;
	[tilespmem:s26+$0x142E0] =	vst v7  }
0x73: {  	v42 =	vld [tilespmem:s26+$0x14340];
	v12 =	vmul.f32 v40, v43;
	[tilespmem:s26+$0x14300] =	vst v9  }
0x74: {  	v44 =	vld [tilespmem:s26+$0x14350];
	v21 =	vmul.f32 v61, v4;
	[tilespmem:s26+$0x14310] =	vst v11  }
0x75: {  	v46 =	vld [tilespmem:s26+$0x14370];
	v25 =	vmul.f32 v1, v16;
	[tilespmem:s26+$0x14320] =	vst v12  }
0x76: {  	v47 =	vld [tilespmem:s26+$0x14380];
	v10 =	vmul.f32 v37, v34;
	[tilespmem:s26+$0x14450] =	vst v21  }
0x77: {  	v48 =	vld [tilespmem:s26+$0x14390];
	v8 =	vmul.f32 v41, v43;
	[tilespmem:s26+$0x13F00] =	vst v25  }
0x78: {  	v6 =	vmul.f32 v42, v43;
	[tilespmem:s26+$0x142F0] =	vst v10  }
0x79: {  	v52 =	vbroadcast v0, $0x9;
	v27 =	vld [tilespmem:s26+$0x144D0];
	v7 =	vmul.f32 v44, v43;
	[tilespmem:s26+$0x14330] =	vst v8  }
0x7a: {  	v30 =	vld [tilespmem:s26+$0x14500];
	v9 =	vmul.f32 v46, v43;
	[tilespmem:s26+$0x14340] =	vst v6  }
0x7b: {  	v28 =	vld [tilespmem:s26+$0x144E0];
	v3 =	vbroadcast v0, $0xF;
	v11 =	vmul.f32 v47, v52;
	[tilespmem:s26+$0x14350] =	vst v7  }
0x7c: {  	v45 =	vld [tilespmem:s26+$0x14360];
	v12 =	vmul.f32 v48, v52;
	[tilespmem:s26+$0x14370] =	vst v9  }
0x7d: {  	v49 =	vld [tilespmem:s26+$0x143A0];
	v35 =	vbroadcast v0, $0xC;
	v2 =	vmul.f32 v2, v3;
	[tilespmem:s26+$0x14380] =	vst v11  }
0x7e: {  	v50 =	vld [tilespmem:s26+$0x143B0];
	v32 =	vmul.f32 v27, v24;
	[tilespmem:s26+$0x14390] =	vst v12  }
0x7f: {  	v51 =	vld [tilespmem:s26+$0x143C0];
	v14 =	vmul.f32 v30, v35;
	[tilespmem:s26+$0x146D0] =	vst v2  }
0x80: {  	v54 =	vld [tilespmem:s26+$0x143E0];
	v40 =	vmul.f32 v28, v24;
	[tilespmem:s26+$0x144D0] =	vst v32  }
0x81: {  	v55 =	vld [tilespmem:s26+$0x143F0];
	v10 =	vmul.f32 v45, v43;
	[tilespmem:s26+$0x14500] =	vst v14  }
0x82: {  	v18 =	vld [tilespmem:s26+$0x13F40];
	v8 =	vmul.f32 v49, v52;
	[tilespmem:s26+$0x144E0] =	vst v40  }
0x83: {  	v38 =	vld [tilespmem:s26+$0x14570];
	v6 =	vmul.f32 v50, v52;
	[tilespmem:s26+$0x14360] =	vst v10  }
0x84: {  	v29 =	vld [tilespmem:s26+$0x144F0];
	v7 =	vmul.f32 v51, v52;
	[tilespmem:s26+$0x143A0] =	vst v8  }
0x85: {  	v33 =	vld [tilespmem:s26+$0x14530];
	v9 =	vmul.f32 v54, v52;
	[tilespmem:s26+$0x143B0] =	vst v6  }
0x86: {  	v53 =	vld [tilespmem:s26+$0x143D0];
	v11 =	vmul.f32 v55, v52;
	[tilespmem:s26+$0x143C0] =	vst v7  }
0x87: {  	v57 =	vld [tilespmem:s26+$0x14410];
	v2 =	vmul.f32 v18, v1;
	[tilespmem:s26+$0x143E0] =	vst v9  }
0x88: {  	v58 =	vld [tilespmem:s26+$0x14420];
	v14 =	vmul.f32 v38, v35;
	[tilespmem:s26+$0x143F0] =	vst v11  }
0x89: {  	v59 =	vld [tilespmem:s26+$0x14430];
	v5 =	vmul.f32 v29, v24;
	[tilespmem:s26+$0x13F40] =	vst v2  }
0x8a: {  	v63 =	vld [tilespmem:s26+$0x14460];
	v62 =	vmul.f32 v33, v35;
	[tilespmem:s26+$0x14570] =	vst v14  }
0x8b: {  	v17 =	vld [tilespmem:s26+$0x13F10];
	v10 =	vmul.f32 v53, v52;
	[tilespmem:s26+$0x144F0] =	vst v5  }
0x8c: {  	v20 =	vld [tilespmem:s26+$0x13F50];
	v8 =	vmul.f32 v57, v4;
	[tilespmem:s26+$0x14530] =	vst v62  }
0x8d: {  	v61 =	vld [tilespmem:s26+$0x146F0];
	v6 =	vmul.f32 v58, v4;
	[tilespmem:s26+$0x143D0] =	vst v10  }
0x8e: {  	v46 =	vld [tilespmem:s26+$0x145E0];
	v7 =	vmul.f32 v59, v4;
	[tilespmem:s26+$0x14410] =	vst v8  }
0x8f: {  	v22 =	vld [tilespmem:s26+$0x144A0];
	v4 =	vmul.f32 v63, v4;
	[tilespmem:s26+$0x14420] =	vst v6  }
0x90: {  	v23 =	vld [tilespmem:s26+$0x144B0];
	v11 =	vmul.f32 v17, v1;
	[tilespmem:s26+$0x14430] =	vst v7  }
0x91: {  	v26 =	vld [tilespmem:s26+$0x144C0];
	v44 =	vbroadcast v0, $0xD;
	v1 =	vmul.f32 v20, v1;
	[tilespmem:s26+$0x14460] =	vst v4  }
0x92: {  	v31 =	vld [tilespmem:s26+$0x14510];
	v63 =	vmul.f32 v61, v3;
	[tilespmem:s26+$0x13F10] =	vst v11  }
0x93: {  	v34 =	vld [tilespmem:s26+$0x14540];
	v51 =	vmul.f32 v46, v44;
	[tilespmem:s26+$0x13F50] =	vst v1  }
0x94: {  	v41 =	vld [tilespmem:s26+$0x145A0];
	v6 =	vmul.f32 v22, v24;
	[tilespmem:s26+$0x146F0] =	vst v63  }
0x95: {  	v7 =	vmul.f32 v23, v24;
	v1 =	vld [tilespmem:s26+$0x14590];
	[tilespmem:s26+$0x145E0] =	vst v51  }
0x96: {  	v49 =	vld [tilespmem:s26+$0x14620];
	v4 =	vmul.f32 v26, v24;
	[tilespmem:s26+$0x144A0] =	vst v6  }
0x97: {  	v50 =	vld [tilespmem:s26+$0x14630];
	v8 =	vmul.f32 v31, v35;
	[tilespmem:s26+$0x144B0] =	vst v7  }
0x98: {  	v36 =	vld [tilespmem:s26+$0x14550];
	v11 =	vmul.f32 v34, v35;
	[tilespmem:s26+$0x144C0] =	vst v4  }
0x99: {  	v37 =	vld [tilespmem:s26+$0x14560];
	v0 =	vbroadcast v0, $0xE;
	v10 =	vmul.f32 v41, v44;
	[tilespmem:s26+$0x14510] =	vst v8  }
0x9a: {  	v39 =	vld [tilespmem:s26+$0x14580];
	[tilespmem:s26+$0x14540] =	vst v11;
	v1 =	vmul.f32 v1, v44  }
0x9b: {  	v42 =	vld [tilespmem:s26+$0x145B0];
	v9 =	vmul.f32 v49, v0;
	[tilespmem:s26+$0x145A0] =	vst v10  }
0x9c: {  	v5 =	vmul.f32 v50, v0;
	[tilespmem:s26+$0x14590] =	vst v1;
	v1 =	vld [tilespmem:s26+$0x14600]  }
0x9d: {  	v48 =	vld [tilespmem:s26+$0x14610];
	v7 =	vmul.f32 v36, v35;
	[tilespmem:s26+$0x14620] =	vst v9  }
0x9e: {  	v57 =	vld [tilespmem:s26+$0x146A0];
	v4 =	vmul.f32 v37, v35;
	[tilespmem:s26+$0x14630] =	vst v5  }
0x9f: {  	v45 =	vld [tilespmem:s26+$0x145D0];
	v8 =	vmul.f32 v39, v44;
	[tilespmem:s26+$0x14550] =	vst v7  }
0xa0: {  	v47 =	vld [tilespmem:s26+$0x145F0];
	v11 =	vmul.f32 v42, v44;
	[tilespmem:s26+$0x14560] =	vst v4  }
0xa1: {  	v43 =	vld [tilespmem:s26+$0x145C0];
	[tilespmem:s26+$0x14580] =	vst v8;
	v1 =	vmul.f32 v1, v0  }
0xa2: {  	v55 =	vld [tilespmem:s26+$0x14680];
	v10 =	vmul.f32 v48, v0;
	[tilespmem:s26+$0x145B0] =	vst v11  }
0xa3: {  	v5 =	vmul.f32 v57, v3;
	[tilespmem:s26+$0x14600] =	vst v1;
	v1 =	vld [tilespmem:s26+$0x14670]  }
0xa4: {  	v52 =	vld [tilespmem:s26+$0x14640];
	v4 =	vmul.f32 v45, v44;
	[tilespmem:s26+$0x14610] =	vst v10  }
0xa5: {  	v56 =	vld [tilespmem:s26+$0x14690];
	v8 =	vmul.f32 v47, v44;
	[tilespmem:s26+$0x146A0] =	vst v5  }
0xa6: {  	v54 =	vld [tilespmem:s26+$0x14660];
	v7 =	vmul.f32 v43, v44;
	[tilespmem:s26+$0x145D0] =	vst v4  }
0xa7: {  	v58 =	vld [tilespmem:s26+$0x146B0];
	v10 =	vmul.f32 v55, v3;
	[tilespmem:s26+$0x145F0] =	vst v8  }
0xa8: {  	v53 =	vld [tilespmem:s26+$0x14650];
	[tilespmem:s26+$0x145C0] =	vst v7;
	v1 =	vmul.f32 v1, v0  }
0xa9: {  	v59 =	vld [tilespmem:s26+$0x146C0];
	v4 =	vmul.f32 v52, v0;
	[tilespmem:s26+$0x14680] =	vst v10  }
0xaa: {  	v60 =	vld [tilespmem:s26+$0x146E0];
	[tilespmem:s26+$0x14670] =	vst v1;
	v1 =	vmul.f32 v56, v3  }
0xab: {  	v8 =	vmul.f32 v54, v0;
	[tilespmem:s26+$0x14640] =	vst v4  }
0xac: {  	v2 =	vld [tilespmem:s26+$0x14520];
	[tilespmem:s26+$0x14690] =	vst v1;
	v1 =	vmul.f32 v58, v3  }
0xad: {  	[tilespmem:s26+$0x14660] =	vst v8;
	v0 =	vmul.f32 v53, v0  }
0xae: {  	[tilespmem:s26+$0x146B0] =	vst v1;
	v1 =	vmul.f32 v59, v3  }
0xaf: {  	[tilespmem:s26+$0x14650] =	vst v0;
	v3 =	vmul.f32 v60, v3  }
0xb0: {  	[tilespmem:s26+$0x146C0] =	vst v1  }
0xb1: {  	s28 =	simm.s32 $0x1;
	v1 =	vmul.f32 v2, v35;
	[tilespmem:s26+$0x146E0] =	vst v3  }
.LBB2_3:
0xb2: {  	s29 =	sshll.u32 s28, $0x4  }
0xb3: {  	p0 =	sne.s32 s28, $0x7;
	[tilespmem:s26+$0x14520] =	vst v1;
	s26 =	smov.u32 s28;
	s28 =	sadd.s32 $0x1, s28  }
0xb4: {  	s29 =	sand.u32 $0x3FFFFFF0, s29  }
0xb5: {  	s26 =	sshll.u32 s26, $0xB;
	v0 =	vld [tilespmem:s29+$0x13E00]  }
0xb6: {  	s26 =	sand.u32 $0x3FFFF800, s26  }
0xb7: {  	v7 =	vld [tilespmem:s26+$0x13FC0]  }
0xb8: {  	v8 =	vld [tilespmem:s26+$0x13FD0]  }
0xb9: {  	v9 =	vld [tilespmem:s26+$0x13FB0]  }
0xba: {  	v1 =	vbroadcast v0, $0x0;
	v2 =	vld [tilespmem:s26+$0x13F20];
	v6 =	vbroadcast v0, $0x4  }
0xbb: {  	v4 =	vld [tilespmem:s26+$0x13F30]  }
0xbc: {  	v5 =	vld [tilespmem:s26+$0x14470]  }
0xbd: {  	v10 =	vld [tilespmem:s26+$0x13F60]  }
0xbe: {  	v11 =	vld [tilespmem:s26+$0x13F70]  }
0xbf: {  	v3 =	vbroadcast v0, $0xA;
	v2 =	vmul.f32 v2, v1;
	v12 =	vld [tilespmem:s26+$0x13F80]  }
0xc0: {  	v4 =	vmul.f32 v4, v1;
	v13 =	vld [tilespmem:s26+$0x13F90]  }
0xc1: {  	[tilespmem:s26+$0x13F20] =	vst v2;
	v14 =	vld [tilespmem:s26+$0x13FA0];
	v2 =	vmul.f32 v5, v3  }
0xc2: {  	[tilespmem:s26+$0x13F30] =	vst v4;
	v5 =	vmul.f32 v10, v1;
	v10 =	vbroadcast v0, $0x1;
	v4 =	vld [tilespmem:s26+$0x14480]  }
0xc3: {  	v11 =	vmul.f32 v11, v1;
	[tilespmem:s26+$0x14470] =	vst v2;
	v2 =	vld [tilespmem:s26+$0x146D0]  }
0xc4: {  	[tilespmem:s26+$0x13F60] =	vst v5;
	v12 =	vmul.f32 v12, v10;
	v5 =	vld [tilespmem:s26+$0x14490]  }
0xc5: {  	[tilespmem:s26+$0x13F70] =	vst v11;
	v11 =	vmul.f32 v13, v10;
	v13 =	vld [tilespmem:s26+$0x13FE0]  }
0xc6: {  	[tilespmem:s26+$0x13F80] =	vst v12;
	v12 =	vmul.f32 v14, v10;
	v14 =	vld [tilespmem:s26+$0x13FF0]  }
0xc7: {  	v9 =	vmul.f32 v9, v10;
	[tilespmem:s26+$0x13F90] =	vst v11;
	v11 =	vld [tilespmem:s26+$0x14000]  }
0xc8: {  	v7 =	vmul.f32 v7, v10;
	[tilespmem:s26+$0x13FA0] =	vst v12;
	v12 =	vld [tilespmem:s26+$0x14010]  }
0xc9: {  	v8 =	vmul.f32 v8, v10;
	[tilespmem:s26+$0x13FB0] =	vst v9;
	v9 =	vld [tilespmem:s26+$0x14020]  }
0xca: {  	[tilespmem:s26+$0x13FC0] =	vst v7;
	v7 =	vmul.f32 v13, v10;
	v13 =	vbroadcast v0, $0x2;
	v15 =	vld [tilespmem:s26+$0x14030]  }
0xcb: {  	[tilespmem:s26+$0x13FD0] =	vst v8;
	v8 =	vmul.f32 v14, v10;
	v10 =	vld [tilespmem:s26+$0x14040]  }
0xcc: {  	[tilespmem:s26+$0x13FE0] =	vst v7;
	v7 =	vmul.f32 v11, v13;
	v11 =	vld [tilespmem:s26+$0x14050]  }
0xcd: {  	[tilespmem:s26+$0x13FF0] =	vst v8;
	v8 =	vmul.f32 v12, v13;
	v12 =	vld [tilespmem:s26+$0x14060]  }
0xce: {  	[tilespmem:s26+$0x14000] =	vst v7;
	v7 =	vmul.f32 v9, v13;
	v9 =	vld [tilespmem:s26+$0x14070]  }
0xcf: {  	[tilespmem:s26+$0x14010] =	vst v8;
	v8 =	vmul.f32 v15, v13;
	v14 =	vld [tilespmem:s26+$0x14080]  }
0xd0: {  	[tilespmem:s26+$0x14020] =	vst v7;
	v7 =	vmul.f32 v10, v13;
	v10 =	vld [tilespmem:s26+$0x14090]  }
0xd1: {  	[tilespmem:s26+$0x14030] =	vst v8;
	v8 =	vmul.f32 v11, v13;
	v11 =	vld [tilespmem:s26+$0x140A0]  }
0xd2: {  	[tilespmem:s26+$0x14040] =	vst v7;
	v7 =	vmul.f32 v12, v13;
	v12 =	vbroadcast v0, $0x3;
	v15 =	vld [tilespmem:s26+$0x140B0]  }
0xd3: {  	[tilespmem:s26+$0x14050] =	vst v8;
	v8 =	vmul.f32 v9, v13;
	v9 =	vld [tilespmem:s26+$0x140C0]  }
0xd4: {  	[tilespmem:s26+$0x14060] =	vst v7;
	v7 =	vmul.f32 v14, v12;
	v13 =	vld [tilespmem:s26+$0x140D0]  }
0xd5: {  	[tilespmem:s26+$0x14070] =	vst v8;
	v8 =	vmul.f32 v10, v12;
	v10 =	vld [tilespmem:s26+$0x140E0]  }
0xd6: {  	[tilespmem:s26+$0x14080] =	vst v7;
	v7 =	vmul.f32 v11, v12;
	v11 =	vld [tilespmem:s26+$0x140F0]  }
0xd7: {  	[tilespmem:s26+$0x14090] =	vst v8;
	v8 =	vmul.f32 v15, v12;
	v14 =	vld [tilespmem:s26+$0x14100]  }
0xd8: {  	[tilespmem:s26+$0x140A0] =	vst v7;
	v7 =	vmul.f32 v9, v12;
	v9 =	vld [tilespmem:s26+$0x14110]  }
0xd9: {  	[tilespmem:s26+$0x140B0] =	vst v8;
	v8 =	vmul.f32 v13, v12;
	v13 =	vld [tilespmem:s26+$0x14120]  }
0xda: {  	[tilespmem:s26+$0x140C0] =	vst v7;
	v7 =	vmul.f32 v10, v12;
	v10 =	vld [tilespmem:s26+$0x14130]  }
0xdb: {  	[tilespmem:s26+$0x140D0] =	vst v8;
	v8 =	vmul.f32 v11, v12;
	v11 =	vld [tilespmem:s26+$0x14140]  }
0xdc: {  	[tilespmem:s26+$0x140E0] =	vst v7;
	v7 =	vmul.f32 v14, v6;
	v12 =	vld [tilespmem:s26+$0x14150]  }
0xdd: {  	[tilespmem:s26+$0x140F0] =	vst v8;
	v8 =	vmul.f32 v9, v6;
	v9 =	vld [tilespmem:s26+$0x14160]  }
0xde: {  	[tilespmem:s26+$0x14100] =	vst v7;
	v7 =	vmul.f32 v13, v6;
	v13 =	vld [tilespmem:s26+$0x14170]  }
0xdf: {  	[tilespmem:s26+$0x14110] =	vst v8;
	v8 =	vmul.f32 v10, v6;
	v10 =	vld [tilespmem:s26+$0x14180]  }
0xe0: {  	[tilespmem:s26+$0x14120] =	vst v7;
	v7 =	vmul.f32 v11, v6;
	v11 =	vld [tilespmem:s26+$0x14190]  }
0xe1: {  	[tilespmem:s26+$0x14130] =	vst v8;
	v8 =	vmul.f32 v12, v6;
	v12 =	vld [tilespmem:s26+$0x141A0]  }
0xe2: {  	[tilespmem:s26+$0x14140] =	vst v7;
	v7 =	vmul.f32 v9, v6;
	v9 =	vbroadcast v0, $0x5;
	v14 =	vld [tilespmem:s26+$0x141B0]  }
0xe3: {  	[tilespmem:s26+$0x14150] =	vst v8;
	v6 =	vmul.f32 v13, v6;
	v8 =	vld [tilespmem:s26+$0x141C0]  }
0xe4: {  	[tilespmem:s26+$0x14160] =	vst v7;
	v7 =	vmul.f32 v10, v9;
	v10 =	vld [tilespmem:s26+$0x141D0]  }
0xe5: {  	[tilespmem:s26+$0x14170] =	vst v6;
	v6 =	vmul.f32 v11, v9;
	v11 =	vld [tilespmem:s26+$0x141E0]  }
0xe6: {  	[tilespmem:s26+$0x14180] =	vst v7;
	v7 =	vmul.f32 v12, v9;
	v12 =	vld [tilespmem:s26+$0x141F0]  }
0xe7: {  	[tilespmem:s26+$0x14190] =	vst v6;
	v6 =	vmul.f32 v14, v9;
	v13 =	vld [tilespmem:s26+$0x14200]  }
0xe8: {  	[tilespmem:s26+$0x141A0] =	vst v7;
	v7 =	vmul.f32 v8, v9;
	v8 =	vld [tilespmem:s26+$0x14210]  }
0xe9: {  	[tilespmem:s26+$0x141B0] =	vst v6;
	v6 =	vmul.f32 v10, v9;
	v10 =	vld [tilespmem:s26+$0x14220]  }
0xea: {  	[tilespmem:s26+$0x141C0] =	vst v7;
	v7 =	vmul.f32 v11, v9;
	v11 =	vbroadcast v0, $0x6;
	v14 =	vld [tilespmem:s26+$0x14230]  }
0xeb: {  	[tilespmem:s26+$0x141D0] =	vst v6;
	v6 =	vmul.f32 v12, v9;
	v9 =	vld [tilespmem:s26+$0x14240]  }
0xec: {  	[tilespmem:s26+$0x141E0] =	vst v7;
	v7 =	vmul.f32 v13, v11;
	v12 =	vld [tilespmem:s26+$0x14250]  }
0xed: {  	[tilespmem:s26+$0x141F0] =	vst v6;
	v6 =	vmul.f32 v8, v11;
	v8 =	vld [tilespmem:s26+$0x14260]  }
0xee: {  	[tilespmem:s26+$0x14200] =	vst v7;
	v7 =	vmul.f32 v10, v11;
	v10 =	vld [tilespmem:s26+$0x14270]  }
0xef: {  	[tilespmem:s26+$0x14210] =	vst v6;
	v6 =	vmul.f32 v14, v11;
	v13 =	vld [tilespmem:s26+$0x14280]  }
0xf0: {  	[tilespmem:s26+$0x14220] =	vst v7;
	v7 =	vmul.f32 v9, v11;
	v9 =	vld [tilespmem:s26+$0x14290]  }
0xf1: {  	[tilespmem:s26+$0x14230] =	vst v6;
	v6 =	vmul.f32 v12, v11;
	v12 =	vld [tilespmem:s26+$0x142A0]  }
0xf2: {  	[tilespmem:s26+$0x14240] =	vst v7;
	v7 =	vmul.f32 v8, v11;
	v8 =	vbroadcast v0, $0x7;
	v14 =	vld [tilespmem:s26+$0x142B0]  }
0xf3: {  	[tilespmem:s26+$0x14250] =	vst v6;
	v6 =	vmul.f32 v10, v11;
	v10 =	vld [tilespmem:s26+$0x142C0]  }
0xf4: {  	[tilespmem:s26+$0x14260] =	vst v7;
	v7 =	vmul.f32 v13, v8;
	v11 =	vld [tilespmem:s26+$0x142D0]  }
0xf5: {  	[tilespmem:s26+$0x14270] =	vst v6;
	v6 =	vmul.f32 v9, v8;
	v9 =	vld [tilespmem:s26+$0x142E0]  }
0xf6: {  	[tilespmem:s26+$0x14280] =	vst v7;
	v7 =	vmul.f32 v12, v8;
	v12 =	vld [tilespmem:s26+$0x142F0]  }
0xf7: {  	[tilespmem:s26+$0x14290] =	vst v6;
	v6 =	vmul.f32 v14, v8;
	v13 =	vld [tilespmem:s26+$0x14300]  }
0xf8: {  	[tilespmem:s26+$0x142A0] =	vst v7;
	v7 =	vmul.f32 v10, v8;
	v10 =	vld [tilespmem:s26+$0x14310]  }
0xf9: {  	[tilespmem:s26+$0x142B0] =	vst v6;
	v6 =	vmul.f32 v11, v8;
	v11 =	vld [tilespmem:s26+$0x14320]  }
0xfa: {  	[tilespmem:s26+$0x142C0] =	vst v7;
	v7 =	vmul.f32 v9, v8;
	v9 =	vbroadcast v0, $0x8;
	v14 =	vld [tilespmem:s26+$0x14330]  }
0xfb: {  	[tilespmem:s26+$0x142D0] =	vst v6;
	v6 =	vmul.f32 v12, v8;
	v8 =	vld [tilespmem:s26+$0x14340]  }
0xfc: {  	[tilespmem:s26+$0x142E0] =	vst v7;
	v7 =	vmul.f32 v13, v9;
	v12 =	vld [tilespmem:s26+$0x14350]  }
0xfd: {  	[tilespmem:s26+$0x142F0] =	vst v6;
	v6 =	vmul.f32 v10, v9;
	v10 =	vld [tilespmem:s26+$0x14360]  }
0xfe: {  	[tilespmem:s26+$0x14300] =	vst v7;
	v7 =	vmul.f32 v11, v9;
	v11 =	vld [tilespmem:s26+$0x14370]  }
0xff: {  	[tilespmem:s26+$0x14310] =	vst v6;
	v6 =	vmul.f32 v14, v9;
	v13 =	vld [tilespmem:s26+$0x14380]  }
0x100: {  	[tilespmem:s26+$0x14320] =	vst v7;
	v7 =	vmul.f32 v8, v9;
	v8 =	vld [tilespmem:s26+$0x14390]  }
0x101: {  	[tilespmem:s26+$0x14330] =	vst v6;
	v6 =	vmul.f32 v12, v9;
	v12 =	vld [tilespmem:s26+$0x143A0]  }
0x102: {  	[tilespmem:s26+$0x14340] =	vst v7;
	v7 =	vmul.f32 v10, v9;
	v10 =	vbroadcast v0, $0x9;
	v14 =	vld [tilespmem:s26+$0x143B0]  }
0x103: {  	[tilespmem:s26+$0x14350] =	vst v6;
	v6 =	vmul.f32 v11, v9;
	v9 =	vld [tilespmem:s26+$0x143C0]  }
0x104: {  	[tilespmem:s26+$0x14360] =	vst v7;
	v7 =	vmul.f32 v13, v10;
	v11 =	vld [tilespmem:s26+$0x143D0]  }
0x105: {  	[tilespmem:s26+$0x14370] =	vst v6;
	v6 =	vmul.f32 v8, v10;
	v8 =	vld [tilespmem:s26+$0x143E0]  }
0x106: {  	[tilespmem:s26+$0x14380] =	vst v7;
	v7 =	vmul.f32 v12, v10;
	v12 =	vld [tilespmem:s26+$0x143F0]  }
0x107: {  	[tilespmem:s26+$0x14390] =	vst v6;
	v6 =	vmul.f32 v14, v10;
	v13 =	vld [tilespmem:s26+$0x14400]  }
0x108: {  	[tilespmem:s26+$0x143A0] =	vst v7;
	v7 =	vmul.f32 v9, v10;
	v9 =	vld [tilespmem:s26+$0x14410]  }
0x109: {  	[tilespmem:s26+$0x143B0] =	vst v6;
	v6 =	vmul.f32 v11, v10;
	v11 =	vld [tilespmem:s26+$0x14420]  }
0x10a: {  	[tilespmem:s26+$0x143C0] =	vst v7;
	v7 =	vmul.f32 v8, v10;
	v8 =	vld [tilespmem:s26+$0x14430]  }
0x10b: {  	[tilespmem:s26+$0x143D0] =	vst v6;
	v6 =	vmul.f32 v12, v10;
	v10 =	vld [tilespmem:s26+$0x14440]  }
0x10c: {  	[tilespmem:s26+$0x143E0] =	vst v7;
	v7 =	vmul.f32 v13, v3;
	v12 =	vld [tilespmem:s26+$0x14450]  }
0x10d: {  	[tilespmem:s26+$0x143F0] =	vst v6;
	v6 =	vmul.f32 v9, v3;
	v9 =	vld [tilespmem:s26+$0x14460]  }
0x10e: {  	v13 =	vld [tilespmem:s26+$0x13F00];
	[tilespmem:s26+$0x14400] =	vst v7;
	v7 =	vmul.f32 v11, v3  }
0x10f: {  	v11 =	vld [tilespmem:s26+$0x13F10];
	[tilespmem:s26+$0x14410] =	vst v6;
	v6 =	vmul.f32 v8, v3  }
0x110: {  	v8 =	vld [tilespmem:s26+$0x13F40];
	[tilespmem:s26+$0x14420] =	vst v7;
	v7 =	vmul.f32 v10, v3  }
0x111: {  	v10 =	vld [tilespmem:s26+$0x13F50];
	[tilespmem:s26+$0x14430] =	vst v6;
	v6 =	vmul.f32 v12, v3  }
0x112: {  	[tilespmem:s26+$0x14440] =	vst v7;
	v7 =	vmul.f32 v9, v3;
	v9 =	vbroadcast v0, $0xB;
	v12 =	vld [tilespmem:s26+$0x144A0]  }
0x113: {  	v3 =	vbroadcast v0, $0xF;
	v13 =	vmul.f32 v1, v13;
	[tilespmem:s26+$0x14450] =	vst v6;
	v6 =	vld [tilespmem:s26+$0x144B0]  }
0x114: {  	v11 =	vmul.f32 v11, v1;
	[tilespmem:s26+$0x14460] =	vst v7;
	v4 =	vmul.f32 v4, v9;
	v7 =	vld [tilespmem:s26+$0x144C0]  }
0x115: {  	v5 =	vmul.f32 v5, v9;
	[tilespmem:s26+$0x13F00] =	vst v13;
	v8 =	vmul.f32 v8, v1;
	v13 =	vld [tilespmem:s26+$0x144D0]  }
0x116: {  	v2 =	vmul.f32 v2, v3;
	v10 =	vmul.f32 v10, v1;
	[tilespmem:s26+$0x14480] =	vst v4;
	v1 =	vld [tilespmem:s26+$0x144E0]  }
0x117: {  	[tilespmem:s26+$0x14490] =	vst v5;
	v4 =	vmul.f32 v12, v9;
	v5 =	vld [tilespmem:s26+$0x144F0]  }
0x118: {  	v6 =	vmul.f32 v6, v9;
	v12 =	vld [tilespmem:s26+$0x14500];
	[tilespmem:s26+$0x146D0] =	vst v2  }
0x119: {  	[tilespmem:s26+$0x13F10] =	vst v11;
	v2 =	vmul.f32 v7, v9;
	v7 =	vld [tilespmem:s26+$0x14510]  }
0x11a: {  	[tilespmem:s26+$0x13F40] =	vst v8;
	v8 =	vmul.f32 v13, v9;
	v11 =	vld [tilespmem:s26+$0x14520]  }
0x11b: {  	v13 =	vbroadcast v0, $0xC;
	[tilespmem:s26+$0x144A0] =	vst v4;
	v4 =	vmul.f32 v1, v9;
	v14 =	vld [tilespmem:s26+$0x14530]  }
0x11c: {  	[tilespmem:s26+$0x144D0] =	vst v8;
	v5 =	vmul.f32 v5, v9;
	v8 =	vld [tilespmem:s26+$0x14540]  }
0x11d: {  	[tilespmem:s26+$0x144B0] =	vst v6;
	v1 =	vmul.f32 v12, v13;
	v6 =	vld [tilespmem:s26+$0x14550]  }
0x11e: {  	[tilespmem:s26+$0x144C0] =	vst v2;
	v2 =	vmul.f32 v7, v13;
	v7 =	vld [tilespmem:s26+$0x14560]  }
0x11f: {  	[tilespmem:s26+$0x14500] =	vst v1;
	v1 =	vmul.f32 v11, v13;
	v9 =	vld [tilespmem:s26+$0x14570]  }
0x120: {  	[tilespmem:s26+$0x14510] =	vst v2;
	v2 =	vld [tilespmem:s26+$0x14580]  }
0x121: {  	[tilespmem:s26+$0x13F50] =	vst v10;
	v8 =	vmul.f32 v8, v13;
	v10 =	vld [tilespmem:s26+$0x14590]  }
0x122: {  	[tilespmem:s26+$0x144E0] =	vst v4;
	v4 =	vmul.f32 v6, v13;
	v6 =	vld [tilespmem:s26+$0x145A0]  }
0x123: {  	[tilespmem:s26+$0x14540] =	vst v8;
	v7 =	vmul.f32 v7, v13;
	v8 =	vbroadcast v0, $0xD;
	v11 =	vld [tilespmem:s26+$0x145B0]  }
0x124: {  	[tilespmem:s26+$0x14550] =	vst v4;
	v4 =	vmul.f32 v9, v13;
	v9 =	vld [tilespmem:s26+$0x145C0]  }
0x125: {  	[tilespmem:s26+$0x14560] =	vst v7;
	v2 =	vmul.f32 v2, v8;
	v7 =	vld [tilespmem:s26+$0x145D0]  }
0x126: {  	[tilespmem:s26+$0x14570] =	vst v4;
	v4 =	vmul.f32 v10, v8;
	v10 =	vld [tilespmem:s26+$0x145E0]  }
0x127: {  	[tilespmem:s26+$0x14580] =	vst v2;
	v2 =	vmul.f32 v6, v8;
	v6 =	vld [tilespmem:s26+$0x145F0]  }
0x128: {  	[tilespmem:s26+$0x14590] =	vst v4;
	v4 =	vmul.f32 v11, v8;
	v11 =	vld [tilespmem:s26+$0x14600]  }
0x129: {  	[tilespmem:s26+$0x145A0] =	vst v2;
	v2 =	vmul.f32 v9, v8;
	v9 =	vld [tilespmem:s26+$0x14610]  }
0x12a: {  	[tilespmem:s26+$0x145B0] =	vst v4;
	v4 =	vmul.f32 v7, v8;
	v7 =	vld [tilespmem:s26+$0x14620]  }
0x12b: {  	v0 =	vbroadcast v0, $0xE;
	[tilespmem:s26+$0x144F0] =	vst v5;
	v5 =	vmul.f32 v10, v8;
	v10 =	vld [tilespmem:s26+$0x14630]  }
0x12c: {  	[tilespmem:s26+$0x145D0] =	vst v4;
	v4 =	vmul.f32 v6, v8;
	v6 =	vld [tilespmem:s26+$0x14640]  }
0x12d: {  	[tilespmem:s26+$0x145E0] =	vst v5;
	v5 =	vmul.f32 v11, v0;
	v8 =	vld [tilespmem:s26+$0x14650]  }
0x12e: {  	[tilespmem:s26+$0x145F0] =	vst v4;
	v4 =	vmul.f32 v9, v0;
	v9 =	vld [tilespmem:s26+$0x14660]  }
0x12f: {  	[tilespmem:s26+$0x14600] =	vst v5;
	v5 =	vmul.f32 v7, v0;
	v7 =	vld [tilespmem:s26+$0x14670]  }
0x130: {  	[tilespmem:s26+$0x14610] =	vst v4;
	v4 =	vmul.f32 v10, v0;
	v10 =	vld [tilespmem:s26+$0x14680]  }
0x131: {  	[tilespmem:s26+$0x14620] =	vst v5;
	v5 =	vmul.f32 v6, v0;
	v6 =	vld [tilespmem:s26+$0x14690]  }
0x132: {  	[tilespmem:s26+$0x14630] =	vst v4;
	v4 =	vmul.f32 v8, v0;
	v8 =	vld [tilespmem:s26+$0x146A0]  }
0x133: {  	[tilespmem:s26+$0x14640] =	vst v5;
	v5 =	vmul.f32 v9, v0;
	v9 =	vld [tilespmem:s26+$0x146B0]  }
0x134: {  	[tilespmem:s26+$0x145C0] =	vst v2;
	v0 =	vmul.f32 v7, v0;
	v2 =	vld [tilespmem:s26+$0x146C0]  }
0x135: {  	[tilespmem:s26+$0x14660] =	vst v5;
	v5 =	vmul.f32 v10, v3;
	v7 =	vld [tilespmem:s26+$0x146E0]  }
0x136: {  	[tilespmem:s26+$0x14670] =	vst v0;
	v0 =	vmul.f32 v6, v3;
	v6 =	vld [tilespmem:s26+$0x146F0]  }
0x137: {  	[tilespmem:s26+$0x14680] =	vst v5;
	v5 =	vmul.f32 v8, v3  }
0x138: {  	[tilespmem:s26+$0x14690] =	vst v0;
	v0 =	vmul.f32 v9, v3  }
0x139: {  	v8 =	vmul.f32 v14, v13;
	[tilespmem:s26+$0x146A0] =	vst v5  }
0x13a: {  	[tilespmem:s26+$0x146B0] =	vst v0;
	v0 =	vmul.f32 v2, v3  }
.Ltmp0:
0x13b: {  	[tilespmem:s26+$0x14530] =	vst v8;
	v2 =	vmul.f32 v6, v3;
	(pc) =	sbr.rel @p0 .LBB2_3-.Ltmp0, $4  }
0x13c: {  	[tilespmem:s26+$0x146C0] =	vst v0  }
0x13d: {  	v0 =	vmul.f32 v7, v3;
	[tilespmem:s26+$0x146F0] =	vst v2  }
0x13e: {  	[tilespmem:s26+$0x14650] =	vst v4  }
0x13f: {  	[tilespmem:s26+$0x146E0] =	vst v0  }
0x140: {  	[tilespmem:s26+$0x14520] =	vst v1  }
0x141: {  	[spmem:s3] =	stream.indirect.scatter.add.f32 [tilespmem:s18], [sflag:$0x2], $0x80, s22, s17, $0xb8;
	[tilespmem:$0x1BF00] =	vst v63  }
0x142: {  	_ =	swait.ge [sflag:s21], $0x4000  }
0x143: {  	s31 =	simm.s32 $0x0;
	[sflag:s21] =	ssyncset.done $0x0  }
0x144: {  	s28 =	simm.s32 $0x0;
	s26 =	sand.u32 $0x3FFFFFF0, s31;
	[sflag:s21] =	ssyncadd.s32 $0xFFFFC000  }
0x145: {  	v0 =	vld [tilespmem:s26+$0x13E80];
	s26 =	sand.u32 $0x3FFFF800, s28  }
0x146: {  	v6 =	vld [tilespmem:s26+$0x17FC0]  }
0x147: {  	v2 =	vld [tilespmem:s26+$0x17F20]  }
0x148: {  	v3 =	vld [tilespmem:s26+$0x17F30]  }
0x149: {  	v9 =	vld [tilespmem:s26+$0x17F60]  }
0x14a: {  	v10 =	vld [tilespmem:s26+$0x17F70];
	v1 =	vbroadcast v0, $0x0  }
0x14b: {  	v11 =	vld [tilespmem:s26+$0x17F80]  }
0x14c: {  	v12 =	vld [tilespmem:s26+$0x17F90];
	v2 =	vmul.f32 v2, v1  }
0x14d: {  	v13 =	vld [tilespmem:s26+$0x17FA0];
	v3 =	vmul.f32 v3, v1  }
0x14e: {  	v8 =	vld [tilespmem:s26+$0x17FB0];
	v28 =	vbroadcast v0, $0x1;
	v27 =	vmul.f32 v9, v1;
	[tilespmem:s26+$0x17F20] =	vst v2  }
0x14f: {  	v7 =	vld [tilespmem:s26+$0x17FD0];
	v10 =	vmul.f32 v10, v1;
	[tilespmem:s26+$0x17F30] =	vst v3  }
0x150: {  	v5 =	vld [tilespmem:s26+$0x18470];
	v11 =	vmul.f32 v11, v28;
	[tilespmem:s26+$0x17F60] =	vst v27  }
0x151: {  	v30 =	vld [tilespmem:s26+$0x17FF0];
	v12 =	vmul.f32 v12, v28;
	[tilespmem:s26+$0x17F70] =	vst v10  }
0x152: {  	v31 =	vld [tilespmem:s26+$0x18000];
	v13 =	vmul.f32 v13, v28;
	[tilespmem:s26+$0x17F80] =	vst v11  }
0x153: {  	v32 =	vld [tilespmem:s26+$0x18010];
	v8 =	vmul.f32 v8, v28;
	[tilespmem:s26+$0x17F90] =	vst v12  }
0x154: {  	v29 =	vld [tilespmem:s26+$0x17FE0];
	v6 =	vmul.f32 v6, v28;
	[tilespmem:s26+$0x17FA0] =	vst v13  }
0x155: {  	v33 =	vld [tilespmem:s26+$0x18020];
	v14 =	vbroadcast v0, $0x2;
	v7 =	vmul.f32 v7, v28;
	[tilespmem:s26+$0x17FB0] =	vst v8  }
0x156: {  	v34 =	vld [tilespmem:s26+$0x18030];
	v9 =	vmul.f32 v30, v28;
	[tilespmem:s26+$0x17FC0] =	vst v6  }
0x157: {  	v35 =	vld [tilespmem:s26+$0x18040];
	v4 =	vbroadcast v0, $0xA;
	v37 =	vmul.f32 v31, v14;
	[tilespmem:s26+$0x17FD0] =	vst v7  }
0x158: {  	v36 =	vld [tilespmem:s26+$0x18050];
	v39 =	vmul.f32 v32, v14;
	[tilespmem:s26+$0x17FF0] =	vst v9  }
0x159: {  	v38 =	vld [tilespmem:s26+$0x18060];
	v2 =	vmul.f32 v5, v4;
	[tilespmem:s26+$0x18000] =	vst v37  }
0x15a: {  	v40 =	vld [tilespmem:s26+$0x18070];
	v10 =	vmul.f32 v29, v28;
	[tilespmem:s26+$0x18010] =	vst v39  }
0x15b: {  	v41 =	vld [tilespmem:s26+$0x18080];
	v8 =	vmul.f32 v33, v14;
	[tilespmem:s26+$0x18470] =	vst v2  }
0x15c: {  	v42 =	vld [tilespmem:s26+$0x18090];
	v6 =	vmul.f32 v34, v14;
	[tilespmem:s26+$0x17FE0] =	vst v10  }
0x15d: {  	v43 =	vld [tilespmem:s26+$0x180A0];
	v7 =	vmul.f32 v35, v14;
	[tilespmem:s26+$0x18020] =	vst v8  }
0x15e: {  	v44 =	vld [tilespmem:s26+$0x180B0];
	v46 =	vbroadcast v0, $0x3;
	v9 =	vmul.f32 v38, v14;
	[tilespmem:s26+$0x18030] =	vst v6  }
0x15f: {  	v45 =	vld [tilespmem:s26+$0x180C0];
	v11 =	vmul.f32 v40, v14;
	[tilespmem:s26+$0x18040] =	vst v7  }
0x160: {  	v47 =	vld [tilespmem:s26+$0x180D0];
	v12 =	vmul.f32 v41, v46;
	[tilespmem:s26+$0x18060] =	vst v9  }
0x161: {  	v48 =	vld [tilespmem:s26+$0x180E0];
	v10 =	vmul.f32 v36, v14;
	[tilespmem:s26+$0x18070] =	vst v11  }
0x162: {  	v49 =	vld [tilespmem:s26+$0x180F0];
	v8 =	vmul.f32 v42, v46;
	[tilespmem:s26+$0x18080] =	vst v12  }
0x163: {  	v50 =	vld [tilespmem:s26+$0x18100];
	v6 =	vmul.f32 v43, v46;
	[tilespmem:s26+$0x18050] =	vst v10  }
0x164: {  	v51 =	vld [tilespmem:s26+$0x18110];
	v7 =	vmul.f32 v44, v46;
	[tilespmem:s26+$0x18090] =	vst v8  }
0x165: {  	v52 =	vld [tilespmem:s26+$0x18120];
	v9 =	vmul.f32 v47, v46;
	[tilespmem:s26+$0x180A0] =	vst v6  }
0x166: {  	v53 =	vld [tilespmem:s26+$0x18130];
	v11 =	vmul.f32 v48, v46;
	[tilespmem:s26+$0x180B0] =	vst v7  }
0x167: {  	v54 =	vld [tilespmem:s26+$0x18140];
	v55 =	vbroadcast v0, $0x4;
	v12 =	vmul.f32 v49, v46;
	[tilespmem:s26+$0x180D0] =	vst v9  }
0x168: {  	v56 =	vld [tilespmem:s26+$0x18150];
	v10 =	vmul.f32 v45, v46;
	[tilespmem:s26+$0x180E0] =	vst v11  }
0x169: {  	v57 =	vld [tilespmem:s26+$0x18160];
	v8 =	vmul.f32 v50, v55;
	[tilespmem:s26+$0x180F0] =	vst v12  }
0x16a: {  	v58 =	vld [tilespmem:s26+$0x18170];
	v6 =	vmul.f32 v51, v55;
	[tilespmem:s26+$0x180C0] =	vst v10  }
0x16b: {  	v59 =	vld [tilespmem:s26+$0x18180];
	v7 =	vmul.f32 v52, v55;
	[tilespmem:s26+$0x18100] =	vst v8  }
0x16c: {  	v60 =	vld [tilespmem:s26+$0x18190];
	v9 =	vmul.f32 v54, v55;
	[tilespmem:s26+$0x18110] =	vst v6  }
0x16d: {  	v61 =	vld [tilespmem:s26+$0x181A0];
	v11 =	vmul.f32 v56, v55;
	[tilespmem:s26+$0x18120] =	vst v7  }
0x16e: {  	v62 =	vld [tilespmem:s26+$0x181B0];
	v12 =	vmul.f32 v57, v55;
	[tilespmem:s26+$0x18140] =	vst v9  }
0x16f: {  	v63 =	vld [tilespmem:s26+$0x181C0];
	v16 =	vbroadcast v0, $0x5;
	v10 =	vmul.f32 v53, v55;
	[tilespmem:s26+$0x18150] =	vst v11  }
0x170: {  	v17 =	vld [tilespmem:s26+$0x181D0];
	v8 =	vmul.f32 v58, v55;
	[tilespmem:s26+$0x18160] =	vst v12  }
0x171: {  	v18 =	vld [tilespmem:s26+$0x181E0];
	v6 =	vmul.f32 v59, v16;
	[tilespmem:s26+$0x18130] =	vst v10  }
0x172: {  	v19 =	vld [tilespmem:s26+$0x181F0];
	v7 =	vmul.f32 v60, v16;
	[tilespmem:s26+$0x18170] =	vst v8  }
0x173: {  	v20 =	vld [tilespmem:s26+$0x18200];
	v9 =	vmul.f32 v62, v16;
	[tilespmem:s26+$0x18180] =	vst v6  }
0x174: {  	v21 =	vld [tilespmem:s26+$0x18210];
	v11 =	vmul.f32 v63, v16;
	[tilespmem:s26+$0x18190] =	vst v7  }
0x175: {  	v22 =	vld [tilespmem:s26+$0x18220];
	v12 =	vmul.f32 v17, v16;
	[tilespmem:s26+$0x181B0] =	vst v9  }
0x176: {  	v23 =	vld [tilespmem:s26+$0x18230];
	v10 =	vmul.f32 v61, v16;
	[tilespmem:s26+$0x181C0] =	vst v11  }
0x177: {  	v24 =	vld [tilespmem:s26+$0x18240];
	v25 =	vbroadcast v0, $0x6;
	v8 =	vmul.f32 v18, v16;
	[tilespmem:s26+$0x181D0] =	vst v12  }
0x178: {  	v56 =	vld [tilespmem:s26+$0x18400];
	v6 =	vmul.f32 v19, v16;
	[tilespmem:s26+$0x181A0] =	vst v10  }
0x179: {  	v26 =	vld [tilespmem:s26+$0x18250];
	v7 =	vmul.f32 v20, v25;
	[tilespmem:s26+$0x181E0] =	vst v8  }
0x17a: {  	v30 =	vld [tilespmem:s26+$0x18290];
	v9 =	vmul.f32 v22, v25;
	[tilespmem:s26+$0x181F0] =	vst v6  }
0x17b: {  	v27 =	vld [tilespmem:s26+$0x18260];
	v11 =	vmul.f32 v23, v25;
	[tilespmem:s26+$0x18200] =	vst v7  }
0x17c: {  	v28 =	vld [tilespmem:s26+$0x18270];
	v12 =	vmul.f32 v24, v25;
	[tilespmem:s26+$0x18220] =	vst v9  }
0x17d: {  	v31 =	vld [tilespmem:s26+$0x182A0];
	v62 =	vmul.f32 v56, v4;
	[tilespmem:s26+$0x18230] =	vst v11  }
0x17e: {  	v32 =	vld [tilespmem:s26+$0x182B0];
	v10 =	vmul.f32 v21, v25;
	[tilespmem:s26+$0x18240] =	vst v12  }
0x17f: {  	v3 =	vld [tilespmem:s26+$0x18480];
	v8 =	vmul.f32 v26, v25;
	[tilespmem:s26+$0x18400] =	vst v62  }
0x180: {  	v5 =	vld [tilespmem:s26+$0x18490];
	v34 =	vbroadcast v0, $0x7;
	v6 =	vmul.f32 v27, v25;
	[tilespmem:s26+$0x18210] =	vst v10  }
0x181: {  	v29 =	vld [tilespmem:s26+$0x18280];
	v7 =	vmul.f32 v28, v25;
	[tilespmem:s26+$0x18250] =	vst v8  }
0x182: {  	v60 =	vld [tilespmem:s26+$0x18440];
	v9 =	vmul.f32 v30, v34;
	[tilespmem:s26+$0x18260] =	vst v6  }
0x183: {  	v33 =	vld [tilespmem:s26+$0x182C0];
	v24 =	vbroadcast v0, $0xB;
	v11 =	vmul.f32 v31, v34;
	[tilespmem:s26+$0x18270] =	vst v7  }
0x184: {  	v35 =	vld [tilespmem:s26+$0x182D0];
	v12 =	vmul.f32 v32, v34;
	[tilespmem:s26+$0x18290] =	vst v9  }
0x185: {  	v38 =	vld [tilespmem:s26+$0x18300];
	v3 =	vmul.f32 v3, v24;
	[tilespmem:s26+$0x182A0] =	vst v11  }
0x186: {  	v36 =	vld [tilespmem:s26+$0x182E0];
	v5 =	vmul.f32 v5, v24;
	[tilespmem:s26+$0x182B0] =	vst v12  }
0x187: {  	v2 =	vld [tilespmem:s26+$0x186D0];
	v19 =	vmul.f32 v60, v4;
	[tilespmem:s26+$0x18480] =	vst v3  }
0x188: {  	v39 =	vld [tilespmem:s26+$0x18310];
	v10 =	vmul.f32 v29, v34;
	[tilespmem:s26+$0x18490] =	vst v5  }
0x189: {  	v40 =	vld [tilespmem:s26+$0x18320];
	v8 =	vmul.f32 v33, v34;
	[tilespmem:s26+$0x18440] =	vst v19  }
0x18a: {  	v43 =	vbroadcast v0, $0x8;
	v61 =	vld [tilespmem:s26+$0x18450];
	v6 =	vmul.f32 v35, v34;
	[tilespmem:s26+$0x18280] =	vst v10  }
0x18b: {  	v16 =	vld [tilespmem:s26+$0x17F00];
	v7 =	vmul.f32 v36, v34;
	[tilespmem:s26+$0x182C0] =	vst v8  }
0x18c: {  	v37 =	vld [tilespmem:s26+$0x182F0];
	v9 =	vmul.f32 v38, v43;
	[tilespmem:s26+$0x182D0] =	vst v6  }
0x18d: {  	v41 =	vld [tilespmem:s26+$0x18330];
	v11 =	vmul.f32 v39, v43;
	[tilespmem:s26+$0x182E0] =	vst v7  }
0x18e: {  	v42 =	vld [tilespmem:s26+$0x18340];
	v12 =	vmul.f32 v40, v43;
	[tilespmem:s26+$0x18300] =	vst v9  }
0x18f: {  	v44 =	vld [tilespmem:s26+$0x18350];
	v21 =	vmul.f32 v61, v4;
	[tilespmem:s26+$0x18310] =	vst v11  }
0x190: {  	v46 =	vld [tilespmem:s26+$0x18370];
	v25 =	vmul.f32 v1, v16;
	[tilespmem:s26+$0x18320] =	vst v12  }
0x191: {  	v47 =	vld [tilespmem:s26+$0x18380];
	v10 =	vmul.f32 v37, v34;
	[tilespmem:s26+$0x18450] =	vst v21  }
0x192: {  	v48 =	vld [tilespmem:s26+$0x18390];
	v8 =	vmul.f32 v41, v43;
	[tilespmem:s26+$0x17F00] =	vst v25  }
0x193: {  	v6 =	vmul.f32 v42, v43;
	[tilespmem:s26+$0x182F0] =	vst v10  }
0x194: {  	v52 =	vbroadcast v0, $0x9;
	v27 =	vld [tilespmem:s26+$0x184D0];
	v7 =	vmul.f32 v44, v43;
	[tilespmem:s26+$0x18330] =	vst v8  }
0x195: {  	v30 =	vld [tilespmem:s26+$0x18500];
	v9 =	vmul.f32 v46, v43;
	[tilespmem:s26+$0x18340] =	vst v6  }
0x196: {  	v28 =	vld [tilespmem:s26+$0x184E0];
	v3 =	vbroadcast v0, $0xF;
	v11 =	vmul.f32 v47, v52;
	[tilespmem:s26+$0x18350] =	vst v7  }
0x197: {  	v45 =	vld [tilespmem:s26+$0x18360];
	v12 =	vmul.f32 v48, v52;
	[tilespmem:s26+$0x18370] =	vst v9  }
0x198: {  	v49 =	vld [tilespmem:s26+$0x183A0];
	v35 =	vbroadcast v0, $0xC;
	v2 =	vmul.f32 v2, v3;
	[tilespmem:s26+$0x18380] =	vst v11  }
0x199: {  	v50 =	vld [tilespmem:s26+$0x183B0];
	v32 =	vmul.f32 v27, v24;
	[tilespmem:s26+$0x18390] =	vst v12  }
0x19a: {  	v51 =	vld [tilespmem:s26+$0x183C0];
	v14 =	vmul.f32 v30, v35;
	[tilespmem:s26+$0x186D0] =	vst v2  }
0x19b: {  	v54 =	vld [tilespmem:s26+$0x183E0];
	v40 =	vmul.f32 v28, v24;
	[tilespmem:s26+$0x184D0] =	vst v32  }
0x19c: {  	v55 =	vld [tilespmem:s26+$0x183F0];
	v10 =	vmul.f32 v45, v43;
	[tilespmem:s26+$0x18500] =	vst v14  }
0x19d: {  	v18 =	vld [tilespmem:s26+$0x17F40];
	v8 =	vmul.f32 v49, v52;
	[tilespmem:s26+$0x184E0] =	vst v40  }
0x19e: {  	v38 =	vld [tilespmem:s26+$0x18570];
	v6 =	vmul.f32 v50, v52;
	[tilespmem:s26+$0x18360] =	vst v10  }
0x19f: {  	v29 =	vld [tilespmem:s26+$0x184F0];
	v7 =	vmul.f32 v51, v52;
	[tilespmem:s26+$0x183A0] =	vst v8  }
0x1a0: {  	v33 =	vld [tilespmem:s26+$0x18530];
	v9 =	vmul.f32 v54, v52;
	[tilespmem:s26+$0x183B0] =	vst v6  }
0x1a1: {  	v53 =	vld [tilespmem:s26+$0x183D0];
	v11 =	vmul.f32 v55, v52;
	[tilespmem:s26+$0x183C0] =	vst v7  }
0x1a2: {  	v57 =	vld [tilespmem:s26+$0x18410];
	v2 =	vmul.f32 v18, v1;
	[tilespmem:s26+$0x183E0] =	vst v9  }
0x1a3: {  	v58 =	vld [tilespmem:s26+$0x18420];
	v14 =	vmul.f32 v38, v35;
	[tilespmem:s26+$0x183F0] =	vst v11  }
0x1a4: {  	v59 =	vld [tilespmem:s26+$0x18430];
	v5 =	vmul.f32 v29, v24;
	[tilespmem:s26+$0x17F40] =	vst v2  }
0x1a5: {  	v63 =	vld [tilespmem:s26+$0x18460];
	v62 =	vmul.f32 v33, v35;
	[tilespmem:s26+$0x18570] =	vst v14  }
0x1a6: {  	v17 =	vld [tilespmem:s26+$0x17F10];
	v10 =	vmul.f32 v53, v52;
	[tilespmem:s26+$0x184F0] =	vst v5  }
0x1a7: {  	v20 =	vld [tilespmem:s26+$0x17F50];
	v8 =	vmul.f32 v57, v4;
	[tilespmem:s26+$0x18530] =	vst v62  }
0x1a8: {  	v61 =	vld [tilespmem:s26+$0x186F0];
	v6 =	vmul.f32 v58, v4;
	[tilespmem:s26+$0x183D0] =	vst v10  }
0x1a9: {  	v46 =	vld [tilespmem:s26+$0x185E0];
	v7 =	vmul.f32 v59, v4;
	[tilespmem:s26+$0x18410] =	vst v8  }
0x1aa: {  	v22 =	vld [tilespmem:s26+$0x184A0];
	v4 =	vmul.f32 v63, v4;
	[tilespmem:s26+$0x18420] =	vst v6  }
0x1ab: {  	v23 =	vld [tilespmem:s26+$0x184B0];
	v11 =	vmul.f32 v17, v1;
	[tilespmem:s26+$0x18430] =	vst v7  }
0x1ac: {  	v26 =	vld [tilespmem:s26+$0x184C0];
	v44 =	vbroadcast v0, $0xD;
	v1 =	vmul.f32 v20, v1;
	[tilespmem:s26+$0x18460] =	vst v4  }
0x1ad: {  	v31 =	vld [tilespmem:s26+$0x18510];
	v63 =	vmul.f32 v61, v3;
	[tilespmem:s26+$0x17F10] =	vst v11  }
0x1ae: {  	v34 =	vld [tilespmem:s26+$0x18540];
	v51 =	vmul.f32 v46, v44;
	[tilespmem:s26+$0x17F50] =	vst v1  }
0x1af: {  	v41 =	vld [tilespmem:s26+$0x185A0];
	v6 =	vmul.f32 v22, v24;
	[tilespmem:s26+$0x186F0] =	vst v63  }
0x1b0: {  	v7 =	vmul.f32 v23, v24;
	v1 =	vld [tilespmem:s26+$0x18590];
	[tilespmem:s26+$0x185E0] =	vst v51  }
0x1b1: {  	v49 =	vld [tilespmem:s26+$0x18620];
	v4 =	vmul.f32 v26, v24;
	[tilespmem:s26+$0x184A0] =	vst v6  }
0x1b2: {  	v50 =	vld [tilespmem:s26+$0x18630];
	v8 =	vmul.f32 v31, v35;
	[tilespmem:s26+$0x184B0] =	vst v7  }
0x1b3: {  	v36 =	vld [tilespmem:s26+$0x18550];
	v11 =	vmul.f32 v34, v35;
	[tilespmem:s26+$0x184C0] =	vst v4  }
0x1b4: {  	v37 =	vld [tilespmem:s26+$0x18560];
	v0 =	vbroadcast v0, $0xE;
	v10 =	vmul.f32 v41, v44;
	[tilespmem:s26+$0x18510] =	vst v8  }
0x1b5: {  	v39 =	vld [tilespmem:s26+$0x18580];
	[tilespmem:s26+$0x18540] =	vst v11;
	v1 =	vmul.f32 v1, v44  }
0x1b6: {  	v42 =	vld [tilespmem:s26+$0x185B0];
	v9 =	vmul.f32 v49, v0;
	[tilespmem:s26+$0x185A0] =	vst v10  }
0x1b7: {  	v5 =	vmul.f32 v50, v0;
	[tilespmem:s26+$0x18590] =	vst v1;
	v1 =	vld [tilespmem:s26+$0x18600]  }
0x1b8: {  	v48 =	vld [tilespmem:s26+$0x18610];
	v7 =	vmul.f32 v36, v35;
	[tilespmem:s26+$0x18620] =	vst v9  }
0x1b9: {  	v57 =	vld [tilespmem:s26+$0x186A0];
	v4 =	vmul.f32 v37, v35;
	[tilespmem:s26+$0x18630] =	vst v5  }
0x1ba: {  	v45 =	vld [tilespmem:s26+$0x185D0];
	v8 =	vmul.f32 v39, v44;
	[tilespmem:s26+$0x18550] =	vst v7  }
0x1bb: {  	v47 =	vld [tilespmem:s26+$0x185F0];
	v11 =	vmul.f32 v42, v44;
	[tilespmem:s26+$0x18560] =	vst v4  }
0x1bc: {  	v43 =	vld [tilespmem:s26+$0x185C0];
	[tilespmem:s26+$0x18580] =	vst v8;
	v1 =	vmul.f32 v1, v0  }
0x1bd: {  	v55 =	vld [tilespmem:s26+$0x18680];
	v10 =	vmul.f32 v48, v0;
	[tilespmem:s26+$0x185B0] =	vst v11  }
0x1be: {  	v5 =	vmul.f32 v57, v3;
	[tilespmem:s26+$0x18600] =	vst v1;
	v1 =	vld [tilespmem:s26+$0x18670]  }
0x1bf: {  	v52 =	vld [tilespmem:s26+$0x18640];
	v4 =	vmul.f32 v45, v44;
	[tilespmem:s26+$0x18610] =	vst v10  }
0x1c0: {  	v56 =	vld [tilespmem:s26+$0x18690];
	v8 =	vmul.f32 v47, v44;
	[tilespmem:s26+$0x186A0] =	vst v5  }
0x1c1: {  	v54 =	vld [tilespmem:s26+$0x18660];
	v7 =	vmul.f32 v43, v44;
	[tilespmem:s26+$0x185D0] =	vst v4  }
0x1c2: {  	v58 =	vld [tilespmem:s26+$0x186B0];
	v10 =	vmul.f32 v55, v3;
	[tilespmem:s26+$0x185F0] =	vst v8  }
0x1c3: {  	v53 =	vld [tilespmem:s26+$0x18650];
	[tilespmem:s26+$0x185C0] =	vst v7;
	v1 =	vmul.f32 v1, v0  }
0x1c4: {  	v59 =	vld [tilespmem:s26+$0x186C0];
	v4 =	vmul.f32 v52, v0;
	[tilespmem:s26+$0x18680] =	vst v10  }
0x1c5: {  	v60 =	vld [tilespmem:s26+$0x186E0];
	[tilespmem:s26+$0x18670] =	vst v1;
	v1 =	vmul.f32 v56, v3  }
0x1c6: {  	v8 =	vmul.f32 v54, v0;
	[tilespmem:s26+$0x18640] =	vst v4  }
0x1c7: {  	v2 =	vld [tilespmem:s26+$0x18520];
	[tilespmem:s26+$0x18690] =	vst v1;
	v1 =	vmul.f32 v58, v3  }
0x1c8: {  	[tilespmem:s26+$0x18660] =	vst v8;
	v0 =	vmul.f32 v53, v0  }
0x1c9: {  	[tilespmem:s26+$0x186B0] =	vst v1;
	v1 =	vmul.f32 v59, v3  }
0x1ca: {  	[tilespmem:s26+$0x18650] =	vst v0;
	v3 =	vmul.f32 v60, v3  }
0x1cb: {  	[tilespmem:s26+$0x186C0] =	vst v1  }
0x1cc: {  	s28 =	simm.s32 $0x1;
	v1 =	vmul.f32 v2, v35;
	[tilespmem:s26+$0x186E0] =	vst v3  }
.LBB2_5:
0x1cd: {  	s29 =	sshll.u32 s28, $0x4  }
0x1ce: {  	p0 =	sne.s32 s28, $0x7;
	[tilespmem:s26+$0x18520] =	vst v1;
	s26 =	smov.u32 s28;
	s28 =	sadd.s32 $0x1, s28  }
0x1cf: {  	s29 =	sand.u32 $0x3FFFFFF0, s29  }
0x1d0: {  	s26 =	sshll.u32 s26, $0xB;
	v0 =	vld [tilespmem:s29+$0x13E80]  }
0x1d1: {  	s26 =	sand.u32 $0x3FFFF800, s26  }
0x1d2: {  	v7 =	vld [tilespmem:s26+$0x17FC0]  }
0x1d3: {  	v8 =	vld [tilespmem:s26+$0x17FD0]  }
0x1d4: {  	v9 =	vld [tilespmem:s26+$0x17FB0]  }
0x1d5: {  	v1 =	vbroadcast v0, $0x0;
	v2 =	vld [tilespmem:s26+$0x17F20];
	v6 =	vbroadcast v0, $0x4  }
0x1d6: {  	v4 =	vld [tilespmem:s26+$0x17F30]  }
0x1d7: {  	v5 =	vld [tilespmem:s26+$0x18470]  }
0x1d8: {  	v10 =	vld [tilespmem:s26+$0x17F60]  }
0x1d9: {  	v11 =	vld [tilespmem:s26+$0x17F70]  }
0x1da: {  	v3 =	vbroadcast v0, $0xA;
	v2 =	vmul.f32 v2, v1;
	v12 =	vld [tilespmem:s26+$0x17F80]  }
0x1db: {  	v4 =	vmul.f32 v4, v1;
	v13 =	vld [tilespmem:s26+$0x17F90]  }
0x1dc: {  	[tilespmem:s26+$0x17F20] =	vst v2;
	v14 =	vld [tilespmem:s26+$0x17FA0];
	v2 =	vmul.f32 v5, v3  }
0x1dd: {  	[tilespmem:s26+$0x17F30] =	vst v4;
	v5 =	vmul.f32 v10, v1;
	v10 =	vbroadcast v0, $0x1;
	v4 =	vld [tilespmem:s26+$0x18480]  }
0x1de: {  	v11 =	vmul.f32 v11, v1;
	[tilespmem:s26+$0x18470] =	vst v2;
	v2 =	vld [tilespmem:s26+$0x186D0]  }
0x1df: {  	[tilespmem:s26+$0x17F60] =	vst v5;
	v12 =	vmul.f32 v12, v10;
	v5 =	vld [tilespmem:s26+$0x18490]  }
0x1e0: {  	[tilespmem:s26+$0x17F70] =	vst v11;
	v11 =	vmul.f32 v13, v10;
	v13 =	vld [tilespmem:s26+$0x17FE0]  }
0x1e1: {  	[tilespmem:s26+$0x17F80] =	vst v12;
	v12 =	vmul.f32 v14, v10;
	v14 =	vld [tilespmem:s26+$0x17FF0]  }
0x1e2: {  	v9 =	vmul.f32 v9, v10;
	[tilespmem:s26+$0x17F90] =	vst v11;
	v11 =	vld [tilespmem:s26+$0x18000]  }
0x1e3: {  	v7 =	vmul.f32 v7, v10;
	[tilespmem:s26+$0x17FA0] =	vst v12;
	v12 =	vld [tilespmem:s26+$0x18010]  }
0x1e4: {  	v8 =	vmul.f32 v8, v10;
	[tilespmem:s26+$0x17FB0] =	vst v9;
	v9 =	vld [tilespmem:s26+$0x18020]  }
0x1e5: {  	[tilespmem:s26+$0x17FC0] =	vst v7;
	v7 =	vmul.f32 v13, v10;
	v13 =	vbroadcast v0, $0x2;
	v15 =	vld [tilespmem:s26+$0x18030]  }
0x1e6: {  	[tilespmem:s26+$0x17FD0] =	vst v8;
	v8 =	vmul.f32 v14, v10;
	v10 =	vld [tilespmem:s26+$0x18040]  }
0x1e7: {  	[tilespmem:s26+$0x17FE0] =	vst v7;
	v7 =	vmul.f32 v11, v13;
	v11 =	vld [tilespmem:s26+$0x18050]  }
0x1e8: {  	[tilespmem:s26+$0x17FF0] =	vst v8;
	v8 =	vmul.f32 v12, v13;
	v12 =	vld [tilespmem:s26+$0x18060]  }
0x1e9: {  	[tilespmem:s26+$0x18000] =	vst v7;
	v7 =	vmul.f32 v9, v13;
	v9 =	vld [tilespmem:s26+$0x18070]  }
0x1ea: {  	[tilespmem:s26+$0x18010] =	vst v8;
	v8 =	vmul.f32 v15, v13;
	v14 =	vld [tilespmem:s26+$0x18080]  }
0x1eb: {  	[tilespmem:s26+$0x18020] =	vst v7;
	v7 =	vmul.f32 v10, v13;
	v10 =	vld [tilespmem:s26+$0x18090]  }
0x1ec: {  	[tilespmem:s26+$0x18030] =	vst v8;
	v8 =	vmul.f32 v11, v13;
	v11 =	vld [tilespmem:s26+$0x180A0]  }
0x1ed: {  	[tilespmem:s26+$0x18040] =	vst v7;
	v7 =	vmul.f32 v12, v13;
	v12 =	vbroadcast v0, $0x3;
	v15 =	vld [tilespmem:s26+$0x180B0]  }
0x1ee: {  	[tilespmem:s26+$0x18050] =	vst v8;
	v8 =	vmul.f32 v9, v13;
	v9 =	vld [tilespmem:s26+$0x180C0]  }
0x1ef: {  	[tilespmem:s26+$0x18060] =	vst v7;
	v7 =	vmul.f32 v14, v12;
	v13 =	vld [tilespmem:s26+$0x180D0]  }
0x1f0: {  	[tilespmem:s26+$0x18070] =	vst v8;
	v8 =	vmul.f32 v10, v12;
	v10 =	vld [tilespmem:s26+$0x180E0]  }
0x1f1: {  	[tilespmem:s26+$0x18080] =	vst v7;
	v7 =	vmul.f32 v11, v12;
	v11 =	vld [tilespmem:s26+$0x180F0]  }
0x1f2: {  	[tilespmem:s26+$0x18090] =	vst v8;
	v8 =	vmul.f32 v15, v12;
	v14 =	vld [tilespmem:s26+$0x18100]  }
0x1f3: {  	[tilespmem:s26+$0x180A0] =	vst v7;
	v7 =	vmul.f32 v9, v12;
	v9 =	vld [tilespmem:s26+$0x18110]  }
0x1f4: {  	[tilespmem:s26+$0x180B0] =	vst v8;
	v8 =	vmul.f32 v13, v12;
	v13 =	vld [tilespmem:s26+$0x18120]  }
0x1f5: {  	[tilespmem:s26+$0x180C0] =	vst v7;
	v7 =	vmul.f32 v10, v12;
	v10 =	vld [tilespmem:s26+$0x18130]  }
0x1f6: {  	[tilespmem:s26+$0x180D0] =	vst v8;
	v8 =	vmul.f32 v11, v12;
	v11 =	vld [tilespmem:s26+$0x18140]  }
0x1f7: {  	[tilespmem:s26+$0x180E0] =	vst v7;
	v7 =	vmul.f32 v14, v6;
	v12 =	vld [tilespmem:s26+$0x18150]  }
0x1f8: {  	[tilespmem:s26+$0x180F0] =	vst v8;
	v8 =	vmul.f32 v9, v6;
	v9 =	vld [tilespmem:s26+$0x18160]  }
0x1f9: {  	[tilespmem:s26+$0x18100] =	vst v7;
	v7 =	vmul.f32 v13, v6;
	v13 =	vld [tilespmem:s26+$0x18170]  }
0x1fa: {  	[tilespmem:s26+$0x18110] =	vst v8;
	v8 =	vmul.f32 v10, v6;
	v10 =	vld [tilespmem:s26+$0x18180]  }
0x1fb: {  	[tilespmem:s26+$0x18120] =	vst v7;
	v7 =	vmul.f32 v11, v6;
	v11 =	vld [tilespmem:s26+$0x18190]  }
0x1fc: {  	[tilespmem:s26+$0x18130] =	vst v8;
	v8 =	vmul.f32 v12, v6;
	v12 =	vld [tilespmem:s26+$0x181A0]  }
0x1fd: {  	[tilespmem:s26+$0x18140] =	vst v7;
	v7 =	vmul.f32 v9, v6;
	v9 =	vbroadcast v0, $0x5;
	v14 =	vld [tilespmem:s26+$0x181B0]  }
0x1fe: {  	[tilespmem:s26+$0x18150] =	vst v8;
	v6 =	vmul.f32 v13, v6;
	v8 =	vld [tilespmem:s26+$0x181C0]  }
0x1ff: {  	[tilespmem:s26+$0x18160] =	vst v7;
	v7 =	vmul.f32 v10, v9;
	v10 =	vld [tilespmem:s26+$0x181D0]  }
0x200: {  	[tilespmem:s26+$0x18170] =	vst v6;
	v6 =	vmul.f32 v11, v9;
	v11 =	vld [tilespmem:s26+$0x181E0]  }
0x201: {  	[tilespmem:s26+$0x18180] =	vst v7;
	v7 =	vmul.f32 v12, v9;
	v12 =	vld [tilespmem:s26+$0x181F0]  }
0x202: {  	[tilespmem:s26+$0x18190] =	vst v6;
	v6 =	vmul.f32 v14, v9;
	v13 =	vld [tilespmem:s26+$0x18200]  }
0x203: {  	[tilespmem:s26+$0x181A0] =	vst v7;
	v7 =	vmul.f32 v8, v9;
	v8 =	vld [tilespmem:s26+$0x18210]  }
0x204: {  	[tilespmem:s26+$0x181B0] =	vst v6;
	v6 =	vmul.f32 v10, v9;
	v10 =	vld [tilespmem:s26+$0x18220]  }
0x205: {  	[tilespmem:s26+$0x181C0] =	vst v7;
	v7 =	vmul.f32 v11, v9;
	v11 =	vbroadcast v0, $0x6;
	v14 =	vld [tilespmem:s26+$0x18230]  }
0x206: {  	[tilespmem:s26+$0x181D0] =	vst v6;
	v6 =	vmul.f32 v12, v9;
	v9 =	vld [tilespmem:s26+$0x18240]  }
0x207: {  	[tilespmem:s26+$0x181E0] =	vst v7;
	v7 =	vmul.f32 v13, v11;
	v12 =	vld [tilespmem:s26+$0x18250]  }
0x208: {  	[tilespmem:s26+$0x181F0] =	vst v6;
	v6 =	vmul.f32 v8, v11;
	v8 =	vld [tilespmem:s26+$0x18260]  }
0x209: {  	[tilespmem:s26+$0x18200] =	vst v7;
	v7 =	vmul.f32 v10, v11;
	v10 =	vld [tilespmem:s26+$0x18270]  }
0x20a: {  	[tilespmem:s26+$0x18210] =	vst v6;
	v6 =	vmul.f32 v14, v11;
	v13 =	vld [tilespmem:s26+$0x18280]  }
0x20b: {  	[tilespmem:s26+$0x18220] =	vst v7;
	v7 =	vmul.f32 v9, v11;
	v9 =	vld [tilespmem:s26+$0x18290]  }
0x20c: {  	[tilespmem:s26+$0x18230] =	vst v6;
	v6 =	vmul.f32 v12, v11;
	v12 =	vld [tilespmem:s26+$0x182A0]  }
0x20d: {  	[tilespmem:s26+$0x18240] =	vst v7;
	v7 =	vmul.f32 v8, v11;
	v8 =	vbroadcast v0, $0x7;
	v14 =	vld [tilespmem:s26+$0x182B0]  }
0x20e: {  	[tilespmem:s26+$0x18250] =	vst v6;
	v6 =	vmul.f32 v10, v11;
	v10 =	vld [tilespmem:s26+$0x182C0]  }
0x20f: {  	[tilespmem:s26+$0x18260] =	vst v7;
	v7 =	vmul.f32 v13, v8;
	v11 =	vld [tilespmem:s26+$0x182D0]  }
0x210: {  	[tilespmem:s26+$0x18270] =	vst v6;
	v6 =	vmul.f32 v9, v8;
	v9 =	vld [tilespmem:s26+$0x182E0]  }
0x211: {  	[tilespmem:s26+$0x18280] =	vst v7;
	v7 =	vmul.f32 v12, v8;
	v12 =	vld [tilespmem:s26+$0x182F0]  }
0x212: {  	[tilespmem:s26+$0x18290] =	vst v6;
	v6 =	vmul.f32 v14, v8;
	v13 =	vld [tilespmem:s26+$0x18300]  }
0x213: {  	[tilespmem:s26+$0x182A0] =	vst v7;
	v7 =	vmul.f32 v10, v8;
	v10 =	vld [tilespmem:s26+$0x18310]  }
0x214: {  	[tilespmem:s26+$0x182B0] =	vst v6;
	v6 =	vmul.f32 v11, v8;
	v11 =	vld [tilespmem:s26+$0x18320]  }
0x215: {  	[tilespmem:s26+$0x182C0] =	vst v7;
	v7 =	vmul.f32 v9, v8;
	v9 =	vbroadcast v0, $0x8;
	v14 =	vld [tilespmem:s26+$0x18330]  }
0x216: {  	[tilespmem:s26+$0x182D0] =	vst v6;
	v6 =	vmul.f32 v12, v8;
	v8 =	vld [tilespmem:s26+$0x18340]  }
0x217: {  	[tilespmem:s26+$0x182E0] =	vst v7;
	v7 =	vmul.f32 v13, v9;
	v12 =	vld [tilespmem:s26+$0x18350]  }
0x218: {  	[tilespmem:s26+$0x182F0] =	vst v6;
	v6 =	vmul.f32 v10, v9;
	v10 =	vld [tilespmem:s26+$0x18360]  }
0x219: {  	[tilespmem:s26+$0x18300] =	vst v7;
	v7 =	vmul.f32 v11, v9;
	v11 =	vld [tilespmem:s26+$0x18370]  }
0x21a: {  	[tilespmem:s26+$0x18310] =	vst v6;
	v6 =	vmul.f32 v14, v9;
	v13 =	vld [tilespmem:s26+$0x18380]  }
0x21b: {  	[tilespmem:s26+$0x18320] =	vst v7;
	v7 =	vmul.f32 v8, v9;
	v8 =	vld [tilespmem:s26+$0x18390]  }
0x21c: {  	[tilespmem:s26+$0x18330] =	vst v6;
	v6 =	vmul.f32 v12, v9;
	v12 =	vld [tilespmem:s26+$0x183A0]  }
0x21d: {  	[tilespmem:s26+$0x18340] =	vst v7;
	v7 =	vmul.f32 v10, v9;
	v10 =	vbroadcast v0, $0x9;
	v14 =	vld [tilespmem:s26+$0x183B0]  }
0x21e: {  	[tilespmem:s26+$0x18350] =	vst v6;
	v6 =	vmul.f32 v11, v9;
	v9 =	vld [tilespmem:s26+$0x183C0]  }
0x21f: {  	[tilespmem:s26+$0x18360] =	vst v7;
	v7 =	vmul.f32 v13, v10;
	v11 =	vld [tilespmem:s26+$0x183D0]  }
0x220: {  	[tilespmem:s26+$0x18370] =	vst v6;
	v6 =	vmul.f32 v8, v10;
	v8 =	vld [tilespmem:s26+$0x183E0]  }
0x221: {  	[tilespmem:s26+$0x18380] =	vst v7;
	v7 =	vmul.f32 v12, v10;
	v12 =	vld [tilespmem:s26+$0x183F0]  }
0x222: {  	[tilespmem:s26+$0x18390] =	vst v6;
	v6 =	vmul.f32 v14, v10;
	v13 =	vld [tilespmem:s26+$0x18400]  }
0x223: {  	[tilespmem:s26+$0x183A0] =	vst v7;
	v7 =	vmul.f32 v9, v10;
	v9 =	vld [tilespmem:s26+$0x18410]  }
0x224: {  	[tilespmem:s26+$0x183B0] =	vst v6;
	v6 =	vmul.f32 v11, v10;
	v11 =	vld [tilespmem:s26+$0x18420]  }
0x225: {  	[tilespmem:s26+$0x183C0] =	vst v7;
	v7 =	vmul.f32 v8, v10;
	v8 =	vld [tilespmem:s26+$0x18430]  }
0x226: {  	[tilespmem:s26+$0x183D0] =	vst v6;
	v6 =	vmul.f32 v12, v10;
	v10 =	vld [tilespmem:s26+$0x18440]  }
0x227: {  	[tilespmem:s26+$0x183E0] =	vst v7;
	v7 =	vmul.f32 v13, v3;
	v12 =	vld [tilespmem:s26+$0x18450]  }
0x228: {  	[tilespmem:s26+$0x183F0] =	vst v6;
	v6 =	vmul.f32 v9, v3;
	v9 =	vld [tilespmem:s26+$0x18460]  }
0x229: {  	v13 =	vld [tilespmem:s26+$0x17F00];
	[tilespmem:s26+$0x18400] =	vst v7;
	v7 =	vmul.f32 v11, v3  }
0x22a: {  	v11 =	vld [tilespmem:s26+$0x17F10];
	[tilespmem:s26+$0x18410] =	vst v6;
	v6 =	vmul.f32 v8, v3  }
0x22b: {  	v8 =	vld [tilespmem:s26+$0x17F40];
	[tilespmem:s26+$0x18420] =	vst v7;
	v7 =	vmul.f32 v10, v3  }
0x22c: {  	v10 =	vld [tilespmem:s26+$0x17F50];
	[tilespmem:s26+$0x18430] =	vst v6;
	v6 =	vmul.f32 v12, v3  }
0x22d: {  	[tilespmem:s26+$0x18440] =	vst v7;
	v7 =	vmul.f32 v9, v3;
	v9 =	vbroadcast v0, $0xB;
	v12 =	vld [tilespmem:s26+$0x184A0]  }
0x22e: {  	v3 =	vbroadcast v0, $0xF;
	v13 =	vmul.f32 v1, v13;
	[tilespmem:s26+$0x18450] =	vst v6;
	v6 =	vld [tilespmem:s26+$0x184B0]  }
0x22f: {  	v11 =	vmul.f32 v11, v1;
	[tilespmem:s26+$0x18460] =	vst v7;
	v4 =	vmul.f32 v4, v9;
	v7 =	vld [tilespmem:s26+$0x184C0]  }
0x230: {  	v5 =	vmul.f32 v5, v9;
	[tilespmem:s26+$0x17F00] =	vst v13;
	v8 =	vmul.f32 v8, v1;
	v13 =	vld [tilespmem:s26+$0x184D0]  }
0x231: {  	v2 =	vmul.f32 v2, v3;
	v10 =	vmul.f32 v10, v1;
	[tilespmem:s26+$0x18480] =	vst v4;
	v1 =	vld [tilespmem:s26+$0x184E0]  }
0x232: {  	[tilespmem:s26+$0x18490] =	vst v5;
	v4 =	vmul.f32 v12, v9;
	v5 =	vld [tilespmem:s26+$0x184F0]  }
0x233: {  	v6 =	vmul.f32 v6, v9;
	v12 =	vld [tilespmem:s26+$0x18500];
	[tilespmem:s26+$0x186D0] =	vst v2  }
0x234: {  	[tilespmem:s26+$0x17F10] =	vst v11;
	v2 =	vmul.f32 v7, v9;
	v7 =	vld [tilespmem:s26+$0x18510]  }
0x235: {  	[tilespmem:s26+$0x17F40] =	vst v8;
	v8 =	vmul.f32 v13, v9;
	v11 =	vld [tilespmem:s26+$0x18520]  }
0x236: {  	v13 =	vbroadcast v0, $0xC;
	[tilespmem:s26+$0x184A0] =	vst v4;
	v4 =	vmul.f32 v1, v9;
	v14 =	vld [tilespmem:s26+$0x18530]  }
0x237: {  	[tilespmem:s26+$0x184D0] =	vst v8;
	v5 =	vmul.f32 v5, v9;
	v8 =	vld [tilespmem:s26+$0x18540]  }
0x238: {  	[tilespmem:s26+$0x184B0] =	vst v6;
	v1 =	vmul.f32 v12, v13;
	v6 =	vld [tilespmem:s26+$0x18550]  }
0x239: {  	[tilespmem:s26+$0x184C0] =	vst v2;
	v2 =	vmul.f32 v7, v13;
	v7 =	vld [tilespmem:s26+$0x18560]  }
0x23a: {  	[tilespmem:s26+$0x18500] =	vst v1;
	v1 =	vmul.f32 v11, v13;
	v9 =	vld [tilespmem:s26+$0x18570]  }
0x23b: {  	[tilespmem:s26+$0x18510] =	vst v2;
	v2 =	vld [tilespmem:s26+$0x18580]  }
0x23c: {  	[tilespmem:s26+$0x17F50] =	vst v10;
	v8 =	vmul.f32 v8, v13;
	v10 =	vld [tilespmem:s26+$0x18590]  }
0x23d: {  	[tilespmem:s26+$0x184E0] =	vst v4;
	v4 =	vmul.f32 v6, v13;
	v6 =	vld [tilespmem:s26+$0x185A0]  }
0x23e: {  	[tilespmem:s26+$0x18540] =	vst v8;
	v7 =	vmul.f32 v7, v13;
	v8 =	vbroadcast v0, $0xD;
	v11 =	vld [tilespmem:s26+$0x185B0]  }
0x23f: {  	[tilespmem:s26+$0x18550] =	vst v4;
	v4 =	vmul.f32 v9, v13;
	v9 =	vld [tilespmem:s26+$0x185C0]  }
0x240: {  	[tilespmem:s26+$0x18560] =	vst v7;
	v2 =	vmul.f32 v2, v8;
	v7 =	vld [tilespmem:s26+$0x185D0]  }
0x241: {  	[tilespmem:s26+$0x18570] =	vst v4;
	v4 =	vmul.f32 v10, v8;
	v10 =	vld [tilespmem:s26+$0x185E0]  }
0x242: {  	[tilespmem:s26+$0x18580] =	vst v2;
	v2 =	vmul.f32 v6, v8;
	v6 =	vld [tilespmem:s26+$0x185F0]  }
0x243: {  	[tilespmem:s26+$0x18590] =	vst v4;
	v4 =	vmul.f32 v11, v8;
	v11 =	vld [tilespmem:s26+$0x18600]  }
0x244: {  	[tilespmem:s26+$0x185A0] =	vst v2;
	v2 =	vmul.f32 v9, v8;
	v9 =	vld [tilespmem:s26+$0x18610]  }
0x245: {  	[tilespmem:s26+$0x185B0] =	vst v4;
	v4 =	vmul.f32 v7, v8;
	v7 =	vld [tilespmem:s26+$0x18620]  }
0x246: {  	v0 =	vbroadcast v0, $0xE;
	[tilespmem:s26+$0x184F0] =	vst v5;
	v5 =	vmul.f32 v10, v8;
	v10 =	vld [tilespmem:s26+$0x18630]  }
0x247: {  	[tilespmem:s26+$0x185D0] =	vst v4;
	v4 =	vmul.f32 v6, v8;
	v6 =	vld [tilespmem:s26+$0x18640]  }
0x248: {  	[tilespmem:s26+$0x185E0] =	vst v5;
	v5 =	vmul.f32 v11, v0;
	v8 =	vld [tilespmem:s26+$0x18650]  }
0x249: {  	[tilespmem:s26+$0x185F0] =	vst v4;
	v4 =	vmul.f32 v9, v0;
	v9 =	vld [tilespmem:s26+$0x18660]  }
0x24a: {  	[tilespmem:s26+$0x18600] =	vst v5;
	v5 =	vmul.f32 v7, v0;
	v7 =	vld [tilespmem:s26+$0x18670]  }
0x24b: {  	[tilespmem:s26+$0x18610] =	vst v4;
	v4 =	vmul.f32 v10, v0;
	v10 =	vld [tilespmem:s26+$0x18680]  }
0x24c: {  	[tilespmem:s26+$0x18620] =	vst v5;
	v5 =	vmul.f32 v6, v0;
	v6 =	vld [tilespmem:s26+$0x18690]  }
0x24d: {  	[tilespmem:s26+$0x18630] =	vst v4;
	v4 =	vmul.f32 v8, v0;
	v8 =	vld [tilespmem:s26+$0x186A0]  }
0x24e: {  	[tilespmem:s26+$0x18640] =	vst v5;
	v5 =	vmul.f32 v9, v0;
	v9 =	vld [tilespmem:s26+$0x186B0]  }
0x24f: {  	[tilespmem:s26+$0x185C0] =	vst v2;
	v0 =	vmul.f32 v7, v0;
	v2 =	vld [tilespmem:s26+$0x186C0]  }
0x250: {  	[tilespmem:s26+$0x18660] =	vst v5;
	v5 =	vmul.f32 v10, v3;
	v7 =	vld [tilespmem:s26+$0x186E0]  }
0x251: {  	[tilespmem:s26+$0x18670] =	vst v0;
	v0 =	vmul.f32 v6, v3;
	v6 =	vld [tilespmem:s26+$0x186F0]  }
0x252: {  	[tilespmem:s26+$0x18680] =	vst v5;
	v5 =	vmul.f32 v8, v3  }
0x253: {  	[tilespmem:s26+$0x18690] =	vst v0;
	v0 =	vmul.f32 v9, v3  }
0x254: {  	v8 =	vmul.f32 v14, v13;
	[tilespmem:s26+$0x186A0] =	vst v5  }
0x255: {  	[tilespmem:s26+$0x186B0] =	vst v0;
	v0 =	vmul.f32 v2, v3  }
.Ltmp1:
0x256: {  	[tilespmem:s26+$0x18530] =	vst v8;
	v2 =	vmul.f32 v6, v3;
	(pc) =	sbr.rel @p0 .LBB2_5-.Ltmp1, $4  }
0x257: {  	[tilespmem:s26+$0x186C0] =	vst v0  }
0x258: {  	v0 =	vmul.f32 v7, v3;
	[tilespmem:s26+$0x186F0] =	vst v2  }
0x259: {  	[tilespmem:s26+$0x18650] =	vst v4  }
0x25a: {  	[tilespmem:s26+$0x186E0] =	vst v0  }
0x25b: {  	[tilespmem:s26+$0x18520] =	vst v1;
	s25 =	sadd.s32 $0x1, s25  }
0x25c: {  	[spmem:s3] =	stream.indirect.scatter.add.f32 [tilespmem:s20], [sflag:$0x2], $0x80, s23, s17, $0xb8;
	[tilespmem:$0x1BF00] =	vst v63  }
0x25d: {  	p0 =	sne.s32 s25, $0x28;
	_ =	swait.ge [sflag:s24], $0x4000  }
.Ltmp2:
0x25e: {  	[sflag:s24] =	ssyncset.done $0x0;
	(pc) =	sbr.rel @p0 .LBB2_2-.Ltmp2, $4  }
0x25f: {  	[sflag:s24] =	ssyncadd.s32 $0xFFFFC000  }
0x260: {  	_ =	swait.ge [sflag:s24], $0x4000  }
0x261: {  	[sflag:s24] =	ssyncset.done $0x0  }
0x262: {  	[sflag:s24] =	ssyncadd.s32 $0xFFFFC000  }
0x263: {  	s4 =	sadd.s32 $0x1, s4  }
0x264: {  	p0 =	sne.s32 s4, s12  }
.Ltmp3:
0x265: {  	[bflag:$0x0] =	sbarrier.arrive $0xFFFF;
	(pc) =	sbr.rel @p0 .LBB2_1-.Ltmp3, $4  }
0x266: {  	[hbm:s11], [sflag:s8] =	dma.local [spmem:s13], $0x2780  }
0x267: {  	_ =	swait.ge [sflag:s14], $0x2780  }
0x268: {  	[sflag:s14] =	ssyncset.done $0x0  }
0x269: {  	[sflag:s14] =	ssyncadd.s32 $0xFFFFD880  }
0x26a: {  	_ =	sfence.sel $0x180000  }
0x26b: {  	[bflag:$0x0] =	sbarrier.arrive $0xFFFF  }
0x26c: {  	p0 =	sne.s32 s2, $0x0;
	_ =	strace $0x90000047  }
0x26d: {  	s0 =	sadd.s32 @!p0 $0x100000, s0;
	[bflag:$0x2] =	sbarrier.arrive $0xFFFF  }
0x26e: {  	[sflag:s0] =	ssyncadd.tile.s32 @!p0 $0x1;
	_ =	shalt  }
.Lfunc_end2:
_tile_overlayer_lowered:
.L_overlay_start_2:
0x26f: {  	(tag) =	ssettag $0x2  }
0x270: {  	s0 =	rddreg [dreg:$0x0];
	s2 =	stileid.u32  }
0x271: {  	s1 =	rddreg [dreg:$0x1];
	p0 =	sne.s32 s2, $0x0  }
0x272: {  	s3 =	rddreg [dreg:$0x2];
	[bflag:$0x3] =	sbarrier.arrive $0xFFFF;
	s2 =	simm.s32 @!p0 $0x1C03  }
0x273: {  	[timem:s3], [sflag:s2] =	dma.local @!p0 [hbm:s0], s1  }
0x274: {  	s0 =	simm.s32 @!p0 $0x3  }
0x275: {  	_ =	swait.ge @!p0 [sflag:s0], s1  }
0x276: {  	s1 =	ssub.s32 @!p0 $0x0, s1;
	[sflag:s0] =	ssyncset.done @!p0 $0x0  }
0x277: {  	[sflag:s0] =	ssyncadd.s32 @!p0 s1  }
0x278: {  	[bflag:$0x3] =	sbarrier.arrive $0xFFFF  }
0x279: {  	_ =	shalt  }

</sc_bundles>
